<compile_context>
chip_gen: v7x
topology: tpu7x:2x2x1
jax: 0.10.2.dev20260603
libtpu: 0.0.44.dev20260713+nightly
codegen_flags: <defaults>
</compile_context>

<pallas_src>
import functools

import jax
import jax.numpy as jnp
from jax import lax
from jax.experimental import pallas as pl
from jax.experimental.pallas import tpu as pltpu
from jax.experimental.pallas import tpu_sc as plsc

N = 10000
E = 320000
D = 128
R = 200

NC = 2
NS = 16
NW = NC * NS
NPAD = 10240
ROWS_PER_TILE = NPAD // NS
K = 40
KH = K // 2
CHUNKS = 256
EDGES_PER_TILE = CHUNKS * K
EPAD = NW * EDGES_PER_TILE
NBUF = 4
NIDX = 8

BLK = 2000


def _dense_body(x_ref, ph_ref, wn_ref, wl_ref, ws_ref, b_ref,
                xw_ref, loop_ref, gate_ref):
    xb = x_ref[...]
    xw_ref[...] = jnp.dot(xb, wn_ref[...], preferred_element_type=jnp.float32)
    loop_ref[...] = jnp.dot(xb, wl_ref[...], preferred_element_type=jnp.float32)
    z = jnp.dot(ph_ref[...], ws_ref[...], preferred_element_type=jnp.float32)
    gate_ref[...] = jax.nn.sigmoid(z + b_ref[...])


def _tc_dense(x, prev_h, wn, wl, ws, b2d):
    grid = (N // BLK,)
    row_spec = pl.BlockSpec((BLK, D), lambda i: (i, 0))
    w_spec = pl.BlockSpec((D, D), lambda i: (0, 0))
    b_spec = pl.BlockSpec((1, D), lambda i: (0, 0))
    out_sds = jax.ShapeDtypeStruct((N, D), jnp.float32)
    return pl.pallas_call(
        _dense_body,
        grid=grid,
        in_specs=[row_spec, row_spec, w_spec, w_spec, w_spec, b_spec],
        out_specs=[row_spec, row_spec, row_spec],
        out_shape=[out_sds, out_sds, out_sds],
    )(x, prev_h, wn, wl, ws, b2d)


def _embw_body(e_ref, w_ref, o_ref):
    o_ref[...] = jnp.dot(e_ref[...], w_ref[...],
                         preferred_element_type=jnp.float32)


def _tc_embw(emb_rel, wn):
    return pl.pallas_call(
        _embw_body,
        out_shape=jax.ShapeDtypeStruct((R, D), jnp.float32),
    )(emb_rel, wn)


def _sc_edge_body(xw_hbm, embw_hbm, srcIlo, srcIhi, typI, dstI, zeros_hbm,
                  out_hbm, acc, embw_sp, *bufs):
    c = lax.axis_index("c")
    s = lax.axis_index("s")
    wid = c * NS + s
    srclo = bufs[0:NIDX]
    srchi = bufs[NIDX:2 * NIDX]
    typb = bufs[2 * NIDX:3 * NIDX]
    dstb = bufs[3 * NIDX:4 * NIDX]
    xbufs = bufs[4 * NIDX:4 * NIDX + NBUF]
    rbufs = bufs[4 * NIDX + NBUF:4 * NIDX + 2 * NBUF]
    semoff = 4 * NIDX + 2 * NBUF
    isem = bufs[semoff:semoff + NIDX]
    gsem = bufs[semoff + NIDX:semoff + NIDX + NBUF]
    ssem = bufs[semoff + NIDX + NBUF:semoff + NIDX + 2 * NBUF]
    rsem = bufs[semoff + NIDX + 2 * NBUF:semoff + NIDX + 3 * NBUF]

    pltpu.sync_copy(zeros_hbm, acc.at[pl.ds(s * ROWS_PER_TILE, ROWS_PER_TILE)])

    @pl.when(s == 0)
    def _():
        pltpu.sync_copy(embw_hbm, embw_sp)

    def i_issue(i, q):
        pltpu.async_copy(srcIlo.at[wid, i], srclo[q], isem[q])
        pltpu.async_copy(srcIhi.at[wid, i], srchi[q], isem[q])
        pltpu.async_copy(typI.at[wid, i], typb[q], isem[q])
        pltpu.async_copy(dstI.at[wid, i], dstb[q], isem[q])

    def i_wait(q):
        pltpu.make_async_copy(srcIlo.at[0, 0], srclo[q], isem[q]).wait()
        pltpu.make_async_copy(srcIhi.at[0, 0], srchi[q], isem[q]).wait()
        pltpu.make_async_copy(typI.at[0, 0], typb[q], isem[q]).wait()
        pltpu.make_async_copy(dstI.at[0, 0], dstb[q], isem[q]).wait()

    def g_issue(q, b):
        pltpu.async_copy(xw_hbm.at[srclo[q]],
                         xbufs[b].at[pl.ds(0, KH)], gsem[b])
        pltpu.async_copy(xw_hbm.at[srchi[q]],
                         xbufs[b].at[pl.ds(KH, KH)], gsem[b])
        pltpu.async_copy(embw_sp.at[typb[q]], rbufs[b], rsem[b])

    def g_wait(b):
        pltpu.make_async_copy(xw_hbm.at[srclo[0]],
                              xbufs[b].at[pl.ds(0, KH)], gsem[b]).wait()
        pltpu.make_async_copy(xw_hbm.at[srchi[0]],
                              xbufs[b].at[pl.ds(KH, KH)], gsem[b]).wait()
        pltpu.make_async_copy(embw_sp.at[typb[0]], rbufs[b], rsem[b]).wait()

    def merge(b):
        def row(r, carry):
            for l in range(D // 16):
                sl = pl.ds(16 * l, 16)
                xbufs[b][r, sl] = xbufs[b][r, sl] + rbufs[b][r, sl]
            return carry

        lax.fori_loop(0, K, row, 0)

    def s_issue(q, b):
        pltpu.async_copy(xbufs[b], acc.at[dstb[q]], ssem[b], add=True)

    def s_wait(b):
        pltpu.make_async_copy(xbufs[b], acc.at[dstb[0]], ssem[b]).wait()

    for i in range(6):
        i_issue(i, i)
    plsc.subcore_barrier()
    i_wait(0)
    g_issue(0, 0)
    i_wait(1)
    g_issue(1, 1)

    def outer(jo, carry):
        for u in range(NIDX):
            i = NIDX * jo + u
            b = u % NBUF
            bp = (b + 2) % NBUF
            q2 = (u + 2) % NIDX
            q6 = (u + 6) % NIDX
            g_wait(b)
            merge(b)
            s_issue(u, b)

            @pl.when(i >= 2)
            def _():
                s_wait(bp)

            @pl.when(i <= CHUNKS - 3)
            def _():
                i_wait(q2)
                g_issue(q2, bp)

            @pl.when(i <= CHUNKS - 7)
            def _():
                i_issue(i + 6, q6)

        return carry

    lax.fori_loop(0, CHUNKS // NIDX, outer, 0)
    s_wait((CHUNKS - 2) % NBUF)
    s_wait((CHUNKS - 1) % NBUF)
    plsc.subcore_barrier()
    pltpu.sync_copy(acc.at[pl.ds(s * ROWS_PER_TILE, ROWS_PER_TILE)],
                    out_hbm.at[c, pl.ds(s * ROWS_PER_TILE, ROWS_PER_TILE)])


def _sc_edges(xw, embw, srcIlo, srcIhi, typI, dstI, zeros):
    mesh = plsc.VectorSubcoreMesh(core_axis_name="c", subcore_axis_name="s")
    fn = functools.partial(
        pl.kernel,
        mesh=mesh,
        out_type=jax.ShapeDtypeStruct((NC, NPAD, D), jnp.float32),
        scratch_types=[pltpu.VMEM_SHARED((NPAD, D), jnp.float32),
                       pltpu.VMEM_SHARED((R, D), jnp.float32)]
        + [pltpu.VMEM((KH,), jnp.int32)] * (2 * NIDX)
        + [pltpu.VMEM((K,), jnp.int32)] * (2 * NIDX)
        + [pltpu.VMEM((K, D), jnp.float32)] * (2 * NBUF)
        + [pltpu.SemaphoreType.DMA] * (NIDX + 3 * NBUF),
    )(_sc_edge_body)
    return fn(xw, embw, srcIlo, srcIhi, typI, dstI, zeros)


def _final_body(p_ref, norm_ref, loop_ref, gate_ref, prev_ref, o_ref):
    agg = p_ref[0] + p_ref[1]
    h = agg * norm_ref[...] + loop_ref[...]
    g = gate_ref[...]
    o_ref[...] = g * h + (1.0 - g) * prev_ref[...]


def _tc_final(partials, norm, loop_m, gate, prev_h):
    grid = (N // BLK,)
    row_spec = pl.BlockSpec((BLK, D), lambda i: (i, 0))
    p_spec = pl.BlockSpec((NC, BLK, D), lambda i: (0, i, 0))
    n_spec = pl.BlockSpec((BLK, 1), lambda i: (i, 0))
    return pl.pallas_call(
        _final_body,
        grid=grid,
        in_specs=[p_spec, n_spec, row_spec, row_spec, row_spec],
        out_specs=pl.BlockSpec((BLK, D), lambda i: (i, 0)),
        out_shape=jax.ShapeDtypeStruct((N, D), jnp.float32),
    )(partials, norm, loop_m, gate, prev_h)


def kernel(x, edge_index, edge_type, norm, prev_h, emb_rel,
           weight_neighbor, loop_weight, skip_connect_weight,
           skip_connect_bias):
    src = edge_index[0]
    dst = edge_index[1]
    b2d = skip_connect_bias.reshape(1, D)
    xw, loop_m, gate = _tc_dense(x, prev_h, weight_neighbor, loop_weight,
                                 skip_connect_weight, b2d)
    embw = _tc_embw(emb_rel, weight_neighbor)
    zeros = jnp.zeros((ROWS_PER_TILE, D), jnp.float32)
    pad = EPAD - E
    srcI = jnp.concatenate([src, jnp.zeros((pad,), jnp.int32)]
                           ).reshape(NW, CHUNKS, K)
    typI = jnp.concatenate([edge_type, jnp.zeros((pad,), jnp.int32)]
                           ).reshape(NW, CHUNKS, K)
    dstI = jnp.concatenate([dst, jnp.full((pad,), N, jnp.int32)]
                           ).reshape(NW, CHUNKS, K)
    srcIlo = srcI[:, :, :KH] + 0
    srcIhi = srcI[:, :, KH:] + 0
    partials = _sc_edges(xw, embw, srcIlo, srcIhi, typI, dstI, zeros)
    return _tc_final(partials[:, :N], norm, loop_m, gate, prev_h)

# --- scband reference (transcript-rebuilt; emitter-appended) ---
"""Pipeline reference for scband-rgcnlayer-68762426409856 (READ-ONLY COPY).

The authoritative reference and input builder live on the scoring server;
editing this copy changes nothing except your own understanding.
"""

import jax, jax.numpy as jnp
import numpy as np

N = 10000
E = 320000
D = 128
R = 200

def setup_inputs(seed: int = 0) -> dict:
    key = jax.random.key(seed)
    ks = jax.random.split(key, 10)
    x = jax.random.normal(ks[0], (N, D), dtype=jnp.float32)
    edge_index = jax.random.randint(ks[1], (2, E), 0, N, dtype=jnp.int32)
    edge_type = jax.random.randint(ks[2], (E,), 0, R, dtype=jnp.int32)
    norm = jax.random.uniform(ks[3], (N, 1), dtype=jnp.float32)
    prev_h = jax.random.normal(ks[4], (N, D), dtype=jnp.float32)
    emb_rel = jax.random.normal(ks[5], (R, D), dtype=jnp.float32)
    # xavier_uniform-style scale with relu gain: gain*sqrt(6/(fan_in+fan_out))
    limit = float(np.sqrt(2.0) * np.sqrt(6.0 / (D + D)))
    weight_neighbor = jax.random.uniform(ks[6], (D, D), dtype=jnp.float32, minval=-limit, maxval=limit)
    loop_weight = jax.random.uniform(ks[7], (D, D), dtype=jnp.float32, minval=-limit, maxval=limit)
    skip_connect_weight = jax.random.uniform(ks[8], (D, D), dtype=jnp.float32, minval=-limit, maxval=limit)
    skip_connect_bias = jnp.zeros((D,), dtype=jnp.float32)
    return {
        "x": x,
        "edge_index": edge_index,
        "edge_type": edge_type,
        "norm": norm,
        "prev_h": prev_h,
        "emb_rel": emb_rel,
        "weight_neighbor": weight_neighbor,
        "loop_weight": loop_weight,
        "skip_connect_weight": skip_connect_weight,
        "skip_connect_bias": skip_connect_bias,
    }

def reference(x, edge_index, edge_type, norm, prev_h, emb_rel,
              weight_neighbor, loop_weight, skip_connect_weight, skip_connect_bias):
    n_nodes = x.shape[0]
    # self-loop message
    loop_message = x @ loop_weight
    src = edge_index[0]
    dst = edge_index[1]
    # msg_func: gather src node h and relation embedding by edge type
    relation = jnp.take(emb_rel, edge_type, axis=0)
    node = jnp.take(x, src, axis=0)
    # comp == 'sub' composes as node + relation in the original code
    msg = (node + relation) @ weight_neighbor
    # fn.sum(msg='msg', out='h'): scatter-add messages to dst nodes
    agg = jax.ops.segment_sum(msg, dst, num_segments=n_nodes)
    # apply_func: multiply by node norm
    h = agg * norm
    node_repr = h + loop_message
    # skip connection gating
    skip_weight = jax.nn.sigmoid(prev_h @ skip_connect_weight + skip_connect_bias)
    node_repr = skip_weight * node_repr + (1.0 - skip_weight) * prev_h
    # activation=None, dropout=0.0 -> identity
    return node_repr

if __name__ == "__main__":
    import jax
    _d = setup_inputs()
    print(jax.jit(kernel)(*tuple(_d.values())))

</pallas_src>

<mosaic_0001>
#map = affine_map<(d0, d1) -> (0, 0)>
#map1 = affine_map<(d0, d1) -> (0, 0, 0)>
module attributes {stable_mosaic.version = 14 : i64} {
  func.func @_sc_edge_body(%arg0: i32, %arg1: i32, %arg2: memref<10000x128xf32, #tpu.memory_space<hbm>>, %arg3: memref<200x128xf32, #tpu.memory_space<hbm>>, %arg4: memref<32x256x20xi32, #tpu.memory_space<hbm>>, %arg5: memref<32x256x20xi32, #tpu.memory_space<hbm>>, %arg6: memref<32x256x40xi32, #tpu.memory_space<hbm>>, %arg7: memref<32x256x40xi32, #tpu.memory_space<hbm>>, %arg8: memref<640x128xf32, #tpu.memory_space<hbm>>, %arg9: memref<2x10240x128xf32, #tpu.memory_space<hbm>>, %arg10: memref<10240x128xf32, #tpu.memory_space<vmem_shared>>, %arg11: memref<200x128xf32, #tpu.memory_space<vmem_shared>>, %arg12: memref<20xi32, #tpu.memory_space<vmem>>, %arg13: memref<20xi32, #tpu.memory_space<vmem>>, %arg14: memref<20xi32, #tpu.memory_space<vmem>>, %arg15: memref<20xi32, #tpu.memory_space<vmem>>, %arg16: memref<20xi32, #tpu.memory_space<vmem>>, %arg17: memref<20xi32, #tpu.memory_space<vmem>>, %arg18: memref<20xi32, #tpu.memory_space<vmem>>, %arg19: memref<20xi32, #tpu.memory_space<vmem>>, %arg20: memref<20xi32, #tpu.memory_space<vmem>>, %arg21: memref<20xi32, #tpu.memory_space<vmem>>, %arg22: memref<20xi32, #tpu.memory_space<vmem>>, %arg23: memref<20xi32, #tpu.memory_space<vmem>>, %arg24: memref<20xi32, #tpu.memory_space<vmem>>, %arg25: memref<20xi32, #tpu.memory_space<vmem>>, %arg26: memref<20xi32, #tpu.memory_space<vmem>>, %arg27: memref<20xi32, #tpu.memory_space<vmem>>, %arg28: memref<40xi32, #tpu.memory_space<vmem>>, %arg29: memref<40xi32, #tpu.memory_space<vmem>>, %arg30: memref<40xi32, #tpu.memory_space<vmem>>, %arg31: memref<40xi32, #tpu.memory_space<vmem>>, %arg32: memref<40xi32, #tpu.memory_space<vmem>>, %arg33: memref<40xi32, #tpu.memory_space<vmem>>, %arg34: memref<40xi32, #tpu.memory_space<vmem>>, %arg35: memref<40xi32, #tpu.memory_space<vmem>>, %arg36: memref<40xi32, #tpu.memory_space<vmem>>, %arg37: memref<40xi32, #tpu.memory_space<vmem>>, %arg38: memref<40xi32, #tpu.memory_space<vmem>>, %arg39: memref<40xi32, #tpu.memory_space<vmem>>, %arg40: memref<40xi32, #tpu.memory_space<vmem>>, %arg41: memref<40xi32, #tpu.memory_space<vmem>>, %arg42: memref<40xi32, #tpu.memory_space<vmem>>, %arg43: memref<40xi32, #tpu.memory_space<vmem>>, %arg44: memref<40x128xf32, #tpu.memory_space<vmem>>, %arg45: memref<40x128xf32, #tpu.memory_space<vmem>>, %arg46: memref<40x128xf32, #tpu.memory_space<vmem>>, %arg47: memref<40x128xf32, #tpu.memory_space<vmem>>, %arg48: memref<40x128xf32, #tpu.memory_space<vmem>>, %arg49: memref<40x128xf32, #tpu.memory_space<vmem>>, %arg50: memref<40x128xf32, #tpu.memory_space<vmem>>, %arg51: memref<40x128xf32, #tpu.memory_space<vmem>>, %arg52: memref<!tpu.dma_semaphore, #tpu.memory_space<semaphore_mem>>, %arg53: memref<!tpu.dma_semaphore, #tpu.memory_space<semaphore_mem>>, %arg54: memref<!tpu.dma_semaphore, #tpu.memory_space<semaphore_mem>>, %arg55: memref<!tpu.dma_semaphore, #tpu.memory_space<semaphore_mem>>, %arg56: memref<!tpu.dma_semaphore, #tpu.memory_space<semaphore_mem>>, %arg57: memref<!tpu.dma_semaphore, #tpu.memory_space<semaphore_mem>>, %arg58: memref<!tpu.dma_semaphore, #tpu.memory_space<semaphore_mem>>, %arg59: memref<!tpu.dma_semaphore, #tpu.memory_space<semaphore_mem>>, %arg60: memref<!tpu.dma_semaphore, #tpu.memory_space<semaphore_mem>>, %arg61: memref<!tpu.dma_semaphore, #tpu.memory_space<semaphore_mem>>, %arg62: memref<!tpu.dma_semaphore, #tpu.memory_space<semaphore_mem>>, %arg63: memref<!tpu.dma_semaphore, #tpu.memory_space<semaphore_mem>>, %arg64: memref<!tpu.dma_semaphore, #tpu.memory_space<semaphore_mem>>, %arg65: memref<!tpu.dma_semaphore, #tpu.memory_space<semaphore_mem>>, %arg66: memref<!tpu.dma_semaphore, #tpu.memory_space<semaphore_mem>>, %arg67: memref<!tpu.dma_semaphore, #tpu.memory_space<semaphore_mem>>, %arg68: memref<!tpu.dma_semaphore, #tpu.memory_space<semaphore_mem>>, %arg69: memref<!tpu.dma_semaphore, #tpu.memory_space<semaphore_mem>>, %arg70: memref<!tpu.dma_semaphore, #tpu.memory_space<semaphore_mem>>, %arg71: memref<!tpu.dma_semaphore, #tpu.memory_space<semaphore_mem>>) attributes {dimension_semantics = [#tpu.dimension_semantics<core_parallel>, #tpu.dimension_semantics<subcore_parallel>], iteration_bounds = array<i64: 2, 16>, scalar_prefetch = 0 : i64, scratch_operands = 62 : i64, tpu.core_type = #tpu.core_type<sc_vector_subcore>, window_params = [{transform_indices = #map}, {transform_indices = #map}, {transform_indices = #map1}, {transform_indices = #map1}, {transform_indices = #map1}, {transform_indices = #map1}, {transform_indices = #map}, {transform_indices = #map1}]} {
    %mul3A = arith.constant 16 : i32
    %mul3A_0 = arith.muli %arg0, %mul3A : i32
    %add3A = arith.addi %mul3A_0, %arg1 : i32
    %mul3A_1 = arith.constant 640 : i32
    %mul3A_2 = arith.muli %arg1, %mul3A_1 : i32
    "tpu.region"() ({
      %run_scoped3A = tpu.sem_alloc : memref<!tpu.dma_semaphore, #tpu.memory_space<semaphore_mem>>
      %dma_start3A_281 = arith.constant 0 : i32
      %dma_start3A_282 = tpu.memref_slice %arg10[%mul3A_2, %dma_start3A_281] : memref<10240x128xf32, #tpu.memory_space<vmem_shared>> -> memref<640x128xf32, #tpu.memory_space<vmem_shared>>
      tpu.enqueue_dma source(%arg8 : memref<640x128xf32, #tpu.memory_space<hbm>>) target(%dma_start3A_282 : memref<640x128xf32, #tpu.memory_space<vmem_shared>>) target_semaphore(%run_scoped3A : memref<!tpu.dma_semaphore, #tpu.memory_space<semaphore_mem>>)
      %dma_wait3A_283 = arith.constant 0 : i32
      %dma_wait3A_284 = tpu.memref_slice %arg10[%mul3A_2, %dma_wait3A_283] : memref<10240x128xf32, #tpu.memory_space<vmem_shared>> -> memref<640x128xf32, #tpu.memory_space<vmem_shared>>
      tpu.wait_dma2 semaphore(%run_scoped3A : memref<!tpu.dma_semaphore, #tpu.memory_space<semaphore_mem>>) src(%arg8 : memref<640x128xf32, #tpu.memory_space<hbm>>) dst(%dma_wait3A_284 : memref<640x128xf32, #tpu.memory_space<vmem_shared>>)
      tpu.yield
    }) : () -> ()
    %eq3A = arith.constant 0 : i32
    %eq3A_3 = arith.cmpi eq, %arg1, %eq3A : i32
    %convert_element_type3A = arith.extui %eq3A_3 : i1 to i32
    %cond3A = arith.constant 0 : i32
    %cond3A_4 = arith.cmpi ne, %convert_element_type3A, %cond3A : i32
    scf.if %cond3A_4 {
      "tpu.region"() ({
        %run_scoped3A = tpu.sem_alloc : memref<!tpu.dma_semaphore, #tpu.memory_space<semaphore_mem>>
        tpu.enqueue_dma source(%arg3 : memref<200x128xf32, #tpu.memory_space<hbm>>) target(%arg11 : memref<200x128xf32, #tpu.memory_space<vmem_shared>>) target_semaphore(%run_scoped3A : memref<!tpu.dma_semaphore, #tpu.memory_space<semaphore_mem>>)
        tpu.wait_dma2 semaphore(%run_scoped3A : memref<!tpu.dma_semaphore, #tpu.memory_space<semaphore_mem>>) src(%arg3 : memref<200x128xf32, #tpu.memory_space<hbm>>) dst(%arg11 : memref<200x128xf32, #tpu.memory_space<vmem_shared>>)
        tpu.yield
      }) : () -> ()
    } else {
    }
    %dma_start3A = arith.constant 0 : i32
    %dma_start3A_5 = arith.constant 0 : i32
    %dma_start3A_6 = tpu.memref_slice %arg4[%add3A, %dma_start3A, %dma_start3A_5] : memref<32x256x20xi32, #tpu.memory_space<hbm>> -> memref<1x1x20xi32, #tpu.memory_space<hbm>>
    %dma_start3A_7 = tpu.memref_squeeze %dma_start3A_6 : memref<1x1x20xi32, #tpu.memory_space<hbm>> -> memref<20xi32, #tpu.memory_space<hbm>>
    %dma_start3A_8 = arith.constant 0 : i32
    %dma_start3A_9 = tpu.memref_slice %arg4[%add3A, %dma_start3A, %dma_start3A_8] : memref<32x256x20xi32, #tpu.memory_space<hbm>> -> memref<1x1x20xi32, #tpu.memory_space<hbm>>
    %dma_start3A_10 = tpu.memref_squeeze %dma_start3A_9 : memref<1x1x20xi32, #tpu.memory_space<hbm>> -> memref<20xi32, #tpu.memory_space<hbm>>
    tpu.enqueue_dma source(%dma_start3A_10 : memref<20xi32, #tpu.memory_space<hbm>>) target(%arg12 : memref<20xi32, #tpu.memory_space<vmem>>) target_semaphore(%arg52 : memref<!tpu.dma_semaphore, #tpu.memory_space<semaphore_mem>>)
    %dma_start3A_11 = arith.constant 0 : i32
    %dma_start3A_12 = arith.constant 0 : i32
    %dma_start3A_13 = tpu.memref_slice %arg5[%add3A, %dma_start3A_11, %dma_start3A_12] : memref<32x256x20xi32, #tpu.memory_space<hbm>> -> memref<1x1x20xi32, #tpu.memory_space<hbm>>
    %dma_start3A_14 = tpu.memref_squeeze %dma_start3A_13 : memref<1x1x20xi32, #tpu.memory_space<hbm>> -> memref<20xi32, #tpu.memory_space<hbm>>
    %dma_start3A_15 = arith.constant 0 : i32
    %dma_start3A_16 = tpu.memref_slice %arg5[%add3A, %dma_start3A_11, %dma_start3A_15] : memref<32x256x20xi32, #tpu.memory_space<hbm>> -> memref<1x1x20xi32, #tpu.memory_space<hbm>>
    %dma_start3A_17 = tpu.memref_squeeze %dma_start3A_16 : memref<1x1x20xi32, #tpu.memory_space<hbm>> -> memref<20xi32, #tpu.memory_space<hbm>>
    tpu.enqueue_dma source(%dma_start3A_17 : memref<20xi32, #tpu.memory_space<hbm>>) target(%arg20 : memref<20xi32, #tpu.memory_space<vmem>>) target_semaphore(%arg52 : memref<!tpu.dma_semaphore, #tpu.memory_space<semaphore_mem>>)
    %dma_start3A_18 = arith.constant 0 : i32
    %dma_start3A_19 = arith.constant 0 : i32
    %dma_start3A_20 = tpu.memref_slice %arg6[%add3A, %dma_start3A_18, %dma_start3A_19] : memref<32x256x40xi32, #tpu.memory_space<hbm>> -> memref<1x1x40xi32, #tpu.memory_space<hbm>>
    %dma_start3A_21 = tpu.memref_squeeze %dma_start3A_20 : memref<1x1x40xi32, #tpu.memory_space<hbm>> -> memref<40xi32, #tpu.memory_space<hbm>>
    %dma_start3A_22 = arith.constant 0 : i32
    %dma_start3A_23 = tpu.memref_slice %arg6[%add3A, %dma_start3A_18, %dma_start3A_22] : memref<32x256x40xi32, #tpu.memory_space<hbm>> -> memref<1x1x40xi32, #tpu.memory_space<hbm>>
    %dma_start3A_24 = tpu.memref_squeeze %dma_start3A_23 : memref<1x1x40xi32, #tpu.memory_space<hbm>> -> memref<40xi32, #tpu.memory_space<hbm>>
    tpu.enqueue_dma source(%dma_start3A_24 : memref<40xi32, #tpu.memory_space<hbm>>) target(%arg28 : memref<40xi32, #tpu.memory_space<vmem>>) target_semaphore(%arg52 : memref<!tpu.dma_semaphore, #tpu.memory_space<semaphore_mem>>)
    %dma_start3A_25 = arith.constant 0 : i32
    %dma_start3A_26 = arith.constant 0 : i32
    %dma_start3A_27 = tpu.memref_slice %arg7[%add3A, %dma_start3A_25, %dma_start3A_26] : memref<32x256x40xi32, #tpu.memory_space<hbm>> -> memref<1x1x40xi32, #tpu.memory_space<hbm>>
    %dma_start3A_28 = tpu.memref_squeeze %dma_start3A_27 : memref<1x1x40xi32, #tpu.memory_space<hbm>> -> memref<40xi32, #tpu.memory_space<hbm>>
    %dma_start3A_29 = arith.constant 0 : i32
    %dma_start3A_30 = tpu.memref_slice %arg7[%add3A, %dma_start3A_25, %dma_start3A_29] : memref<32x256x40xi32, #tpu.memory_space<hbm>> -> memref<1x1x40xi32, #tpu.memory_space<hbm>>
    %dma_start3A_31 = tpu.memref_squeeze %dma_start3A_30 : memref<1x1x40xi32, #tpu.memory_space<hbm>> -> memref<40xi32, #tpu.memory_space<hbm>>
    tpu.enqueue_dma source(%dma_start3A_31 : memref<40xi32, #tpu.memory_space<hbm>>) target(%arg36 : memref<40xi32, #tpu.memory_space<vmem>>) target_semaphore(%arg52 : memref<!tpu.dma_semaphore, #tpu.memory_space<semaphore_mem>>)
    %dma_start3A_32 = arith.constant 1 : i32
    %dma_start3A_33 = arith.constant 0 : i32
    %dma_start3A_34 = tpu.memref_slice %arg4[%add3A, %dma_start3A_32, %dma_start3A_33] : memref<32x256x20xi32, #tpu.memory_space<hbm>> -> memref<1x1x20xi32, #tpu.memory_space<hbm>>
    %dma_start3A_35 = tpu.memref_squeeze %dma_start3A_34 : memref<1x1x20xi32, #tpu.memory_space<hbm>> -> memref<20xi32, #tpu.memory_space<hbm>>
    %dma_start3A_36 = arith.constant 0 : i32
    %dma_start3A_37 = tpu.memref_slice %arg4[%add3A, %dma_start3A_32, %dma_start3A_36] : memref<32x256x20xi32, #tpu.memory_space<hbm>> -> memref<1x1x20xi32, #tpu.memory_space<hbm>>
    %dma_start3A_38 = tpu.memref_squeeze %dma_start3A_37 : memref<1x1x20xi32, #tpu.memory_space<hbm>> -> memref<20xi32, #tpu.memory_space<hbm>>
    tpu.enqueue_dma source(%dma_start3A_38 : memref<20xi32, #tpu.memory_space<hbm>>) target(%arg13 : memref<20xi32, #tpu.memory_space<vmem>>) target_semaphore(%arg53 : memref<!tpu.dma_semaphore, #tpu.memory_space<semaphore_mem>>)
    %dma_start3A_39 = arith.constant 1 : i32
    %dma_start3A_40 = arith.constant 0 : i32
    %dma_start3A_41 = tpu.memref_slice %arg5[%add3A, %dma_start3A_39, %dma_start3A_40] : memref<32x256x20xi32, #tpu.memory_space<hbm>> -> memref<1x1x20xi32, #tpu.memory_space<hbm>>
    %dma_start3A_42 = tpu.memref_squeeze %dma_start3A_41 : memref<1x1x20xi32, #tpu.memory_space<hbm>> -> memref<20xi32, #tpu.memory_space<hbm>>
    %dma_start3A_43 = arith.constant 0 : i32
    %dma_start3A_44 = tpu.memref_slice %arg5[%add3A, %dma_start3A_39, %dma_start3A_43] : memref<32x256x20xi32, #tpu.memory_space<hbm>> -> memref<1x1x20xi32, #tpu.memory_space<hbm>>
    %dma_start3A_45 = tpu.memref_squeeze %dma_start3A_44 : memref<1x1x20xi32, #tpu.memory_space<hbm>> -> memref<20xi32, #tpu.memory_space<hbm>>
    tpu.enqueue_dma source(%dma_start3A_45 : memref<20xi32, #tpu.memory_space<hbm>>) target(%arg21 : memref<20xi32, #tpu.memory_space<vmem>>) target_semaphore(%arg53 : memref<!tpu.dma_semaphore, #tpu.memory_space<semaphore_mem>>)
    %dma_start3A_46 = arith.constant 1 : i32
    %dma_start3A_47 = arith.constant 0 : i32
    %dma_start3A_48 = tpu.memref_slice %arg6[%add3A, %dma_start3A_46, %dma_start3A_47] : memref<32x256x40xi32, #tpu.memory_space<hbm>> -> memref<1x1x40xi32, #tpu.memory_space<hbm>>
    %dma_start3A_49 = tpu.memref_squeeze %dma_start3A_48 : memref<1x1x40xi32, #tpu.memory_space<hbm>> -> memref<40xi32, #tpu.memory_space<hbm>>
    %dma_start3A_50 = arith.constant 0 : i32
    %dma_start3A_51 = tpu.memref_slice %arg6[%add3A, %dma_start3A_46, %dma_start3A_50] : memref<32x256x40xi32, #tpu.memory_space<hbm>> -> memref<1x1x40xi32, #tpu.memory_space<hbm>>
    %dma_start3A_52 = tpu.memref_squeeze %dma_start3A_51 : memref<1x1x40xi32, #tpu.memory_space<hbm>> -> memref<40xi32, #tpu.memory_space<hbm>>
    tpu.enqueue_dma source(%dma_start3A_52 : memref<40xi32, #tpu.memory_space<hbm>>) target(%arg29 : memref<40xi32, #tpu.memory_space<vmem>>) target_semaphore(%arg53 : memref<!tpu.dma_semaphore, #tpu.memory_space<semaphore_mem>>)
    %dma_start3A_53 = arith.constant 1 : i32
    %dma_start3A_54 = arith.constant 0 : i32
    %dma_start3A_55 = tpu.memref_slice %arg7[%add3A, %dma_start3A_53, %dma_start3A_54] : memref<32x256x40xi32, #tpu.memory_space<hbm>> -> memref<1x1x40xi32, #tpu.memory_space<hbm>>
    %dma_start3A_56 = tpu.memref_squeeze %dma_start3A_55 : memref<1x1x40xi32, #tpu.memory_space<hbm>> -> memref<40xi32, #tpu.memory_space<hbm>>
    %dma_start3A_57 = arith.constant 0 : i32
    %dma_start3A_58 = tpu.memref_slice %arg7[%add3A, %dma_start3A_53, %dma_start3A_57] : memref<32x256x40xi32, #tpu.memory_space<hbm>> -> memref<1x1x40xi32, #tpu.memory_space<hbm>>
    %dma_start3A_59 = tpu.memref_squeeze %dma_start3A_58 : memref<1x1x40xi32, #tpu.memory_space<hbm>> -> memref<40xi32, #tpu.memory_space<hbm>>
    tpu.enqueue_dma source(%dma_start3A_59 : memref<40xi32, #tpu.memory_space<hbm>>) target(%arg37 : memref<40xi32, #tpu.memory_space<vmem>>) target_semaphore(%arg53 : memref<!tpu.dma_semaphore, #tpu.memory_space<semaphore_mem>>)
    %dma_start3A_60 = arith.constant 2 : i32
    %dma_start3A_61 = arith.constant 0 : i32
    %dma_start3A_62 = tpu.memref_slice %arg4[%add3A, %dma_start3A_60, %dma_start3A_61] : memref<32x256x20xi32, #tpu.memory_space<hbm>> -> memref<1x1x20xi32, #tpu.memory_space<hbm>>
    %dma_start3A_63 = tpu.memref_squeeze %dma_start3A_62 : memref<1x1x20xi32, #tpu.memory_space<hbm>> -> memref<20xi32, #tpu.memory_space<hbm>>
    %dma_start3A_64 = arith.constant 0 : i32
    %dma_start3A_65 = tpu.memref_slice %arg4[%add3A, %dma_start3A_60, %dma_start3A_64] : memref<32x256x20xi32, #tpu.memory_space<hbm>> -> memref<1x1x20xi32, #tpu.memory_space<hbm>>
    %dma_start3A_66 = tpu.memref_squeeze %dma_start3A_65 : memref<1x1x20xi32, #tpu.memory_space<hbm>> -> memref<20xi32, #tpu.memory_space<hbm>>
    tpu.enqueue_dma source(%dma_start3A_66 : memref<20xi32, #tpu.memory_space<hbm>>) target(%arg14 : memref<20xi32, #tpu.memory_space<vmem>>) target_semaphore(%arg54 : memref<!tpu.dma_semaphore, #tpu.memory_space<semaphore_mem>>)
    %dma_start3A_67 = arith.constant 2 : i32
    %dma_start3A_68 = arith.constant 0 : i32
    %dma_start3A_69 = tpu.memref_slice %arg5[%add3A, %dma_start3A_67, %dma_start3A_68] : memref<32x256x20xi32, #tpu.memory_space<hbm>> -> memref<1x1x20xi32, #tpu.memory_space<hbm>>
    %dma_start3A_70 = tpu.memref_squeeze %dma_start3A_69 : memref<1x1x20xi32, #tpu.memory_space<hbm>> -> memref<20xi32, #tpu.memory_space<hbm>>
    %dma_start3A_71 = arith.constant 0 : i32
    %dma_start3A_72 = tpu.memref_slice %arg5[%add3A, %dma_start3A_67, %dma_start3A_71] : memref<32x256x20xi32, #tpu.memory_space<hbm>> -> memref<1x1x20xi32, #tpu.memory_space<hbm>>
    %dma_start3A_73 = tpu.memref_squeeze %dma_start3A_72 : memref<1x1x20xi32, #tpu.memory_space<hbm>> -> memref<20xi32, #tpu.memory_space<hbm>>
    tpu.enqueue_dma source(%dma_start3A_73 : memref<20xi32, #tpu.memory_space<hbm>>) target(%arg22 : memref<20xi32, #tpu.memory_space<vmem>>) target_semaphore(%arg54 : memref<!tpu.dma_semaphore, #tpu.memory_space<semaphore_mem>>)
    %dma_start3A_74 = arith.constant 2 : i32
    %dma_start3A_75 = arith.constant 0 : i32
    %dma_start3A_76 = tpu.memref_slice %arg6[%add3A, %dma_start3A_74, %dma_start3A_75] : memref<32x256x40xi32, #tpu.memory_space<hbm>> -> memref<1x1x40xi32, #tpu.memory_space<hbm>>
    %dma_start3A_77 = tpu.memref_squeeze %dma_start3A_76 : memref<1x1x40xi32, #tpu.memory_space<hbm>> -> memref<40xi32, #tpu.memory_space<hbm>>
    %dma_start3A_78 = arith.constant 0 : i32
    %dma_start3A_79 = tpu.memref_slice %arg6[%add3A, %dma_start3A_74, %dma_start3A_78] : memref<32x256x40xi32, #tpu.memory_space<hbm>> -> memref<1x1x40xi32, #tpu.memory_space<hbm>>
    %dma_start3A_80 = tpu.memref_squeeze %dma_start3A_79 : memref<1x1x40xi32, #tpu.memory_space<hbm>> -> memref<40xi32, #tpu.memory_space<hbm>>
    tpu.enqueue_dma source(%dma_start3A_80 : memref<40xi32, #tpu.memory_space<hbm>>) target(%arg30 : memref<40xi32, #tpu.memory_space<vmem>>) target_semaphore(%arg54 : memref<!tpu.dma_semaphore, #tpu.memory_space<semaphore_mem>>)
    %dma_start3A_81 = arith.constant 2 : i32
    %dma_start3A_82 = arith.constant 0 : i32
    %dma_start3A_83 = tpu.memref_slice %arg7[%add3A, %dma_start3A_81, %dma_start3A_82] : memref<32x256x40xi32, #tpu.memory_space<hbm>> -> memref<1x1x40xi32, #tpu.memory_space<hbm>>
    %dma_start3A_84 = tpu.memref_squeeze %dma_start3A_83 : memref<1x1x40xi32, #tpu.memory_space<hbm>> -> memref<40xi32, #tpu.memory_space<hbm>>
    %dma_start3A_85 = arith.constant 0 : i32
    %dma_start3A_86 = tpu.memref_slice %arg7[%add3A, %dma_start3A_81, %dma_start3A_85] : memref<32x256x40xi32, #tpu.memory_space<hbm>> -> memref<1x1x40xi32, #tpu.memory_space<hbm>>
    %dma_start3A_87 = tpu.memref_squeeze %dma_start3A_86 : memref<1x1x40xi32, #tpu.memory_space<hbm>> -> memref<40xi32, #tpu.memory_space<hbm>>
    tpu.enqueue_dma source(%dma_start3A_87 : memref<40xi32, #tpu.memory_space<hbm>>) target(%arg38 : memref<40xi32, #tpu.memory_space<vmem>>) target_semaphore(%arg54 : memref<!tpu.dma_semaphore, #tpu.memory_space<semaphore_mem>>)
    %dma_start3A_88 = arith.constant 3 : i32
    %dma_start3A_89 = arith.constant 0 : i32
    %dma_start3A_90 = tpu.memref_slice %arg4[%add3A, %dma_start3A_88, %dma_start3A_89] : memref<32x256x20xi32, #tpu.memory_space<hbm>> -> memref<1x1x20xi32, #tpu.memory_space<hbm>>
    %dma_start3A_91 = tpu.memref_squeeze %dma_start3A_90 : memref<1x1x20xi32, #tpu.memory_space<hbm>> -> memref<20xi32, #tpu.memory_space<hbm>>
    %dma_start3A_92 = arith.constant 0 : i32
    %dma_start3A_93 = tpu.memref_slice %arg4[%add3A, %dma_start3A_88, %dma_start3A_92] : memref<32x256x20xi32, #tpu.memory_space<hbm>> -> memref<1x1x20xi32, #tpu.memory_space<hbm>>
    %dma_start3A_94 = tpu.memref_squeeze %dma_start3A_93 : memref<1x1x20xi32, #tpu.memory_space<hbm>> -> memref<20xi32, #tpu.memory_space<hbm>>
    tpu.enqueue_dma source(%dma_start3A_94 : memref<20xi32, #tpu.memory_space<hbm>>) target(%arg15 : memref<20xi32, #tpu.memory_space<vmem>>) target_semaphore(%arg55 : memref<!tpu.dma_semaphore, #tpu.memory_space<semaphore_mem>>)
    %dma_start3A_95 = arith.constant 3 : i32
    %dma_start3A_96 = arith.constant 0 : i32
    %dma_start3A_97 = tpu.memref_slice %arg5[%add3A, %dma_start3A_95, %dma_start3A_96] : memref<32x256x20xi32, #tpu.memory_space<hbm>> -> memref<1x1x20xi32, #tpu.memory_space<hbm>>
    %dma_start3A_98 = tpu.memref_squeeze %dma_start3A_97 : memref<1x1x20xi32, #tpu.memory_space<hbm>> -> memref<20xi32, #tpu.memory_space<hbm>>
    %dma_start3A_99 = arith.constant 0 : i32
    %dma_start3A_100 = tpu.memref_slice %arg5[%add3A, %dma_start3A_95, %dma_start3A_99] : memref<32x256x20xi32, #tpu.memory_space<hbm>> -> memref<1x1x20xi32, #tpu.memory_space<hbm>>
    %dma_start3A_101 = tpu.memref_squeeze %dma_start3A_100 : memref<1x1x20xi32, #tpu.memory_space<hbm>> -> memref<20xi32, #tpu.memory_space<hbm>>
    tpu.enqueue_dma source(%dma_start3A_101 : memref<20xi32, #tpu.memory_space<hbm>>) target(%arg23 : memref<20xi32, #tpu.memory_space<vmem>>) target_semaphore(%arg55 : memref<!tpu.dma_semaphore, #tpu.memory_space<semaphore_mem>>)
    %dma_start3A_102 = arith.constant 3 : i32
    %dma_start3A_103 = arith.constant 0 : i32
    %dma_start3A_104 = tpu.memref_slice %arg6[%add3A, %dma_start3A_102, %dma_start3A_103] : memref<32x256x40xi32, #tpu.memory_space<hbm>> -> memref<1x1x40xi32, #tpu.memory_space<hbm>>
    %dma_start3A_105 = tpu.memref_squeeze %dma_start3A_104 : memref<1x1x40xi32, #tpu.memory_space<hbm>> -> memref<40xi32, #tpu.memory_space<hbm>>
    %dma_start3A_106 = arith.constant 0 : i32
    %dma_start3A_107 = tpu.memref_slice %arg6[%add3A, %dma_start3A_102, %dma_start3A_106] : memref<32x256x40xi32, #tpu.memory_space<hbm>> -> memref<1x1x40xi32, #tpu.memory_space<hbm>>
    %dma_start3A_108 = tpu.memref_squeeze %dma_start3A_107 : memref<1x1x40xi32, #tpu.memory_space<hbm>> -> memref<40xi32, #tpu.memory_space<hbm>>
    tpu.enqueue_dma source(%dma_start3A_108 : memref<40xi32, #tpu.memory_space<hbm>>) target(%arg31 : memref<40xi32, #tpu.memory_space<vmem>>) target_semaphore(%arg55 : memref<!tpu.dma_semaphore, #tpu.memory_space<semaphore_mem>>)
    %dma_start3A_109 = arith.constant 3 : i32
    %dma_start3A_110 = arith.constant 0 : i32
    %dma_start3A_111 = tpu.memref_slice %arg7[%add3A, %dma_start3A_109, %dma_start3A_110] : memref<32x256x40xi32, #tpu.memory_space<hbm>> -> memref<1x1x40xi32, #tpu.memory_space<hbm>>
    %dma_start3A_112 = tpu.memref_squeeze %dma_start3A_111 : memref<1x1x40xi32, #tpu.memory_space<hbm>> -> memref<40xi32, #tpu.memory_space<hbm>>
    %dma_start3A_113 = arith.constant 0 : i32
    %dma_start3A_114 = tpu.memref_slice %arg7[%add3A, %dma_start3A_109, %dma_start3A_113] : memref<32x256x40xi32, #tpu.memory_space<hbm>> -> memref<1x1x40xi32, #tpu.memory_space<hbm>>
    %dma_start3A_115 = tpu.memref_squeeze %dma_start3A_114 : memref<1x1x40xi32, #tpu.memory_space<hbm>> -> memref<40xi32, #tpu.memory_space<hbm>>
    tpu.enqueue_dma source(%dma_start3A_115 : memref<40xi32, #tpu.memory_space<hbm>>) target(%arg39 : memref<40xi32, #tpu.memory_space<vmem>>) target_semaphore(%arg55 : memref<!tpu.dma_semaphore, #tpu.memory_space<semaphore_mem>>)
    %dma_start3A_116 = arith.constant 4 : i32
    %dma_start3A_117 = arith.constant 0 : i32
    %dma_start3A_118 = tpu.memref_slice %arg4[%add3A, %dma_start3A_116, %dma_start3A_117] : memref<32x256x20xi32, #tpu.memory_space<hbm>> -> memref<1x1x20xi32, #tpu.memory_space<hbm>>
    %dma_start3A_119 = tpu.memref_squeeze %dma_start3A_118 : memref<1x1x20xi32, #tpu.memory_space<hbm>> -> memref<20xi32, #tpu.memory_space<hbm>>
    %dma_start3A_120 = arith.constant 0 : i32
    %dma_start3A_121 = tpu.memref_slice %arg4[%add3A, %dma_start3A_116, %dma_start3A_120] : memref<32x256x20xi32, #tpu.memory_space<hbm>> -> memref<1x1x20xi32, #tpu.memory_space<hbm>>
    %dma_start3A_122 = tpu.memref_squeeze %dma_start3A_121 : memref<1x1x20xi32, #tpu.memory_space<hbm>> -> memref<20xi32, #tpu.memory_space<hbm>>
    tpu.enqueue_dma source(%dma_start3A_122 : memref<20xi32, #tpu.memory_space<hbm>>) target(%arg16 : memref<20xi32, #tpu.memory_space<vmem>>) target_semaphore(%arg56 : memref<!tpu.dma_semaphore, #tpu.memory_space<semaphore_mem>>)
    %dma_start3A_123 = arith.constant 4 : i32
    %dma_start3A_124 = arith.constant 0 : i32
    %dma_start3A_125 = tpu.memref_slice %arg5[%add3A, %dma_start3A_123, %dma_start3A_124] : memref<32x256x20xi32, #tpu.memory_space<hbm>> -> memref<1x1x20xi32, #tpu.memory_space<hbm>>
    %dma_start3A_126 = tpu.memref_squeeze %dma_start3A_125 : memref<1x1x20xi32, #tpu.memory_space<hbm>> -> memref<20xi32, #tpu.memory_space<hbm>>
    %dma_start3A_127 = arith.constant 0 : i32
    %dma_start3A_128 = tpu.memref_slice %arg5[%add3A, %dma_start3A_123, %dma_start3A_127] : memref<32x256x20xi32, #tpu.memory_space<hbm>> -> memref<1x1x20xi32, #tpu.memory_space<hbm>>
    %dma_start3A_129 = tpu.memref_squeeze %dma_start3A_128 : memref<1x1x20xi32, #tpu.memory_space<hbm>> -> memref<20xi32, #tpu.memory_space<hbm>>
    tpu.enqueue_dma source(%dma_start3A_129 : memref<20xi32, #tpu.memory_space<hbm>>) target(%arg24 : memref<20xi32, #tpu.memory_space<vmem>>) target_semaphore(%arg56 : memref<!tpu.dma_semaphore, #tpu.memory_space<semaphore_mem>>)
    %dma_start3A_130 = arith.constant 4 : i32
    %dma_start3A_131 = arith.constant 0 : i32
    %dma_start3A_132 = tpu.memref_slice %arg6[%add3A, %dma_start3A_130, %dma_start3A_131] : memref<32x256x40xi32, #tpu.memory_space<hbm>> -> memref<1x1x40xi32, #tpu.memory_space<hbm>>
    %dma_start3A_133 = tpu.memref_squeeze %dma_start3A_132 : memref<1x1x40xi32, #tpu.memory_space<hbm>> -> memref<40xi32, #tpu.memory_space<hbm>>
    %dma_start3A_134 = arith.constant 0 : i32
    %dma_start3A_135 = tpu.memref_slice %arg6[%add3A, %dma_start3A_130, %dma_start3A_134] : memref<32x256x40xi32, #tpu.memory_space<hbm>> -> memref<1x1x40xi32, #tpu.memory_space<hbm>>
    %dma_start3A_136 = tpu.memref_squeeze %dma_start3A_135 : memref<1x1x40xi32, #tpu.memory_space<hbm>> -> memref<40xi32, #tpu.memory_space<hbm>>
    tpu.enqueue_dma source(%dma_start3A_136 : memref<40xi32, #tpu.memory_space<hbm>>) target(%arg32 : memref<40xi32, #tpu.memory_space<vmem>>) target_semaphore(%arg56 : memref<!tpu.dma_semaphore, #tpu.memory_space<semaphore_mem>>)
    %dma_start3A_137 = arith.constant 4 : i32
    %dma_start3A_138 = arith.constant 0 : i32
    %dma_start3A_139 = tpu.memref_slice %arg7[%add3A, %dma_start3A_137, %dma_start3A_138] : memref<32x256x40xi32, #tpu.memory_space<hbm>> -> memref<1x1x40xi32, #tpu.memory_space<hbm>>
    %dma_start3A_140 = tpu.memref_squeeze %dma_start3A_139 : memref<1x1x40xi32, #tpu.memory_space<hbm>> -> memref<40xi32, #tpu.memory_space<hbm>>
    %dma_start3A_141 = arith.constant 0 : i32
    %dma_start3A_142 = tpu.memref_slice %arg7[%add3A, %dma_start3A_137, %dma_start3A_141] : memref<32x256x40xi32, #tpu.memory_space<hbm>> -> memref<1x1x40xi32, #tpu.memory_space<hbm>>
    %dma_start3A_143 = tpu.memref_squeeze %dma_start3A_142 : memref<1x1x40xi32, #tpu.memory_space<hbm>> -> memref<40xi32, #tpu.memory_space<hbm>>
    tpu.enqueue_dma source(%dma_start3A_143 : memref<40xi32, #tpu.memory_space<hbm>>) target(%arg40 : memref<40xi32, #tpu.memory_space<vmem>>) target_semaphore(%arg56 : memref<!tpu.dma_semaphore, #tpu.memory_space<semaphore_mem>>)
    %dma_start3A_144 = arith.constant 5 : i32
    %dma_start3A_145 = arith.constant 0 : i32
    %dma_start3A_146 = tpu.memref_slice %arg4[%add3A, %dma_start3A_144, %dma_start3A_145] : memref<32x256x20xi32, #tpu.memory_space<hbm>> -> memref<1x1x20xi32, #tpu.memory_space<hbm>>
    %dma_start3A_147 = tpu.memref_squeeze %dma_start3A_146 : memref<1x1x20xi32, #tpu.memory_space<hbm>> -> memref<20xi32, #tpu.memory_space<hbm>>
    %dma_start3A_148 = arith.constant 0 : i32
    %dma_start3A_149 = tpu.memref_slice %arg4[%add3A, %dma_start3A_144, %dma_start3A_148] : memref<32x256x20xi32, #tpu.memory_space<hbm>> -> memref<1x1x20xi32, #tpu.memory_space<hbm>>
    %dma_start3A_150 = tpu.memref_squeeze %dma_start3A_149 : memref<1x1x20xi32, #tpu.memory_space<hbm>> -> memref<20xi32, #tpu.memory_space<hbm>>
    tpu.enqueue_dma source(%dma_start3A_150 : memref<20xi32, #tpu.memory_space<hbm>>) target(%arg17 : memref<20xi32, #tpu.memory_space<vmem>>) target_semaphore(%arg57 : memref<!tpu.dma_semaphore, #tpu.memory_space<semaphore_mem>>)
    %dma_start3A_151 = arith.constant 5 : i32
    %dma_start3A_152 = arith.constant 0 : i32
    %dma_start3A_153 = tpu.memref_slice %arg5[%add3A, %dma_start3A_151, %dma_start3A_152] : memref<32x256x20xi32, #tpu.memory_space<hbm>> -> memref<1x1x20xi32, #tpu.memory_space<hbm>>
    %dma_start3A_154 = tpu.memref_squeeze %dma_start3A_153 : memref<1x1x20xi32, #tpu.memory_space<hbm>> -> memref<20xi32, #tpu.memory_space<hbm>>
    %dma_start3A_155 = arith.constant 0 : i32
    %dma_start3A_156 = tpu.memref_slice %arg5[%add3A, %dma_start3A_151, %dma_start3A_155] : memref<32x256x20xi32, #tpu.memory_space<hbm>> -> memref<1x1x20xi32, #tpu.memory_space<hbm>>
    %dma_start3A_157 = tpu.memref_squeeze %dma_start3A_156 : memref<1x1x20xi32, #tpu.memory_space<hbm>> -> memref<20xi32, #tpu.memory_space<hbm>>
    tpu.enqueue_dma source(%dma_start3A_157 : memref<20xi32, #tpu.memory_space<hbm>>) target(%arg25 : memref<20xi32, #tpu.memory_space<vmem>>) target_semaphore(%arg57 : memref<!tpu.dma_semaphore, #tpu.memory_space<semaphore_mem>>)
    %dma_start3A_158 = arith.constant 5 : i32
    %dma_start3A_159 = arith.constant 0 : i32
    %dma_start3A_160 = tpu.memref_slice %arg6[%add3A, %dma_start3A_158, %dma_start3A_159] : memref<32x256x40xi32, #tpu.memory_space<hbm>> -> memref<1x1x40xi32, #tpu.memory_space<hbm>>
    %dma_start3A_161 = tpu.memref_squeeze %dma_start3A_160 : memref<1x1x40xi32, #tpu.memory_space<hbm>> -> memref<40xi32, #tpu.memory_space<hbm>>
    %dma_start3A_162 = arith.constant 0 : i32
    %dma_start3A_163 = tpu.memref_slice %arg6[%add3A, %dma_start3A_158, %dma_start3A_162] : memref<32x256x40xi32, #tpu.memory_space<hbm>> -> memref<1x1x40xi32, #tpu.memory_space<hbm>>
    %dma_start3A_164 = tpu.memref_squeeze %dma_start3A_163 : memref<1x1x40xi32, #tpu.memory_space<hbm>> -> memref<40xi32, #tpu.memory_space<hbm>>
    tpu.enqueue_dma source(%dma_start3A_164 : memref<40xi32, #tpu.memory_space<hbm>>) target(%arg33 : memref<40xi32, #tpu.memory_space<vmem>>) target_semaphore(%arg57 : memref<!tpu.dma_semaphore, #tpu.memory_space<semaphore_mem>>)
    %dma_start3A_165 = arith.constant 5 : i32
    %dma_start3A_166 = arith.constant 0 : i32
    %dma_start3A_167 = tpu.memref_slice %arg7[%add3A, %dma_start3A_165, %dma_start3A_166] : memref<32x256x40xi32, #tpu.memory_space<hbm>> -> memref<1x1x40xi32, #tpu.memory_space<hbm>>
    %dma_start3A_168 = tpu.memref_squeeze %dma_start3A_167 : memref<1x1x40xi32, #tpu.memory_space<hbm>> -> memref<40xi32, #tpu.memory_space<hbm>>
    %dma_start3A_169 = arith.constant 0 : i32
    %dma_start3A_170 = tpu.memref_slice %arg7[%add3A, %dma_start3A_165, %dma_start3A_169] : memref<32x256x40xi32, #tpu.memory_space<hbm>> -> memref<1x1x40xi32, #tpu.memory_space<hbm>>
    %dma_start3A_171 = tpu.memref_squeeze %dma_start3A_170 : memref<1x1x40xi32, #tpu.memory_space<hbm>> -> memref<40xi32, #tpu.memory_space<hbm>>
    tpu.enqueue_dma source(%dma_start3A_171 : memref<40xi32, #tpu.memory_space<hbm>>) target(%arg41 : memref<40xi32, #tpu.memory_space<vmem>>) target_semaphore(%arg57 : memref<!tpu.dma_semaphore, #tpu.memory_space<semaphore_mem>>)
    %barrier3A = arith.constant 0 : index
    tpu.barrier barrier_id(%barrier3A)
    %dma_wait3A = arith.constant 0 : i32
    %dma_wait3A_172 = arith.constant 0 : i32
    %dma_wait3A_173 = arith.constant 0 : i32
    %dma_wait3A_174 = tpu.memref_slice %arg4[%dma_wait3A, %dma_wait3A_172, %dma_wait3A_173] : memref<32x256x20xi32, #tpu.memory_space<hbm>> -> memref<1x1x20xi32, #tpu.memory_space<hbm>>
    %dma_wait3A_175 = tpu.memref_squeeze %dma_wait3A_174 : memref<1x1x20xi32, #tpu.memory_space<hbm>> -> memref<20xi32, #tpu.memory_space<hbm>>
    %dma_wait3A_176 = arith.constant 0 : i32
    %dma_wait3A_177 = tpu.memref_slice %arg4[%dma_wait3A, %dma_wait3A_172, %dma_wait3A_176] : memref<32x256x20xi32, #tpu.memory_space<hbm>> -> memref<1x1x20xi32, #tpu.memory_space<hbm>>
    %dma_wait3A_178 = tpu.memref_squeeze %dma_wait3A_177 : memref<1x1x20xi32, #tpu.memory_space<hbm>> -> memref<20xi32, #tpu.memory_space<hbm>>
    tpu.wait_dma2 semaphore(%arg52 : memref<!tpu.dma_semaphore, #tpu.memory_space<semaphore_mem>>) src(%dma_wait3A_178 : memref<20xi32, #tpu.memory_space<hbm>>) dst(%arg12 : memref<20xi32, #tpu.memory_space<vmem>>)
    %dma_wait3A_179 = arith.constant 0 : i32
    %dma_wait3A_180 = arith.constant 0 : i32
    %dma_wait3A_181 = arith.constant 0 : i32
    %dma_wait3A_182 = tpu.memref_slice %arg5[%dma_wait3A_179, %dma_wait3A_180, %dma_wait3A_181] : memref<32x256x20xi32, #tpu.memory_space<hbm>> -> memref<1x1x20xi32, #tpu.memory_space<hbm>>
    %dma_wait3A_183 = tpu.memref_squeeze %dma_wait3A_182 : memref<1x1x20xi32, #tpu.memory_space<hbm>> -> memref<20xi32, #tpu.memory_space<hbm>>
    %dma_wait3A_184 = arith.constant 0 : i32
    %dma_wait3A_185 = tpu.memref_slice %arg5[%dma_wait3A_179, %dma_wait3A_180, %dma_wait3A_184] : memref<32x256x20xi32, #tpu.memory_space<hbm>> -> memref<1x1x20xi32, #tpu.memory_space<hbm>>
    %dma_wait3A_186 = tpu.memref_squeeze %dma_wait3A_185 : memref<1x1x20xi32, #tpu.memory_space<hbm>> -> memref<20xi32, #tpu.memory_space<hbm>>
    tpu.wait_dma2 semaphore(%arg52 : memref<!tpu.dma_semaphore, #tpu.memory_space<semaphore_mem>>) src(%dma_wait3A_186 : memref<20xi32, #tpu.memory_space<hbm>>) dst(%arg20 : memref<20xi32, #tpu.memory_space<vmem>>)
    %dma_wait3A_187 = arith.constant 0 : i32
    %dma_wait3A_188 = arith.constant 0 : i32
    %dma_wait3A_189 = arith.constant 0 : i32
    %dma_wait3A_190 = tpu.memref_slice %arg6[%dma_wait3A_187, %dma_wait3A_188, %dma_wait3A_189] : memref<32x256x40xi32, #tpu.memory_space<hbm>> -> memref<1x1x40xi32, #tpu.memory_space<hbm>>
    %dma_wait3A_191 = tpu.memref_squeeze %dma_wait3A_190 : memref<1x1x40xi32, #tpu.memory_space<hbm>> -> memref<40xi32, #tpu.memory_space<hbm>>
    %dma_wait3A_192 = arith.constant 0 : i32
    %dma_wait3A_193 = tpu.memref_slice %arg6[%dma_wait3A_187, %dma_wait3A_188, %dma_wait3A_192] : memref<32x256x40xi32, #tpu.memory_space<hbm>> -> memref<1x1x40xi32, #tpu.memory_space<hbm>>
    %dma_wait3A_194 = tpu.memref_squeeze %dma_wait3A_193 : memref<1x1x40xi32, #tpu.memory_space<hbm>> -> memref<40xi32, #tpu.memory_space<hbm>>
    tpu.wait_dma2 semaphore(%arg52 : memref<!tpu.dma_semaphore, #tpu.memory_space<semaphore_mem>>) src(%dma_wait3A_194 : memref<40xi32, #tpu.memory_space<hbm>>) dst(%arg28 : memref<40xi32, #tpu.memory_space<vmem>>)
    %dma_wait3A_195 = arith.constant 0 : i32
    %dma_wait3A_196 = arith.constant 0 : i32
    %dma_wait3A_197 = arith.constant 0 : i32
    %dma_wait3A_198 = tpu.memref_slice %arg7[%dma_wait3A_195, %dma_wait3A_196, %dma_wait3A_197] : memref<32x256x40xi32, #tpu.memory_space<hbm>> -> memref<1x1x40xi32, #tpu.memory_space<hbm>>
    %dma_wait3A_199 = tpu.memref_squeeze %dma_wait3A_198 : memref<1x1x40xi32, #tpu.memory_space<hbm>> -> memref<40xi32, #tpu.memory_space<hbm>>
    %dma_wait3A_200 = arith.constant 0 : i32
    %dma_wait3A_201 = tpu.memref_slice %arg7[%dma_wait3A_195, %dma_wait3A_196, %dma_wait3A_200] : memref<32x256x40xi32, #tpu.memory_space<hbm>> -> memref<1x1x40xi32, #tpu.memory_space<hbm>>
    %dma_wait3A_202 = tpu.memref_squeeze %dma_wait3A_201 : memref<1x1x40xi32, #tpu.memory_space<hbm>> -> memref<40xi32, #tpu.memory_space<hbm>>
    tpu.wait_dma2 semaphore(%arg52 : memref<!tpu.dma_semaphore, #tpu.memory_space<semaphore_mem>>) src(%dma_wait3A_202 : memref<40xi32, #tpu.memory_space<hbm>>) dst(%arg36 : memref<40xi32, #tpu.memory_space<vmem>>)
    %dma_start3A_203 = arith.constant 0 : i32
    %dma_start3A_204 = arith.constant 0 : i32
    %dma_start3A_205 = tpu.memref_slice %arg44[%dma_start3A_203, %dma_start3A_204] : memref<40x128xf32, #tpu.memory_space<vmem>> -> memref<20x128xf32, #tpu.memory_space<vmem>>
    %dma_start3A_206 = arith.constant 0 : i32
    %dma_start3A_207 = arith.constant 0 : i32
    %dma_start3A_208 = tpu.memref_slice %arg2[%dma_start3A_206, %dma_start3A_207] : memref<10000x128xf32, #tpu.memory_space<hbm>> -> memref<10000x128xf32, #tpu.memory_space<hbm>>
    tpu.enqueue_indirect_dma source(%dma_start3A_208 : memref<10000x128xf32, #tpu.memory_space<hbm>>) target(%dma_start3A_205 : memref<20x128xf32, #tpu.memory_space<vmem>>) offsets(%arg12 : memref<20xi32, #tpu.memory_space<vmem>>) semaphore(%arg60 : memref<!tpu.dma_semaphore, #tpu.memory_space<semaphore_mem>>)
    %dma_start3A_209 = arith.constant 20 : i32
    %dma_start3A_210 = arith.constant 0 : i32
    %dma_start3A_211 = tpu.memref_slice %arg44[%dma_start3A_209, %dma_start3A_210] : memref<40x128xf32, #tpu.memory_space<vmem>> -> memref<20x128xf32, #tpu.memory_space<vmem>>
    %dma_start3A_212 = arith.constant 0 : i32
    %dma_start3A_213 = arith.constant 0 : i32
    %dma_start3A_214 = tpu.memref_slice %arg2[%dma_start3A_212, %dma_start3A_213] : memref<10000x128xf32, #tpu.memory_space<hbm>> -> memref<10000x128xf32, #tpu.memory_space<hbm>>
    tpu.enqueue_indirect_dma source(%dma_start3A_214 : memref<10000x128xf32, #tpu.memory_space<hbm>>) target(%dma_start3A_211 : memref<20x128xf32, #tpu.memory_space<vmem>>) offsets(%arg20 : memref<20xi32, #tpu.memory_space<vmem>>) semaphore(%arg60 : memref<!tpu.dma_semaphore, #tpu.memory_space<semaphore_mem>>)
    %dma_start3A_215 = arith.constant 0 : i32
    %dma_start3A_216 = arith.constant 0 : i32
    %dma_start3A_217 = tpu.memref_slice %arg11[%dma_start3A_215, %dma_start3A_216] : memref<200x128xf32, #tpu.memory_space<vmem_shared>> -> memref<200x128xf32, #tpu.memory_space<vmem_shared>>
    tpu.enqueue_indirect_dma source(%dma_start3A_217 : memref<200x128xf32, #tpu.memory_space<vmem_shared>>) target(%arg48 : memref<40x128xf32, #tpu.memory_space<vmem>>) offsets(%arg28 : memref<40xi32, #tpu.memory_space<vmem>>) semaphore(%arg68 : memref<!tpu.dma_semaphore, #tpu.memory_space<semaphore_mem>>)
    %dma_wait3A_218 = arith.constant 0 : i32
    %dma_wait3A_219 = arith.constant 0 : i32
    %dma_wait3A_220 = arith.constant 0 : i32
    %dma_wait3A_221 = tpu.memref_slice %arg4[%dma_wait3A_218, %dma_wait3A_219, %dma_wait3A_220] : memref<32x256x20xi32, #tpu.memory_space<hbm>> -> memref<1x1x20xi32, #tpu.memory_space<hbm>>
    %dma_wait3A_222 = tpu.memref_squeeze %dma_wait3A_221 : memref<1x1x20xi32, #tpu.memory_space<hbm>> -> memref<20xi32, #tpu.memory_space<hbm>>
    %dma_wait3A_223 = arith.constant 0 : i32
    %dma_wait3A_224 = tpu.memref_slice %arg4[%dma_wait3A_218, %dma_wait3A_219, %dma_wait3A_223] : memref<32x256x20xi32, #tpu.memory_space<hbm>> -> memref<1x1x20xi32, #tpu.memory_space<hbm>>
    %dma_wait3A_225 = tpu.memref_squeeze %dma_wait3A_224 : memref<1x1x20xi32, #tpu.memory_space<hbm>> -> memref<20xi32, #tpu.memory_space<hbm>>
    tpu.wait_dma2 semaphore(%arg53 : memref<!tpu.dma_semaphore, #tpu.memory_space<semaphore_mem>>) src(%dma_wait3A_225 : memref<20xi32, #tpu.memory_space<hbm>>) dst(%arg13 : memref<20xi32, #tpu.memory_space<vmem>>)
    %dma_wait3A_226 = arith.constant 0 : i32
    %dma_wait3A_227 = arith.constant 0 : i32
    %dma_wait3A_228 = arith.constant 0 : i32
    %dma_wait3A_229 = tpu.memref_slice %arg5[%dma_wait3A_226, %dma_wait3A_227, %dma_wait3A_228] : memref<32x256x20xi32, #tpu.memory_space<hbm>> -> memref<1x1x20xi32, #tpu.memory_space<hbm>>
    %dma_wait3A_230 = tpu.memref_squeeze %dma_wait3A_229 : memref<1x1x20xi32, #tpu.memory_space<hbm>> -> memref<20xi32, #tpu.memory_space<hbm>>
    %dma_wait3A_231 = arith.constant 0 : i32
    %dma_wait3A_232 = tpu.memref_slice %arg5[%dma_wait3A_226, %dma_wait3A_227, %dma_wait3A_231] : memref<32x256x20xi32, #tpu.memory_space<hbm>> -> memref<1x1x20xi32, #tpu.memory_space<hbm>>
    %dma_wait3A_233 = tpu.memref_squeeze %dma_wait3A_232 : memref<1x1x20xi32, #tpu.memory_space<hbm>> -> memref<20xi32, #tpu.memory_space<hbm>>
    tpu.wait_dma2 semaphore(%arg53 : memref<!tpu.dma_semaphore, #tpu.memory_space<semaphore_mem>>) src(%dma_wait3A_233 : memref<20xi32, #tpu.memory_space<hbm>>) dst(%arg21 : memref<20xi32, #tpu.memory_space<vmem>>)
    %dma_wait3A_234 = arith.constant 0 : i32
    %dma_wait3A_235 = arith.constant 0 : i32
    %dma_wait3A_236 = arith.constant 0 : i32
    %dma_wait3A_237 = tpu.memref_slice %arg6[%dma_wait3A_234, %dma_wait3A_235, %dma_wait3A_236] : memref<32x256x40xi32, #tpu.memory_space<hbm>> -> memref<1x1x40xi32, #tpu.memory_space<hbm>>
    %dma_wait3A_238 = tpu.memref_squeeze %dma_wait3A_237 : memref<1x1x40xi32, #tpu.memory_space<hbm>> -> memref<40xi32, #tpu.memory_space<hbm>>
    %dma_wait3A_239 = arith.constant 0 : i32
    %dma_wait3A_240 = tpu.memref_slice %arg6[%dma_wait3A_234, %dma_wait3A_235, %dma_wait3A_239] : memref<32x256x40xi32, #tpu.memory_space<hbm>> -> memref<1x1x40xi32, #tpu.memory_space<hbm>>
    %dma_wait3A_241 = tpu.memref_squeeze %dma_wait3A_240 : memref<1x1x40xi32, #tpu.memory_space<hbm>> -> memref<40xi32, #tpu.memory_space<hbm>>
    tpu.wait_dma2 semaphore(%arg53 : memref<!tpu.dma_semaphore, #tpu.memory_space<semaphore_mem>>) src(%dma_wait3A_241 : memref<40xi32, #tpu.memory_space<hbm>>) dst(%arg29 : memref<40xi32, #tpu.memory_space<vmem>>)
    %dma_wait3A_242 = arith.constant 0 : i32
    %dma_wait3A_243 = arith.constant 0 : i32
    %dma_wait3A_244 = arith.constant 0 : i32
    %dma_wait3A_245 = tpu.memref_slice %arg7[%dma_wait3A_242, %dma_wait3A_243, %dma_wait3A_244] : memref<32x256x40xi32, #tpu.memory_space<hbm>> -> memref<1x1x40xi32, #tpu.memory_space<hbm>>
    %dma_wait3A_246 = tpu.memref_squeeze %dma_wait3A_245 : memref<1x1x40xi32, #tpu.memory_space<hbm>> -> memref<40xi32, #tpu.memory_space<hbm>>
    %dma_wait3A_247 = arith.constant 0 : i32
    %dma_wait3A_248 = tpu.memref_slice %arg7[%dma_wait3A_242, %dma_wait3A_243, %dma_wait3A_247] : memref<32x256x40xi32, #tpu.memory_space<hbm>> -> memref<1x1x40xi32, #tpu.memory_space<hbm>>
    %dma_wait3A_249 = tpu.memref_squeeze %dma_wait3A_248 : memref<1x1x40xi32, #tpu.memory_space<hbm>> -> memref<40xi32, #tpu.memory_space<hbm>>
    tpu.wait_dma2 semaphore(%arg53 : memref<!tpu.dma_semaphore, #tpu.memory_space<semaphore_mem>>) src(%dma_wait3A_249 : memref<40xi32, #tpu.memory_space<hbm>>) dst(%arg37 : memref<40xi32, #tpu.memory_space<vmem>>)
    %dma_start3A_250 = arith.constant 0 : i32
    %dma_start3A_251 = arith.constant 0 : i32
    %dma_start3A_252 = tpu.memref_slice %arg45[%dma_start3A_250, %dma_start3A_251] : memref<40x128xf32, #tpu.memory_space<vmem>> -> memref<20x128xf32, #tpu.memory_space<vmem>>
    %dma_start3A_253 = arith.constant 0 : i32
    %dma_start3A_254 = arith.constant 0 : i32
    %dma_start3A_255 = tpu.memref_slice %arg2[%dma_start3A_253, %dma_start3A_254] : memref<10000x128xf32, #tpu.memory_space<hbm>> -> memref<10000x128xf32, #tpu.memory_space<hbm>>
    tpu.enqueue_indirect_dma source(%dma_start3A_255 : memref<10000x128xf32, #tpu.memory_space<hbm>>) target(%dma_start3A_252 : memref<20x128xf32, #tpu.memory_space<vmem>>) offsets(%arg13 : memref<20xi32, #tpu.memory_space<vmem>>) semaphore(%arg61 : memref<!tpu.dma_semaphore, #tpu.memory_space<semaphore_mem>>)
    %dma_start3A_256 = arith.constant 20 : i32
    %dma_start3A_257 = arith.constant 0 : i32
    %dma_start3A_258 = tpu.memref_slice %arg45[%dma_start3A_256, %dma_start3A_257] : memref<40x128xf32, #tpu.memory_space<vmem>> -> memref<20x128xf32, #tpu.memory_space<vmem>>
    %dma_start3A_259 = arith.constant 0 : i32
    %dma_start3A_260 = arith.constant 0 : i32
    %dma_start3A_261 = tpu.memref_slice %arg2[%dma_start3A_259, %dma_start3A_260] : memref<10000x128xf32, #tpu.memory_space<hbm>> -> memref<10000x128xf32, #tpu.memory_space<hbm>>
    tpu.enqueue_indirect_dma source(%dma_start3A_261 : memref<10000x128xf32, #tpu.memory_space<hbm>>) target(%dma_start3A_258 : memref<20x128xf32, #tpu.memory_space<vmem>>) offsets(%arg21 : memref<20xi32, #tpu.memory_space<vmem>>) semaphore(%arg61 : memref<!tpu.dma_semaphore, #tpu.memory_space<semaphore_mem>>)
    %dma_start3A_262 = arith.constant 0 : i32
    %dma_start3A_263 = arith.constant 0 : i32
    %dma_start3A_264 = tpu.memref_slice %arg11[%dma_start3A_262, %dma_start3A_263] : memref<200x128xf32, #tpu.memory_space<vmem_shared>> -> memref<200x128xf32, #tpu.memory_space<vmem_shared>>
    tpu.enqueue_indirect_dma source(%dma_start3A_264 : memref<200x128xf32, #tpu.memory_space<vmem_shared>>) target(%arg49 : memref<40x128xf32, #tpu.memory_space<vmem>>) offsets(%arg29 : memref<40xi32, #tpu.memory_space<vmem>>) semaphore(%arg69 : memref<!tpu.dma_semaphore, #tpu.memory_space<semaphore_mem>>)
    %scan3A = arith.constant 0 : i32
    %scan3A_265 = arith.constant 0 : i32
    %scan3A_266 = arith.constant 32 : i32
    %scan3A_267 = arith.addi %scan3A_265, %scan3A_266 : i32
    %scan3A_268 = arith.constant 1 : i32
    scf.for %scan3A_281 = %scan3A_265 to %scan3A_267 step %scan3A_268  : i32 {
      %mul3A_282 = arith.constant 8 : i32
      %mul3A_283 = arith.muli %mul3A_282, %scan3A_281 : i32
      %add3A_284 = arith.constant 0 : i32
      %add3A_285 = arith.addi %mul3A_283, %add3A_284 : i32
      %dma_wait3A_286 = arith.constant 0 : i32
      %dma_wait3A_287 = arith.constant 0 : i32
      %dma_wait3A_288 = tpu.memref_slice %arg44[%dma_wait3A_286, %dma_wait3A_287] : memref<40x128xf32, #tpu.memory_space<vmem>> -> memref<20x128xf32, #tpu.memory_space<vmem>>
      %dma_wait3A_289 = arith.constant 0 : i32
      %dma_wait3A_290 = arith.constant 0 : i32
      %dma_wait3A_291 = tpu.memref_slice %arg2[%dma_wait3A_289, %dma_wait3A_290] : memref<10000x128xf32, #tpu.memory_space<hbm>> -> memref<10000x128xf32, #tpu.memory_space<hbm>>
      tpu.wait_indirect_dma semaphore(%arg60 : memref<!tpu.dma_semaphore, #tpu.memory_space<semaphore_mem>>) src(%dma_wait3A_291 : memref<10000x128xf32, #tpu.memory_space<hbm>>) dst(%dma_wait3A_288 : memref<20x128xf32, #tpu.memory_space<vmem>>)
      %dma_wait3A_292 = arith.constant 20 : i32
      %dma_wait3A_293 = arith.constant 0 : i32
      %dma_wait3A_294 = tpu.memref_slice %arg44[%dma_wait3A_292, %dma_wait3A_293] : memref<40x128xf32, #tpu.memory_space<vmem>> -> memref<20x128xf32, #tpu.memory_space<vmem>>
      %dma_wait3A_295 = arith.constant 0 : i32
      %dma_wait3A_296 = arith.constant 0 : i32
      %dma_wait3A_297 = tpu.memref_slice %arg2[%dma_wait3A_295, %dma_wait3A_296] : memref<10000x128xf32, #tpu.memory_space<hbm>> -> memref<10000x128xf32, #tpu.memory_space<hbm>>
      tpu.wait_indirect_dma semaphore(%arg60 : memref<!tpu.dma_semaphore, #tpu.memory_space<semaphore_mem>>) src(%dma_wait3A_297 : memref<10000x128xf32, #tpu.memory_space<hbm>>) dst(%dma_wait3A_294 : memref<20x128xf32, #tpu.memory_space<vmem>>)
      %dma_wait3A_298 = arith.constant 0 : i32
      %dma_wait3A_299 = arith.constant 0 : i32
      %dma_wait3A_300 = tpu.memref_slice %arg11[%dma_wait3A_298, %dma_wait3A_299] : memref<200x128xf32, #tpu.memory_space<vmem_shared>> -> memref<200x128xf32, #tpu.memory_space<vmem_shared>>
      tpu.wait_indirect_dma semaphore(%arg68 : memref<!tpu.dma_semaphore, #tpu.memory_space<semaphore_mem>>) src(%dma_wait3A_300 : memref<200x128xf32, #tpu.memory_space<vmem_shared>>) dst(%arg48 : memref<40x128xf32, #tpu.memory_space<vmem>>)
      %scan3A_301 = arith.constant 0 : i32
      %scan3A_302 = arith.constant 0 : i32
      %scan3A_303 = arith.constant 40 : i32
      %scan3A_304 = arith.addi %scan3A_302, %scan3A_303 : i32
      %scan3A_305 = arith.constant 1 : i32
      scf.for %scan3A_624 = %scan3A_302 to %scan3A_304 step %scan3A_305  : i32 {
        %get3A = arith.index_cast %scan3A_624 : i32 to index
        %get3A_625 = arith.constant 0 : index
        %get3A_626 = tpu.vector_load %arg44[%get3A, %get3A_625] {strides = array<i32>} : memref<40x128xf32, #tpu.memory_space<vmem>>, vector<1x16xf32>,
        %get3A_627 = vector.shape_cast %get3A_626 : vector<1x16xf32> to vector<16xf32>
        %get3A_628 = arith.index_cast %scan3A_624 : i32 to index
        %get3A_629 = arith.constant 0 : index
        %get3A_630 = tpu.vector_load %arg48[%get3A_628, %get3A_629] {strides = array<i32>} : memref<40x128xf32, #tpu.memory_space<vmem>>, vector<1x16xf32>,
        %get3A_631 = vector.shape_cast %get3A_630 : vector<1x16xf32> to vector<16xf32>
        %add3A_632 = arith.addf %get3A_627, %get3A_631 : vector<16xf32>
        %swap3A = arith.index_cast %scan3A_624 : i32 to index
        %swap3A_633 = arith.constant 0 : index
        %swap3A_634 = tpu.vector_load %arg44[%swap3A, %swap3A_633] {strides = array<i32>} : memref<40x128xf32, #tpu.memory_space<vmem>>, vector<1x16xf32>,
        %swap3A_635 = vector.shape_cast %swap3A_634 : vector<1x16xf32> to vector<16xf32>
        %swap3A_636 = vector.shape_cast %add3A_632 : vector<16xf32> to vector<1x16xf32>
        tpu.vector_store %arg44[%swap3A, %swap3A_633], %swap3A_636 {strides = array<i32>} : memref<40x128xf32, #tpu.memory_space<vmem>>, vector<1x16xf32>,
        %get3A_637 = arith.index_cast %scan3A_624 : i32 to index
        %get3A_638 = arith.constant 16 : index
        %get3A_639 = tpu.vector_load %arg44[%get3A_637, %get3A_638] {strides = array<i32>} : memref<40x128xf32, #tpu.memory_space<vmem>>, vector<1x16xf32>,
        %get3A_640 = vector.shape_cast %get3A_639 : vector<1x16xf32> to vector<16xf32>
        %get3A_641 = arith.index_cast %scan3A_624 : i32 to index
        %get3A_642 = arith.constant 16 : index
        %get3A_643 = tpu.vector_load %arg48[%get3A_641, %get3A_642] {strides = array<i32>} : memref<40x128xf32, #tpu.memory_space<vmem>>, vector<1x16xf32>,
        %get3A_644 = vector.shape_cast %get3A_643 : vector<1x16xf32> to vector<16xf32>
        %add3A_645 = arith.addf %get3A_640, %get3A_644 : vector<16xf32>
        %swap3A_646 = arith.index_cast %scan3A_624 : i32 to index
        %swap3A_647 = arith.constant 16 : index
        %swap3A_648 = tpu.vector_load %arg44[%swap3A_646, %swap3A_647] {strides = array<i32>} : memref<40x128xf32, #tpu.memory_space<vmem>>, vector<1x16xf32>,
        %swap3A_649 = vector.shape_cast %swap3A_648 : vector<1x16xf32> to vector<16xf32>
        %swap3A_650 = vector.shape_cast %add3A_645 : vector<16xf32> to vector<1x16xf32>
        tpu.vector_store %arg44[%swap3A_646, %swap3A_647], %swap3A_650 {strides = array<i32>} : memref<40x128xf32, #tpu.memory_space<vmem>>, vector<1x16xf32>,
        %get3A_651 = arith.index_cast %scan3A_624 : i32 to index
        %get3A_652 = arith.constant 32 : index
        %get3A_653 = tpu.vector_load %arg44[%get3A_651, %get3A_652] {strides = array<i32>} : memref<40x128xf32, #tpu.memory_space<vmem>>, vector<1x16xf32>,
        %get3A_654 = vector.shape_cast %get3A_653 : vector<1x16xf32> to vector<16xf32>
        %get3A_655 = arith.index_cast %scan3A_624 : i32 to index
        %get3A_656 = arith.constant 32 : index
        %get3A_657 = tpu.vector_load %arg48[%get3A_655, %get3A_656] {strides = array<i32>} : memref<40x128xf32, #tpu.memory_space<vmem>>, vector<1x16xf32>,
        %get3A_658 = vector.shape_cast %get3A_657 : vector<1x16xf32> to vector<16xf32>
        %add3A_659 = arith.addf %get3A_654, %get3A_658 : vector<16xf32>
        %swap3A_660 = arith.index_cast %scan3A_624 : i32 to index
        %swap3A_661 = arith.constant 32 : index
        %swap3A_662 = tpu.vector_load %arg44[%swap3A_660, %swap3A_661] {strides = array<i32>} : memref<40x128xf32, #tpu.memory_space<vmem>>, vector<1x16xf32>,
        %swap3A_663 = vector.shape_cast %swap3A_662 : vector<1x16xf32> to vector<16xf32>
        %swap3A_664 = vector.shape_cast %add3A_659 : vector<16xf32> to vector<1x16xf32>
        tpu.vector_store %arg44[%swap3A_660, %swap3A_661], %swap3A_664 {strides = array<i32>} : memref<40x128xf32, #tpu.memory_space<vmem>>, vector<1x16xf32>,
        %get3A_665 = arith.index_cast %scan3A_624 : i32 to index
        %get3A_666 = arith.constant 48 : index
        %get3A_667 = tpu.vector_load %arg44[%get3A_665, %get3A_666] {strides = array<i32>} : memref<40x128xf32, #tpu.memory_space<vmem>>, vector<1x16xf32>,
        %get3A_668 = vector.shape_cast %get3A_667 : vector<1x16xf32> to vector<16xf32>
        %get3A_669 = arith.index_cast %scan3A_624 : i32 to index
        %get3A_670 = arith.constant 48 : index
        %get3A_671 = tpu.vector_load %arg48[%get3A_669, %get3A_670] {strides = array<i32>} : memref<40x128xf32, #tpu.memory_space<vmem>>, vector<1x16xf32>,
        %get3A_672 = vector.shape_cast %get3A_671 : vector<1x16xf32> to vector<16xf32>
        %add3A_673 = arith.addf %get3A_668, %get3A_672 : vector<16xf32>
        %swap3A_674 = arith.index_cast %scan3A_624 : i32 to index
        %swap3A_675 = arith.constant 48 : index
        %swap3A_676 = tpu.vector_load %arg44[%swap3A_674, %swap3A_675] {strides = array<i32>} : memref<40x128xf32, #tpu.memory_space<vmem>>, vector<1x16xf32>,
        %swap3A_677 = vector.shape_cast %swap3A_676 : vector<1x16xf32> to vector<16xf32>
        %swap3A_678 = vector.shape_cast %add3A_673 : vector<16xf32> to vector<1x16xf32>
        tpu.vector_store %arg44[%swap3A_674, %swap3A_675], %swap3A_678 {strides = array<i32>} : memref<40x128xf32, #tpu.memory_space<vmem>>, vector<1x16xf32>,
        %get3A_679 = arith.index_cast %scan3A_624 : i32 to index
        %get3A_680 = arith.constant 64 : index
        %get3A_681 = tpu.vector_load %arg44[%get3A_679, %get3A_680] {strides = array<i32>} : memref<40x128xf32, #tpu.memory_space<vmem>>, vector<1x16xf32>,
        %get3A_682 = vector.shape_cast %get3A_681 : vector<1x16xf32> to vector<16xf32>
        %get3A_683 = arith.index_cast %scan3A_624 : i32 to index
        %get3A_684 = arith.constant 64 : index
        %get3A_685 = tpu.vector_load %arg48[%get3A_683, %get3A_684] {strides = array<i32>} : memref<40x128xf32, #tpu.memory_space<vmem>>, vector<1x16xf32>,
        %get3A_686 = vector.shape_cast %get3A_685 : vector<1x16xf32> to vector<16xf32>
        %add3A_687 = arith.addf %get3A_682, %get3A_686 : vector<16xf32>
        %swap3A_688 = arith.index_cast %scan3A_624 : i32 to index
        %swap3A_689 = arith.constant 64 : index
        %swap3A_690 = tpu.vector_load %arg44[%swap3A_688, %swap3A_689] {strides = array<i32>} : memref<40x128xf32, #tpu.memory_space<vmem>>, vector<1x16xf32>,
        %swap3A_691 = vector.shape_cast %swap3A_690 : vector<1x16xf32> to vector<16xf32>
        %swap3A_692 = vector.shape_cast %add3A_687 : vector<16xf32> to vector<1x16xf32>
        tpu.vector_store %arg44[%swap3A_688, %swap3A_689], %swap3A_692 {strides = array<i32>} : memref<40x128xf32, #tpu.memory_space<vmem>>, vector<1x16xf32>,
        %get3A_693 = arith.index_cast %scan3A_624 : i32 to index
        %get3A_694 = arith.constant 80 : index
        %get3A_695 = tpu.vector_load %arg44[%get3A_693, %get3A_694] {strides = array<i32>} : memref<40x128xf32, #tpu.memory_space<vmem>>, vector<1x16xf32>,
        %get3A_696 = vector.shape_cast %get3A_695 : vector<1x16xf32> to vector<16xf32>
        %get3A_697 = arith.index_cast %scan3A_624 : i32 to index
        %get3A_698 = arith.constant 80 : index
        %get3A_699 = tpu.vector_load %arg48[%get3A_697, %get3A_698] {strides = array<i32>} : memref<40x128xf32, #tpu.memory_space<vmem>>, vector<1x16xf32>,
        %get3A_700 = vector.shape_cast %get3A_699 : vector<1x16xf32> to vector<16xf32>
        %add3A_701 = arith.addf %get3A_696, %get3A_700 : vector<16xf32>
        %swap3A_702 = arith.index_cast %scan3A_624 : i32 to index
        %swap3A_703 = arith.constant 80 : index
        %swap3A_704 = tpu.vector_load %arg44[%swap3A_702, %swap3A_703] {strides = array<i32>} : memref<40x128xf32, #tpu.memory_space<vmem>>, vector<1x16xf32>,
        %swap3A_705 = vector.shape_cast %swap3A_704 : vector<1x16xf32> to vector<16xf32>
        %swap3A_706 = vector.shape_cast %add3A_701 : vector<16xf32> to vector<1x16xf32>
        tpu.vector_store %arg44[%swap3A_702, %swap3A_703], %swap3A_706 {strides = array<i32>} : memref<40x128xf32, #tpu.memory_space<vmem>>, vector<1x16xf32>,
        %get3A_707 = arith.index_cast %scan3A_624 : i32 to index
        %get3A_708 = arith.constant 96 : index
        %get3A_709 = tpu.vector_load %arg44[%get3A_707, %get3A_708] {strides = array<i32>} : memref<40x128xf32, #tpu.memory_space<vmem>>, vector<1x16xf32>,
        %get3A_710 = vector.shape_cast %get3A_709 : vector<1x16xf32> to vector<16xf32>
        %get3A_711 = arith.index_cast %scan3A_624 : i32 to index
        %get3A_712 = arith.constant 96 : index
        %get3A_713 = tpu.vector_load %arg48[%get3A_711, %get3A_712] {strides = array<i32>} : memref<40x128xf32, #tpu.memory_space<vmem>>, vector<1x16xf32>,
        %get3A_714 = vector.shape_cast %get3A_713 : vector<1x16xf32> to vector<16xf32>
        %add3A_715 = arith.addf %get3A_710, %get3A_714 : vector<16xf32>
        %swap3A_716 = arith.index_cast %scan3A_624 : i32 to index
        %swap3A_717 = arith.constant 96 : index
        %swap3A_718 = tpu.vector_load %arg44[%swap3A_716, %swap3A_717] {strides = array<i32>} : memref<40x128xf32, #tpu.memory_space<vmem>>, vector<1x16xf32>,
        %swap3A_719 = vector.shape_cast %swap3A_718 : vector<1x16xf32> to vector<16xf32>
        %swap3A_720 = vector.shape_cast %add3A_715 : vector<16xf32> to vector<1x16xf32>
        tpu.vector_store %arg44[%swap3A_716, %swap3A_717], %swap3A_720 {strides = array<i32>} : memref<40x128xf32, #tpu.memory_space<vmem>>, vector<1x16xf32>,
        %get3A_721 = arith.index_cast %scan3A_624 : i32 to index
        %get3A_722 = arith.constant 112 : index
        %get3A_723 = tpu.vector_load %arg44[%get3A_721, %get3A_722] {strides = array<i32>} : memref<40x128xf32, #tpu.memory_space<vmem>>, vector<1x16xf32>,
        %get3A_724 = vector.shape_cast %get3A_723 : vector<1x16xf32> to vector<16xf32>
        %get3A_725 = arith.index_cast %scan3A_624 : i32 to index
        %get3A_726 = arith.constant 112 : index
        %get3A_727 = tpu.vector_load %arg48[%get3A_725, %get3A_726] {strides = array<i32>} : memref<40x128xf32, #tpu.memory_space<vmem>>, vector<1x16xf32>,
        %get3A_728 = vector.shape_cast %get3A_727 : vector<1x16xf32> to vector<16xf32>
        %add3A_729 = arith.addf %get3A_724, %get3A_728 : vector<16xf32>
        %swap3A_730 = arith.index_cast %scan3A_624 : i32 to index
        %swap3A_731 = arith.constant 112 : index
        %swap3A_732 = tpu.vector_load %arg44[%swap3A_730, %swap3A_731] {strides = array<i32>} : memref<40x128xf32, #tpu.memory_space<vmem>>, vector<1x16xf32>,
        %swap3A_733 = vector.shape_cast %swap3A_732 : vector<1x16xf32> to vector<16xf32>
        %swap3A_734 = vector.shape_cast %add3A_729 : vector<16xf32> to vector<1x16xf32>
        tpu.vector_store %arg44[%swap3A_730, %swap3A_731], %swap3A_734 {strides = array<i32>} : memref<40x128xf32, #tpu.memory_space<vmem>>, vector<1x16xf32>,
      }
      %scan3A_306 = arith.constant 40 : i32
      %dma_start3A_307 = arith.constant 0 : i32
      %dma_start3A_308 = arith.constant 0 : i32
      %dma_start3A_309 = tpu.memref_slice %arg10[%dma_start3A_307, %dma_start3A_308] : memref<10240x128xf32, #tpu.memory_space<vmem_shared>> -> memref<10240x128xf32, #tpu.memory_space<vmem_shared>>
      tpu.enqueue_indirect_dma source(%arg44 : memref<40x128xf32, #tpu.memory_space<vmem>>) target(%dma_start3A_309 : memref<10240x128xf32, #tpu.memory_space<vmem_shared>>) offsets(%arg36 : memref<40xi32, #tpu.memory_space<vmem>>) semaphore(%arg64 : memref<!tpu.dma_semaphore, #tpu.memory_space<semaphore_mem>>) {add = true}
      %ge3A = arith.constant 2 : i32
      %ge3A_310 = arith.cmpi sge, %add3A_285, %ge3A : i32
      %convert_element_type3A_311 = arith.extui %ge3A_310 : i1 to i32
      %cond3A_312 = arith.constant 0 : i32
      %cond3A_313 = arith.cmpi ne, %convert_element_type3A_311, %cond3A_312 : i32
      scf.if %cond3A_313 {
        %dma_wait3A_624 = arith.constant 0 : i32
        %dma_wait3A_625 = arith.constant 0 : i32
        %dma_wait3A_626 = tpu.memref_slice %arg10[%dma_wait3A_624, %dma_wait3A_625] : memref<10240x128xf32, #tpu.memory_space<vmem_shared>> -> memref<10240x128xf32, #tpu.memory_space<vmem_shared>>
        tpu.wait_indirect_dma semaphore(%arg66 : memref<!tpu.dma_semaphore, #tpu.memory_space<semaphore_mem>>) src(%arg46 : memref<40x128xf32, #tpu.memory_space<vmem>>) dst(%dma_wait3A_626 : memref<10240x128xf32, #tpu.memory_space<vmem_shared>>)
      } else {
      }
      %le3A = arith.constant 253 : i32
      %le3A_314 = arith.cmpi sle, %add3A_285, %le3A : i32
      %convert_element_type3A_315 = arith.extui %le3A_314 : i1 to i32
      %cond3A_316 = arith.constant 0 : i32
      %cond3A_317 = arith.cmpi ne, %convert_element_type3A_315, %cond3A_316 : i32
      scf.if %cond3A_317 {
        %dma_wait3A_624 = arith.constant 0 : i32
        %dma_wait3A_625 = arith.constant 0 : i32
        %dma_wait3A_626 = arith.constant 0 : i32
        %dma_wait3A_627 = tpu.memref_slice %arg4[%dma_wait3A_624, %dma_wait3A_625, %dma_wait3A_626] : memref<32x256x20xi32, #tpu.memory_space<hbm>> -> memref<1x1x20xi32, #tpu.memory_space<hbm>>
        %dma_wait3A_628 = tpu.memref_squeeze %dma_wait3A_627 : memref<1x1x20xi32, #tpu.memory_space<hbm>> -> memref<20xi32, #tpu.memory_space<hbm>>
        %dma_wait3A_629 = arith.constant 0 : i32
        %dma_wait3A_630 = tpu.memref_slice %arg4[%dma_wait3A_624, %dma_wait3A_625, %dma_wait3A_629] : memref<32x256x20xi32, #tpu.memory_space<hbm>> -> memref<1x1x20xi32, #tpu.memory_space<hbm>>
        %dma_wait3A_631 = tpu.memref_squeeze %dma_wait3A_630 : memref<1x1x20xi32, #tpu.memory_space<hbm>> -> memref<20xi32, #tpu.memory_space<hbm>>
        tpu.wait_dma2 semaphore(%arg54 : memref<!tpu.dma_semaphore, #tpu.memory_space<semaphore_mem>>) src(%dma_wait3A_631 : memref<20xi32, #tpu.memory_space<hbm>>) dst(%arg14 : memref<20xi32, #tpu.memory_space<vmem>>)
        %dma_wait3A_632 = arith.constant 0 : i32
        %dma_wait3A_633 = arith.constant 0 : i32
        %dma_wait3A_634 = arith.constant 0 : i32
        %dma_wait3A_635 = tpu.memref_slice %arg5[%dma_wait3A_632, %dma_wait3A_633, %dma_wait3A_634] : memref<32x256x20xi32, #tpu.memory_space<hbm>> -> memref<1x1x20xi32, #tpu.memory_space<hbm>>
        %dma_wait3A_636 = tpu.memref_squeeze %dma_wait3A_635 : memref<1x1x20xi32, #tpu.memory_space<hbm>> -> memref<20xi32, #tpu.memory_space<hbm>>
        %dma_wait3A_637 = arith.constant 0 : i32
        %dma_wait3A_638 = tpu.memref_slice %arg5[%dma_wait3A_632, %dma_wait3A_633, %dma_wait3A_637] : memref<32x256x20xi32, #tpu.memory_space<hbm>> -> memref<1x1x20xi32, #tpu.memory_space<hbm>>
        %dma_wait3A_639 = tpu.memref_squeeze %dma_wait3A_638 : memref<1x1x20xi32, #tpu.memory_space<hbm>> -> memref<20xi32, #tpu.memory_space<hbm>>
        tpu.wait_dma2 semaphore(%arg54 : memref<!tpu.dma_semaphore, #tpu.memory_space<semaphore_mem>>) src(%dma_wait3A_639 : memref<20xi32, #tpu.memory_space<hbm>>) dst(%arg22 : memref<20xi32, #tpu.memory_space<vmem>>)
        %dma_wait3A_640 = arith.constant 0 : i32
        %dma_wait3A_641 = arith.constant 0 : i32
        %dma_wait3A_642 = arith.constant 0 : i32
        %dma_wait3A_643 = tpu.memref_slice %arg6[%dma_wait3A_640, %dma_wait3A_641, %dma_wait3A_642] : memref<32x256x40xi32, #tpu.memory_space<hbm>> -> memref<1x1x40xi32, #tpu.memory_space<hbm>>
        %dma_wait3A_644 = tpu.memref_squeeze %dma_wait3A_643 : memref<1x1x40xi32, #tpu.memory_space<hbm>> -> memref<40xi32, #tpu.memory_space<hbm>>
        %dma_wait3A_645 = arith.constant 0 : i32
        %dma_wait3A_646 = tpu.memref_slice %arg6[%dma_wait3A_640, %dma_wait3A_641, %dma_wait3A_645] : memref<32x256x40xi32, #tpu.memory_space<hbm>> -> memref<1x1x40xi32, #tpu.memory_space<hbm>>
        %dma_wait3A_647 = tpu.memref_squeeze %dma_wait3A_646 : memref<1x1x40xi32, #tpu.memory_space<hbm>> -> memref<40xi32, #tpu.memory_space<hbm>>
        tpu.wait_dma2 semaphore(%arg54 : memref<!tpu.dma_semaphore, #tpu.memory_space<semaphore_mem>>) src(%dma_wait3A_647 : memref<40xi32, #tpu.memory_space<hbm>>) dst(%arg30 : memref<40xi32, #tpu.memory_space<vmem>>)
        %dma_wait3A_648 = arith.constant 0 : i32
        %dma_wait3A_649 = arith.constant 0 : i32
        %dma_wait3A_650 = arith.constant 0 : i32
        %dma_wait3A_651 = tpu.memref_slice %arg7[%dma_wait3A_648, %dma_wait3A_649, %dma_wait3A_650] : memref<32x256x40xi32, #tpu.memory_space<hbm>> -> memref<1x1x40xi32, #tpu.memory_space<hbm>>
        %dma_wait3A_652 = tpu.memref_squeeze %dma_wait3A_651 : memref<1x1x40xi32, #tpu.memory_space<hbm>> -> memref<40xi32, #tpu.memory_space<hbm>>
        %dma_wait3A_653 = arith.constant 0 : i32
        %dma_wait3A_654 = tpu.memref_slice %arg7[%dma_wait3A_648, %dma_wait3A_649, %dma_wait3A_653] : memref<32x256x40xi32, #tpu.memory_space<hbm>> -> memref<1x1x40xi32, #tpu.memory_space<hbm>>
        %dma_wait3A_655 = tpu.memref_squeeze %dma_wait3A_654 : memref<1x1x40xi32, #tpu.memory_space<hbm>> -> memref<40xi32, #tpu.memory_space<hbm>>
        tpu.wait_dma2 semaphore(%arg54 : memref<!tpu.dma_semaphore, #tpu.memory_space<semaphore_mem>>) src(%dma_wait3A_655 : memref<40xi32, #tpu.memory_space<hbm>>) dst(%arg38 : memref<40xi32, #tpu.memory_space<vmem>>)
        %dma_start3A_656 = arith.constant 0 : i32
        %dma_start3A_657 = arith.constant 0 : i32
        %dma_start3A_658 = tpu.memref_slice %arg46[%dma_start3A_656, %dma_start3A_657] : memref<40x128xf32, #tpu.memory_space<vmem>> -> memref<20x128xf32, #tpu.memory_space<vmem>>
        %dma_start3A_659 = arith.constant 0 : i32
        %dma_start3A_660 = arith.constant 0 : i32
        %dma_start3A_661 = tpu.memref_slice %arg2[%dma_start3A_659, %dma_start3A_660] : memref<10000x128xf32, #tpu.memory_space<hbm>> -> memref<10000x128xf32, #tpu.memory_space<hbm>>
        tpu.enqueue_indirect_dma source(%dma_start3A_661 : memref<10000x128xf32, #tpu.memory_space<hbm>>) target(%dma_start3A_658 : memref<20x128xf32, #tpu.memory_space<vmem>>) offsets(%arg14 : memref<20xi32, #tpu.memory_space<vmem>>) semaphore(%arg62 : memref<!tpu.dma_semaphore, #tpu.memory_space<semaphore_mem>>)
        %dma_start3A_662 = arith.constant 20 : i32
        %dma_start3A_663 = arith.constant 0 : i32
        %dma_start3A_664 = tpu.memref_slice %arg46[%dma_start3A_662, %dma_start3A_663] : memref<40x128xf32, #tpu.memory_space<vmem>> -> memref<20x128xf32, #tpu.memory_space<vmem>>
        %dma_start3A_665 = arith.constant 0 : i32
        %dma_start3A_666 = arith.constant 0 : i32
        %dma_start3A_667 = tpu.memref_slice %arg2[%dma_start3A_665, %dma_start3A_666] : memref<10000x128xf32, #tpu.memory_space<hbm>> -> memref<10000x128xf32, #tpu.memory_space<hbm>>
        tpu.enqueue_indirect_dma source(%dma_start3A_667 : memref<10000x128xf32, #tpu.memory_space<hbm>>) target(%dma_start3A_664 : memref<20x128xf32, #tpu.memory_space<vmem>>) offsets(%arg22 : memref<20xi32, #tpu.memory_space<vmem>>) semaphore(%arg62 : memref<!tpu.dma_semaphore, #tpu.memory_space<semaphore_mem>>)
        %dma_start3A_668 = arith.constant 0 : i32
        %dma_start3A_669 = arith.constant 0 : i32
        %dma_start3A_670 = tpu.memref_slice %arg11[%dma_start3A_668, %dma_start3A_669] : memref<200x128xf32, #tpu.memory_space<vmem_shared>> -> memref<200x128xf32, #tpu.memory_space<vmem_shared>>
        tpu.enqueue_indirect_dma source(%dma_start3A_670 : memref<200x128xf32, #tpu.memory_space<vmem_shared>>) target(%arg50 : memref<40x128xf32, #tpu.memory_space<vmem>>) offsets(%arg30 : memref<40xi32, #tpu.memory_space<vmem>>) semaphore(%arg70 : memref<!tpu.dma_semaphore, #tpu.memory_space<semaphore_mem>>)
      } else {
      }
      %le3A_318 = arith.constant 249 : i32
      %le3A_319 = arith.cmpi sle, %add3A_285, %le3A_318 : i32
      %convert_element_type3A_320 = arith.extui %le3A_319 : i1 to i32
      %cond3A_321 = arith.constant 0 : i32
      %cond3A_322 = arith.cmpi ne, %convert_element_type3A_320, %cond3A_321 : i32
      scf.if %cond3A_322 {
        %add3A_624 = arith.constant 6 : i32
        %add3A_625 = arith.addi %add3A_285, %add3A_624 : i32
        %dma_start3A_626 = arith.constant 0 : i32
        %dma_start3A_627 = tpu.memref_slice %arg4[%add3A, %add3A_625, %dma_start3A_626] : memref<32x256x20xi32, #tpu.memory_space<hbm>> -> memref<1x1x20xi32, #tpu.memory_space<hbm>>
        %dma_start3A_628 = tpu.memref_squeeze %dma_start3A_627 : memref<1x1x20xi32, #tpu.memory_space<hbm>> -> memref<20xi32, #tpu.memory_space<hbm>>
        %dma_start3A_629 = arith.constant 0 : i32
        %dma_start3A_630 = tpu.memref_slice %arg4[%add3A, %add3A_625, %dma_start3A_629] : memref<32x256x20xi32, #tpu.memory_space<hbm>> -> memref<1x1x20xi32, #tpu.memory_space<hbm>>
        %dma_start3A_631 = tpu.memref_squeeze %dma_start3A_630 : memref<1x1x20xi32, #tpu.memory_space<hbm>> -> memref<20xi32, #tpu.memory_space<hbm>>
        tpu.enqueue_dma source(%dma_start3A_631 : memref<20xi32, #tpu.memory_space<hbm>>) target(%arg18 : memref<20xi32, #tpu.memory_space<vmem>>) target_semaphore(%arg58 : memref<!tpu.dma_semaphore, #tpu.memory_space<semaphore_mem>>)
        %dma_start3A_632 = arith.constant 0 : i32
        %dma_start3A_633 = tpu.memref_slice %arg5[%add3A, %add3A_625, %dma_start3A_632] : memref<32x256x20xi32, #tpu.memory_space<hbm>> -> memref<1x1x20xi32, #tpu.memory_space<hbm>>
        %dma_start3A_634 = tpu.memref_squeeze %dma_start3A_633 : memref<1x1x20xi32, #tpu.memory_space<hbm>> -> memref<20xi32, #tpu.memory_space<hbm>>
        %dma_start3A_635 = arith.constant 0 : i32
        %dma_start3A_636 = tpu.memref_slice %arg5[%add3A, %add3A_625, %dma_start3A_635] : memref<32x256x20xi32, #tpu.memory_space<hbm>> -> memref<1x1x20xi32, #tpu.memory_space<hbm>>
        %dma_start3A_637 = tpu.memref_squeeze %dma_start3A_636 : memref<1x1x20xi32, #tpu.memory_space<hbm>> -> memref<20xi32, #tpu.memory_space<hbm>>
        tpu.enqueue_dma source(%dma_start3A_637 : memref<20xi32, #tpu.memory_space<hbm>>) target(%arg26 : memref<20xi32, #tpu.memory_space<vmem>>) target_semaphore(%arg58 : memref<!tpu.dma_semaphore, #tpu.memory_space<semaphore_mem>>)
        %dma_start3A_638 = arith.constant 0 : i32
        %dma_start3A_639 = tpu.memref_slice %arg6[%add3A, %add3A_625, %dma_start3A_638] : memref<32x256x40xi32, #tpu.memory_space<hbm>> -> memref<1x1x40xi32, #tpu.memory_space<hbm>>
        %dma_start3A_640 = tpu.memref_squeeze %dma_start3A_639 : memref<1x1x40xi32, #tpu.memory_space<hbm>> -> memref<40xi32, #tpu.memory_space<hbm>>
        %dma_start3A_641 = arith.constant 0 : i32
        %dma_start3A_642 = tpu.memref_slice %arg6[%add3A, %add3A_625, %dma_start3A_641] : memref<32x256x40xi32, #tpu.memory_space<hbm>> -> memref<1x1x40xi32, #tpu.memory_space<hbm>>
        %dma_start3A_643 = tpu.memref_squeeze %dma_start3A_642 : memref<1x1x40xi32, #tpu.memory_space<hbm>> -> memref<40xi32, #tpu.memory_space<hbm>>
        tpu.enqueue_dma source(%dma_start3A_643 : memref<40xi32, #tpu.memory_space<hbm>>) target(%arg34 : memref<40xi32, #tpu.memory_space<vmem>>) target_semaphore(%arg58 : memref<!tpu.dma_semaphore, #tpu.memory_space<semaphore_mem>>)
        %dma_start3A_644 = arith.constant 0 : i32
        %dma_start3A_645 = tpu.memref_slice %arg7[%add3A, %add3A_625, %dma_start3A_644] : memref<32x256x40xi32, #tpu.memory_space<hbm>> -> memref<1x1x40xi32, #tpu.memory_space<hbm>>
        %dma_start3A_646 = tpu.memref_squeeze %dma_start3A_645 : memref<1x1x40xi32, #tpu.memory_space<hbm>> -> memref<40xi32, #tpu.memory_space<hbm>>
        %dma_start3A_647 = arith.constant 0 : i32
        %dma_start3A_648 = tpu.memref_slice %arg7[%add3A, %add3A_625, %dma_start3A_647] : memref<32x256x40xi32, #tpu.memory_space<hbm>> -> memref<1x1x40xi32, #tpu.memory_space<hbm>>
        %dma_start3A_649 = tpu.memref_squeeze %dma_start3A_648 : memref<1x1x40xi32, #tpu.memory_space<hbm>> -> memref<40xi32, #tpu.memory_space<hbm>>
        tpu.enqueue_dma source(%dma_start3A_649 : memref<40xi32, #tpu.memory_space<hbm>>) target(%arg42 : memref<40xi32, #tpu.memory_space<vmem>>) target_semaphore(%arg58 : memref<!tpu.dma_semaphore, #tpu.memory_space<semaphore_mem>>)
      } else {
      }
      %mul3A_323 = arith.constant 8 : i32
      %mul3A_324 = arith.muli %mul3A_323, %scan3A_281 : i32
      %add3A_325 = arith.constant 1 : i32
      %add3A_326 = arith.addi %mul3A_324, %add3A_325 : i32
      %dma_wait3A_327 = arith.constant 0 : i32
      %dma_wait3A_328 = arith.constant 0 : i32
      %dma_wait3A_329 = tpu.memref_slice %arg45[%dma_wait3A_327, %dma_wait3A_328] : memref<40x128xf32, #tpu.memory_space<vmem>> -> memref<20x128xf32, #tpu.memory_space<vmem>>
      %dma_wait3A_330 = arith.constant 0 : i32
      %dma_wait3A_331 = arith.constant 0 : i32
      %dma_wait3A_332 = tpu.memref_slice %arg2[%dma_wait3A_330, %dma_wait3A_331] : memref<10000x128xf32, #tpu.memory_space<hbm>> -> memref<10000x128xf32, #tpu.memory_space<hbm>>
      tpu.wait_indirect_dma semaphore(%arg61 : memref<!tpu.dma_semaphore, #tpu.memory_space<semaphore_mem>>) src(%dma_wait3A_332 : memref<10000x128xf32, #tpu.memory_space<hbm>>) dst(%dma_wait3A_329 : memref<20x128xf32, #tpu.memory_space<vmem>>)
      %dma_wait3A_333 = arith.constant 20 : i32
      %dma_wait3A_334 = arith.constant 0 : i32
      %dma_wait3A_335 = tpu.memref_slice %arg45[%dma_wait3A_333, %dma_wait3A_334] : memref<40x128xf32, #tpu.memory_space<vmem>> -> memref<20x128xf32, #tpu.memory_space<vmem>>
      %dma_wait3A_336 = arith.constant 0 : i32
      %dma_wait3A_337 = arith.constant 0 : i32
      %dma_wait3A_338 = tpu.memref_slice %arg2[%dma_wait3A_336, %dma_wait3A_337] : memref<10000x128xf32, #tpu.memory_space<hbm>> -> memref<10000x128xf32, #tpu.memory_space<hbm>>
      tpu.wait_indirect_dma semaphore(%arg61 : memref<!tpu.dma_semaphore, #tpu.memory_space<semaphore_mem>>) src(%dma_wait3A_338 : memref<10000x128xf32, #tpu.memory_space<hbm>>) dst(%dma_wait3A_335 : memref<20x128xf32, #tpu.memory_space<vmem>>)
      %dma_wait3A_339 = arith.constant 0 : i32
      %dma_wait3A_340 = arith.constant 0 : i32
      %dma_wait3A_341 = tpu.memref_slice %arg11[%dma_wait3A_339, %dma_wait3A_340] : memref<200x128xf32, #tpu.memory_space<vmem_shared>> -> memref<200x128xf32, #tpu.memory_space<vmem_shared>>
      tpu.wait_indirect_dma semaphore(%arg69 : memref<!tpu.dma_semaphore, #tpu.memory_space<semaphore_mem>>) src(%dma_wait3A_341 : memref<200x128xf32, #tpu.memory_space<vmem_shared>>) dst(%arg49 : memref<40x128xf32, #tpu.memory_space<vmem>>)
      %scan3A_342 = arith.constant 0 : i32
      %scan3A_343 = arith.constant 0 : i32
      %scan3A_344 = arith.constant 40 : i32
      %scan3A_345 = arith.addi %scan3A_343, %scan3A_344 : i32
      %scan3A_346 = arith.constant 1 : i32
      scf.for %scan3A_624 = %scan3A_343 to %scan3A_345 step %scan3A_346  : i32 {
        %get3A = arith.index_cast %scan3A_624 : i32 to index
        %get3A_625 = arith.constant 0 : index
        %get3A_626 = tpu.vector_load %arg45[%get3A, %get3A_625] {strides = array<i32>} : memref<40x128xf32, #tpu.memory_space<vmem>>, vector<1x16xf32>,
        %get3A_627 = vector.shape_cast %get3A_626 : vector<1x16xf32> to vector<16xf32>
        %get3A_628 = arith.index_cast %scan3A_624 : i32 to index
        %get3A_629 = arith.constant 0 : index
        %get3A_630 = tpu.vector_load %arg49[%get3A_628, %get3A_629] {strides = array<i32>} : memref<40x128xf32, #tpu.memory_space<vmem>>, vector<1x16xf32>,
        %get3A_631 = vector.shape_cast %get3A_630 : vector<1x16xf32> to vector<16xf32>
        %add3A_632 = arith.addf %get3A_627, %get3A_631 : vector<16xf32>
        %swap3A = arith.index_cast %scan3A_624 : i32 to index
        %swap3A_633 = arith.constant 0 : index
        %swap3A_634 = tpu.vector_load %arg45[%swap3A, %swap3A_633] {strides = array<i32>} : memref<40x128xf32, #tpu.memory_space<vmem>>, vector<1x16xf32>,
        %swap3A_635 = vector.shape_cast %swap3A_634 : vector<1x16xf32> to vector<16xf32>
        %swap3A_636 = vector.shape_cast %add3A_632 : vector<16xf32> to vector<1x16xf32>
        tpu.vector_store %arg45[%swap3A, %swap3A_633], %swap3A_636 {strides = array<i32>} : memref<40x128xf32, #tpu.memory_space<vmem>>, vector<1x16xf32>,
        %get3A_637 = arith.index_cast %scan3A_624 : i32 to index
        %get3A_638 = arith.constant 16 : index
        %get3A_639 = tpu.vector_load %arg45[%get3A_637, %get3A_638] {strides = array<i32>} : memref<40x128xf32, #tpu.memory_space<vmem>>, vector<1x16xf32>,
        %get3A_640 = vector.shape_cast %get3A_639 : vector<1x16xf32> to vector<16xf32>
        %get3A_641 = arith.index_cast %scan3A_624 : i32 to index
        %get3A_642 = arith.constant 16 : index
        %get3A_643 = tpu.vector_load %arg49[%get3A_641, %get3A_642] {strides = array<i32>} : memref<40x128xf32, #tpu.memory_space<vmem>>, vector<1x16xf32>,
        %get3A_644 = vector.shape_cast %get3A_643 : vector<1x16xf32> to vector<16xf32>
        %add3A_645 = arith.addf %get3A_640, %get3A_644 : vector<16xf32>
        %swap3A_646 = arith.index_cast %scan3A_624 : i32 to index
        %swap3A_647 = arith.constant 16 : index
        %swap3A_648 = tpu.vector_load %arg45[%swap3A_646, %swap3A_647] {strides = array<i32>} : memref<40x128xf32, #tpu.memory_space<vmem>>, vector<1x16xf32>,
        %swap3A_649 = vector.shape_cast %swap3A_648 : vector<1x16xf32> to vector<16xf32>
        %swap3A_650 = vector.shape_cast %add3A_645 : vector<16xf32> to vector<1x16xf32>
        tpu.vector_store %arg45[%swap3A_646, %swap3A_647], %swap3A_650 {strides = array<i32>} : memref<40x128xf32, #tpu.memory_space<vmem>>, vector<1x16xf32>,
        %get3A_651 = arith.index_cast %scan3A_624 : i32 to index
        %get3A_652 = arith.constant 32 : index
        %get3A_653 = tpu.vector_load %arg45[%get3A_651, %get3A_652] {strides = array<i32>} : memref<40x128xf32, #tpu.memory_space<vmem>>, vector<1x16xf32>,
        %get3A_654 = vector.shape_cast %get3A_653 : vector<1x16xf32> to vector<16xf32>
        %get3A_655 = arith.index_cast %scan3A_624 : i32 to index
        %get3A_656 = arith.constant 32 : index
        %get3A_657 = tpu.vector_load %arg49[%get3A_655, %get3A_656] {strides = array<i32>} : memref<40x128xf32, #tpu.memory_space<vmem>>, vector<1x16xf32>,
        %get3A_658 = vector.shape_cast %get3A_657 : vector<1x16xf32> to vector<16xf32>
        %add3A_659 = arith.addf %get3A_654, %get3A_658 : vector<16xf32>
        %swap3A_660 = arith.index_cast %scan3A_624 : i32 to index
        %swap3A_661 = arith.constant 32 : index
        %swap3A_662 = tpu.vector_load %arg45[%swap3A_660, %swap3A_661] {strides = array<i32>} : memref<40x128xf32, #tpu.memory_space<vmem>>, vector<1x16xf32>,
        %swap3A_663 = vector.shape_cast %swap3A_662 : vector<1x16xf32> to vector<16xf32>
        %swap3A_664 = vector.shape_cast %add3A_659 : vector<16xf32> to vector<1x16xf32>
        tpu.vector_store %arg45[%swap3A_660, %swap3A_661], %swap3A_664 {strides = array<i32>} : memref<40x128xf32, #tpu.memory_space<vmem>>, vector<1x16xf32>,
        %get3A_665 = arith.index_cast %scan3A_624 : i32 to index
        %get3A_666 = arith.constant 48 : index
        %get3A_667 = tpu.vector_load %arg45[%get3A_665, %get3A_666] {strides = array<i32>} : memref<40x128xf32, #tpu.memory_space<vmem>>, vector<1x16xf32>,
        %get3A_668 = vector.shape_cast %get3A_667 : vector<1x16xf32> to vector<16xf32>
        %get3A_669 = arith.index_cast %scan3A_624 : i32 to index
        %get3A_670 = arith.constant 48 : index
        %get3A_671 = tpu.vector_load %arg49[%get3A_669, %get3A_670] {strides = array<i32>} : memref<40x128xf32, #tpu.memory_space<vmem>>, vector<1x16xf32>,
        %get3A_672 = vector.shape_cast %get3A_671 : vector<1x16xf32> to vector<16xf32>
        %add3A_673 = arith.addf %get3A_668, %get3A_672 : vector<16xf32>
        %swap3A_674 = arith.index_cast %scan3A_624 : i32 to index
        %swap3A_675 = arith.constant 48 : index
        %swap3A_676 = tpu.vector_load %arg45[%swap3A_674, %swap3A_675] {strides = array<i32>} : memref<40x128xf32, #tpu.memory_space<vmem>>, vector<1x16xf32>,
        %swap3A_677 = vector.shape_cast %swap3A_676 : vector<1x16xf32> to vector<16xf32>
        %swap3A_678 = vector.shape_cast %add3A_673 : vector<16xf32> to vector<1x16xf32>
        tpu.vector_store %arg45[%swap3A_674, %swap3A_675], %swap3A_678 {strides = array<i32>} : memref<40x128xf32, #tpu.memory_space<vmem>>, vector<1x16xf32>,
        %get3A_679 = arith.index_cast %scan3A_624 : i32 to index
        %get3A_680 = arith.constant 64 : index
        %get3A_681 = tpu.vector_load %arg45[%get3A_679, %get3A_680] {strides = array<i32>} : memref<40x128xf32, #tpu.memory_space<vmem>>, vector<1x16xf32>,
        %get3A_682 = vector.shape_cast %get3A_681 : vector<1x16xf32> to vector<16xf32>
        %get3A_683 = arith.index_cast %scan3A_624 : i32 to index
        %get3A_684 = arith.constant 64 : index
        %get3A_685 = tpu.vector_load %arg49[%get3A_683, %get3A_684] {strides = array<i32>} : memref<40x128xf32, #tpu.memory_space<vmem>>, vector<1x16xf32>,
        %get3A_686 = vector.shape_cast %get3A_685 : vector<1x16xf32> to vector<16xf32>
        %add3A_687 = arith.addf %get3A_682, %get3A_686 : vector<16xf32>
        %swap3A_688 = arith.index_cast %scan3A_624 : i32 to index
        %swap3A_689 = arith.constant 64 : index
        %swap3A_690 = tpu.vector_load %arg45[%swap3A_688, %swap3A_689] {strides = array<i32>} : memref<40x128xf32, #tpu.memory_space<vmem>>, vector<1x16xf32>,
        %swap3A_691 = vector.shape_cast %swap3A_690 : vector<1x16xf32> to vector<16xf32>
        %swap3A_692 = vector.shape_cast %add3A_687 : vector<16xf32> to vector<1x16xf32>
        tpu.vector_store %arg45[%swap3A_688, %swap3A_689], %swap3A_692 {strides = array<i32>} : memref<40x128xf32, #tpu.memory_space<vmem>>, vector<1x16xf32>,
        %get3A_693 = arith.index_cast %scan3A_624 : i32 to index
        %get3A_694 = arith.constant 80 : index
        %get3A_695 = tpu.vector_load %arg45[%get3A_693, %get3A_694] {strides = array<i32>} : memref<40x128xf32, #tpu.memory_space<vmem>>, vector<1x16xf32>,
        %get3A_696 = vector.shape_cast %get3A_695 : vector<1x16xf32> to vector<16xf32>
        %get3A_697 = arith.index_cast %scan3A_624 : i32 to index
        %get3A_698 = arith.constant 80 : index
        %get3A_699 = tpu.vector_load %arg49[%get3A_697, %get3A_698] {strides = array<i32>} : memref<40x128xf32, #tpu.memory_space<vmem>>, vector<1x16xf32>,
        %get3A_700 = vector.shape_cast %get3A_699 : vector<1x16xf32> to vector<16xf32>
        %add3A_701 = arith.addf %get3A_696, %get3A_700 : vector<16xf32>
        %swap3A_702 = arith.index_cast %scan3A_624 : i32 to index
        %swap3A_703 = arith.constant 80 : index
        %swap3A_704 = tpu.vector_load %arg45[%swap3A_702, %swap3A_703] {strides = array<i32>} : memref<40x128xf32, #tpu.memory_space<vmem>>, vector<1x16xf32>,
        %swap3A_705 = vector.shape_cast %swap3A_704 : vector<1x16xf32> to vector<16xf32>
        %swap3A_706 = vector.shape_cast %add3A_701 : vector<16xf32> to vector<1x16xf32>
        tpu.vector_store %arg45[%swap3A_702, %swap3A_703], %swap3A_706 {strides = array<i32>} : memref<40x128xf32, #tpu.memory_space<vmem>>, vector<1x16xf32>,
        %get3A_707 = arith.index_cast %scan3A_624 : i32 to index
        %get3A_708 = arith.constant 96 : index
        %get3A_709 = tpu.vector_load %arg45[%get3A_707, %get3A_708] {strides = array<i32>} : memref<40x128xf32, #tpu.memory_space<vmem>>, vector<1x16xf32>,
        %get3A_710 = vector.shape_cast %get3A_709 : vector<1x16xf32> to vector<16xf32>
        %get3A_711 = arith.index_cast %scan3A_624 : i32 to index
        %get3A_712 = arith.constant 96 : index
        %get3A_713 = tpu.vector_load %arg49[%get3A_711, %get3A_712] {strides = array<i32>} : memref<40x128xf32, #tpu.memory_space<vmem>>, vector<1x16xf32>,
        %get3A_714 = vector.shape_cast %get3A_713 : vector<1x16xf32> to vector<16xf32>
        %add3A_715 = arith.addf %get3A_710, %get3A_714 : vector<16xf32>
        %swap3A_716 = arith.index_cast %scan3A_624 : i32 to index
        %swap3A_717 = arith.constant 96 : index
        %swap3A_718 = tpu.vector_load %arg45[%swap3A_716, %swap3A_717] {strides = array<i32>} : memref<40x128xf32, #tpu.memory_space<vmem>>, vector<1x16xf32>,
        %swap3A_719 = vector.shape_cast %swap3A_718 : vector<1x16xf32> to vector<16xf32>
        %swap3A_720 = vector.shape_cast %add3A_715 : vector<16xf32> to vector<1x16xf32>
        tpu.vector_store %arg45[%swap3A_716, %swap3A_717], %swap3A_720 {strides = array<i32>} : memref<40x128xf32, #tpu.memory_space<vmem>>, vector<1x16xf32>,
        %get3A_721 = arith.index_cast %scan3A_624 : i32 to index
        %get3A_722 = arith.constant 112 : index
        %get3A_723 = tpu.vector_load %arg45[%get3A_721, %get3A_722] {strides = array<i32>} : memref<40x128xf32, #tpu.memory_space<vmem>>, vector<1x16xf32>,
        %get3A_724 = vector.shape_cast %get3A_723 : vector<1x16xf32> to vector<16xf32>
        %get3A_725 = arith.index_cast %scan3A_624 : i32 to index
        %get3A_726 = arith.constant 112 : index
        %get3A_727 = tpu.vector_load %arg49[%get3A_725, %get3A_726] {strides = array<i32>} : memref<40x128xf32, #tpu.memory_space<vmem>>, vector<1x16xf32>,
        %get3A_728 = vector.shape_cast %get3A_727 : vector<1x16xf32> to vector<16xf32>
        %add3A_729 = arith.addf %get3A_724, %get3A_728 : vector<16xf32>
        %swap3A_730 = arith.index_cast %scan3A_624 : i32 to index
        %swap3A_731 = arith.constant 112 : index
        %swap3A_732 = tpu.vector_load %arg45[%swap3A_730, %swap3A_731] {strides = array<i32>} : memref<40x128xf32, #tpu.memory_space<vmem>>, vector<1x16xf32>,
        %swap3A_733 = vector.shape_cast %swap3A_732 : vector<1x16xf32> to vector<16xf32>
        %swap3A_734 = vector.shape_cast %add3A_729 : vector<16xf32> to vector<1x16xf32>
        tpu.vector_store %arg45[%swap3A_730, %swap3A_731], %swap3A_734 {strides = array<i32>} : memref<40x128xf32, #tpu.memory_space<vmem>>, vector<1x16xf32>,
      }
      %scan3A_347 = arith.constant 40 : i32
      %dma_start3A_348 = arith.constant 0 : i32
      %dma_start3A_349 = arith.constant 0 : i32
      %dma_start3A_350 = tpu.memref_slice %arg10[%dma_start3A_348, %dma_start3A_349] : memref<10240x128xf32, #tpu.memory_space<vmem_shared>> -> memref<10240x128xf32, #tpu.memory_space<vmem_shared>>
      tpu.enqueue_indirect_dma source(%arg45 : memref<40x128xf32, #tpu.memory_space<vmem>>) target(%dma_start3A_350 : memref<10240x128xf32, #tpu.memory_space<vmem_shared>>) offsets(%arg37 : memref<40xi32, #tpu.memory_space<vmem>>) semaphore(%arg65 : memref<!tpu.dma_semaphore, #tpu.memory_space<semaphore_mem>>) {add = true}
      %ge3A_351 = arith.constant 2 : i32
      %ge3A_352 = arith.cmpi sge, %add3A_326, %ge3A_351 : i32
      %convert_element_type3A_353 = arith.extui %ge3A_352 : i1 to i32
      %cond3A_354 = arith.constant 0 : i32
      %cond3A_355 = arith.cmpi ne, %convert_element_type3A_353, %cond3A_354 : i32
      scf.if %cond3A_355 {
        %dma_wait3A_624 = arith.constant 0 : i32
        %dma_wait3A_625 = arith.constant 0 : i32
        %dma_wait3A_626 = tpu.memref_slice %arg10[%dma_wait3A_624, %dma_wait3A_625] : memref<10240x128xf32, #tpu.memory_space<vmem_shared>> -> memref<10240x128xf32, #tpu.memory_space<vmem_shared>>
        tpu.wait_indirect_dma semaphore(%arg67 : memref<!tpu.dma_semaphore, #tpu.memory_space<semaphore_mem>>) src(%arg47 : memref<40x128xf32, #tpu.memory_space<vmem>>) dst(%dma_wait3A_626 : memref<10240x128xf32, #tpu.memory_space<vmem_shared>>)
      } else {
      }
      %le3A_356 = arith.constant 253 : i32
      %le3A_357 = arith.cmpi sle, %add3A_326, %le3A_356 : i32
      %convert_element_type3A_358 = arith.extui %le3A_357 : i1 to i32
      %cond3A_359 = arith.constant 0 : i32
      %cond3A_360 = arith.cmpi ne, %convert_element_type3A_358, %cond3A_359 : i32
      scf.if %cond3A_360 {
        %dma_wait3A_624 = arith.constant 0 : i32
        %dma_wait3A_625 = arith.constant 0 : i32
        %dma_wait3A_626 = arith.constant 0 : i32
        %dma_wait3A_627 = tpu.memref_slice %arg4[%dma_wait3A_624, %dma_wait3A_625, %dma_wait3A_626] : memref<32x256x20xi32, #tpu.memory_space<hbm>> -> memref<1x1x20xi32, #tpu.memory_space<hbm>>
        %dma_wait3A_628 = tpu.memref_squeeze %dma_wait3A_627 : memref<1x1x20xi32, #tpu.memory_space<hbm>> -> memref<20xi32, #tpu.memory_space<hbm>>
        %dma_wait3A_629 = arith.constant 0 : i32
        %dma_wait3A_630 = tpu.memref_slice %arg4[%dma_wait3A_624, %dma_wait3A_625, %dma_wait3A_629] : memref<32x256x20xi32, #tpu.memory_space<hbm>> -> memref<1x1x20xi32, #tpu.memory_space<hbm>>
        %dma_wait3A_631 = tpu.memref_squeeze %dma_wait3A_630 : memref<1x1x20xi32, #tpu.memory_space<hbm>> -> memref<20xi32, #tpu.memory_space<hbm>>
        tpu.wait_dma2 semaphore(%arg55 : memref<!tpu.dma_semaphore, #tpu.memory_space<semaphore_mem>>) src(%dma_wait3A_631 : memref<20xi32, #tpu.memory_space<hbm>>) dst(%arg15 : memref<20xi32, #tpu.memory_space<vmem>>)
        %dma_wait3A_632 = arith.constant 0 : i32
        %dma_wait3A_633 = arith.constant 0 : i32
        %dma_wait3A_634 = arith.constant 0 : i32
        %dma_wait3A_635 = tpu.memref_slice %arg5[%dma_wait3A_632, %dma_wait3A_633, %dma_wait3A_634] : memref<32x256x20xi32, #tpu.memory_space<hbm>> -> memref<1x1x20xi32, #tpu.memory_space<hbm>>
        %dma_wait3A_636 = tpu.memref_squeeze %dma_wait3A_635 : memref<1x1x20xi32, #tpu.memory_space<hbm>> -> memref<20xi32, #tpu.memory_space<hbm>>
        %dma_wait3A_637 = arith.constant 0 : i32
        %dma_wait3A_638 = tpu.memref_slice %arg5[%dma_wait3A_632, %dma_wait3A_633, %dma_wait3A_637] : memref<32x256x20xi32, #tpu.memory_space<hbm>> -> memref<1x1x20xi32, #tpu.memory_space<hbm>>
        %dma_wait3A_639 = tpu.memref_squeeze %dma_wait3A_638 : memref<1x1x20xi32, #tpu.memory_space<hbm>> -> memref<20xi32, #tpu.memory_space<hbm>>
        tpu.wait_dma2 semaphore(%arg55 : memref<!tpu.dma_semaphore, #tpu.memory_space<semaphore_mem>>) src(%dma_wait3A_639 : memref<20xi32, #tpu.memory_space<hbm>>) dst(%arg23 : memref<20xi32, #tpu.memory_space<vmem>>)
        %dma_wait3A_640 = arith.constant 0 : i32
        %dma_wait3A_641 = arith.constant 0 : i32
        %dma_wait3A_642 = arith.constant 0 : i32
        %dma_wait3A_643 = tpu.memref_slice %arg6[%dma_wait3A_640, %dma_wait3A_641, %dma_wait3A_642] : memref<32x256x40xi32, #tpu.memory_space<hbm>> -> memref<1x1x40xi32, #tpu.memory_space<hbm>>
        %dma_wait3A_644 = tpu.memref_squeeze %dma_wait3A_643 : memref<1x1x40xi32, #tpu.memory_space<hbm>> -> memref<40xi32, #tpu.memory_space<hbm>>
        %dma_wait3A_645 = arith.constant 0 : i32
        %dma_wait3A_646 = tpu.memref_slice %arg6[%dma_wait3A_640, %dma_wait3A_641, %dma_wait3A_645] : memref<32x256x40xi32, #tpu.memory_space<hbm>> -> memref<1x1x40xi32, #tpu.memory_space<hbm>>
        %dma_wait3A_647 = tpu.memref_squeeze %dma_wait3A_646 : memref<1x1x40xi32, #tpu.memory_space<hbm>> -> memref<40xi32, #tpu.memory_space<hbm>>
        tpu.wait_dma2 semaphore(%arg55 : memref<!tpu.dma_semaphore, #tpu.memory_space<semaphore_mem>>) src(%dma_wait3A_647 : memref<40xi32, #tpu.memory_space<hbm>>) dst(%arg31 : memref<40xi32, #tpu.memory_space<vmem>>)
        %dma_wait3A_648 = arith.constant 0 : i32
        %dma_wait3A_649 = arith.constant 0 : i32
        %dma_wait3A_650 = arith.constant 0 : i32
        %dma_wait3A_651 = tpu.memref_slice %arg7[%dma_wait3A_648, %dma_wait3A_649, %dma_wait3A_650] : memref<32x256x40xi32, #tpu.memory_space<hbm>> -> memref<1x1x40xi32, #tpu.memory_space<hbm>>
        %dma_wait3A_652 = tpu.memref_squeeze %dma_wait3A_651 : memref<1x1x40xi32, #tpu.memory_space<hbm>> -> memref<40xi32, #tpu.memory_space<hbm>>
        %dma_wait3A_653 = arith.constant 0 : i32
        %dma_wait3A_654 = tpu.memref_slice %arg7[%dma_wait3A_648, %dma_wait3A_649, %dma_wait3A_653] : memref<32x256x40xi32, #tpu.memory_space<hbm>> -> memref<1x1x40xi32, #tpu.memory_space<hbm>>
        %dma_wait3A_655 = tpu.memref_squeeze %dma_wait3A_654 : memref<1x1x40xi32, #tpu.memory_space<hbm>> -> memref<40xi32, #tpu.memory_space<hbm>>
        tpu.wait_dma2 semaphore(%arg55 : memref<!tpu.dma_semaphore, #tpu.memory_space<semaphore_mem>>) src(%dma_wait3A_655 : memref<40xi32, #tpu.memory_space<hbm>>) dst(%arg39 : memref<40xi32, #tpu.memory_space<vmem>>)
        %dma_start3A_656 = arith.constant 0 : i32
        %dma_start3A_657 = arith.constant 0 : i32
        %dma_start3A_658 = tpu.memref_slice %arg47[%dma_start3A_656, %dma_start3A_657] : memref<40x128xf32, #tpu.memory_space<vmem>> -> memref<20x128xf32, #tpu.memory_space<vmem>>
        %dma_start3A_659 = arith.constant 0 : i32
        %dma_start3A_660 = arith.constant 0 : i32
        %dma_start3A_661 = tpu.memref_slice %arg2[%dma_start3A_659, %dma_start3A_660] : memref<10000x128xf32, #tpu.memory_space<hbm>> -> memref<10000x128xf32, #tpu.memory_space<hbm>>
        tpu.enqueue_indirect_dma source(%dma_start3A_661 : memref<10000x128xf32, #tpu.memory_space<hbm>>) target(%dma_start3A_658 : memref<20x128xf32, #tpu.memory_space<vmem>>) offsets(%arg15 : memref<20xi32, #tpu.memory_space<vmem>>) semaphore(%arg63 : memref<!tpu.dma_semaphore, #tpu.memory_space<semaphore_mem>>)
        %dma_start3A_662 = arith.constant 20 : i32
        %dma_start3A_663 = arith.constant 0 : i32
        %dma_start3A_664 = tpu.memref_slice %arg47[%dma_start3A_662, %dma_start3A_663] : memref<40x128xf32, #tpu.memory_space<vmem>> -> memref<20x128xf32, #tpu.memory_space<vmem>>
        %dma_start3A_665 = arith.constant 0 : i32
        %dma_start3A_666 = arith.constant 0 : i32
        %dma_start3A_667 = tpu.memref_slice %arg2[%dma_start3A_665, %dma_start3A_666] : memref<10000x128xf32, #tpu.memory_space<hbm>> -> memref<10000x128xf32, #tpu.memory_space<hbm>>
        tpu.enqueue_indirect_dma source(%dma_start3A_667 : memref<10000x128xf32, #tpu.memory_space<hbm>>) target(%dma_start3A_664 : memref<20x128xf32, #tpu.memory_space<vmem>>) offsets(%arg23 : memref<20xi32, #tpu.memory_space<vmem>>) semaphore(%arg63 : memref<!tpu.dma_semaphore, #tpu.memory_space<semaphore_mem>>)
        %dma_start3A_668 = arith.constant 0 : i32
        %dma_start3A_669 = arith.constant 0 : i32
        %dma_start3A_670 = tpu.memref_slice %arg11[%dma_start3A_668, %dma_start3A_669] : memref<200x128xf32, #tpu.memory_space<vmem_shared>> -> memref<200x128xf32, #tpu.memory_space<vmem_shared>>
        tpu.enqueue_indirect_dma source(%dma_start3A_670 : memref<200x128xf32, #tpu.memory_space<vmem_shared>>) target(%arg51 : memref<40x128xf32, #tpu.memory_space<vmem>>) offsets(%arg31 : memref<40xi32, #tpu.memory_space<vmem>>) semaphore(%arg71 : memref<!tpu.dma_semaphore, #tpu.memory_space<semaphore_mem>>)
      } else {
      }
      %le3A_361 = arith.constant 249 : i32
      %le3A_362 = arith.cmpi sle, %add3A_326, %le3A_361 : i32
      %convert_element_type3A_363 = arith.extui %le3A_362 : i1 to i32
      %cond3A_364 = arith.constant 0 : i32
      %cond3A_365 = arith.cmpi ne, %convert_element_type3A_363, %cond3A_364 : i32
      scf.if %cond3A_365 {
        %add3A_624 = arith.constant 6 : i32
        %add3A_625 = arith.addi %add3A_326, %add3A_624 : i32
        %dma_start3A_626 = arith.constant 0 : i32
        %dma_start3A_627 = tpu.memref_slice %arg4[%add3A, %add3A_625, %dma_start3A_626] : memref<32x256x20xi32, #tpu.memory_space<hbm>> -> memref<1x1x20xi32, #tpu.memory_space<hbm>>
        %dma_start3A_628 = tpu.memref_squeeze %dma_start3A_627 : memref<1x1x20xi32, #tpu.memory_space<hbm>> -> memref<20xi32, #tpu.memory_space<hbm>>
        %dma_start3A_629 = arith.constant 0 : i32
        %dma_start3A_630 = tpu.memref_slice %arg4[%add3A, %add3A_625, %dma_start3A_629] : memref<32x256x20xi32, #tpu.memory_space<hbm>> -> memref<1x1x20xi32, #tpu.memory_space<hbm>>
        %dma_start3A_631 = tpu.memref_squeeze %dma_start3A_630 : memref<1x1x20xi32, #tpu.memory_space<hbm>> -> memref<20xi32, #tpu.memory_space<hbm>>
        tpu.enqueue_dma source(%dma_start3A_631 : memref<20xi32, #tpu.memory_space<hbm>>) target(%arg19 : memref<20xi32, #tpu.memory_space<vmem>>) target_semaphore(%arg59 : memref<!tpu.dma_semaphore, #tpu.memory_space<semaphore_mem>>)
        %dma_start3A_632 = arith.constant 0 : i32
        %dma_start3A_633 = tpu.memref_slice %arg5[%add3A, %add3A_625, %dma_start3A_632] : memref<32x256x20xi32, #tpu.memory_space<hbm>> -> memref<1x1x20xi32, #tpu.memory_space<hbm>>
        %dma_start3A_634 = tpu.memref_squeeze %dma_start3A_633 : memref<1x1x20xi32, #tpu.memory_space<hbm>> -> memref<20xi32, #tpu.memory_space<hbm>>
        %dma_start3A_635 = arith.constant 0 : i32
        %dma_start3A_636 = tpu.memref_slice %arg5[%add3A, %add3A_625, %dma_start3A_635] : memref<32x256x20xi32, #tpu.memory_space<hbm>> -> memref<1x1x20xi32, #tpu.memory_space<hbm>>
        %dma_start3A_637 = tpu.memref_squeeze %dma_start3A_636 : memref<1x1x20xi32, #tpu.memory_space<hbm>> -> memref<20xi32, #tpu.memory_space<hbm>>
        tpu.enqueue_dma source(%dma_start3A_637 : memref<20xi32, #tpu.memory_space<hbm>>) target(%arg27 : memref<20xi32, #tpu.memory_space<vmem>>) target_semaphore(%arg59 : memref<!tpu.dma_semaphore, #tpu.memory_space<semaphore_mem>>)
        %dma_start3A_638 = arith.constant 0 : i32
        %dma_start3A_639 = tpu.memref_slice %arg6[%add3A, %add3A_625, %dma_start3A_638] : memref<32x256x40xi32, #tpu.memory_space<hbm>> -> memref<1x1x40xi32, #tpu.memory_space<hbm>>
        %dma_start3A_640 = tpu.memref_squeeze %dma_start3A_639 : memref<1x1x40xi32, #tpu.memory_space<hbm>> -> memref<40xi32, #tpu.memory_space<hbm>>
        %dma_start3A_641 = arith.constant 0 : i32
        %dma_start3A_642 = tpu.memref_slice %arg6[%add3A, %add3A_625, %dma_start3A_641] : memref<32x256x40xi32, #tpu.memory_space<hbm>> -> memref<1x1x40xi32, #tpu.memory_space<hbm>>
        %dma_start3A_643 = tpu.memref_squeeze %dma_start3A_642 : memref<1x1x40xi32, #tpu.memory_space<hbm>> -> memref<40xi32, #tpu.memory_space<hbm>>
        tpu.enqueue_dma source(%dma_start3A_643 : memref<40xi32, #tpu.memory_space<hbm>>) target(%arg35 : memref<40xi32, #tpu.memory_space<vmem>>) target_semaphore(%arg59 : memref<!tpu.dma_semaphore, #tpu.memory_space<semaphore_mem>>)
        %dma_start3A_644 = arith.constant 0 : i32
        %dma_start3A_645 = tpu.memref_slice %arg7[%add3A, %add3A_625, %dma_start3A_644] : memref<32x256x40xi32, #tpu.memory_space<hbm>> -> memref<1x1x40xi32, #tpu.memory_space<hbm>>
        %dma_start3A_646 = tpu.memref_squeeze %dma_start3A_645 : memref<1x1x40xi32, #tpu.memory_space<hbm>> -> memref<40xi32, #tpu.memory_space<hbm>>
        %dma_start3A_647 = arith.constant 0 : i32
        %dma_start3A_648 = tpu.memref_slice %arg7[%add3A, %add3A_625, %dma_start3A_647] : memref<32x256x40xi32, #tpu.memory_space<hbm>> -> memref<1x1x40xi32, #tpu.memory_space<hbm>>
        %dma_start3A_649 = tpu.memref_squeeze %dma_start3A_648 : memref<1x1x40xi32, #tpu.memory_space<hbm>> -> memref<40xi32, #tpu.memory_space<hbm>>
        tpu.enqueue_dma source(%dma_start3A_649 : memref<40xi32, #tpu.memory_space<hbm>>) target(%arg43 : memref<40xi32, #tpu.memory_space<vmem>>) target_semaphore(%arg59 : memref<!tpu.dma_semaphore, #tpu.memory_space<semaphore_mem>>)
      } else {
      }
      %mul3A_366 = arith.constant 8 : i32
      %mul3A_367 = arith.muli %mul3A_366, %scan3A_281 : i32
      %add3A_368 = arith.constant 2 : i32
      %add3A_369 = arith.addi %mul3A_367, %add3A_368 : i32
      %dma_wait3A_370 = arith.constant 0 : i32
      %dma_wait3A_371 = arith.constant 0 : i32
      %dma_wait3A_372 = tpu.memref_slice %arg46[%dma_wait3A_370, %dma_wait3A_371] : memref<40x128xf32, #tpu.memory_space<vmem>> -> memref<20x128xf32, #tpu.memory_space<vmem>>
      %dma_wait3A_373 = arith.constant 0 : i32
      %dma_wait3A_374 = arith.constant 0 : i32
      %dma_wait3A_375 = tpu.memref_slice %arg2[%dma_wait3A_373, %dma_wait3A_374] : memref<10000x128xf32, #tpu.memory_space<hbm>> -> memref<10000x128xf32, #tpu.memory_space<hbm>>
      tpu.wait_indirect_dma semaphore(%arg62 : memref<!tpu.dma_semaphore, #tpu.memory_space<semaphore_mem>>) src(%dma_wait3A_375 : memref<10000x128xf32, #tpu.memory_space<hbm>>) dst(%dma_wait3A_372 : memref<20x128xf32, #tpu.memory_space<vmem>>)
      %dma_wait3A_376 = arith.constant 20 : i32
      %dma_wait3A_377 = arith.constant 0 : i32
      %dma_wait3A_378 = tpu.memref_slice %arg46[%dma_wait3A_376, %dma_wait3A_377] : memref<40x128xf32, #tpu.memory_space<vmem>> -> memref<20x128xf32, #tpu.memory_space<vmem>>
      %dma_wait3A_379 = arith.constant 0 : i32
      %dma_wait3A_380 = arith.constant 0 : i32
      %dma_wait3A_381 = tpu.memref_slice %arg2[%dma_wait3A_379, %dma_wait3A_380] : memref<10000x128xf32, #tpu.memory_space<hbm>> -> memref<10000x128xf32, #tpu.memory_space<hbm>>
      tpu.wait_indirect_dma semaphore(%arg62 : memref<!tpu.dma_semaphore, #tpu.memory_space<semaphore_mem>>) src(%dma_wait3A_381 : memref<10000x128xf32, #tpu.memory_space<hbm>>) dst(%dma_wait3A_378 : memref<20x128xf32, #tpu.memory_space<vmem>>)
      %dma_wait3A_382 = arith.constant 0 : i32
      %dma_wait3A_383 = arith.constant 0 : i32
      %dma_wait3A_384 = tpu.memref_slice %arg11[%dma_wait3A_382, %dma_wait3A_383] : memref<200x128xf32, #tpu.memory_space<vmem_shared>> -> memref<200x128xf32, #tpu.memory_space<vmem_shared>>
      tpu.wait_indirect_dma semaphore(%arg70 : memref<!tpu.dma_semaphore, #tpu.memory_space<semaphore_mem>>) src(%dma_wait3A_384 : memref<200x128xf32, #tpu.memory_space<vmem_shared>>) dst(%arg50 : memref<40x128xf32, #tpu.memory_space<vmem>>)
      %scan3A_385 = arith.constant 0 : i32
      %scan3A_386 = arith.constant 0 : i32
      %scan3A_387 = arith.constant 40 : i32
      %scan3A_388 = arith.addi %scan3A_386, %scan3A_387 : i32
      %scan3A_389 = arith.constant 1 : i32
      scf.for %scan3A_624 = %scan3A_386 to %scan3A_388 step %scan3A_389  : i32 {
        %get3A = arith.index_cast %scan3A_624 : i32 to index
        %get3A_625 = arith.constant 0 : index
        %get3A_626 = tpu.vector_load %arg46[%get3A, %get3A_625] {strides = array<i32>} : memref<40x128xf32, #tpu.memory_space<vmem>>, vector<1x16xf32>,
        %get3A_627 = vector.shape_cast %get3A_626 : vector<1x16xf32> to vector<16xf32>
        %get3A_628 = arith.index_cast %scan3A_624 : i32 to index
        %get3A_629 = arith.constant 0 : index
        %get3A_630 = tpu.vector_load %arg50[%get3A_628, %get3A_629] {strides = array<i32>} : memref<40x128xf32, #tpu.memory_space<vmem>>, vector<1x16xf32>,
        %get3A_631 = vector.shape_cast %get3A_630 : vector<1x16xf32> to vector<16xf32>
        %add3A_632 = arith.addf %get3A_627, %get3A_631 : vector<16xf32>
        %swap3A = arith.index_cast %scan3A_624 : i32 to index
        %swap3A_633 = arith.constant 0 : index
        %swap3A_634 = tpu.vector_load %arg46[%swap3A, %swap3A_633] {strides = array<i32>} : memref<40x128xf32, #tpu.memory_space<vmem>>, vector<1x16xf32>,
        %swap3A_635 = vector.shape_cast %swap3A_634 : vector<1x16xf32> to vector<16xf32>
        %swap3A_636 = vector.shape_cast %add3A_632 : vector<16xf32> to vector<1x16xf32>
        tpu.vector_store %arg46[%swap3A, %swap3A_633], %swap3A_636 {strides = array<i32>} : memref<40x128xf32, #tpu.memory_space<vmem>>, vector<1x16xf32>,
        %get3A_637 = arith.index_cast %scan3A_624 : i32 to index
        %get3A_638 = arith.constant 16 : index
        %get3A_639 = tpu.vector_load %arg46[%get3A_637, %get3A_638] {strides = array<i32>} : memref<40x128xf32, #tpu.memory_space<vmem>>, vector<1x16xf32>,
        %get3A_640 = vector.shape_cast %get3A_639 : vector<1x16xf32> to vector<16xf32>
        %get3A_641 = arith.index_cast %scan3A_624 : i32 to index
        %get3A_642 = arith.constant 16 : index
        %get3A_643 = tpu.vector_load %arg50[%get3A_641, %get3A_642] {strides = array<i32>} : memref<40x128xf32, #tpu.memory_space<vmem>>, vector<1x16xf32>,
        %get3A_644 = vector.shape_cast %get3A_643 : vector<1x16xf32> to vector<16xf32>
        %add3A_645 = arith.addf %get3A_640, %get3A_644 : vector<16xf32>
        %swap3A_646 = arith.index_cast %scan3A_624 : i32 to index
        %swap3A_647 = arith.constant 16 : index
        %swap3A_648 = tpu.vector_load %arg46[%swap3A_646, %swap3A_647] {strides = array<i32>} : memref<40x128xf32, #tpu.memory_space<vmem>>, vector<1x16xf32>,
        %swap3A_649 = vector.shape_cast %swap3A_648 : vector<1x16xf32> to vector<16xf32>
        %swap3A_650 = vector.shape_cast %add3A_645 : vector<16xf32> to vector<1x16xf32>
        tpu.vector_store %arg46[%swap3A_646, %swap3A_647], %swap3A_650 {strides = array<i32>} : memref<40x128xf32, #tpu.memory_space<vmem>>, vector<1x16xf32>,
        %get3A_651 = arith.index_cast %scan3A_624 : i32 to index
        %get3A_652 = arith.constant 32 : index
        %get3A_653 = tpu.vector_load %arg46[%get3A_651, %get3A_652] {strides = array<i32>} : memref<40x128xf32, #tpu.memory_space<vmem>>, vector<1x16xf32>,
        %get3A_654 = vector.shape_cast %get3A_653 : vector<1x16xf32> to vector<16xf32>
        %get3A_655 = arith.index_cast %scan3A_624 : i32 to index
        %get3A_656 = arith.constant 32 : index
        %get3A_657 = tpu.vector_load %arg50[%get3A_655, %get3A_656] {strides = array<i32>} : memref<40x128xf32, #tpu.memory_space<vmem>>, vector<1x16xf32>,
        %get3A_658 = vector.shape_cast %get3A_657 : vector<1x16xf32> to vector<16xf32>
        %add3A_659 = arith.addf %get3A_654, %get3A_658 : vector<16xf32>
        %swap3A_660 = arith.index_cast %scan3A_624 : i32 to index
        %swap3A_661 = arith.constant 32 : index
        %swap3A_662 = tpu.vector_load %arg46[%swap3A_660, %swap3A_661] {strides = array<i32>} : memref<40x128xf32, #tpu.memory_space<vmem>>, vector<1x16xf32>,
        %swap3A_663 = vector.shape_cast %swap3A_662 : vector<1x16xf32> to vector<16xf32>
        %swap3A_664 = vector.shape_cast %add3A_659 : vector<16xf32> to vector<1x16xf32>
        tpu.vector_store %arg46[%swap3A_660, %swap3A_661], %swap3A_664 {strides = array<i32>} : memref<40x128xf32, #tpu.memory_space<vmem>>, vector<1x16xf32>,
        %get3A_665 = arith.index_cast %scan3A_624 : i32 to index
        %get3A_666 = arith.constant 48 : index
        %get3A_667 = tpu.vector_load %arg46[%get3A_665, %get3A_666] {strides = array<i32>} : memref<40x128xf32, #tpu.memory_space<vmem>>, vector<1x16xf32>,
        %get3A_668 = vector.shape_cast %get3A_667 : vector<1x16xf32> to vector<16xf32>
        %get3A_669 = arith.index_cast %scan3A_624 : i32 to index
        %get3A_670 = arith.constant 48 : index
        %get3A_671 = tpu.vector_load %arg50[%get3A_669, %get3A_670] {strides = array<i32>} : memref<40x128xf32, #tpu.memory_space<vmem>>, vector<1x16xf32>,
        %get3A_672 = vector.shape_cast %get3A_671 : vector<1x16xf32> to vector<16xf32>
        %add3A_673 = arith.addf %get3A_668, %get3A_672 : vector<16xf32>
        %swap3A_674 = arith.index_cast %scan3A_624 : i32 to index
        %swap3A_675 = arith.constant 48 : index
        %swap3A_676 = tpu.vector_load %arg46[%swap3A_674, %swap3A_675] {strides = array<i32>} : memref<40x128xf32, #tpu.memory_space<vmem>>, vector<1x16xf32>,
        %swap3A_677 = vector.shape_cast %swap3A_676 : vector<1x16xf32> to vector<16xf32>
        %swap3A_678 = vector.shape_cast %add3A_673 : vector<16xf32> to vector<1x16xf32>
        tpu.vector_store %arg46[%swap3A_674, %swap3A_675], %swap3A_678 {strides = array<i32>} : memref<40x128xf32, #tpu.memory_space<vmem>>, vector<1x16xf32>,
        %get3A_679 = arith.index_cast %scan3A_624 : i32 to index
        %get3A_680 = arith.constant 64 : index
        %get3A_681 = tpu.vector_load %arg46[%get3A_679, %get3A_680] {strides = array<i32>} : memref<40x128xf32, #tpu.memory_space<vmem>>, vector<1x16xf32>,
        %get3A_682 = vector.shape_cast %get3A_681 : vector<1x16xf32> to vector<16xf32>
        %get3A_683 = arith.index_cast %scan3A_624 : i32 to index
        %get3A_684 = arith.constant 64 : index
        %get3A_685 = tpu.vector_load %arg50[%get3A_683, %get3A_684] {strides = array<i32>} : memref<40x128xf32, #tpu.memory_space<vmem>>, vector<1x16xf32>,
        %get3A_686 = vector.shape_cast %get3A_685 : vector<1x16xf32> to vector<16xf32>
        %add3A_687 = arith.addf %get3A_682, %get3A_686 : vector<16xf32>
        %swap3A_688 = arith.index_cast %scan3A_624 : i32 to index
        %swap3A_689 = arith.constant 64 : index
        %swap3A_690 = tpu.vector_load %arg46[%swap3A_688, %swap3A_689] {strides = array<i32>} : memref<40x128xf32, #tpu.memory_space<vmem>>, vector<1x16xf32>,
        %swap3A_691 = vector.shape_cast %swap3A_690 : vector<1x16xf32> to vector<16xf32>
        %swap3A_692 = vector.shape_cast %add3A_687 : vector<16xf32> to vector<1x16xf32>
        tpu.vector_store %arg46[%swap3A_688, %swap3A_689], %swap3A_692 {strides = array<i32>} : memref<40x128xf32, #tpu.memory_space<vmem>>, vector<1x16xf32>,
        %get3A_693 = arith.index_cast %scan3A_624 : i32 to index
        %get3A_694 = arith.constant 80 : index
        %get3A_695 = tpu.vector_load %arg46[%get3A_693, %get3A_694] {strides = array<i32>} : memref<40x128xf32, #tpu.memory_space<vmem>>, vector<1x16xf32>,
        %get3A_696 = vector.shape_cast %get3A_695 : vector<1x16xf32> to vector<16xf32>
        %get3A_697 = arith.index_cast %scan3A_624 : i32 to index
        %get3A_698 = arith.constant 80 : index
        %get3A_699 = tpu.vector_load %arg50[%get3A_697, %get3A_698] {strides = array<i32>} : memref<40x128xf32, #tpu.memory_space<vmem>>, vector<1x16xf32>,
        %get3A_700 = vector.shape_cast %get3A_699 : vector<1x16xf32> to vector<16xf32>
        %add3A_701 = arith.addf %get3A_696, %get3A_700 : vector<16xf32>
        %swap3A_702 = arith.index_cast %scan3A_624 : i32 to index
        %swap3A_703 = arith.constant 80 : index
        %swap3A_704 = tpu.vector_load %arg46[%swap3A_702, %swap3A_703] {strides = array<i32>} : memref<40x128xf32, #tpu.memory_space<vmem>>, vector<1x16xf32>,
        %swap3A_705 = vector.shape_cast %swap3A_704 : vector<1x16xf32> to vector<16xf32>
        %swap3A_706 = vector.shape_cast %add3A_701 : vector<16xf32> to vector<1x16xf32>
        tpu.vector_store %arg46[%swap3A_702, %swap3A_703], %swap3A_706 {strides = array<i32>} : memref<40x128xf32, #tpu.memory_space<vmem>>, vector<1x16xf32>,
        %get3A_707 = arith.index_cast %scan3A_624 : i32 to index
        %get3A_708 = arith.constant 96 : index
        %get3A_709 = tpu.vector_load %arg46[%get3A_707, %get3A_708] {strides = array<i32>} : memref<40x128xf32, #tpu.memory_space<vmem>>, vector<1x16xf32>,
        %get3A_710 = vector.shape_cast %get3A_709 : vector<1x16xf32> to vector<16xf32>
        %get3A_711 = arith.index_cast %scan3A_624 : i32 to index
        %get3A_712 = arith.constant 96 : index
        %get3A_713 = tpu.vector_load %arg50[%get3A_711, %get3A_712] {strides = array<i32>} : memref<40x128xf32, #tpu.memory_space<vmem>>, vector<1x16xf32>,
        %get3A_714 = vector.shape_cast %get3A_713 : vector<1x16xf32> to vector<16xf32>
        %add3A_715 = arith.addf %get3A_710, %get3A_714 : vector<16xf32>
        %swap3A_716 = arith.index_cast %scan3A_624 : i32 to index
        %swap3A_717 = arith.constant 96 : index
        %swap3A_718 = tpu.vector_load %arg46[%swap3A_716, %swap3A_717] {strides = array<i32>} : memref<40x128xf32, #tpu.memory_space<vmem>>, vector<1x16xf32>,
        %swap3A_719 = vector.shape_cast %swap3A_718 : vector<1x16xf32> to vector<16xf32>
        %swap3A_720 = vector.shape_cast %add3A_715 : vector<16xf32> to vector<1x16xf32>
        tpu.vector_store %arg46[%swap3A_716, %swap3A_717], %swap3A_720 {strides = array<i32>} : memref<40x128xf32, #tpu.memory_space<vmem>>, vector<1x16xf32>,
        %get3A_721 = arith.index_cast %scan3A_624 : i32 to index
        %get3A_722 = arith.constant 112 : index
        %get3A_723 = tpu.vector_load %arg46[%get3A_721, %get3A_722] {strides = array<i32>} : memref<40x128xf32, #tpu.memory_space<vmem>>, vector<1x16xf32>,
        %get3A_724 = vector.shape_cast %get3A_723 : vector<1x16xf32> to vector<16xf32>
        %get3A_725 = arith.index_cast %scan3A_624 : i32 to index
        %get3A_726 = arith.constant 112 : index
        %get3A_727 = tpu.vector_load %arg50[%get3A_725, %get3A_726] {strides = array<i32>} : memref<40x128xf32, #tpu.memory_space<vmem>>, vector<1x16xf32>,
        %get3A_728 = vector.shape_cast %get3A_727 : vector<1x16xf32> to vector<16xf32>
        %add3A_729 = arith.addf %get3A_724, %get3A_728 : vector<16xf32>
        %swap3A_730 = arith.index_cast %scan3A_624 : i32 to index
        %swap3A_731 = arith.constant 112 : index
        %swap3A_732 = tpu.vector_load %arg46[%swap3A_730, %swap3A_731] {strides = array<i32>} : memref<40x128xf32, #tpu.memory_space<vmem>>, vector<1x16xf32>,
        %swap3A_733 = vector.shape_cast %swap3A_732 : vector<1x16xf32> to vector<16xf32>
        %swap3A_734 = vector.shape_cast %add3A_729 : vector<16xf32> to vector<1x16xf32>
        tpu.vector_store %arg46[%swap3A_730, %swap3A_731], %swap3A_734 {strides = array<i32>} : memref<40x128xf32, #tpu.memory_space<vmem>>, vector<1x16xf32>,
      }
      %scan3A_390 = arith.constant 40 : i32
      %dma_start3A_391 = arith.constant 0 : i32
      %dma_start3A_392 = arith.constant 0 : i32
      %dma_start3A_393 = tpu.memref_slice %arg10[%dma_start3A_391, %dma_start3A_392] : memref<10240x128xf32, #tpu.memory_space<vmem_shared>> -> memref<10240x128xf32, #tpu.memory_space<vmem_shared>>
      tpu.enqueue_indirect_dma source(%arg46 : memref<40x128xf32, #tpu.memory_space<vmem>>) target(%dma_start3A_393 : memref<10240x128xf32, #tpu.memory_space<vmem_shared>>) offsets(%arg38 : memref<40xi32, #tpu.memory_space<vmem>>) semaphore(%arg66 : memref<!tpu.dma_semaphore, #tpu.memory_space<semaphore_mem>>) {add = true}
      %ge3A_394 = arith.constant 2 : i32
      %ge3A_395 = arith.cmpi sge, %add3A_369, %ge3A_394 : i32
      %convert_element_type3A_396 = arith.extui %ge3A_395 : i1 to i32
      %cond3A_397 = arith.constant 0 : i32
      %cond3A_398 = arith.cmpi ne, %convert_element_type3A_396, %cond3A_397 : i32
      scf.if %cond3A_398 {
        %dma_wait3A_624 = arith.constant 0 : i32
        %dma_wait3A_625 = arith.constant 0 : i32
        %dma_wait3A_626 = tpu.memref_slice %arg10[%dma_wait3A_624, %dma_wait3A_625] : memref<10240x128xf32, #tpu.memory_space<vmem_shared>> -> memref<10240x128xf32, #tpu.memory_space<vmem_shared>>
        tpu.wait_indirect_dma semaphore(%arg64 : memref<!tpu.dma_semaphore, #tpu.memory_space<semaphore_mem>>) src(%arg44 : memref<40x128xf32, #tpu.memory_space<vmem>>) dst(%dma_wait3A_626 : memref<10240x128xf32, #tpu.memory_space<vmem_shared>>)
      } else {
      }
      %le3A_399 = arith.constant 253 : i32
      %le3A_400 = arith.cmpi sle, %add3A_369, %le3A_399 : i32
      %convert_element_type3A_401 = arith.extui %le3A_400 : i1 to i32
      %cond3A_402 = arith.constant 0 : i32
      %cond3A_403 = arith.cmpi ne, %convert_element_type3A_401, %cond3A_402 : i32
      scf.if %cond3A_403 {
        %dma_wait3A_624 = arith.constant 0 : i32
        %dma_wait3A_625 = arith.constant 0 : i32
        %dma_wait3A_626 = arith.constant 0 : i32
        %dma_wait3A_627 = tpu.memref_slice %arg4[%dma_wait3A_624, %dma_wait3A_625, %dma_wait3A_626] : memref<32x256x20xi32, #tpu.memory_space<hbm>> -> memref<1x1x20xi32, #tpu.memory_space<hbm>>
        %dma_wait3A_628 = tpu.memref_squeeze %dma_wait3A_627 : memref<1x1x20xi32, #tpu.memory_space<hbm>> -> memref<20xi32, #tpu.memory_space<hbm>>
        %dma_wait3A_629 = arith.constant 0 : i32
        %dma_wait3A_630 = tpu.memref_slice %arg4[%dma_wait3A_624, %dma_wait3A_625, %dma_wait3A_629] : memref<32x256x20xi32, #tpu.memory_space<hbm>> -> memref<1x1x20xi32, #tpu.memory_space<hbm>>
        %dma_wait3A_631 = tpu.memref_squeeze %dma_wait3A_630 : memref<1x1x20xi32, #tpu.memory_space<hbm>> -> memref<20xi32, #tpu.memory_space<hbm>>
        tpu.wait_dma2 semaphore(%arg56 : memref<!tpu.dma_semaphore, #tpu.memory_space<semaphore_mem>>) src(%dma_wait3A_631 : memref<20xi32, #tpu.memory_space<hbm>>) dst(%arg16 : memref<20xi32, #tpu.memory_space<vmem>>)
        %dma_wait3A_632 = arith.constant 0 : i32
        %dma_wait3A_633 = arith.constant 0 : i32
        %dma_wait3A_634 = arith.constant 0 : i32
        %dma_wait3A_635 = tpu.memref_slice %arg5[%dma_wait3A_632, %dma_wait3A_633, %dma_wait3A_634] : memref<32x256x20xi32, #tpu.memory_space<hbm>> -> memref<1x1x20xi32, #tpu.memory_space<hbm>>
        %dma_wait3A_636 = tpu.memref_squeeze %dma_wait3A_635 : memref<1x1x20xi32, #tpu.memory_space<hbm>> -> memref<20xi32, #tpu.memory_space<hbm>>
        %dma_wait3A_637 = arith.constant 0 : i32
        %dma_wait3A_638 = tpu.memref_slice %arg5[%dma_wait3A_632, %dma_wait3A_633, %dma_wait3A_637] : memref<32x256x20xi32, #tpu.memory_space<hbm>> -> memref<1x1x20xi32, #tpu.memory_space<hbm>>
        %dma_wait3A_639 = tpu.memref_squeeze %dma_wait3A_638 : memref<1x1x20xi32, #tpu.memory_space<hbm>> -> memref<20xi32, #tpu.memory_space<hbm>>
        tpu.wait_dma2 semaphore(%arg56 : memref<!tpu.dma_semaphore, #tpu.memory_space<semaphore_mem>>) src(%dma_wait3A_639 : memref<20xi32, #tpu.memory_space<hbm>>) dst(%arg24 : memref<20xi32, #tpu.memory_space<vmem>>)
        %dma_wait3A_640 = arith.constant 0 : i32
        %dma_wait3A_641 = arith.constant 0 : i32
        %dma_wait3A_642 = arith.constant 0 : i32
        %dma_wait3A_643 = tpu.memref_slice %arg6[%dma_wait3A_640, %dma_wait3A_641, %dma_wait3A_642] : memref<32x256x40xi32, #tpu.memory_space<hbm>> -> memref<1x1x40xi32, #tpu.memory_space<hbm>>
        %dma_wait3A_644 = tpu.memref_squeeze %dma_wait3A_643 : memref<1x1x40xi32, #tpu.memory_space<hbm>> -> memref<40xi32, #tpu.memory_space<hbm>>
        %dma_wait3A_645 = arith.constant 0 : i32
        %dma_wait3A_646 = tpu.memref_slice %arg6[%dma_wait3A_640, %dma_wait3A_641, %dma_wait3A_645] : memref<32x256x40xi32, #tpu.memory_space<hbm>> -> memref<1x1x40xi32, #tpu.memory_space<hbm>>
        %dma_wait3A_647 = tpu.memref_squeeze %dma_wait3A_646 : memref<1x1x40xi32, #tpu.memory_space<hbm>> -> memref<40xi32, #tpu.memory_space<hbm>>
        tpu.wait_dma2 semaphore(%arg56 : memref<!tpu.dma_semaphore, #tpu.memory_space<semaphore_mem>>) src(%dma_wait3A_647 : memref<40xi32, #tpu.memory_space<hbm>>) dst(%arg32 : memref<40xi32, #tpu.memory_space<vmem>>)
        %dma_wait3A_648 = arith.constant 0 : i32
        %dma_wait3A_649 = arith.constant 0 : i32
        %dma_wait3A_650 = arith.constant 0 : i32
        %dma_wait3A_651 = tpu.memref_slice %arg7[%dma_wait3A_648, %dma_wait3A_649, %dma_wait3A_650] : memref<32x256x40xi32, #tpu.memory_space<hbm>> -> memref<1x1x40xi32, #tpu.memory_space<hbm>>
        %dma_wait3A_652 = tpu.memref_squeeze %dma_wait3A_651 : memref<1x1x40xi32, #tpu.memory_space<hbm>> -> memref<40xi32, #tpu.memory_space<hbm>>
        %dma_wait3A_653 = arith.constant 0 : i32
        %dma_wait3A_654 = tpu.memref_slice %arg7[%dma_wait3A_648, %dma_wait3A_649, %dma_wait3A_653] : memref<32x256x40xi32, #tpu.memory_space<hbm>> -> memref<1x1x40xi32, #tpu.memory_space<hbm>>
        %dma_wait3A_655 = tpu.memref_squeeze %dma_wait3A_654 : memref<1x1x40xi32, #tpu.memory_space<hbm>> -> memref<40xi32, #tpu.memory_space<hbm>>
        tpu.wait_dma2 semaphore(%arg56 : memref<!tpu.dma_semaphore, #tpu.memory_space<semaphore_mem>>) src(%dma_wait3A_655 : memref<40xi32, #tpu.memory_space<hbm>>) dst(%arg40 : memref<40xi32, #tpu.memory_space<vmem>>)
        %dma_start3A_656 = arith.constant 0 : i32
        %dma_start3A_657 = arith.constant 0 : i32
        %dma_start3A_658 = tpu.memref_slice %arg44[%dma_start3A_656, %dma_start3A_657] : memref<40x128xf32, #tpu.memory_space<vmem>> -> memref<20x128xf32, #tpu.memory_space<vmem>>
        %dma_start3A_659 = arith.constant 0 : i32
        %dma_start3A_660 = arith.constant 0 : i32
        %dma_start3A_661 = tpu.memref_slice %arg2[%dma_start3A_659, %dma_start3A_660] : memref<10000x128xf32, #tpu.memory_space<hbm>> -> memref<10000x128xf32, #tpu.memory_space<hbm>>
        tpu.enqueue_indirect_dma source(%dma_start3A_661 : memref<10000x128xf32, #tpu.memory_space<hbm>>) target(%dma_start3A_658 : memref<20x128xf32, #tpu.memory_space<vmem>>) offsets(%arg16 : memref<20xi32, #tpu.memory_space<vmem>>) semaphore(%arg60 : memref<!tpu.dma_semaphore, #tpu.memory_space<semaphore_mem>>)
        %dma_start3A_662 = arith.constant 20 : i32
        %dma_start3A_663 = arith.constant 0 : i32
        %dma_start3A_664 = tpu.memref_slice %arg44[%dma_start3A_662, %dma_start3A_663] : memref<40x128xf32, #tpu.memory_space<vmem>> -> memref<20x128xf32, #tpu.memory_space<vmem>>
        %dma_start3A_665 = arith.constant 0 : i32
        %dma_start3A_666 = arith.constant 0 : i32
        %dma_start3A_667 = tpu.memref_slice %arg2[%dma_start3A_665, %dma_start3A_666] : memref<10000x128xf32, #tpu.memory_space<hbm>> -> memref<10000x128xf32, #tpu.memory_space<hbm>>
        tpu.enqueue_indirect_dma source(%dma_start3A_667 : memref<10000x128xf32, #tpu.memory_space<hbm>>) target(%dma_start3A_664 : memref<20x128xf32, #tpu.memory_space<vmem>>) offsets(%arg24 : memref<20xi32, #tpu.memory_space<vmem>>) semaphore(%arg60 : memref<!tpu.dma_semaphore, #tpu.memory_space<semaphore_mem>>)
        %dma_start3A_668 = arith.constant 0 : i32
        %dma_start3A_669 = arith.constant 0 : i32
        %dma_start3A_670 = tpu.memref_slice %arg11[%dma_start3A_668, %dma_start3A_669] : memref<200x128xf32, #tpu.memory_space<vmem_shared>> -> memref<200x128xf32, #tpu.memory_space<vmem_shared>>
        tpu.enqueue_indirect_dma source(%dma_start3A_670 : memref<200x128xf32, #tpu.memory_space<vmem_shared>>) target(%arg48 : memref<40x128xf32, #tpu.memory_space<vmem>>) offsets(%arg32 : memref<40xi32, #tpu.memory_space<vmem>>) semaphore(%arg68 : memref<!tpu.dma_semaphore, #tpu.memory_space<semaphore_mem>>)
      } else {
      }
      %le3A_404 = arith.constant 249 : i32
      %le3A_405 = arith.cmpi sle, %add3A_369, %le3A_404 : i32
      %convert_element_type3A_406 = arith.extui %le3A_405 : i1 to i32
      %cond3A_407 = arith.constant 0 : i32
      %cond3A_408 = arith.cmpi ne, %convert_element_type3A_406, %cond3A_407 : i32
      scf.if %cond3A_408 {
        %add3A_624 = arith.constant 6 : i32
        %add3A_625 = arith.addi %add3A_369, %add3A_624 : i32
        %dma_start3A_626 = arith.constant 0 : i32
        %dma_start3A_627 = tpu.memref_slice %arg4[%add3A, %add3A_625, %dma_start3A_626] : memref<32x256x20xi32, #tpu.memory_space<hbm>> -> memref<1x1x20xi32, #tpu.memory_space<hbm>>
        %dma_start3A_628 = tpu.memref_squeeze %dma_start3A_627 : memref<1x1x20xi32, #tpu.memory_space<hbm>> -> memref<20xi32, #tpu.memory_space<hbm>>
        %dma_start3A_629 = arith.constant 0 : i32
        %dma_start3A_630 = tpu.memref_slice %arg4[%add3A, %add3A_625, %dma_start3A_629] : memref<32x256x20xi32, #tpu.memory_space<hbm>> -> memref<1x1x20xi32, #tpu.memory_space<hbm>>
        %dma_start3A_631 = tpu.memref_squeeze %dma_start3A_630 : memref<1x1x20xi32, #tpu.memory_space<hbm>> -> memref<20xi32, #tpu.memory_space<hbm>>
        tpu.enqueue_dma source(%dma_start3A_631 : memref<20xi32, #tpu.memory_space<hbm>>) target(%arg12 : memref<20xi32, #tpu.memory_space<vmem>>) target_semaphore(%arg52 : memref<!tpu.dma_semaphore, #tpu.memory_space<semaphore_mem>>)
        %dma_start3A_632 = arith.constant 0 : i32
        %dma_start3A_633 = tpu.memref_slice %arg5[%add3A, %add3A_625, %dma_start3A_632] : memref<32x256x20xi32, #tpu.memory_space<hbm>> -> memref<1x1x20xi32, #tpu.memory_space<hbm>>
        %dma_start3A_634 = tpu.memref_squeeze %dma_start3A_633 : memref<1x1x20xi32, #tpu.memory_space<hbm>> -> memref<20xi32, #tpu.memory_space<hbm>>
        %dma_start3A_635 = arith.constant 0 : i32
        %dma_start3A_636 = tpu.memref_slice %arg5[%add3A, %add3A_625, %dma_start3A_635] : memref<32x256x20xi32, #tpu.memory_space<hbm>> -> memref<1x1x20xi32, #tpu.memory_space<hbm>>
        %dma_start3A_637 = tpu.memref_squeeze %dma_start3A_636 : memref<1x1x20xi32, #tpu.memory_space<hbm>> -> memref<20xi32, #tpu.memory_space<hbm>>
        tpu.enqueue_dma source(%dma_start3A_637 : memref<20xi32, #tpu.memory_space<hbm>>) target(%arg20 : memref<20xi32, #tpu.memory_space<vmem>>) target_semaphore(%arg52 : memref<!tpu.dma_semaphore, #tpu.memory_space<semaphore_mem>>)
        %dma_start3A_638 = arith.constant 0 : i32
        %dma_start3A_639 = tpu.memref_slice %arg6[%add3A, %add3A_625, %dma_start3A_638] : memref<32x256x40xi32, #tpu.memory_space<hbm>> -> memref<1x1x40xi32, #tpu.memory_space<hbm>>
        %dma_start3A_640 = tpu.memref_squeeze %dma_start3A_639 : memref<1x1x40xi32, #tpu.memory_space<hbm>> -> memref<40xi32, #tpu.memory_space<hbm>>
        %dma_start3A_641 = arith.constant 0 : i32
        %dma_start3A_642 = tpu.memref_slice %arg6[%add3A, %add3A_625, %dma_start3A_641] : memref<32x256x40xi32, #tpu.memory_space<hbm>> -> memref<1x1x40xi32, #tpu.memory_space<hbm>>
        %dma_start3A_643 = tpu.memref_squeeze %dma_start3A_642 : memref<1x1x40xi32, #tpu.memory_space<hbm>> -> memref<40xi32, #tpu.memory_space<hbm>>
        tpu.enqueue_dma source(%dma_start3A_643 : memref<40xi32, #tpu.memory_space<hbm>>) target(%arg28 : memref<40xi32, #tpu.memory_space<vmem>>) target_semaphore(%arg52 : memref<!tpu.dma_semaphore, #tpu.memory_space<semaphore_mem>>)
        %dma_start3A_644 = arith.constant 0 : i32
        %dma_start3A_645 = tpu.memref_slice %arg7[%add3A, %add3A_625, %dma_start3A_644] : memref<32x256x40xi32, #tpu.memory_space<hbm>> -> memref<1x1x40xi32, #tpu.memory_space<hbm>>
        %dma_start3A_646 = tpu.memref_squeeze %dma_start3A_645 : memref<1x1x40xi32, #tpu.memory_space<hbm>> -> memref<40xi32, #tpu.memory_space<hbm>>
        %dma_start3A_647 = arith.constant 0 : i32
        %dma_start3A_648 = tpu.memref_slice %arg7[%add3A, %add3A_625, %dma_start3A_647] : memref<32x256x40xi32, #tpu.memory_space<hbm>> -> memref<1x1x40xi32, #tpu.memory_space<hbm>>
        %dma_start3A_649 = tpu.memref_squeeze %dma_start3A_648 : memref<1x1x40xi32, #tpu.memory_space<hbm>> -> memref<40xi32, #tpu.memory_space<hbm>>
        tpu.enqueue_dma source(%dma_start3A_649 : memref<40xi32, #tpu.memory_space<hbm>>) target(%arg36 : memref<40xi32, #tpu.memory_space<vmem>>) target_semaphore(%arg52 : memref<!tpu.dma_semaphore, #tpu.memory_space<semaphore_mem>>)
      } else {
      }
      %mul3A_409 = arith.constant 8 : i32
      %mul3A_410 = arith.muli %mul3A_409, %scan3A_281 : i32
      %add3A_411 = arith.constant 3 : i32
      %add3A_412 = arith.addi %mul3A_410, %add3A_411 : i32
      %dma_wait3A_413 = arith.constant 0 : i32
      %dma_wait3A_414 = arith.constant 0 : i32
      %dma_wait3A_415 = tpu.memref_slice %arg47[%dma_wait3A_413, %dma_wait3A_414] : memref<40x128xf32, #tpu.memory_space<vmem>> -> memref<20x128xf32, #tpu.memory_space<vmem>>
      %dma_wait3A_416 = arith.constant 0 : i32
      %dma_wait3A_417 = arith.constant 0 : i32
      %dma_wait3A_418 = tpu.memref_slice %arg2[%dma_wait3A_416, %dma_wait3A_417] : memref<10000x128xf32, #tpu.memory_space<hbm>> -> memref<10000x128xf32, #tpu.memory_space<hbm>>
      tpu.wait_indirect_dma semaphore(%arg63 : memref<!tpu.dma_semaphore, #tpu.memory_space<semaphore_mem>>) src(%dma_wait3A_418 : memref<10000x128xf32, #tpu.memory_space<hbm>>) dst(%dma_wait3A_415 : memref<20x128xf32, #tpu.memory_space<vmem>>)
      %dma_wait3A_419 = arith.constant 20 : i32
      %dma_wait3A_420 = arith.constant 0 : i32
      %dma_wait3A_421 = tpu.memref_slice %arg47[%dma_wait3A_419, %dma_wait3A_420] : memref<40x128xf32, #tpu.memory_space<vmem>> -> memref<20x128xf32, #tpu.memory_space<vmem>>
      %dma_wait3A_422 = arith.constant 0 : i32
      %dma_wait3A_423 = arith.constant 0 : i32
      %dma_wait3A_424 = tpu.memref_slice %arg2[%dma_wait3A_422, %dma_wait3A_423] : memref<10000x128xf32, #tpu.memory_space<hbm>> -> memref<10000x128xf32, #tpu.memory_space<hbm>>
      tpu.wait_indirect_dma semaphore(%arg63 : memref<!tpu.dma_semaphore, #tpu.memory_space<semaphore_mem>>) src(%dma_wait3A_424 : memref<10000x128xf32, #tpu.memory_space<hbm>>) dst(%dma_wait3A_421 : memref<20x128xf32, #tpu.memory_space<vmem>>)
      %dma_wait3A_425 = arith.constant 0 : i32
      %dma_wait3A_426 = arith.constant 0 : i32
      %dma_wait3A_427 = tpu.memref_slice %arg11[%dma_wait3A_425, %dma_wait3A_426] : memref<200x128xf32, #tpu.memory_space<vmem_shared>> -> memref<200x128xf32, #tpu.memory_space<vmem_shared>>
      tpu.wait_indirect_dma semaphore(%arg71 : memref<!tpu.dma_semaphore, #tpu.memory_space<semaphore_mem>>) src(%dma_wait3A_427 : memref<200x128xf32, #tpu.memory_space<vmem_shared>>) dst(%arg51 : memref<40x128xf32, #tpu.memory_space<vmem>>)
      %scan3A_428 = arith.constant 0 : i32
      %scan3A_429 = arith.constant 0 : i32
      %scan3A_430 = arith.constant 40 : i32
      %scan3A_431 = arith.addi %scan3A_429, %scan3A_430 : i32
      %scan3A_432 = arith.constant 1 : i32
      scf.for %scan3A_624 = %scan3A_429 to %scan3A_431 step %scan3A_432  : i32 {
        %get3A = arith.index_cast %scan3A_624 : i32 to index
        %get3A_625 = arith.constant 0 : index
        %get3A_626 = tpu.vector_load %arg47[%get3A, %get3A_625] {strides = array<i32>} : memref<40x128xf32, #tpu.memory_space<vmem>>, vector<1x16xf32>,
        %get3A_627 = vector.shape_cast %get3A_626 : vector<1x16xf32> to vector<16xf32>
        %get3A_628 = arith.index_cast %scan3A_624 : i32 to index
        %get3A_629 = arith.constant 0 : index
        %get3A_630 = tpu.vector_load %arg51[%get3A_628, %get3A_629] {strides = array<i32>} : memref<40x128xf32, #tpu.memory_space<vmem>>, vector<1x16xf32>,
        %get3A_631 = vector.shape_cast %get3A_630 : vector<1x16xf32> to vector<16xf32>
        %add3A_632 = arith.addf %get3A_627, %get3A_631 : vector<16xf32>
        %swap3A = arith.index_cast %scan3A_624 : i32 to index
        %swap3A_633 = arith.constant 0 : index
        %swap3A_634 = tpu.vector_load %arg47[%swap3A, %swap3A_633] {strides = array<i32>} : memref<40x128xf32, #tpu.memory_space<vmem>>, vector<1x16xf32>,
        %swap3A_635 = vector.shape_cast %swap3A_634 : vector<1x16xf32> to vector<16xf32>
        %swap3A_636 = vector.shape_cast %add3A_632 : vector<16xf32> to vector<1x16xf32>
        tpu.vector_store %arg47[%swap3A, %swap3A_633], %swap3A_636 {strides = array<i32>} : memref<40x128xf32, #tpu.memory_space<vmem>>, vector<1x16xf32>,
        %get3A_637 = arith.index_cast %scan3A_624 : i32 to index
        %get3A_638 = arith.constant 16 : index
        %get3A_639 = tpu.vector_load %arg47[%get3A_637, %get3A_638] {strides = array<i32>} : memref<40x128xf32, #tpu.memory_space<vmem>>, vector<1x16xf32>,
        %get3A_640 = vector.shape_cast %get3A_639 : vector<1x16xf32> to vector<16xf32>
        %get3A_641 = arith.index_cast %scan3A_624 : i32 to index
        %get3A_642 = arith.constant 16 : index
        %get3A_643 = tpu.vector_load %arg51[%get3A_641, %get3A_642] {strides = array<i32>} : memref<40x128xf32, #tpu.memory_space<vmem>>, vector<1x16xf32>,
        %get3A_644 = vector.shape_cast %get3A_643 : vector<1x16xf32> to vector<16xf32>
        %add3A_645 = arith.addf %get3A_640, %get3A_644 : vector<16xf32>
        %swap3A_646 = arith.index_cast %scan3A_624 : i32 to index
        %swap3A_647 = arith.constant 16 : index
        %swap3A_648 = tpu.vector_load %arg47[%swap3A_646, %swap3A_647] {strides = array<i32>} : memref<40x128xf32, #tpu.memory_space<vmem>>, vector<1x16xf32>,
        %swap3A_649 = vector.shape_cast %swap3A_648 : vector<1x16xf32> to vector<16xf32>
        %swap3A_650 = vector.shape_cast %add3A_645 : vector<16xf32> to vector<1x16xf32>
        tpu.vector_store %arg47[%swap3A_646, %swap3A_647], %swap3A_650 {strides = array<i32>} : memref<40x128xf32, #tpu.memory_space<vmem>>, vector<1x16xf32>,
        %get3A_651 = arith.index_cast %scan3A_624 : i32 to index
        %get3A_652 = arith.constant 32 : index
        %get3A_653 = tpu.vector_load %arg47[%get3A_651, %get3A_652] {strides = array<i32>} : memref<40x128xf32, #tpu.memory_space<vmem>>, vector<1x16xf32>,
        %get3A_654 = vector.shape_cast %get3A_653 : vector<1x16xf32> to vector<16xf32>
        %get3A_655 = arith.index_cast %scan3A_624 : i32 to index
        %get3A_656 = arith.constant 32 : index
        %get3A_657 = tpu.vector_load %arg51[%get3A_655, %get3A_656] {strides = array<i32>} : memref<40x128xf32, #tpu.memory_space<vmem>>, vector<1x16xf32>,
        %get3A_658 = vector.shape_cast %get3A_657 : vector<1x16xf32> to vector<16xf32>
        %add3A_659 = arith.addf %get3A_654, %get3A_658 : vector<16xf32>
        %swap3A_660 = arith.index_cast %scan3A_624 : i32 to index
        %swap3A_661 = arith.constant 32 : index
        %swap3A_662 = tpu.vector_load %arg47[%swap3A_660, %swap3A_661] {strides = array<i32>} : memref<40x128xf32, #tpu.memory_space<vmem>>, vector<1x16xf32>,
        %swap3A_663 = vector.shape_cast %swap3A_662 : vector<1x16xf32> to vector<16xf32>
        %swap3A_664 = vector.shape_cast %add3A_659 : vector<16xf32> to vector<1x16xf32>
        tpu.vector_store %arg47[%swap3A_660, %swap3A_661], %swap3A_664 {strides = array<i32>} : memref<40x128xf32, #tpu.memory_space<vmem>>, vector<1x16xf32>,
        %get3A_665 = arith.index_cast %scan3A_624 : i32 to index
        %get3A_666 = arith.constant 48 : index
        %get3A_667 = tpu.vector_load %arg47[%get3A_665, %get3A_666] {strides = array<i32>} : memref<40x128xf32, #tpu.memory_space<vmem>>, vector<1x16xf32>,
        %get3A_668 = vector.shape_cast %get3A_667 : vector<1x16xf32> to vector<16xf32>
        %get3A_669 = arith.index_cast %scan3A_624 : i32 to index
        %get3A_670 = arith.constant 48 : index
        %get3A_671 = tpu.vector_load %arg51[%get3A_669, %get3A_670] {strides = array<i32>} : memref<40x128xf32, #tpu.memory_space<vmem>>, vector<1x16xf32>,
        %get3A_672 = vector.shape_cast %get3A_671 : vector<1x16xf32> to vector<16xf32>
        %add3A_673 = arith.addf %get3A_668, %get3A_672 : vector<16xf32>
        %swap3A_674 = arith.index_cast %scan3A_624 : i32 to index
        %swap3A_675 = arith.constant 48 : index
        %swap3A_676 = tpu.vector_load %arg47[%swap3A_674, %swap3A_675] {strides = array<i32>} : memref<40x128xf32, #tpu.memory_space<vmem>>, vector<1x16xf32>,
        %swap3A_677 = vector.shape_cast %swap3A_676 : vector<1x16xf32> to vector<16xf32>
        %swap3A_678 = vector.shape_cast %add3A_673 : vector<16xf32> to vector<1x16xf32>
        tpu.vector_store %arg47[%swap3A_674, %swap3A_675], %swap3A_678 {strides = array<i32>} : memref<40x128xf32, #tpu.memory_space<vmem>>, vector<1x16xf32>,
        %get3A_679 = arith.index_cast %scan3A_624 : i32 to index
        %get3A_680 = arith.constant 64 : index
        %get3A_681 = tpu.vector_load %arg47[%get3A_679, %get3A_680] {strides = array<i32>} : memref<40x128xf32, #tpu.memory_space<vmem>>, vector<1x16xf32>,
        %get3A_682 = vector.shape_cast %get3A_681 : vector<1x16xf32> to vector<16xf32>
        %get3A_683 = arith.index_cast %scan3A_624 : i32 to index
        %get3A_684 = arith.constant 64 : index
        %get3A_685 = tpu.vector_load %arg51[%get3A_683, %get3A_684] {strides = array<i32>} : memref<40x128xf32, #tpu.memory_space<vmem>>, vector<1x16xf32>,
        %get3A_686 = vector.shape_cast %get3A_685 : vector<1x16xf32> to vector<16xf32>
        %add3A_687 = arith.addf %get3A_682, %get3A_686 : vector<16xf32>
        %swap3A_688 = arith.index_cast %scan3A_624 : i32 to index
        %swap3A_689 = arith.constant 64 : index
        %swap3A_690 = tpu.vector_load %arg47[%swap3A_688, %swap3A_689] {strides = array<i32>} : memref<40x128xf32, #tpu.memory_space<vmem>>, vector<1x16xf32>,
        %swap3A_691 = vector.shape_cast %swap3A_690 : vector<1x16xf32> to vector<16xf32>
        %swap3A_692 = vector.shape_cast %add3A_687 : vector<16xf32> to vector<1x16xf32>
        tpu.vector_store %arg47[%swap3A_688, %swap3A_689], %swap3A_692 {strides = array<i32>} : memref<40x128xf32, #tpu.memory_space<vmem>>, vector<1x16xf32>,
        %get3A_693 = arith.index_cast %scan3A_624 : i32 to index
        %get3A_694 = arith.constant 80 : index
        %get3A_695 = tpu.vector_load %arg47[%get3A_693, %get3A_694] {strides = array<i32>} : memref<40x128xf32, #tpu.memory_space<vmem>>, vector<1x16xf32>,
        %get3A_696 = vector.shape_cast %get3A_695 : vector<1x16xf32> to vector<16xf32>
        %get3A_697 = arith.index_cast %scan3A_624 : i32 to index
        %get3A_698 = arith.constant 80 : index
        %get3A_699 = tpu.vector_load %arg51[%get3A_697, %get3A_698] {strides = array<i32>} : memref<40x128xf32, #tpu.memory_space<vmem>>, vector<1x16xf32>,
        %get3A_700 = vector.shape_cast %get3A_699 : vector<1x16xf32> to vector<16xf32>
        %add3A_701 = arith.addf %get3A_696, %get3A_700 : vector<16xf32>
        %swap3A_702 = arith.index_cast %scan3A_624 : i32 to index
        %swap3A_703 = arith.constant 80 : index
        %swap3A_704 = tpu.vector_load %arg47[%swap3A_702, %swap3A_703] {strides = array<i32>} : memref<40x128xf32, #tpu.memory_space<vmem>>, vector<1x16xf32>,
        %swap3A_705 = vector.shape_cast %swap3A_704 : vector<1x16xf32> to vector<16xf32>
        %swap3A_706 = vector.shape_cast %add3A_701 : vector<16xf32> to vector<1x16xf32>
        tpu.vector_store %arg47[%swap3A_702, %swap3A_703], %swap3A_706 {strides = array<i32>} : memref<40x128xf32, #tpu.memory_space<vmem>>, vector<1x16xf32>,
        %get3A_707 = arith.index_cast %scan3A_624 : i32 to index
        %get3A_708 = arith.constant 96 : index
        %get3A_709 = tpu.vector_load %arg47[%get3A_707, %get3A_708] {strides = array<i32>} : memref<40x128xf32, #tpu.memory_space<vmem>>, vector<1x16xf32>,
        %get3A_710 = vector.shape_cast %get3A_709 : vector<1x16xf32> to vector<16xf32>
        %get3A_711 = arith.index_cast %scan3A_624 : i32 to index
        %get3A_712 = arith.constant 96 : index
        %get3A_713 = tpu.vector_load %arg51[%get3A_711, %get3A_712] {strides = array<i32>} : memref<40x128xf32, #tpu.memory_space<vmem>>, vector<1x16xf32>,
        %get3A_714 = vector.shape_cast %get3A_713 : vector<1x16xf32> to vector<16xf32>
        %add3A_715 = arith.addf %get3A_710, %get3A_714 : vector<16xf32>
        %swap3A_716 = arith.index_cast %scan3A_624 : i32 to index
        %swap3A_717 = arith.constant 96 : index
        %swap3A_718 = tpu.vector_load %arg47[%swap3A_716, %swap3A_717] {strides = array<i32>} : memref<40x128xf32, #tpu.memory_space<vmem>>, vector<1x16xf32>,
        %swap3A_719 = vector.shape_cast %swap3A_718 : vector<1x16xf32> to vector<16xf32>
        %swap3A_720 = vector.shape_cast %add3A_715 : vector<16xf32> to vector<1x16xf32>
        tpu.vector_store %arg47[%swap3A_716, %swap3A_717], %swap3A_720 {strides = array<i32>} : memref<40x128xf32, #tpu.memory_space<vmem>>, vector<1x16xf32>,
        %get3A_721 = arith.index_cast %scan3A_624 : i32 to index
        %get3A_722 = arith.constant 112 : index
        %get3A_723 = tpu.vector_load %arg47[%get3A_721, %get3A_722] {strides = array<i32>} : memref<40x128xf32, #tpu.memory_space<vmem>>, vector<1x16xf32>,
        %get3A_724 = vector.shape_cast %get3A_723 : vector<1x16xf32> to vector<16xf32>
        %get3A_725 = arith.index_cast %scan3A_624 : i32 to index
        %get3A_726 = arith.constant 112 : index
        %get3A_727 = tpu.vector_load %arg51[%get3A_725, %get3A_726] {strides = array<i32>} : memref<40x128xf32, #tpu.memory_space<vmem>>, vector<1x16xf32>,
        %get3A_728 = vector.shape_cast %get3A_727 : vector<1x16xf32> to vector<16xf32>
        %add3A_729 = arith.addf %get3A_724, %get3A_728 : vector<16xf32>
        %swap3A_730 = arith.index_cast %scan3A_624 : i32 to index
        %swap3A_731 = arith.constant 112 : index
        %swap3A_732 = tpu.vector_load %arg47[%swap3A_730, %swap3A_731] {strides = array<i32>} : memref<40x128xf32, #tpu.memory_space<vmem>>, vector<1x16xf32>,
        %swap3A_733 = vector.shape_cast %swap3A_732 : vector<1x16xf32> to vector<16xf32>
        %swap3A_734 = vector.shape_cast %add3A_729 : vector<16xf32> to vector<1x16xf32>
        tpu.vector_store %arg47[%swap3A_730, %swap3A_731], %swap3A_734 {strides = array<i32>} : memref<40x128xf32, #tpu.memory_space<vmem>>, vector<1x16xf32>,
      }
      %scan3A_433 = arith.constant 40 : i32
      %dma_start3A_434 = arith.constant 0 : i32
      %dma_start3A_435 = arith.constant 0 : i32
      %dma_start3A_436 = tpu.memref_slice %arg10[%dma_start3A_434, %dma_start3A_435] : memref<10240x128xf32, #tpu.memory_space<vmem_shared>> -> memref<10240x128xf32, #tpu.memory_space<vmem_shared>>
      tpu.enqueue_indirect_dma source(%arg47 : memref<40x128xf32, #tpu.memory_space<vmem>>) target(%dma_start3A_436 : memref<10240x128xf32, #tpu.memory_space<vmem_shared>>) offsets(%arg39 : memref<40xi32, #tpu.memory_space<vmem>>) semaphore(%arg67 : memref<!tpu.dma_semaphore, #tpu.memory_space<semaphore_mem>>) {add = true}
      %ge3A_437 = arith.constant 2 : i32
      %ge3A_438 = arith.cmpi sge, %add3A_412, %ge3A_437 : i32
      %convert_element_type3A_439 = arith.extui %ge3A_438 : i1 to i32
      %cond3A_440 = arith.constant 0 : i32
      %cond3A_441 = arith.cmpi ne, %convert_element_type3A_439, %cond3A_440 : i32
      scf.if %cond3A_441 {
        %dma_wait3A_624 = arith.constant 0 : i32
        %dma_wait3A_625 = arith.constant 0 : i32
        %dma_wait3A_626 = tpu.memref_slice %arg10[%dma_wait3A_624, %dma_wait3A_625] : memref<10240x128xf32, #tpu.memory_space<vmem_shared>> -> memref<10240x128xf32, #tpu.memory_space<vmem_shared>>
        tpu.wait_indirect_dma semaphore(%arg65 : memref<!tpu.dma_semaphore, #tpu.memory_space<semaphore_mem>>) src(%arg45 : memref<40x128xf32, #tpu.memory_space<vmem>>) dst(%dma_wait3A_626 : memref<10240x128xf32, #tpu.memory_space<vmem_shared>>)
      } else {
      }
      %le3A_442 = arith.constant 253 : i32
      %le3A_443 = arith.cmpi sle, %add3A_412, %le3A_442 : i32
      %convert_element_type3A_444 = arith.extui %le3A_443 : i1 to i32
      %cond3A_445 = arith.constant 0 : i32
      %cond3A_446 = arith.cmpi ne, %convert_element_type3A_444, %cond3A_445 : i32
      scf.if %cond3A_446 {
        %dma_wait3A_624 = arith.constant 0 : i32
        %dma_wait3A_625 = arith.constant 0 : i32
        %dma_wait3A_626 = arith.constant 0 : i32
        %dma_wait3A_627 = tpu.memref_slice %arg4[%dma_wait3A_624, %dma_wait3A_625, %dma_wait3A_626] : memref<32x256x20xi32, #tpu.memory_space<hbm>> -> memref<1x1x20xi32, #tpu.memory_space<hbm>>
        %dma_wait3A_628 = tpu.memref_squeeze %dma_wait3A_627 : memref<1x1x20xi32, #tpu.memory_space<hbm>> -> memref<20xi32, #tpu.memory_space<hbm>>
        %dma_wait3A_629 = arith.constant 0 : i32
        %dma_wait3A_630 = tpu.memref_slice %arg4[%dma_wait3A_624, %dma_wait3A_625, %dma_wait3A_629] : memref<32x256x20xi32, #tpu.memory_space<hbm>> -> memref<1x1x20xi32, #tpu.memory_space<hbm>>
        %dma_wait3A_631 = tpu.memref_squeeze %dma_wait3A_630 : memref<1x1x20xi32, #tpu.memory_space<hbm>> -> memref<20xi32, #tpu.memory_space<hbm>>
        tpu.wait_dma2 semaphore(%arg57 : memref<!tpu.dma_semaphore, #tpu.memory_space<semaphore_mem>>) src(%dma_wait3A_631 : memref<20xi32, #tpu.memory_space<hbm>>) dst(%arg17 : memref<20xi32, #tpu.memory_space<vmem>>)
        %dma_wait3A_632 = arith.constant 0 : i32
        %dma_wait3A_633 = arith.constant 0 : i32
        %dma_wait3A_634 = arith.constant 0 : i32
        %dma_wait3A_635 = tpu.memref_slice %arg5[%dma_wait3A_632, %dma_wait3A_633, %dma_wait3A_634] : memref<32x256x20xi32, #tpu.memory_space<hbm>> -> memref<1x1x20xi32, #tpu.memory_space<hbm>>
        %dma_wait3A_636 = tpu.memref_squeeze %dma_wait3A_635 : memref<1x1x20xi32, #tpu.memory_space<hbm>> -> memref<20xi32, #tpu.memory_space<hbm>>
        %dma_wait3A_637 = arith.constant 0 : i32
        %dma_wait3A_638 = tpu.memref_slice %arg5[%dma_wait3A_632, %dma_wait3A_633, %dma_wait3A_637] : memref<32x256x20xi32, #tpu.memory_space<hbm>> -> memref<1x1x20xi32, #tpu.memory_space<hbm>>
        %dma_wait3A_639 = tpu.memref_squeeze %dma_wait3A_638 : memref<1x1x20xi32, #tpu.memory_space<hbm>> -> memref<20xi32, #tpu.memory_space<hbm>>
        tpu.wait_dma2 semaphore(%arg57 : memref<!tpu.dma_semaphore, #tpu.memory_space<semaphore_mem>>) src(%dma_wait3A_639 : memref<20xi32, #tpu.memory_space<hbm>>) dst(%arg25 : memref<20xi32, #tpu.memory_space<vmem>>)
        %dma_wait3A_640 = arith.constant 0 : i32
        %dma_wait3A_641 = arith.constant 0 : i32
        %dma_wait3A_642 = arith.constant 0 : i32
        %dma_wait3A_643 = tpu.memref_slice %arg6[%dma_wait3A_640, %dma_wait3A_641, %dma_wait3A_642] : memref<32x256x40xi32, #tpu.memory_space<hbm>> -> memref<1x1x40xi32, #tpu.memory_space<hbm>>
        %dma_wait3A_644 = tpu.memref_squeeze %dma_wait3A_643 : memref<1x1x40xi32, #tpu.memory_space<hbm>> -> memref<40xi32, #tpu.memory_space<hbm>>
        %dma_wait3A_645 = arith.constant 0 : i32
        %dma_wait3A_646 = tpu.memref_slice %arg6[%dma_wait3A_640, %dma_wait3A_641, %dma_wait3A_645] : memref<32x256x40xi32, #tpu.memory_space<hbm>> -> memref<1x1x40xi32, #tpu.memory_space<hbm>>
        %dma_wait3A_647 = tpu.memref_squeeze %dma_wait3A_646 : memref<1x1x40xi32, #tpu.memory_space<hbm>> -> memref<40xi32, #tpu.memory_space<hbm>>
        tpu.wait_dma2 semaphore(%arg57 : memref<!tpu.dma_semaphore, #tpu.memory_space<semaphore_mem>>) src(%dma_wait3A_647 : memref<40xi32, #tpu.memory_space<hbm>>) dst(%arg33 : memref<40xi32, #tpu.memory_space<vmem>>)
        %dma_wait3A_648 = arith.constant 0 : i32
        %dma_wait3A_649 = arith.constant 0 : i32
        %dma_wait3A_650 = arith.constant 0 : i32
        %dma_wait3A_651 = tpu.memref_slice %arg7[%dma_wait3A_648, %dma_wait3A_649, %dma_wait3A_650] : memref<32x256x40xi32, #tpu.memory_space<hbm>> -> memref<1x1x40xi32, #tpu.memory_space<hbm>>
        %dma_wait3A_652 = tpu.memref_squeeze %dma_wait3A_651 : memref<1x1x40xi32, #tpu.memory_space<hbm>> -> memref<40xi32, #tpu.memory_space<hbm>>
        %dma_wait3A_653 = arith.constant 0 : i32
        %dma_wait3A_654 = tpu.memref_slice %arg7[%dma_wait3A_648, %dma_wait3A_649, %dma_wait3A_653] : memref<32x256x40xi32, #tpu.memory_space<hbm>> -> memref<1x1x40xi32, #tpu.memory_space<hbm>>
        %dma_wait3A_655 = tpu.memref_squeeze %dma_wait3A_654 : memref<1x1x40xi32, #tpu.memory_space<hbm>> -> memref<40xi32, #tpu.memory_space<hbm>>
        tpu.wait_dma2 semaphore(%arg57 : memref<!tpu.dma_semaphore, #tpu.memory_space<semaphore_mem>>) src(%dma_wait3A_655 : memref<40xi32, #tpu.memory_space<hbm>>) dst(%arg41 : memref<40xi32, #tpu.memory_space<vmem>>)
        %dma_start3A_656 = arith.constant 0 : i32
        %dma_start3A_657 = arith.constant 0 : i32
        %dma_start3A_658 = tpu.memref_slice %arg45[%dma_start3A_656, %dma_start3A_657] : memref<40x128xf32, #tpu.memory_space<vmem>> -> memref<20x128xf32, #tpu.memory_space<vmem>>
        %dma_start3A_659 = arith.constant 0 : i32
        %dma_start3A_660 = arith.constant 0 : i32
        %dma_start3A_661 = tpu.memref_slice %arg2[%dma_start3A_659, %dma_start3A_660] : memref<10000x128xf32, #tpu.memory_space<hbm>> -> memref<10000x128xf32, #tpu.memory_space<hbm>>
        tpu.enqueue_indirect_dma source(%dma_start3A_661 : memref<10000x128xf32, #tpu.memory_space<hbm>>) target(%dma_start3A_658 : memref<20x128xf32, #tpu.memory_space<vmem>>) offsets(%arg17 : memref<20xi32, #tpu.memory_space<vmem>>) semaphore(%arg61 : memref<!tpu.dma_semaphore, #tpu.memory_space<semaphore_mem>>)
        %dma_start3A_662 = arith.constant 20 : i32
        %dma_start3A_663 = arith.constant 0 : i32
        %dma_start3A_664 = tpu.memref_slice %arg45[%dma_start3A_662, %dma_start3A_663] : memref<40x128xf32, #tpu.memory_space<vmem>> -> memref<20x128xf32, #tpu.memory_space<vmem>>
        %dma_start3A_665 = arith.constant 0 : i32
        %dma_start3A_666 = arith.constant 0 : i32
        %dma_start3A_667 = tpu.memref_slice %arg2[%dma_start3A_665, %dma_start3A_666] : memref<10000x128xf32, #tpu.memory_space<hbm>> -> memref<10000x128xf32, #tpu.memory_space<hbm>>
        tpu.enqueue_indirect_dma source(%dma_start3A_667 : memref<10000x128xf32, #tpu.memory_space<hbm>>) target(%dma_start3A_664 : memref<20x128xf32, #tpu.memory_space<vmem>>) offsets(%arg25 : memref<20xi32, #tpu.memory_space<vmem>>) semaphore(%arg61 : memref<!tpu.dma_semaphore, #tpu.memory_space<semaphore_mem>>)
        %dma_start3A_668 = arith.constant 0 : i32
        %dma_start3A_669 = arith.constant 0 : i32
        %dma_start3A_670 = tpu.memref_slice %arg11[%dma_start3A_668, %dma_start3A_669] : memref<200x128xf32, #tpu.memory_space<vmem_shared>> -> memref<200x128xf32, #tpu.memory_space<vmem_shared>>
        tpu.enqueue_indirect_dma source(%dma_start3A_670 : memref<200x128xf32, #tpu.memory_space<vmem_shared>>) target(%arg49 : memref<40x128xf32, #tpu.memory_space<vmem>>) offsets(%arg33 : memref<40xi32, #tpu.memory_space<vmem>>) semaphore(%arg69 : memref<!tpu.dma_semaphore, #tpu.memory_space<semaphore_mem>>)
      } else {
      }
      %le3A_447 = arith.constant 249 : i32
      %le3A_448 = arith.cmpi sle, %add3A_412, %le3A_447 : i32
      %convert_element_type3A_449 = arith.extui %le3A_448 : i1 to i32
      %cond3A_450 = arith.constant 0 : i32
      %cond3A_451 = arith.cmpi ne, %convert_element_type3A_449, %cond3A_450 : i32
      scf.if %cond3A_451 {
        %add3A_624 = arith.constant 6 : i32
        %add3A_625 = arith.addi %add3A_412, %add3A_624 : i32
        %dma_start3A_626 = arith.constant 0 : i32
        %dma_start3A_627 = tpu.memref_slice %arg4[%add3A, %add3A_625, %dma_start3A_626] : memref<32x256x20xi32, #tpu.memory_space<hbm>> -> memref<1x1x20xi32, #tpu.memory_space<hbm>>
        %dma_start3A_628 = tpu.memref_squeeze %dma_start3A_627 : memref<1x1x20xi32, #tpu.memory_space<hbm>> -> memref<20xi32, #tpu.memory_space<hbm>>
        %dma_start3A_629 = arith.constant 0 : i32
        %dma_start3A_630 = tpu.memref_slice %arg4[%add3A, %add3A_625, %dma_start3A_629] : memref<32x256x20xi32, #tpu.memory_space<hbm>> -> memref<1x1x20xi32, #tpu.memory_space<hbm>>
        %dma_start3A_631 = tpu.memref_squeeze %dma_start3A_630 : memref<1x1x20xi32, #tpu.memory_space<hbm>> -> memref<20xi32, #tpu.memory_space<hbm>>
        tpu.enqueue_dma source(%dma_start3A_631 : memref<20xi32, #tpu.memory_space<hbm>>) target(%arg13 : memref<20xi32, #tpu.memory_space<vmem>>) target_semaphore(%arg53 : memref<!tpu.dma_semaphore, #tpu.memory_space<semaphore_mem>>)
        %dma_start3A_632 = arith.constant 0 : i32
        %dma_start3A_633 = tpu.memref_slice %arg5[%add3A, %add3A_625, %dma_start3A_632] : memref<32x256x20xi32, #tpu.memory_space<hbm>> -> memref<1x1x20xi32, #tpu.memory_space<hbm>>
        %dma_start3A_634 = tpu.memref_squeeze %dma_start3A_633 : memref<1x1x20xi32, #tpu.memory_space<hbm>> -> memref<20xi32, #tpu.memory_space<hbm>>
        %dma_start3A_635 = arith.constant 0 : i32
        %dma_start3A_636 = tpu.memref_slice %arg5[%add3A, %add3A_625, %dma_start3A_635] : memref<32x256x20xi32, #tpu.memory_space<hbm>> -> memref<1x1x20xi32, #tpu.memory_space<hbm>>
        %dma_start3A_637 = tpu.memref_squeeze %dma_start3A_636 : memref<1x1x20xi32, #tpu.memory_space<hbm>> -> memref<20xi32, #tpu.memory_space<hbm>>
        tpu.enqueue_dma source(%dma_start3A_637 : memref<20xi32, #tpu.memory_space<hbm>>) target(%arg21 : memref<20xi32, #tpu.memory_space<vmem>>) target_semaphore(%arg53 : memref<!tpu.dma_semaphore, #tpu.memory_space<semaphore_mem>>)
        %dma_start3A_638 = arith.constant 0 : i32
        %dma_start3A_639 = tpu.memref_slice %arg6[%add3A, %add3A_625, %dma_start3A_638] : memref<32x256x40xi32, #tpu.memory_space<hbm>> -> memref<1x1x40xi32, #tpu.memory_space<hbm>>
        %dma_start3A_640 = tpu.memref_squeeze %dma_start3A_639 : memref<1x1x40xi32, #tpu.memory_space<hbm>> -> memref<40xi32, #tpu.memory_space<hbm>>
        %dma_start3A_641 = arith.constant 0 : i32
        %dma_start3A_642 = tpu.memref_slice %arg6[%add3A, %add3A_625, %dma_start3A_641] : memref<32x256x40xi32, #tpu.memory_space<hbm>> -> memref<1x1x40xi32, #tpu.memory_space<hbm>>
        %dma_start3A_643 = tpu.memref_squeeze %dma_start3A_642 : memref<1x1x40xi32, #tpu.memory_space<hbm>> -> memref<40xi32, #tpu.memory_space<hbm>>
        tpu.enqueue_dma source(%dma_start3A_643 : memref<40xi32, #tpu.memory_space<hbm>>) target(%arg29 : memref<40xi32, #tpu.memory_space<vmem>>) target_semaphore(%arg53 : memref<!tpu.dma_semaphore, #tpu.memory_space<semaphore_mem>>)
        %dma_start3A_644 = arith.constant 0 : i32
        %dma_start3A_645 = tpu.memref_slice %arg7[%add3A, %add3A_625, %dma_start3A_644] : memref<32x256x40xi32, #tpu.memory_space<hbm>> -> memref<1x1x40xi32, #tpu.memory_space<hbm>>
        %dma_start3A_646 = tpu.memref_squeeze %dma_start3A_645 : memref<1x1x40xi32, #tpu.memory_space<hbm>> -> memref<40xi32, #tpu.memory_space<hbm>>
        %dma_start3A_647 = arith.constant 0 : i32
        %dma_start3A_648 = tpu.memref_slice %arg7[%add3A, %add3A_625, %dma_start3A_647] : memref<32x256x40xi32, #tpu.memory_space<hbm>> -> memref<1x1x40xi32, #tpu.memory_space<hbm>>
        %dma_start3A_649 = tpu.memref_squeeze %dma_start3A_648 : memref<1x1x40xi32, #tpu.memory_space<hbm>> -> memref<40xi32, #tpu.memory_space<hbm>>
        tpu.enqueue_dma source(%dma_start3A_649 : memref<40xi32, #tpu.memory_space<hbm>>) target(%arg37 : memref<40xi32, #tpu.memory_space<vmem>>) target_semaphore(%arg53 : memref<!tpu.dma_semaphore, #tpu.memory_space<semaphore_mem>>)
      } else {
      }
      %mul3A_452 = arith.constant 8 : i32
      %mul3A_453 = arith.muli %mul3A_452, %scan3A_281 : i32
      %add3A_454 = arith.constant 4 : i32
      %add3A_455 = arith.addi %mul3A_453, %add3A_454 : i32
      %dma_wait3A_456 = arith.constant 0 : i32
      %dma_wait3A_457 = arith.constant 0 : i32
      %dma_wait3A_458 = tpu.memref_slice %arg44[%dma_wait3A_456, %dma_wait3A_457] : memref<40x128xf32, #tpu.memory_space<vmem>> -> memref<20x128xf32, #tpu.memory_space<vmem>>
      %dma_wait3A_459 = arith.constant 0 : i32
      %dma_wait3A_460 = arith.constant 0 : i32
      %dma_wait3A_461 = tpu.memref_slice %arg2[%dma_wait3A_459, %dma_wait3A_460] : memref<10000x128xf32, #tpu.memory_space<hbm>> -> memref<10000x128xf32, #tpu.memory_space<hbm>>
      tpu.wait_indirect_dma semaphore(%arg60 : memref<!tpu.dma_semaphore, #tpu.memory_space<semaphore_mem>>) src(%dma_wait3A_461 : memref<10000x128xf32, #tpu.memory_space<hbm>>) dst(%dma_wait3A_458 : memref<20x128xf32, #tpu.memory_space<vmem>>)
      %dma_wait3A_462 = arith.constant 20 : i32
      %dma_wait3A_463 = arith.constant 0 : i32
      %dma_wait3A_464 = tpu.memref_slice %arg44[%dma_wait3A_462, %dma_wait3A_463] : memref<40x128xf32, #tpu.memory_space<vmem>> -> memref<20x128xf32, #tpu.memory_space<vmem>>
      %dma_wait3A_465 = arith.constant 0 : i32
      %dma_wait3A_466 = arith.constant 0 : i32
      %dma_wait3A_467 = tpu.memref_slice %arg2[%dma_wait3A_465, %dma_wait3A_466] : memref<10000x128xf32, #tpu.memory_space<hbm>> -> memref<10000x128xf32, #tpu.memory_space<hbm>>
      tpu.wait_indirect_dma semaphore(%arg60 : memref<!tpu.dma_semaphore, #tpu.memory_space<semaphore_mem>>) src(%dma_wait3A_467 : memref<10000x128xf32, #tpu.memory_space<hbm>>) dst(%dma_wait3A_464 : memref<20x128xf32, #tpu.memory_space<vmem>>)
      %dma_wait3A_468 = arith.constant 0 : i32
      %dma_wait3A_469 = arith.constant 0 : i32
      %dma_wait3A_470 = tpu.memref_slice %arg11[%dma_wait3A_468, %dma_wait3A_469] : memref<200x128xf32, #tpu.memory_space<vmem_shared>> -> memref<200x128xf32, #tpu.memory_space<vmem_shared>>
      tpu.wait_indirect_dma semaphore(%arg68 : memref<!tpu.dma_semaphore, #tpu.memory_space<semaphore_mem>>) src(%dma_wait3A_470 : memref<200x128xf32, #tpu.memory_space<vmem_shared>>) dst(%arg48 : memref<40x128xf32, #tpu.memory_space<vmem>>)
      %scan3A_471 = arith.constant 0 : i32
      %scan3A_472 = arith.constant 0 : i32
      %scan3A_473 = arith.constant 40 : i32
      %scan3A_474 = arith.addi %scan3A_472, %scan3A_473 : i32
      %scan3A_475 = arith.constant 1 : i32
      scf.for %scan3A_624 = %scan3A_472 to %scan3A_474 step %scan3A_475  : i32 {
        %get3A = arith.index_cast %scan3A_624 : i32 to index
        %get3A_625 = arith.constant 0 : index
        %get3A_626 = tpu.vector_load %arg44[%get3A, %get3A_625] {strides = array<i32>} : memref<40x128xf32, #tpu.memory_space<vmem>>, vector<1x16xf32>,
        %get3A_627 = vector.shape_cast %get3A_626 : vector<1x16xf32> to vector<16xf32>
        %get3A_628 = arith.index_cast %scan3A_624 : i32 to index
        %get3A_629 = arith.constant 0 : index
        %get3A_630 = tpu.vector_load %arg48[%get3A_628, %get3A_629] {strides = array<i32>} : memref<40x128xf32, #tpu.memory_space<vmem>>, vector<1x16xf32>,
        %get3A_631 = vector.shape_cast %get3A_630 : vector<1x16xf32> to vector<16xf32>
        %add3A_632 = arith.addf %get3A_627, %get3A_631 : vector<16xf32>
        %swap3A = arith.index_cast %scan3A_624 : i32 to index
        %swap3A_633 = arith.constant 0 : index
        %swap3A_634 = tpu.vector_load %arg44[%swap3A, %swap3A_633] {strides = array<i32>} : memref<40x128xf32, #tpu.memory_space<vmem>>, vector<1x16xf32>,
        %swap3A_635 = vector.shape_cast %swap3A_634 : vector<1x16xf32> to vector<16xf32>
        %swap3A_636 = vector.shape_cast %add3A_632 : vector<16xf32> to vector<1x16xf32>
        tpu.vector_store %arg44[%swap3A, %swap3A_633], %swap3A_636 {strides = array<i32>} : memref<40x128xf32, #tpu.memory_space<vmem>>, vector<1x16xf32>,
        %get3A_637 = arith.index_cast %scan3A_624 : i32 to index
        %get3A_638 = arith.constant 16 : index
        %get3A_639 = tpu.vector_load %arg44[%get3A_637, %get3A_638] {strides = array<i32>} : memref<40x128xf32, #tpu.memory_space<vmem>>, vector<1x16xf32>,
        %get3A_640 = vector.shape_cast %get3A_639 : vector<1x16xf32> to vector<16xf32>
        %get3A_641 = arith.index_cast %scan3A_624 : i32 to index
        %get3A_642 = arith.constant 16 : index
        %get3A_643 = tpu.vector_load %arg48[%get3A_641, %get3A_642] {strides = array<i32>} : memref<40x128xf32, #tpu.memory_space<vmem>>, vector<1x16xf32>,
        %get3A_644 = vector.shape_cast %get3A_643 : vector<1x16xf32> to vector<16xf32>
        %add3A_645 = arith.addf %get3A_640, %get3A_644 : vector<16xf32>
        %swap3A_646 = arith.index_cast %scan3A_624 : i32 to index
        %swap3A_647 = arith.constant 16 : index
        %swap3A_648 = tpu.vector_load %arg44[%swap3A_646, %swap3A_647] {strides = array<i32>} : memref<40x128xf32, #tpu.memory_space<vmem>>, vector<1x16xf32>,
        %swap3A_649 = vector.shape_cast %swap3A_648 : vector<1x16xf32> to vector<16xf32>
        %swap3A_650 = vector.shape_cast %add3A_645 : vector<16xf32> to vector<1x16xf32>
        tpu.vector_store %arg44[%swap3A_646, %swap3A_647], %swap3A_650 {strides = array<i32>} : memref<40x128xf32, #tpu.memory_space<vmem>>, vector<1x16xf32>,
        %get3A_651 = arith.index_cast %scan3A_624 : i32 to index
        %get3A_652 = arith.constant 32 : index
        %get3A_653 = tpu.vector_load %arg44[%get3A_651, %get3A_652] {strides = array<i32>} : memref<40x128xf32, #tpu.memory_space<vmem>>, vector<1x16xf32>,
        %get3A_654 = vector.shape_cast %get3A_653 : vector<1x16xf32> to vector<16xf32>
        %get3A_655 = arith.index_cast %scan3A_624 : i32 to index
        %get3A_656 = arith.constant 32 : index
        %get3A_657 = tpu.vector_load %arg48[%get3A_655, %get3A_656] {strides = array<i32>} : memref<40x128xf32, #tpu.memory_space<vmem>>, vector<1x16xf32>,
        %get3A_658 = vector.shape_cast %get3A_657 : vector<1x16xf32> to vector<16xf32>
        %add3A_659 = arith.addf %get3A_654, %get3A_658 : vector<16xf32>
        %swap3A_660 = arith.index_cast %scan3A_624 : i32 to index
        %swap3A_661 = arith.constant 32 : index
        %swap3A_662 = tpu.vector_load %arg44[%swap3A_660, %swap3A_661] {strides = array<i32>} : memref<40x128xf32, #tpu.memory_space<vmem>>, vector<1x16xf32>,
        %swap3A_663 = vector.shape_cast %swap3A_662 : vector<1x16xf32> to vector<16xf32>
        %swap3A_664 = vector.shape_cast %add3A_659 : vector<16xf32> to vector<1x16xf32>
        tpu.vector_store %arg44[%swap3A_660, %swap3A_661], %swap3A_664 {strides = array<i32>} : memref<40x128xf32, #tpu.memory_space<vmem>>, vector<1x16xf32>,
        %get3A_665 = arith.index_cast %scan3A_624 : i32 to index
        %get3A_666 = arith.constant 48 : index
        %get3A_667 = tpu.vector_load %arg44[%get3A_665, %get3A_666] {strides = array<i32>} : memref<40x128xf32, #tpu.memory_space<vmem>>, vector<1x16xf32>,
        %get3A_668 = vector.shape_cast %get3A_667 : vector<1x16xf32> to vector<16xf32>
        %get3A_669 = arith.index_cast %scan3A_624 : i32 to index
        %get3A_670 = arith.constant 48 : index
        %get3A_671 = tpu.vector_load %arg48[%get3A_669, %get3A_670] {strides = array<i32>} : memref<40x128xf32, #tpu.memory_space<vmem>>, vector<1x16xf32>,
        %get3A_672 = vector.shape_cast %get3A_671 : vector<1x16xf32> to vector<16xf32>
        %add3A_673 = arith.addf %get3A_668, %get3A_672 : vector<16xf32>
        %swap3A_674 = arith.index_cast %scan3A_624 : i32 to index
        %swap3A_675 = arith.constant 48 : index
        %swap3A_676 = tpu.vector_load %arg44[%swap3A_674, %swap3A_675] {strides = array<i32>} : memref<40x128xf32, #tpu.memory_space<vmem>>, vector<1x16xf32>,
        %swap3A_677 = vector.shape_cast %swap3A_676 : vector<1x16xf32> to vector<16xf32>
        %swap3A_678 = vector.shape_cast %add3A_673 : vector<16xf32> to vector<1x16xf32>
        tpu.vector_store %arg44[%swap3A_674, %swap3A_675], %swap3A_678 {strides = array<i32>} : memref<40x128xf32, #tpu.memory_space<vmem>>, vector<1x16xf32>,
        %get3A_679 = arith.index_cast %scan3A_624 : i32 to index
        %get3A_680 = arith.constant 64 : index
        %get3A_681 = tpu.vector_load %arg44[%get3A_679, %get3A_680] {strides = array<i32>} : memref<40x128xf32, #tpu.memory_space<vmem>>, vector<1x16xf32>,
        %get3A_682 = vector.shape_cast %get3A_681 : vector<1x16xf32> to vector<16xf32>
        %get3A_683 = arith.index_cast %scan3A_624 : i32 to index
        %get3A_684 = arith.constant 64 : index
        %get3A_685 = tpu.vector_load %arg48[%get3A_683, %get3A_684] {strides = array<i32>} : memref<40x128xf32, #tpu.memory_space<vmem>>, vector<1x16xf32>,
        %get3A_686 = vector.shape_cast %get3A_685 : vector<1x16xf32> to vector<16xf32>
        %add3A_687 = arith.addf %get3A_682, %get3A_686 : vector<16xf32>
        %swap3A_688 = arith.index_cast %scan3A_624 : i32 to index
        %swap3A_689 = arith.constant 64 : index
        %swap3A_690 = tpu.vector_load %arg44[%swap3A_688, %swap3A_689] {strides = array<i32>} : memref<40x128xf32, #tpu.memory_space<vmem>>, vector<1x16xf32>,
        %swap3A_691 = vector.shape_cast %swap3A_690 : vector<1x16xf32> to vector<16xf32>
        %swap3A_692 = vector.shape_cast %add3A_687 : vector<16xf32> to vector<1x16xf32>
        tpu.vector_store %arg44[%swap3A_688, %swap3A_689], %swap3A_692 {strides = array<i32>} : memref<40x128xf32, #tpu.memory_space<vmem>>, vector<1x16xf32>,
        %get3A_693 = arith.index_cast %scan3A_624 : i32 to index
        %get3A_694 = arith.constant 80 : index
        %get3A_695 = tpu.vector_load %arg44[%get3A_693, %get3A_694] {strides = array<i32>} : memref<40x128xf32, #tpu.memory_space<vmem>>, vector<1x16xf32>,
        %get3A_696 = vector.shape_cast %get3A_695 : vector<1x16xf32> to vector<16xf32>
        %get3A_697 = arith.index_cast %scan3A_624 : i32 to index
        %get3A_698 = arith.constant 80 : index
        %get3A_699 = tpu.vector_load %arg48[%get3A_697, %get3A_698] {strides = array<i32>} : memref<40x128xf32, #tpu.memory_space<vmem>>, vector<1x16xf32>,
        %get3A_700 = vector.shape_cast %get3A_699 : vector<1x16xf32> to vector<16xf32>
        %add3A_701 = arith.addf %get3A_696, %get3A_700 : vector<16xf32>
        %swap3A_702 = arith.index_cast %scan3A_624 : i32 to index
        %swap3A_703 = arith.constant 80 : index
        %swap3A_704 = tpu.vector_load %arg44[%swap3A_702, %swap3A_703] {strides = array<i32>} : memref<40x128xf32, #tpu.memory_space<vmem>>, vector<1x16xf32>,
        %swap3A_705 = vector.shape_cast %swap3A_704 : vector<1x16xf32> to vector<16xf32>
        %swap3A_706 = vector.shape_cast %add3A_701 : vector<16xf32> to vector<1x16xf32>
        tpu.vector_store %arg44[%swap3A_702, %swap3A_703], %swap3A_706 {strides = array<i32>} : memref<40x128xf32, #tpu.memory_space<vmem>>, vector<1x16xf32>,
        %get3A_707 = arith.index_cast %scan3A_624 : i32 to index
        %get3A_708 = arith.constant 96 : index
        %get3A_709 = tpu.vector_load %arg44[%get3A_707, %get3A_708] {strides = array<i32>} : memref<40x128xf32, #tpu.memory_space<vmem>>, vector<1x16xf32>,
        %get3A_710 = vector.shape_cast %get3A_709 : vector<1x16xf32> to vector<16xf32>
        %get3A_711 = arith.index_cast %scan3A_624 : i32 to index
        %get3A_712 = arith.constant 96 : index
        %get3A_713 = tpu.vector_load %arg48[%get3A_711, %get3A_712] {strides = array<i32>} : memref<40x128xf32, #tpu.memory_space<vmem>>, vector<1x16xf32>,
        %get3A_714 = vector.shape_cast %get3A_713 : vector<1x16xf32> to vector<16xf32>
        %add3A_715 = arith.addf %get3A_710, %get3A_714 : vector<16xf32>
        %swap3A_716 = arith.index_cast %scan3A_624 : i32 to index
        %swap3A_717 = arith.constant 96 : index
        %swap3A_718 = tpu.vector_load %arg44[%swap3A_716, %swap3A_717] {strides = array<i32>} : memref<40x128xf32, #tpu.memory_space<vmem>>, vector<1x16xf32>,
        %swap3A_719 = vector.shape_cast %swap3A_718 : vector<1x16xf32> to vector<16xf32>
        %swap3A_720 = vector.shape_cast %add3A_715 : vector<16xf32> to vector<1x16xf32>
        tpu.vector_store %arg44[%swap3A_716, %swap3A_717], %swap3A_720 {strides = array<i32>} : memref<40x128xf32, #tpu.memory_space<vmem>>, vector<1x16xf32>,
        %get3A_721 = arith.index_cast %scan3A_624 : i32 to index
        %get3A_722 = arith.constant 112 : index
        %get3A_723 = tpu.vector_load %arg44[%get3A_721, %get3A_722] {strides = array<i32>} : memref<40x128xf32, #tpu.memory_space<vmem>>, vector<1x16xf32>,
        %get3A_724 = vector.shape_cast %get3A_723 : vector<1x16xf32> to vector<16xf32>
        %get3A_725 = arith.index_cast %scan3A_624 : i32 to index
        %get3A_726 = arith.constant 112 : index
        %get3A_727 = tpu.vector_load %arg48[%get3A_725, %get3A_726] {strides = array<i32>} : memref<40x128xf32, #tpu.memory_space<vmem>>, vector<1x16xf32>,
        %get3A_728 = vector.shape_cast %get3A_727 : vector<1x16xf32> to vector<16xf32>
        %add3A_729 = arith.addf %get3A_724, %get3A_728 : vector<16xf32>
        %swap3A_730 = arith.index_cast %scan3A_624 : i32 to index
        %swap3A_731 = arith.constant 112 : index
        %swap3A_732 = tpu.vector_load %arg44[%swap3A_730, %swap3A_731] {strides = array<i32>} : memref<40x128xf32, #tpu.memory_space<vmem>>, vector<1x16xf32>,
        %swap3A_733 = vector.shape_cast %swap3A_732 : vector<1x16xf32> to vector<16xf32>
        %swap3A_734 = vector.shape_cast %add3A_729 : vector<16xf32> to vector<1x16xf32>
        tpu.vector_store %arg44[%swap3A_730, %swap3A_731], %swap3A_734 {strides = array<i32>} : memref<40x128xf32, #tpu.memory_space<vmem>>, vector<1x16xf32>,
      }
      %scan3A_476 = arith.constant 40 : i32
      %dma_start3A_477 = arith.constant 0 : i32
      %dma_start3A_478 = arith.constant 0 : i32
      %dma_start3A_479 = tpu.memref_slice %arg10[%dma_start3A_477, %dma_start3A_478] : memref<10240x128xf32, #tpu.memory_space<vmem_shared>> -> memref<10240x128xf32, #tpu.memory_space<vmem_shared>>
      tpu.enqueue_indirect_dma source(%arg44 : memref<40x128xf32, #tpu.memory_space<vmem>>) target(%dma_start3A_479 : memref<10240x128xf32, #tpu.memory_space<vmem_shared>>) offsets(%arg40 : memref<40xi32, #tpu.memory_space<vmem>>) semaphore(%arg64 : memref<!tpu.dma_semaphore, #tpu.memory_space<semaphore_mem>>) {add = true}
      %ge3A_480 = arith.constant 2 : i32
      %ge3A_481 = arith.cmpi sge, %add3A_455, %ge3A_480 : i32
      %convert_element_type3A_482 = arith.extui %ge3A_481 : i1 to i32
      %cond3A_483 = arith.constant 0 : i32
      %cond3A_484 = arith.cmpi ne, %convert_element_type3A_482, %cond3A_483 : i32
      scf.if %cond3A_484 {
        %dma_wait3A_624 = arith.constant 0 : i32
        %dma_wait3A_625 = arith.constant 0 : i32
        %dma_wait3A_626 = tpu.memref_slice %arg10[%dma_wait3A_624, %dma_wait3A_625] : memref<10240x128xf32, #tpu.memory_space<vmem_shared>> -> memref<10240x128xf32, #tpu.memory_space<vmem_shared>>
        tpu.wait_indirect_dma semaphore(%arg66 : memref<!tpu.dma_semaphore, #tpu.memory_space<semaphore_mem>>) src(%arg46 : memref<40x128xf32, #tpu.memory_space<vmem>>) dst(%dma_wait3A_626 : memref<10240x128xf32, #tpu.memory_space<vmem_shared>>)
      } else {
      }
      %le3A_485 = arith.constant 253 : i32
      %le3A_486 = arith.cmpi sle, %add3A_455, %le3A_485 : i32
      %convert_element_type3A_487 = arith.extui %le3A_486 : i1 to i32
      %cond3A_488 = arith.constant 0 : i32
      %cond3A_489 = arith.cmpi ne, %convert_element_type3A_487, %cond3A_488 : i32
      scf.if %cond3A_489 {
        %dma_wait3A_624 = arith.constant 0 : i32
        %dma_wait3A_625 = arith.constant 0 : i32
        %dma_wait3A_626 = arith.constant 0 : i32
        %dma_wait3A_627 = tpu.memref_slice %arg4[%dma_wait3A_624, %dma_wait3A_625, %dma_wait3A_626] : memref<32x256x20xi32, #tpu.memory_space<hbm>> -> memref<1x1x20xi32, #tpu.memory_space<hbm>>
        %dma_wait3A_628 = tpu.memref_squeeze %dma_wait3A_627 : memref<1x1x20xi32, #tpu.memory_space<hbm>> -> memref<20xi32, #tpu.memory_space<hbm>>
        %dma_wait3A_629 = arith.constant 0 : i32
        %dma_wait3A_630 = tpu.memref_slice %arg4[%dma_wait3A_624, %dma_wait3A_625, %dma_wait3A_629] : memref<32x256x20xi32, #tpu.memory_space<hbm>> -> memref<1x1x20xi32, #tpu.memory_space<hbm>>
        %dma_wait3A_631 = tpu.memref_squeeze %dma_wait3A_630 : memref<1x1x20xi32, #tpu.memory_space<hbm>> -> memref<20xi32, #tpu.memory_space<hbm>>
        tpu.wait_dma2 semaphore(%arg58 : memref<!tpu.dma_semaphore, #tpu.memory_space<semaphore_mem>>) src(%dma_wait3A_631 : memref<20xi32, #tpu.memory_space<hbm>>) dst(%arg18 : memref<20xi32, #tpu.memory_space<vmem>>)
        %dma_wait3A_632 = arith.constant 0 : i32
        %dma_wait3A_633 = arith.constant 0 : i32
        %dma_wait3A_634 = arith.constant 0 : i32
        %dma_wait3A_635 = tpu.memref_slice %arg5[%dma_wait3A_632, %dma_wait3A_633, %dma_wait3A_634] : memref<32x256x20xi32, #tpu.memory_space<hbm>> -> memref<1x1x20xi32, #tpu.memory_space<hbm>>
        %dma_wait3A_636 = tpu.memref_squeeze %dma_wait3A_635 : memref<1x1x20xi32, #tpu.memory_space<hbm>> -> memref<20xi32, #tpu.memory_space<hbm>>
        %dma_wait3A_637 = arith.constant 0 : i32
        %dma_wait3A_638 = tpu.memref_slice %arg5[%dma_wait3A_632, %dma_wait3A_633, %dma_wait3A_637] : memref<32x256x20xi32, #tpu.memory_space<hbm>> -> memref<1x1x20xi32, #tpu.memory_space<hbm>>
        %dma_wait3A_639 = tpu.memref_squeeze %dma_wait3A_638 : memref<1x1x20xi32, #tpu.memory_space<hbm>> -> memref<20xi32, #tpu.memory_space<hbm>>
        tpu.wait_dma2 semaphore(%arg58 : memref<!tpu.dma_semaphore, #tpu.memory_space<semaphore_mem>>) src(%dma_wait3A_639 : memref<20xi32, #tpu.memory_space<hbm>>) dst(%arg26 : memref<20xi32, #tpu.memory_space<vmem>>)
        %dma_wait3A_640 = arith.constant 0 : i32
        %dma_wait3A_641 = arith.constant 0 : i32
        %dma_wait3A_642 = arith.constant 0 : i32
        %dma_wait3A_643 = tpu.memref_slice %arg6[%dma_wait3A_640, %dma_wait3A_641, %dma_wait3A_642] : memref<32x256x40xi32, #tpu.memory_space<hbm>> -> memref<1x1x40xi32, #tpu.memory_space<hbm>>
        %dma_wait3A_644 = tpu.memref_squeeze %dma_wait3A_643 : memref<1x1x40xi32, #tpu.memory_space<hbm>> -> memref<40xi32, #tpu.memory_space<hbm>>
        %dma_wait3A_645 = arith.constant 0 : i32
        %dma_wait3A_646 = tpu.memref_slice %arg6[%dma_wait3A_640, %dma_wait3A_641, %dma_wait3A_645] : memref<32x256x40xi32, #tpu.memory_space<hbm>> -> memref<1x1x40xi32, #tpu.memory_space<hbm>>
        %dma_wait3A_647 = tpu.memref_squeeze %dma_wait3A_646 : memref<1x1x40xi32, #tpu.memory_space<hbm>> -> memref<40xi32, #tpu.memory_space<hbm>>
        tpu.wait_dma2 semaphore(%arg58 : memref<!tpu.dma_semaphore, #tpu.memory_space<semaphore_mem>>) src(%dma_wait3A_647 : memref<40xi32, #tpu.memory_space<hbm>>) dst(%arg34 : memref<40xi32, #tpu.memory_space<vmem>>)
        %dma_wait3A_648 = arith.constant 0 : i32
        %dma_wait3A_649 = arith.constant 0 : i32
        %dma_wait3A_650 = arith.constant 0 : i32
        %dma_wait3A_651 = tpu.memref_slice %arg7[%dma_wait3A_648, %dma_wait3A_649, %dma_wait3A_650] : memref<32x256x40xi32, #tpu.memory_space<hbm>> -> memref<1x1x40xi32, #tpu.memory_space<hbm>>
        %dma_wait3A_652 = tpu.memref_squeeze %dma_wait3A_651 : memref<1x1x40xi32, #tpu.memory_space<hbm>> -> memref<40xi32, #tpu.memory_space<hbm>>
        %dma_wait3A_653 = arith.constant 0 : i32
        %dma_wait3A_654 = tpu.memref_slice %arg7[%dma_wait3A_648, %dma_wait3A_649, %dma_wait3A_653] : memref<32x256x40xi32, #tpu.memory_space<hbm>> -> memref<1x1x40xi32, #tpu.memory_space<hbm>>
        %dma_wait3A_655 = tpu.memref_squeeze %dma_wait3A_654 : memref<1x1x40xi32, #tpu.memory_space<hbm>> -> memref<40xi32, #tpu.memory_space<hbm>>
        tpu.wait_dma2 semaphore(%arg58 : memref<!tpu.dma_semaphore, #tpu.memory_space<semaphore_mem>>) src(%dma_wait3A_655 : memref<40xi32, #tpu.memory_space<hbm>>) dst(%arg42 : memref<40xi32, #tpu.memory_space<vmem>>)
        %dma_start3A_656 = arith.constant 0 : i32
        %dma_start3A_657 = arith.constant 0 : i32
        %dma_start3A_658 = tpu.memref_slice %arg46[%dma_start3A_656, %dma_start3A_657] : memref<40x128xf32, #tpu.memory_space<vmem>> -> memref<20x128xf32, #tpu.memory_space<vmem>>
        %dma_start3A_659 = arith.constant 0 : i32
        %dma_start3A_660 = arith.constant 0 : i32
        %dma_start3A_661 = tpu.memref_slice %arg2[%dma_start3A_659, %dma_start3A_660] : memref<10000x128xf32, #tpu.memory_space<hbm>> -> memref<10000x128xf32, #tpu.memory_space<hbm>>
        tpu.enqueue_indirect_dma source(%dma_start3A_661 : memref<10000x128xf32, #tpu.memory_space<hbm>>) target(%dma_start3A_658 : memref<20x128xf32, #tpu.memory_space<vmem>>) offsets(%arg18 : memref<20xi32, #tpu.memory_space<vmem>>) semaphore(%arg62 : memref<!tpu.dma_semaphore, #tpu.memory_space<semaphore_mem>>)
        %dma_start3A_662 = arith.constant 20 : i32
        %dma_start3A_663 = arith.constant 0 : i32
        %dma_start3A_664 = tpu.memref_slice %arg46[%dma_start3A_662, %dma_start3A_663] : memref<40x128xf32, #tpu.memory_space<vmem>> -> memref<20x128xf32, #tpu.memory_space<vmem>>
        %dma_start3A_665 = arith.constant 0 : i32
        %dma_start3A_666 = arith.constant 0 : i32
        %dma_start3A_667 = tpu.memref_slice %arg2[%dma_start3A_665, %dma_start3A_666] : memref<10000x128xf32, #tpu.memory_space<hbm>> -> memref<10000x128xf32, #tpu.memory_space<hbm>>
        tpu.enqueue_indirect_dma source(%dma_start3A_667 : memref<10000x128xf32, #tpu.memory_space<hbm>>) target(%dma_start3A_664 : memref<20x128xf32, #tpu.memory_space<vmem>>) offsets(%arg26 : memref<20xi32, #tpu.memory_space<vmem>>) semaphore(%arg62 : memref<!tpu.dma_semaphore, #tpu.memory_space<semaphore_mem>>)
        %dma_start3A_668 = arith.constant 0 : i32
        %dma_start3A_669 = arith.constant 0 : i32
        %dma_start3A_670 = tpu.memref_slice %arg11[%dma_start3A_668, %dma_start3A_669] : memref<200x128xf32, #tpu.memory_space<vmem_shared>> -> memref<200x128xf32, #tpu.memory_space<vmem_shared>>
        tpu.enqueue_indirect_dma source(%dma_start3A_670 : memref<200x128xf32, #tpu.memory_space<vmem_shared>>) target(%arg50 : memref<40x128xf32, #tpu.memory_space<vmem>>) offsets(%arg34 : memref<40xi32, #tpu.memory_space<vmem>>) semaphore(%arg70 : memref<!tpu.dma_semaphore, #tpu.memory_space<semaphore_mem>>)
      } else {
      }
      %le3A_490 = arith.constant 249 : i32
      %le3A_491 = arith.cmpi sle, %add3A_455, %le3A_490 : i32
      %convert_element_type3A_492 = arith.extui %le3A_491 : i1 to i32
      %cond3A_493 = arith.constant 0 : i32
      %cond3A_494 = arith.cmpi ne, %convert_element_type3A_492, %cond3A_493 : i32
      scf.if %cond3A_494 {
        %add3A_624 = arith.constant 6 : i32
        %add3A_625 = arith.addi %add3A_455, %add3A_624 : i32
        %dma_start3A_626 = arith.constant 0 : i32
        %dma_start3A_627 = tpu.memref_slice %arg4[%add3A, %add3A_625, %dma_start3A_626] : memref<32x256x20xi32, #tpu.memory_space<hbm>> -> memref<1x1x20xi32, #tpu.memory_space<hbm>>
        %dma_start3A_628 = tpu.memref_squeeze %dma_start3A_627 : memref<1x1x20xi32, #tpu.memory_space<hbm>> -> memref<20xi32, #tpu.memory_space<hbm>>
        %dma_start3A_629 = arith.constant 0 : i32
        %dma_start3A_630 = tpu.memref_slice %arg4[%add3A, %add3A_625, %dma_start3A_629] : memref<32x256x20xi32, #tpu.memory_space<hbm>> -> memref<1x1x20xi32, #tpu.memory_space<hbm>>
        %dma_start3A_631 = tpu.memref_squeeze %dma_start3A_630 : memref<1x1x20xi32, #tpu.memory_space<hbm>> -> memref<20xi32, #tpu.memory_space<hbm>>
        tpu.enqueue_dma source(%dma_start3A_631 : memref<20xi32, #tpu.memory_space<hbm>>) target(%arg14 : memref<20xi32, #tpu.memory_space<vmem>>) target_semaphore(%arg54 : memref<!tpu.dma_semaphore, #tpu.memory_space<semaphore_mem>>)
        %dma_start3A_632 = arith.constant 0 : i32
        %dma_start3A_633 = tpu.memref_slice %arg5[%add3A, %add3A_625, %dma_start3A_632] : memref<32x256x20xi32, #tpu.memory_space<hbm>> -> memref<1x1x20xi32, #tpu.memory_space<hbm>>
        %dma_start3A_634 = tpu.memref_squeeze %dma_start3A_633 : memref<1x1x20xi32, #tpu.memory_space<hbm>> -> memref<20xi32, #tpu.memory_space<hbm>>
        %dma_start3A_635 = arith.constant 0 : i32
        %dma_start3A_636 = tpu.memref_slice %arg5[%add3A, %add3A_625, %dma_start3A_635] : memref<32x256x20xi32, #tpu.memory_space<hbm>> -> memref<1x1x20xi32, #tpu.memory_space<hbm>>
        %dma_start3A_637 = tpu.memref_squeeze %dma_start3A_636 : memref<1x1x20xi32, #tpu.memory_space<hbm>> -> memref<20xi32, #tpu.memory_space<hbm>>
        tpu.enqueue_dma source(%dma_start3A_637 : memref<20xi32, #tpu.memory_space<hbm>>) target(%arg22 : memref<20xi32, #tpu.memory_space<vmem>>) target_semaphore(%arg54 : memref<!tpu.dma_semaphore, #tpu.memory_space<semaphore_mem>>)
        %dma_start3A_638 = arith.constant 0 : i32
        %dma_start3A_639 = tpu.memref_slice %arg6[%add3A, %add3A_625, %dma_start3A_638] : memref<32x256x40xi32, #tpu.memory_space<hbm>> -> memref<1x1x40xi32, #tpu.memory_space<hbm>>
        %dma_start3A_640 = tpu.memref_squeeze %dma_start3A_639 : memref<1x1x40xi32, #tpu.memory_space<hbm>> -> memref<40xi32, #tpu.memory_space<hbm>>
        %dma_start3A_641 = arith.constant 0 : i32
        %dma_start3A_642 = tpu.memref_slice %arg6[%add3A, %add3A_625, %dma_start3A_641] : memref<32x256x40xi32, #tpu.memory_space<hbm>> -> memref<1x1x40xi32, #tpu.memory_space<hbm>>
        %dma_start3A_643 = tpu.memref_squeeze %dma_start3A_642 : memref<1x1x40xi32, #tpu.memory_space<hbm>> -> memref<40xi32, #tpu.memory_space<hbm>>
        tpu.enqueue_dma source(%dma_start3A_643 : memref<40xi32, #tpu.memory_space<hbm>>) target(%arg30 : memref<40xi32, #tpu.memory_space<vmem>>) target_semaphore(%arg54 : memref<!tpu.dma_semaphore, #tpu.memory_space<semaphore_mem>>)
        %dma_start3A_644 = arith.constant 0 : i32
        %dma_start3A_645 = tpu.memref_slice %arg7[%add3A, %add3A_625, %dma_start3A_644] : memref<32x256x40xi32, #tpu.memory_space<hbm>> -> memref<1x1x40xi32, #tpu.memory_space<hbm>>
        %dma_start3A_646 = tpu.memref_squeeze %dma_start3A_645 : memref<1x1x40xi32, #tpu.memory_space<hbm>> -> memref<40xi32, #tpu.memory_space<hbm>>
        %dma_start3A_647 = arith.constant 0 : i32
        %dma_start3A_648 = tpu.memref_slice %arg7[%add3A, %add3A_625, %dma_start3A_647] : memref<32x256x40xi32, #tpu.memory_space<hbm>> -> memref<1x1x40xi32, #tpu.memory_space<hbm>>
        %dma_start3A_649 = tpu.memref_squeeze %dma_start3A_648 : memref<1x1x40xi32, #tpu.memory_space<hbm>> -> memref<40xi32, #tpu.memory_space<hbm>>
        tpu.enqueue_dma source(%dma_start3A_649 : memref<40xi32, #tpu.memory_space<hbm>>) target(%arg38 : memref<40xi32, #tpu.memory_space<vmem>>) target_semaphore(%arg54 : memref<!tpu.dma_semaphore, #tpu.memory_space<semaphore_mem>>)
      } else {
      }
      %mul3A_495 = arith.constant 8 : i32
      %mul3A_496 = arith.muli %mul3A_495, %scan3A_281 : i32
      %add3A_497 = arith.constant 5 : i32
      %add3A_498 = arith.addi %mul3A_496, %add3A_497 : i32
      %dma_wait3A_499 = arith.constant 0 : i32
      %dma_wait3A_500 = arith.constant 0 : i32
      %dma_wait3A_501 = tpu.memref_slice %arg45[%dma_wait3A_499, %dma_wait3A_500] : memref<40x128xf32, #tpu.memory_space<vmem>> -> memref<20x128xf32, #tpu.memory_space<vmem>>
      %dma_wait3A_502 = arith.constant 0 : i32
      %dma_wait3A_503 = arith.constant 0 : i32
      %dma_wait3A_504 = tpu.memref_slice %arg2[%dma_wait3A_502, %dma_wait3A_503] : memref<10000x128xf32, #tpu.memory_space<hbm>> -> memref<10000x128xf32, #tpu.memory_space<hbm>>
      tpu.wait_indirect_dma semaphore(%arg61 : memref<!tpu.dma_semaphore, #tpu.memory_space<semaphore_mem>>) src(%dma_wait3A_504 : memref<10000x128xf32, #tpu.memory_space<hbm>>) dst(%dma_wait3A_501 : memref<20x128xf32, #tpu.memory_space<vmem>>)
      %dma_wait3A_505 = arith.constant 20 : i32
      %dma_wait3A_506 = arith.constant 0 : i32
      %dma_wait3A_507 = tpu.memref_slice %arg45[%dma_wait3A_505, %dma_wait3A_506] : memref<40x128xf32, #tpu.memory_space<vmem>> -> memref<20x128xf32, #tpu.memory_space<vmem>>
      %dma_wait3A_508 = arith.constant 0 : i32
      %dma_wait3A_509 = arith.constant 0 : i32
      %dma_wait3A_510 = tpu.memref_slice %arg2[%dma_wait3A_508, %dma_wait3A_509] : memref<10000x128xf32, #tpu.memory_space<hbm>> -> memref<10000x128xf32, #tpu.memory_space<hbm>>
      tpu.wait_indirect_dma semaphore(%arg61 : memref<!tpu.dma_semaphore, #tpu.memory_space<semaphore_mem>>) src(%dma_wait3A_510 : memref<10000x128xf32, #tpu.memory_space<hbm>>) dst(%dma_wait3A_507 : memref<20x128xf32, #tpu.memory_space<vmem>>)
      %dma_wait3A_511 = arith.constant 0 : i32
      %dma_wait3A_512 = arith.constant 0 : i32
      %dma_wait3A_513 = tpu.memref_slice %arg11[%dma_wait3A_511, %dma_wait3A_512] : memref<200x128xf32, #tpu.memory_space<vmem_shared>> -> memref<200x128xf32, #tpu.memory_space<vmem_shared>>
      tpu.wait_indirect_dma semaphore(%arg69 : memref<!tpu.dma_semaphore, #tpu.memory_space<semaphore_mem>>) src(%dma_wait3A_513 : memref<200x128xf32, #tpu.memory_space<vmem_shared>>) dst(%arg49 : memref<40x128xf32, #tpu.memory_space<vmem>>)
      %scan3A_514 = arith.constant 0 : i32
      %scan3A_515 = arith.constant 0 : i32
      %scan3A_516 = arith.constant 40 : i32
      %scan3A_517 = arith.addi %scan3A_515, %scan3A_516 : i32
      %scan3A_518 = arith.constant 1 : i32
      scf.for %scan3A_624 = %scan3A_515 to %scan3A_517 step %scan3A_518  : i32 {
        %get3A = arith.index_cast %scan3A_624 : i32 to index
        %get3A_625 = arith.constant 0 : index
        %get3A_626 = tpu.vector_load %arg45[%get3A, %get3A_625] {strides = array<i32>} : memref<40x128xf32, #tpu.memory_space<vmem>>, vector<1x16xf32>,
        %get3A_627 = vector.shape_cast %get3A_626 : vector<1x16xf32> to vector<16xf32>
        %get3A_628 = arith.index_cast %scan3A_624 : i32 to index
        %get3A_629 = arith.constant 0 : index
        %get3A_630 = tpu.vector_load %arg49[%get3A_628, %get3A_629] {strides = array<i32>} : memref<40x128xf32, #tpu.memory_space<vmem>>, vector<1x16xf32>,
        %get3A_631 = vector.shape_cast %get3A_630 : vector<1x16xf32> to vector<16xf32>
        %add3A_632 = arith.addf %get3A_627, %get3A_631 : vector<16xf32>
        %swap3A = arith.index_cast %scan3A_624 : i32 to index
        %swap3A_633 = arith.constant 0 : index
        %swap3A_634 = tpu.vector_load %arg45[%swap3A, %swap3A_633] {strides = array<i32>} : memref<40x128xf32, #tpu.memory_space<vmem>>, vector<1x16xf32>,
        %swap3A_635 = vector.shape_cast %swap3A_634 : vector<1x16xf32> to vector<16xf32>
        %swap3A_636 = vector.shape_cast %add3A_632 : vector<16xf32> to vector<1x16xf32>
        tpu.vector_store %arg45[%swap3A, %swap3A_633], %swap3A_636 {strides = array<i32>} : memref<40x128xf32, #tpu.memory_space<vmem>>, vector<1x16xf32>,
        %get3A_637 = arith.index_cast %scan3A_624 : i32 to index
        %get3A_638 = arith.constant 16 : index
        %get3A_639 = tpu.vector_load %arg45[%get3A_637, %get3A_638] {strides = array<i32>} : memref<40x128xf32, #tpu.memory_space<vmem>>, vector<1x16xf32>,
        %get3A_640 = vector.shape_cast %get3A_639 : vector<1x16xf32> to vector<16xf32>
        %get3A_641 = arith.index_cast %scan3A_624 : i32 to index
        %get3A_642 = arith.constant 16 : index
        %get3A_643 = tpu.vector_load %arg49[%get3A_641, %get3A_642] {strides = array<i32>} : memref<40x128xf32, #tpu.memory_space<vmem>>, vector<1x16xf32>,
        %get3A_644 = vector.shape_cast %get3A_643 : vector<1x16xf32> to vector<16xf32>
        %add3A_645 = arith.addf %get3A_640, %get3A_644 : vector<16xf32>
        %swap3A_646 = arith.index_cast %scan3A_624 : i32 to index
        %swap3A_647 = arith.constant 16 : index
        %swap3A_648 = tpu.vector_load %arg45[%swap3A_646, %swap3A_647] {strides = array<i32>} : memref<40x128xf32, #tpu.memory_space<vmem>>, vector<1x16xf32>,
        %swap3A_649 = vector.shape_cast %swap3A_648 : vector<1x16xf32> to vector<16xf32>
        %swap3A_650 = vector.shape_cast %add3A_645 : vector<16xf32> to vector<1x16xf32>
        tpu.vector_store %arg45[%swap3A_646, %swap3A_647], %swap3A_650 {strides = array<i32>} : memref<40x128xf32, #tpu.memory_space<vmem>>, vector<1x16xf32>,
        %get3A_651 = arith.index_cast %scan3A_624 : i32 to index
        %get3A_652 = arith.constant 32 : index
        %get3A_653 = tpu.vector_load %arg45[%get3A_651, %get3A_652] {strides = array<i32>} : memref<40x128xf32, #tpu.memory_space<vmem>>, vector<1x16xf32>,
        %get3A_654 = vector.shape_cast %get3A_653 : vector<1x16xf32> to vector<16xf32>
        %get3A_655 = arith.index_cast %scan3A_624 : i32 to index
        %get3A_656 = arith.constant 32 : index
        %get3A_657 = tpu.vector_load %arg49[%get3A_655, %get3A_656] {strides = array<i32>} : memref<40x128xf32, #tpu.memory_space<vmem>>, vector<1x16xf32>,
        %get3A_658 = vector.shape_cast %get3A_657 : vector<1x16xf32> to vector<16xf32>
        %add3A_659 = arith.addf %get3A_654, %get3A_658 : vector<16xf32>
        %swap3A_660 = arith.index_cast %scan3A_624 : i32 to index
        %swap3A_661 = arith.constant 32 : index
        %swap3A_662 = tpu.vector_load %arg45[%swap3A_660, %swap3A_661] {strides = array<i32>} : memref<40x128xf32, #tpu.memory_space<vmem>>, vector<1x16xf32>,
        %swap3A_663 = vector.shape_cast %swap3A_662 : vector<1x16xf32> to vector<16xf32>
        %swap3A_664 = vector.shape_cast %add3A_659 : vector<16xf32> to vector<1x16xf32>
        tpu.vector_store %arg45[%swap3A_660, %swap3A_661], %swap3A_664 {strides = array<i32>} : memref<40x128xf32, #tpu.memory_space<vmem>>, vector<1x16xf32>,
        %get3A_665 = arith.index_cast %scan3A_624 : i32 to index
        %get3A_666 = arith.constant 48 : index
        %get3A_667 = tpu.vector_load %arg45[%get3A_665, %get3A_666] {strides = array<i32>} : memref<40x128xf32, #tpu.memory_space<vmem>>, vector<1x16xf32>,
        %get3A_668 = vector.shape_cast %get3A_667 : vector<1x16xf32> to vector<16xf32>
        %get3A_669 = arith.index_cast %scan3A_624 : i32 to index
        %get3A_670 = arith.constant 48 : index
        %get3A_671 = tpu.vector_load %arg49[%get3A_669, %get3A_670] {strides = array<i32>} : memref<40x128xf32, #tpu.memory_space<vmem>>, vector<1x16xf32>,
        %get3A_672 = vector.shape_cast %get3A_671 : vector<1x16xf32> to vector<16xf32>
        %add3A_673 = arith.addf %get3A_668, %get3A_672 : vector<16xf32>
        %swap3A_674 = arith.index_cast %scan3A_624 : i32 to index
        %swap3A_675 = arith.constant 48 : index
        %swap3A_676 = tpu.vector_load %arg45[%swap3A_674, %swap3A_675] {strides = array<i32>} : memref<40x128xf32, #tpu.memory_space<vmem>>, vector<1x16xf32>,
        %swap3A_677 = vector.shape_cast %swap3A_676 : vector<1x16xf32> to vector<16xf32>
        %swap3A_678 = vector.shape_cast %add3A_673 : vector<16xf32> to vector<1x16xf32>
        tpu.vector_store %arg45[%swap3A_674, %swap3A_675], %swap3A_678 {strides = array<i32>} : memref<40x128xf32, #tpu.memory_space<vmem>>, vector<1x16xf32>,
        %get3A_679 = arith.index_cast %scan3A_624 : i32 to index
        %get3A_680 = arith.constant 64 : index
        %get3A_681 = tpu.vector_load %arg45[%get3A_679, %get3A_680] {strides = array<i32>} : memref<40x128xf32, #tpu.memory_space<vmem>>, vector<1x16xf32>,
        %get3A_682 = vector.shape_cast %get3A_681 : vector<1x16xf32> to vector<16xf32>
        %get3A_683 = arith.index_cast %scan3A_624 : i32 to index
        %get3A_684 = arith.constant 64 : index
        %get3A_685 = tpu.vector_load %arg49[%get3A_683, %get3A_684] {strides = array<i32>} : memref<40x128xf32, #tpu.memory_space<vmem>>, vector<1x16xf32>,
        %get3A_686 = vector.shape_cast %get3A_685 : vector<1x16xf32> to vector<16xf32>
        %add3A_687 = arith.addf %get3A_682, %get3A_686 : vector<16xf32>
        %swap3A_688 = arith.index_cast %scan3A_624 : i32 to index
        %swap3A_689 = arith.constant 64 : index
        %swap3A_690 = tpu.vector_load %arg45[%swap3A_688, %swap3A_689] {strides = array<i32>} : memref<40x128xf32, #tpu.memory_space<vmem>>, vector<1x16xf32>,
        %swap3A_691 = vector.shape_cast %swap3A_690 : vector<1x16xf32> to vector<16xf32>
        %swap3A_692 = vector.shape_cast %add3A_687 : vector<16xf32> to vector<1x16xf32>
        tpu.vector_store %arg45[%swap3A_688, %swap3A_689], %swap3A_692 {strides = array<i32>} : memref<40x128xf32, #tpu.memory_space<vmem>>, vector<1x16xf32>,
        %get3A_693 = arith.index_cast %scan3A_624 : i32 to index
        %get3A_694 = arith.constant 80 : index
        %get3A_695 = tpu.vector_load %arg45[%get3A_693, %get3A_694] {strides = array<i32>} : memref<40x128xf32, #tpu.memory_space<vmem>>, vector<1x16xf32>,
        %get3A_696 = vector.shape_cast %get3A_695 : vector<1x16xf32> to vector<16xf32>
        %get3A_697 = arith.index_cast %scan3A_624 : i32 to index
        %get3A_698 = arith.constant 80 : index
        %get3A_699 = tpu.vector_load %arg49[%get3A_697, %get3A_698] {strides = array<i32>} : memref<40x128xf32, #tpu.memory_space<vmem>>, vector<1x16xf32>,
        %get3A_700 = vector.shape_cast %get3A_699 : vector<1x16xf32> to vector<16xf32>
        %add3A_701 = arith.addf %get3A_696, %get3A_700 : vector<16xf32>
        %swap3A_702 = arith.index_cast %scan3A_624 : i32 to index
        %swap3A_703 = arith.constant 80 : index
        %swap3A_704 = tpu.vector_load %arg45[%swap3A_702, %swap3A_703] {strides = array<i32>} : memref<40x128xf32, #tpu.memory_space<vmem>>, vector<1x16xf32>,
        %swap3A_705 = vector.shape_cast %swap3A_704 : vector<1x16xf32> to vector<16xf32>
        %swap3A_706 = vector.shape_cast %add3A_701 : vector<16xf32> to vector<1x16xf32>
        tpu.vector_store %arg45[%swap3A_702, %swap3A_703], %swap3A_706 {strides = array<i32>} : memref<40x128xf32, #tpu.memory_space<vmem>>, vector<1x16xf32>,
        %get3A_707 = arith.index_cast %scan3A_624 : i32 to index
        %get3A_708 = arith.constant 96 : index
        %get3A_709 = tpu.vector_load %arg45[%get3A_707, %get3A_708] {strides = array<i32>} : memref<40x128xf32, #tpu.memory_space<vmem>>, vector<1x16xf32>,
        %get3A_710 = vector.shape_cast %get3A_709 : vector<1x16xf32> to vector<16xf32>
        %get3A_711 = arith.index_cast %scan3A_624 : i32 to index
        %get3A_712 = arith.constant 96 : index
        %get3A_713 = tpu.vector_load %arg49[%get3A_711, %get3A_712] {strides = array<i32>} : memref<40x128xf32, #tpu.memory_space<vmem>>, vector<1x16xf32>,
        %get3A_714 = vector.shape_cast %get3A_713 : vector<1x16xf32> to vector<16xf32>
        %add3A_715 = arith.addf %get3A_710, %get3A_714 : vector<16xf32>
        %swap3A_716 = arith.index_cast %scan3A_624 : i32 to index
        %swap3A_717 = arith.constant 96 : index
        %swap3A_718 = tpu.vector_load %arg45[%swap3A_716, %swap3A_717] {strides = array<i32>} : memref<40x128xf32, #tpu.memory_space<vmem>>, vector<1x16xf32>,
        %swap3A_719 = vector.shape_cast %swap3A_718 : vector<1x16xf32> to vector<16xf32>
        %swap3A_720 = vector.shape_cast %add3A_715 : vector<16xf32> to vector<1x16xf32>
        tpu.vector_store %arg45[%swap3A_716, %swap3A_717], %swap3A_720 {strides = array<i32>} : memref<40x128xf32, #tpu.memory_space<vmem>>, vector<1x16xf32>,
        %get3A_721 = arith.index_cast %scan3A_624 : i32 to index
        %get3A_722 = arith.constant 112 : index
        %get3A_723 = tpu.vector_load %arg45[%get3A_721, %get3A_722] {strides = array<i32>} : memref<40x128xf32, #tpu.memory_space<vmem>>, vector<1x16xf32>,
        %get3A_724 = vector.shape_cast %get3A_723 : vector<1x16xf32> to vector<16xf32>
        %get3A_725 = arith.index_cast %scan3A_624 : i32 to index
        %get3A_726 = arith.constant 112 : index
        %get3A_727 = tpu.vector_load %arg49[%get3A_725, %get3A_726] {strides = array<i32>} : memref<40x128xf32, #tpu.memory_space<vmem>>, vector<1x16xf32>,
        %get3A_728 = vector.shape_cast %get3A_727 : vector<1x16xf32> to vector<16xf32>
        %add3A_729 = arith.addf %get3A_724, %get3A_728 : vector<16xf32>
        %swap3A_730 = arith.index_cast %scan3A_624 : i32 to index
        %swap3A_731 = arith.constant 112 : index
        %swap3A_732 = tpu.vector_load %arg45[%swap3A_730, %swap3A_731] {strides = array<i32>} : memref<40x128xf32, #tpu.memory_space<vmem>>, vector<1x16xf32>,
        %swap3A_733 = vector.shape_cast %swap3A_732 : vector<1x16xf32> to vector<16xf32>
        %swap3A_734 = vector.shape_cast %add3A_729 : vector<16xf32> to vector<1x16xf32>
        tpu.vector_store %arg45[%swap3A_730, %swap3A_731], %swap3A_734 {strides = array<i32>} : memref<40x128xf32, #tpu.memory_space<vmem>>, vector<1x16xf32>,
      }
      %scan3A_519 = arith.constant 40 : i32
      %dma_start3A_520 = arith.constant 0 : i32
      %dma_start3A_521 = arith.constant 0 : i32
      %dma_start3A_522 = tpu.memref_slice %arg10[%dma_start3A_520, %dma_start3A_521] : memref<10240x128xf32, #tpu.memory_space<vmem_shared>> -> memref<10240x128xf32, #tpu.memory_space<vmem_shared>>
      tpu.enqueue_indirect_dma source(%arg45 : memref<40x128xf32, #tpu.memory_space<vmem>>) target(%dma_start3A_522 : memref<10240x128xf32, #tpu.memory_space<vmem_shared>>) offsets(%arg41 : memref<40xi32, #tpu.memory_space<vmem>>) semaphore(%arg65 : memref<!tpu.dma_semaphore, #tpu.memory_space<semaphore_mem>>) {add = true}
      %ge3A_523 = arith.constant 2 : i32
      %ge3A_524 = arith.cmpi sge, %add3A_498, %ge3A_523 : i32
      %convert_element_type3A_525 = arith.extui %ge3A_524 : i1 to i32
      %cond3A_526 = arith.constant 0 : i32
      %cond3A_527 = arith.cmpi ne, %convert_element_type3A_525, %cond3A_526 : i32
      scf.if %cond3A_527 {
        %dma_wait3A_624 = arith.constant 0 : i32
        %dma_wait3A_625 = arith.constant 0 : i32
        %dma_wait3A_626 = tpu.memref_slice %arg10[%dma_wait3A_624, %dma_wait3A_625] : memref<10240x128xf32, #tpu.memory_space<vmem_shared>> -> memref<10240x128xf32, #tpu.memory_space<vmem_shared>>
        tpu.wait_indirect_dma semaphore(%arg67 : memref<!tpu.dma_semaphore, #tpu.memory_space<semaphore_mem>>) src(%arg47 : memref<40x128xf32, #tpu.memory_space<vmem>>) dst(%dma_wait3A_626 : memref<10240x128xf32, #tpu.memory_space<vmem_shared>>)
      } else {
      }
      %le3A_528 = arith.constant 253 : i32
      %le3A_529 = arith.cmpi sle, %add3A_498, %le3A_528 : i32
      %convert_element_type3A_530 = arith.extui %le3A_529 : i1 to i32
      %cond3A_531 = arith.constant 0 : i32
      %cond3A_532 = arith.cmpi ne, %convert_element_type3A_530, %cond3A_531 : i32
      scf.if %cond3A_532 {
        %dma_wait3A_624 = arith.constant 0 : i32
        %dma_wait3A_625 = arith.constant 0 : i32
        %dma_wait3A_626 = arith.constant 0 : i32
        %dma_wait3A_627 = tpu.memref_slice %arg4[%dma_wait3A_624, %dma_wait3A_625, %dma_wait3A_626] : memref<32x256x20xi32, #tpu.memory_space<hbm>> -> memref<1x1x20xi32, #tpu.memory_space<hbm>>
        %dma_wait3A_628 = tpu.memref_squeeze %dma_wait3A_627 : memref<1x1x20xi32, #tpu.memory_space<hbm>> -> memref<20xi32, #tpu.memory_space<hbm>>
        %dma_wait3A_629 = arith.constant 0 : i32
        %dma_wait3A_630 = tpu.memref_slice %arg4[%dma_wait3A_624, %dma_wait3A_625, %dma_wait3A_629] : memref<32x256x20xi32, #tpu.memory_space<hbm>> -> memref<1x1x20xi32, #tpu.memory_space<hbm>>
        %dma_wait3A_631 = tpu.memref_squeeze %dma_wait3A_630 : memref<1x1x20xi32, #tpu.memory_space<hbm>> -> memref<20xi32, #tpu.memory_space<hbm>>
        tpu.wait_dma2 semaphore(%arg59 : memref<!tpu.dma_semaphore, #tpu.memory_space<semaphore_mem>>) src(%dma_wait3A_631 : memref<20xi32, #tpu.memory_space<hbm>>) dst(%arg19 : memref<20xi32, #tpu.memory_space<vmem>>)
        %dma_wait3A_632 = arith.constant 0 : i32
        %dma_wait3A_633 = arith.constant 0 : i32
        %dma_wait3A_634 = arith.constant 0 : i32
        %dma_wait3A_635 = tpu.memref_slice %arg5[%dma_wait3A_632, %dma_wait3A_633, %dma_wait3A_634] : memref<32x256x20xi32, #tpu.memory_space<hbm>> -> memref<1x1x20xi32, #tpu.memory_space<hbm>>
        %dma_wait3A_636 = tpu.memref_squeeze %dma_wait3A_635 : memref<1x1x20xi32, #tpu.memory_space<hbm>> -> memref<20xi32, #tpu.memory_space<hbm>>
        %dma_wait3A_637 = arith.constant 0 : i32
        %dma_wait3A_638 = tpu.memref_slice %arg5[%dma_wait3A_632, %dma_wait3A_633, %dma_wait3A_637] : memref<32x256x20xi32, #tpu.memory_space<hbm>> -> memref<1x1x20xi32, #tpu.memory_space<hbm>>
        %dma_wait3A_639 = tpu.memref_squeeze %dma_wait3A_638 : memref<1x1x20xi32, #tpu.memory_space<hbm>> -> memref<20xi32, #tpu.memory_space<hbm>>
        tpu.wait_dma2 semaphore(%arg59 : memref<!tpu.dma_semaphore, #tpu.memory_space<semaphore_mem>>) src(%dma_wait3A_639 : memref<20xi32, #tpu.memory_space<hbm>>) dst(%arg27 : memref<20xi32, #tpu.memory_space<vmem>>)
        %dma_wait3A_640 = arith.constant 0 : i32
        %dma_wait3A_641 = arith.constant 0 : i32
        %dma_wait3A_642 = arith.constant 0 : i32
        %dma_wait3A_643 = tpu.memref_slice %arg6[%dma_wait3A_640, %dma_wait3A_641, %dma_wait3A_642] : memref<32x256x40xi32, #tpu.memory_space<hbm>> -> memref<1x1x40xi32, #tpu.memory_space<hbm>>
        %dma_wait3A_644 = tpu.memref_squeeze %dma_wait3A_643 : memref<1x1x40xi32, #tpu.memory_space<hbm>> -> memref<40xi32, #tpu.memory_space<hbm>>
        %dma_wait3A_645 = arith.constant 0 : i32
        %dma_wait3A_646 = tpu.memref_slice %arg6[%dma_wait3A_640, %dma_wait3A_641, %dma_wait3A_645] : memref<32x256x40xi32, #tpu.memory_space<hbm>> -> memref<1x1x40xi32, #tpu.memory_space<hbm>>
        %dma_wait3A_647 = tpu.memref_squeeze %dma_wait3A_646 : memref<1x1x40xi32, #tpu.memory_space<hbm>> -> memref<40xi32, #tpu.memory_space<hbm>>
        tpu.wait_dma2 semaphore(%arg59 : memref<!tpu.dma_semaphore, #tpu.memory_space<semaphore_mem>>) src(%dma_wait3A_647 : memref<40xi32, #tpu.memory_space<hbm>>) dst(%arg35 : memref<40xi32, #tpu.memory_space<vmem>>)
        %dma_wait3A_648 = arith.constant 0 : i32
        %dma_wait3A_649 = arith.constant 0 : i32
        %dma_wait3A_650 = arith.constant 0 : i32
        %dma_wait3A_651 = tpu.memref_slice %arg7[%dma_wait3A_648, %dma_wait3A_649, %dma_wait3A_650] : memref<32x256x40xi32, #tpu.memory_space<hbm>> -> memref<1x1x40xi32, #tpu.memory_space<hbm>>
        %dma_wait3A_652 = tpu.memref_squeeze %dma_wait3A_651 : memref<1x1x40xi32, #tpu.memory_space<hbm>> -> memref<40xi32, #tpu.memory_space<hbm>>
        %dma_wait3A_653 = arith.constant 0 : i32
        %dma_wait3A_654 = tpu.memref_slice %arg7[%dma_wait3A_648, %dma_wait3A_649, %dma_wait3A_653] : memref<32x256x40xi32, #tpu.memory_space<hbm>> -> memref<1x1x40xi32, #tpu.memory_space<hbm>>
        %dma_wait3A_655 = tpu.memref_squeeze %dma_wait3A_654 : memref<1x1x40xi32, #tpu.memory_space<hbm>> -> memref<40xi32, #tpu.memory_space<hbm>>
        tpu.wait_dma2 semaphore(%arg59 : memref<!tpu.dma_semaphore, #tpu.memory_space<semaphore_mem>>) src(%dma_wait3A_655 : memref<40xi32, #tpu.memory_space<hbm>>) dst(%arg43 : memref<40xi32, #tpu.memory_space<vmem>>)
        %dma_start3A_656 = arith.constant 0 : i32
        %dma_start3A_657 = arith.constant 0 : i32
        %dma_start3A_658 = tpu.memref_slice %arg47[%dma_start3A_656, %dma_start3A_657] : memref<40x128xf32, #tpu.memory_space<vmem>> -> memref<20x128xf32, #tpu.memory_space<vmem>>
        %dma_start3A_659 = arith.constant 0 : i32
        %dma_start3A_660 = arith.constant 0 : i32
        %dma_start3A_661 = tpu.memref_slice %arg2[%dma_start3A_659, %dma_start3A_660] : memref<10000x128xf32, #tpu.memory_space<hbm>> -> memref<10000x128xf32, #tpu.memory_space<hbm>>
        tpu.enqueue_indirect_dma source(%dma_start3A_661 : memref<10000x128xf32, #tpu.memory_space<hbm>>) target(%dma_start3A_658 : memref<20x128xf32, #tpu.memory_space<vmem>>) offsets(%arg19 : memref<20xi32, #tpu.memory_space<vmem>>) semaphore(%arg63 : memref<!tpu.dma_semaphore, #tpu.memory_space<semaphore_mem>>)
        %dma_start3A_662 = arith.constant 20 : i32
        %dma_start3A_663 = arith.constant 0 : i32
        %dma_start3A_664 = tpu.memref_slice %arg47[%dma_start3A_662, %dma_start3A_663] : memref<40x128xf32, #tpu.memory_space<vmem>> -> memref<20x128xf32, #tpu.memory_space<vmem>>
        %dma_start3A_665 = arith.constant 0 : i32
        %dma_start3A_666 = arith.constant 0 : i32
        %dma_start3A_667 = tpu.memref_slice %arg2[%dma_start3A_665, %dma_start3A_666] : memref<10000x128xf32, #tpu.memory_space<hbm>> -> memref<10000x128xf32, #tpu.memory_space<hbm>>
        tpu.enqueue_indirect_dma source(%dma_start3A_667 : memref<10000x128xf32, #tpu.memory_space<hbm>>) target(%dma_start3A_664 : memref<20x128xf32, #tpu.memory_space<vmem>>) offsets(%arg27 : memref<20xi32, #tpu.memory_space<vmem>>) semaphore(%arg63 : memref<!tpu.dma_semaphore, #tpu.memory_space<semaphore_mem>>)
        %dma_start3A_668 = arith.constant 0 : i32
        %dma_start3A_669 = arith.constant 0 : i32
        %dma_start3A_670 = tpu.memref_slice %arg11[%dma_start3A_668, %dma_start3A_669] : memref<200x128xf32, #tpu.memory_space<vmem_shared>> -> memref<200x128xf32, #tpu.memory_space<vmem_shared>>
        tpu.enqueue_indirect_dma source(%dma_start3A_670 : memref<200x128xf32, #tpu.memory_space<vmem_shared>>) target(%arg51 : memref<40x128xf32, #tpu.memory_space<vmem>>) offsets(%arg35 : memref<40xi32, #tpu.memory_space<vmem>>) semaphore(%arg71 : memref<!tpu.dma_semaphore, #tpu.memory_space<semaphore_mem>>)
      } else {
      }
      %le3A_533 = arith.constant 249 : i32
      %le3A_534 = arith.cmpi sle, %add3A_498, %le3A_533 : i32
      %convert_element_type3A_535 = arith.extui %le3A_534 : i1 to i32
      %cond3A_536 = arith.constant 0 : i32
      %cond3A_537 = arith.cmpi ne, %convert_element_type3A_535, %cond3A_536 : i32
      scf.if %cond3A_537 {
        %add3A_624 = arith.constant 6 : i32
        %add3A_625 = arith.addi %add3A_498, %add3A_624 : i32
        %dma_start3A_626 = arith.constant 0 : i32
        %dma_start3A_627 = tpu.memref_slice %arg4[%add3A, %add3A_625, %dma_start3A_626] : memref<32x256x20xi32, #tpu.memory_space<hbm>> -> memref<1x1x20xi32, #tpu.memory_space<hbm>>
        %dma_start3A_628 = tpu.memref_squeeze %dma_start3A_627 : memref<1x1x20xi32, #tpu.memory_space<hbm>> -> memref<20xi32, #tpu.memory_space<hbm>>
        %dma_start3A_629 = arith.constant 0 : i32
        %dma_start3A_630 = tpu.memref_slice %arg4[%add3A, %add3A_625, %dma_start3A_629] : memref<32x256x20xi32, #tpu.memory_space<hbm>> -> memref<1x1x20xi32, #tpu.memory_space<hbm>>
        %dma_start3A_631 = tpu.memref_squeeze %dma_start3A_630 : memref<1x1x20xi32, #tpu.memory_space<hbm>> -> memref<20xi32, #tpu.memory_space<hbm>>
        tpu.enqueue_dma source(%dma_start3A_631 : memref<20xi32, #tpu.memory_space<hbm>>) target(%arg15 : memref<20xi32, #tpu.memory_space<vmem>>) target_semaphore(%arg55 : memref<!tpu.dma_semaphore, #tpu.memory_space<semaphore_mem>>)
        %dma_start3A_632 = arith.constant 0 : i32
        %dma_start3A_633 = tpu.memref_slice %arg5[%add3A, %add3A_625, %dma_start3A_632] : memref<32x256x20xi32, #tpu.memory_space<hbm>> -> memref<1x1x20xi32, #tpu.memory_space<hbm>>
        %dma_start3A_634 = tpu.memref_squeeze %dma_start3A_633 : memref<1x1x20xi32, #tpu.memory_space<hbm>> -> memref<20xi32, #tpu.memory_space<hbm>>
        %dma_start3A_635 = arith.constant 0 : i32
        %dma_start3A_636 = tpu.memref_slice %arg5[%add3A, %add3A_625, %dma_start3A_635] : memref<32x256x20xi32, #tpu.memory_space<hbm>> -> memref<1x1x20xi32, #tpu.memory_space<hbm>>
        %dma_start3A_637 = tpu.memref_squeeze %dma_start3A_636 : memref<1x1x20xi32, #tpu.memory_space<hbm>> -> memref<20xi32, #tpu.memory_space<hbm>>
        tpu.enqueue_dma source(%dma_start3A_637 : memref<20xi32, #tpu.memory_space<hbm>>) target(%arg23 : memref<20xi32, #tpu.memory_space<vmem>>) target_semaphore(%arg55 : memref<!tpu.dma_semaphore, #tpu.memory_space<semaphore_mem>>)
        %dma_start3A_638 = arith.constant 0 : i32
        %dma_start3A_639 = tpu.memref_slice %arg6[%add3A, %add3A_625, %dma_start3A_638] : memref<32x256x40xi32, #tpu.memory_space<hbm>> -> memref<1x1x40xi32, #tpu.memory_space<hbm>>
        %dma_start3A_640 = tpu.memref_squeeze %dma_start3A_639 : memref<1x1x40xi32, #tpu.memory_space<hbm>> -> memref<40xi32, #tpu.memory_space<hbm>>
        %dma_start3A_641 = arith.constant 0 : i32
        %dma_start3A_642 = tpu.memref_slice %arg6[%add3A, %add3A_625, %dma_start3A_641] : memref<32x256x40xi32, #tpu.memory_space<hbm>> -> memref<1x1x40xi32, #tpu.memory_space<hbm>>
        %dma_start3A_643 = tpu.memref_squeeze %dma_start3A_642 : memref<1x1x40xi32, #tpu.memory_space<hbm>> -> memref<40xi32, #tpu.memory_space<hbm>>
        tpu.enqueue_dma source(%dma_start3A_643 : memref<40xi32, #tpu.memory_space<hbm>>) target(%arg31 : memref<40xi32, #tpu.memory_space<vmem>>) target_semaphore(%arg55 : memref<!tpu.dma_semaphore, #tpu.memory_space<semaphore_mem>>)
        %dma_start3A_644 = arith.constant 0 : i32
        %dma_start3A_645 = tpu.memref_slice %arg7[%add3A, %add3A_625, %dma_start3A_644] : memref<32x256x40xi32, #tpu.memory_space<hbm>> -> memref<1x1x40xi32, #tpu.memory_space<hbm>>
        %dma_start3A_646 = tpu.memref_squeeze %dma_start3A_645 : memref<1x1x40xi32, #tpu.memory_space<hbm>> -> memref<40xi32, #tpu.memory_space<hbm>>
        %dma_start3A_647 = arith.constant 0 : i32
        %dma_start3A_648 = tpu.memref_slice %arg7[%add3A, %add3A_625, %dma_start3A_647] : memref<32x256x40xi32, #tpu.memory_space<hbm>> -> memref<1x1x40xi32, #tpu.memory_space<hbm>>
        %dma_start3A_649 = tpu.memref_squeeze %dma_start3A_648 : memref<1x1x40xi32, #tpu.memory_space<hbm>> -> memref<40xi32, #tpu.memory_space<hbm>>
        tpu.enqueue_dma source(%dma_start3A_649 : memref<40xi32, #tpu.memory_space<hbm>>) target(%arg39 : memref<40xi32, #tpu.memory_space<vmem>>) target_semaphore(%arg55 : memref<!tpu.dma_semaphore, #tpu.memory_space<semaphore_mem>>)
      } else {
      }
      %mul3A_538 = arith.constant 8 : i32
      %mul3A_539 = arith.muli %mul3A_538, %scan3A_281 : i32
      %add3A_540 = arith.constant 6 : i32
      %add3A_541 = arith.addi %mul3A_539, %add3A_540 : i32
      %dma_wait3A_542 = arith.constant 0 : i32
      %dma_wait3A_543 = arith.constant 0 : i32
      %dma_wait3A_544 = tpu.memref_slice %arg46[%dma_wait3A_542, %dma_wait3A_543] : memref<40x128xf32, #tpu.memory_space<vmem>> -> memref<20x128xf32, #tpu.memory_space<vmem>>
      %dma_wait3A_545 = arith.constant 0 : i32
      %dma_wait3A_546 = arith.constant 0 : i32
      %dma_wait3A_547 = tpu.memref_slice %arg2[%dma_wait3A_545, %dma_wait3A_546] : memref<10000x128xf32, #tpu.memory_space<hbm>> -> memref<10000x128xf32, #tpu.memory_space<hbm>>
      tpu.wait_indirect_dma semaphore(%arg62 : memref<!tpu.dma_semaphore, #tpu.memory_space<semaphore_mem>>) src(%dma_wait3A_547 : memref<10000x128xf32, #tpu.memory_space<hbm>>) dst(%dma_wait3A_544 : memref<20x128xf32, #tpu.memory_space<vmem>>)
      %dma_wait3A_548 = arith.constant 20 : i32
      %dma_wait3A_549 = arith.constant 0 : i32
      %dma_wait3A_550 = tpu.memref_slice %arg46[%dma_wait3A_548, %dma_wait3A_549] : memref<40x128xf32, #tpu.memory_space<vmem>> -> memref<20x128xf32, #tpu.memory_space<vmem>>
      %dma_wait3A_551 = arith.constant 0 : i32
      %dma_wait3A_552 = arith.constant 0 : i32
      %dma_wait3A_553 = tpu.memref_slice %arg2[%dma_wait3A_551, %dma_wait3A_552] : memref<10000x128xf32, #tpu.memory_space<hbm>> -> memref<10000x128xf32, #tpu.memory_space<hbm>>
      tpu.wait_indirect_dma semaphore(%arg62 : memref<!tpu.dma_semaphore, #tpu.memory_space<semaphore_mem>>) src(%dma_wait3A_553 : memref<10000x128xf32, #tpu.memory_space<hbm>>) dst(%dma_wait3A_550 : memref<20x128xf32, #tpu.memory_space<vmem>>)
      %dma_wait3A_554 = arith.constant 0 : i32
      %dma_wait3A_555 = arith.constant 0 : i32
      %dma_wait3A_556 = tpu.memref_slice %arg11[%dma_wait3A_554, %dma_wait3A_555] : memref<200x128xf32, #tpu.memory_space<vmem_shared>> -> memref<200x128xf32, #tpu.memory_space<vmem_shared>>
      tpu.wait_indirect_dma semaphore(%arg70 : memref<!tpu.dma_semaphore, #tpu.memory_space<semaphore_mem>>) src(%dma_wait3A_556 : memref<200x128xf32, #tpu.memory_space<vmem_shared>>) dst(%arg50 : memref<40x128xf32, #tpu.memory_space<vmem>>)
      %scan3A_557 = arith.constant 0 : i32
      %scan3A_558 = arith.constant 0 : i32
      %scan3A_559 = arith.constant 40 : i32
      %scan3A_560 = arith.addi %scan3A_558, %scan3A_559 : i32
      %scan3A_561 = arith.constant 1 : i32
      scf.for %scan3A_624 = %scan3A_558 to %scan3A_560 step %scan3A_561  : i32 {
        %get3A = arith.index_cast %scan3A_624 : i32 to index
        %get3A_625 = arith.constant 0 : index
        %get3A_626 = tpu.vector_load %arg46[%get3A, %get3A_625] {strides = array<i32>} : memref<40x128xf32, #tpu.memory_space<vmem>>, vector<1x16xf32>,
        %get3A_627 = vector.shape_cast %get3A_626 : vector<1x16xf32> to vector<16xf32>
        %get3A_628 = arith.index_cast %scan3A_624 : i32 to index
        %get3A_629 = arith.constant 0 : index
        %get3A_630 = tpu.vector_load %arg50[%get3A_628, %get3A_629] {strides = array<i32>} : memref<40x128xf32, #tpu.memory_space<vmem>>, vector<1x16xf32>,
        %get3A_631 = vector.shape_cast %get3A_630 : vector<1x16xf32> to vector<16xf32>
        %add3A_632 = arith.addf %get3A_627, %get3A_631 : vector<16xf32>
        %swap3A = arith.index_cast %scan3A_624 : i32 to index
        %swap3A_633 = arith.constant 0 : index
        %swap3A_634 = tpu.vector_load %arg46[%swap3A, %swap3A_633] {strides = array<i32>} : memref<40x128xf32, #tpu.memory_space<vmem>>, vector<1x16xf32>,
        %swap3A_635 = vector.shape_cast %swap3A_634 : vector<1x16xf32> to vector<16xf32>
        %swap3A_636 = vector.shape_cast %add3A_632 : vector<16xf32> to vector<1x16xf32>
        tpu.vector_store %arg46[%swap3A, %swap3A_633], %swap3A_636 {strides = array<i32>} : memref<40x128xf32, #tpu.memory_space<vmem>>, vector<1x16xf32>,
        %get3A_637 = arith.index_cast %scan3A_624 : i32 to index
        %get3A_638 = arith.constant 16 : index
        %get3A_639 = tpu.vector_load %arg46[%get3A_637, %get3A_638] {strides = array<i32>} : memref<40x128xf32, #tpu.memory_space<vmem>>, vector<1x16xf32>,
        %get3A_640 = vector.shape_cast %get3A_639 : vector<1x16xf32> to vector<16xf32>
        %get3A_641 = arith.index_cast %scan3A_624 : i32 to index
        %get3A_642 = arith.constant 16 : index
        %get3A_643 = tpu.vector_load %arg50[%get3A_641, %get3A_642] {strides = array<i32>} : memref<40x128xf32, #tpu.memory_space<vmem>>, vector<1x16xf32>,
        %get3A_644 = vector.shape_cast %get3A_643 : vector<1x16xf32> to vector<16xf32>
        %add3A_645 = arith.addf %get3A_640, %get3A_644 : vector<16xf32>
        %swap3A_646 = arith.index_cast %scan3A_624 : i32 to index
        %swap3A_647 = arith.constant 16 : index
        %swap3A_648 = tpu.vector_load %arg46[%swap3A_646, %swap3A_647] {strides = array<i32>} : memref<40x128xf32, #tpu.memory_space<vmem>>, vector<1x16xf32>,
        %swap3A_649 = vector.shape_cast %swap3A_648 : vector<1x16xf32> to vector<16xf32>
        %swap3A_650 = vector.shape_cast %add3A_645 : vector<16xf32> to vector<1x16xf32>
        tpu.vector_store %arg46[%swap3A_646, %swap3A_647], %swap3A_650 {strides = array<i32>} : memref<40x128xf32, #tpu.memory_space<vmem>>, vector<1x16xf32>,
        %get3A_651 = arith.index_cast %scan3A_624 : i32 to index
        %get3A_652 = arith.constant 32 : index
        %get3A_653 = tpu.vector_load %arg46[%get3A_651, %get3A_652] {strides = array<i32>} : memref<40x128xf32, #tpu.memory_space<vmem>>, vector<1x16xf32>,
        %get3A_654 = vector.shape_cast %get3A_653 : vector<1x16xf32> to vector<16xf32>
        %get3A_655 = arith.index_cast %scan3A_624 : i32 to index
        %get3A_656 = arith.constant 32 : index
        %get3A_657 = tpu.vector_load %arg50[%get3A_655, %get3A_656] {strides = array<i32>} : memref<40x128xf32, #tpu.memory_space<vmem>>, vector<1x16xf32>,
        %get3A_658 = vector.shape_cast %get3A_657 : vector<1x16xf32> to vector<16xf32>
        %add3A_659 = arith.addf %get3A_654, %get3A_658 : vector<16xf32>
        %swap3A_660 = arith.index_cast %scan3A_624 : i32 to index
        %swap3A_661 = arith.constant 32 : index
        %swap3A_662 = tpu.vector_load %arg46[%swap3A_660, %swap3A_661] {strides = array<i32>} : memref<40x128xf32, #tpu.memory_space<vmem>>, vector<1x16xf32>,
        %swap3A_663 = vector.shape_cast %swap3A_662 : vector<1x16xf32> to vector<16xf32>
        %swap3A_664 = vector.shape_cast %add3A_659 : vector<16xf32> to vector<1x16xf32>
        tpu.vector_store %arg46[%swap3A_660, %swap3A_661], %swap3A_664 {strides = array<i32>} : memref<40x128xf32, #tpu.memory_space<vmem>>, vector<1x16xf32>,
        %get3A_665 = arith.index_cast %scan3A_624 : i32 to index
        %get3A_666 = arith.constant 48 : index
        %get3A_667 = tpu.vector_load %arg46[%get3A_665, %get3A_666] {strides = array<i32>} : memref<40x128xf32, #tpu.memory_space<vmem>>, vector<1x16xf32>,
        %get3A_668 = vector.shape_cast %get3A_667 : vector<1x16xf32> to vector<16xf32>
        %get3A_669 = arith.index_cast %scan3A_624 : i32 to index
        %get3A_670 = arith.constant 48 : index
        %get3A_671 = tpu.vector_load %arg50[%get3A_669, %get3A_670] {strides = array<i32>} : memref<40x128xf32, #tpu.memory_space<vmem>>, vector<1x16xf32>,
        %get3A_672 = vector.shape_cast %get3A_671 : vector<1x16xf32> to vector<16xf32>
        %add3A_673 = arith.addf %get3A_668, %get3A_672 : vector<16xf32>
        %swap3A_674 = arith.index_cast %scan3A_624 : i32 to index
        %swap3A_675 = arith.constant 48 : index
        %swap3A_676 = tpu.vector_load %arg46[%swap3A_674, %swap3A_675] {strides = array<i32>} : memref<40x128xf32, #tpu.memory_space<vmem>>, vector<1x16xf32>,
        %swap3A_677 = vector.shape_cast %swap3A_676 : vector<1x16xf32> to vector<16xf32>
        %swap3A_678 = vector.shape_cast %add3A_673 : vector<16xf32> to vector<1x16xf32>
        tpu.vector_store %arg46[%swap3A_674, %swap3A_675], %swap3A_678 {strides = array<i32>} : memref<40x128xf32, #tpu.memory_space<vmem>>, vector<1x16xf32>,
        %get3A_679 = arith.index_cast %scan3A_624 : i32 to index
        %get3A_680 = arith.constant 64 : index
        %get3A_681 = tpu.vector_load %arg46[%get3A_679, %get3A_680] {strides = array<i32>} : memref<40x128xf32, #tpu.memory_space<vmem>>, vector<1x16xf32>,
        %get3A_682 = vector.shape_cast %get3A_681 : vector<1x16xf32> to vector<16xf32>
        %get3A_683 = arith.index_cast %scan3A_624 : i32 to index
        %get3A_684 = arith.constant 64 : index
        %get3A_685 = tpu.vector_load %arg50[%get3A_683, %get3A_684] {strides = array<i32>} : memref<40x128xf32, #tpu.memory_space<vmem>>, vector<1x16xf32>,
        %get3A_686 = vector.shape_cast %get3A_685 : vector<1x16xf32> to vector<16xf32>
        %add3A_687 = arith.addf %get3A_682, %get3A_686 : vector<16xf32>
        %swap3A_688 = arith.index_cast %scan3A_624 : i32 to index
        %swap3A_689 = arith.constant 64 : index
        %swap3A_690 = tpu.vector_load %arg46[%swap3A_688, %swap3A_689] {strides = array<i32>} : memref<40x128xf32, #tpu.memory_space<vmem>>, vector<1x16xf32>,
        %swap3A_691 = vector.shape_cast %swap3A_690 : vector<1x16xf32> to vector<16xf32>
        %swap3A_692 = vector.shape_cast %add3A_687 : vector<16xf32> to vector<1x16xf32>
        tpu.vector_store %arg46[%swap3A_688, %swap3A_689], %swap3A_692 {strides = array<i32>} : memref<40x128xf32, #tpu.memory_space<vmem>>, vector<1x16xf32>,
        %get3A_693 = arith.index_cast %scan3A_624 : i32 to index
        %get3A_694 = arith.constant 80 : index
        %get3A_695 = tpu.vector_load %arg46[%get3A_693, %get3A_694] {strides = array<i32>} : memref<40x128xf32, #tpu.memory_space<vmem>>, vector<1x16xf32>,
        %get3A_696 = vector.shape_cast %get3A_695 : vector<1x16xf32> to vector<16xf32>
        %get3A_697 = arith.index_cast %scan3A_624 : i32 to index
        %get3A_698 = arith.constant 80 : index
        %get3A_699 = tpu.vector_load %arg50[%get3A_697, %get3A_698] {strides = array<i32>} : memref<40x128xf32, #tpu.memory_space<vmem>>, vector<1x16xf32>,
        %get3A_700 = vector.shape_cast %get3A_699 : vector<1x16xf32> to vector<16xf32>
        %add3A_701 = arith.addf %get3A_696, %get3A_700 : vector<16xf32>
        %swap3A_702 = arith.index_cast %scan3A_624 : i32 to index
        %swap3A_703 = arith.constant 80 : index
        %swap3A_704 = tpu.vector_load %arg46[%swap3A_702, %swap3A_703] {strides = array<i32>} : memref<40x128xf32, #tpu.memory_space<vmem>>, vector<1x16xf32>,
        %swap3A_705 = vector.shape_cast %swap3A_704 : vector<1x16xf32> to vector<16xf32>
        %swap3A_706 = vector.shape_cast %add3A_701 : vector<16xf32> to vector<1x16xf32>
        tpu.vector_store %arg46[%swap3A_702, %swap3A_703], %swap3A_706 {strides = array<i32>} : memref<40x128xf32, #tpu.memory_space<vmem>>, vector<1x16xf32>,
        %get3A_707 = arith.index_cast %scan3A_624 : i32 to index
        %get3A_708 = arith.constant 96 : index
        %get3A_709 = tpu.vector_load %arg46[%get3A_707, %get3A_708] {strides = array<i32>} : memref<40x128xf32, #tpu.memory_space<vmem>>, vector<1x16xf32>,
        %get3A_710 = vector.shape_cast %get3A_709 : vector<1x16xf32> to vector<16xf32>
        %get3A_711 = arith.index_cast %scan3A_624 : i32 to index
        %get3A_712 = arith.constant 96 : index
        %get3A_713 = tpu.vector_load %arg50[%get3A_711, %get3A_712] {strides = array<i32>} : memref<40x128xf32, #tpu.memory_space<vmem>>, vector<1x16xf32>,
        %get3A_714 = vector.shape_cast %get3A_713 : vector<1x16xf32> to vector<16xf32>
        %add3A_715 = arith.addf %get3A_710, %get3A_714 : vector<16xf32>
        %swap3A_716 = arith.index_cast %scan3A_624 : i32 to index
        %swap3A_717 = arith.constant 96 : index
        %swap3A_718 = tpu.vector_load %arg46[%swap3A_716, %swap3A_717] {strides = array<i32>} : memref<40x128xf32, #tpu.memory_space<vmem>>, vector<1x16xf32>,
        %swap3A_719 = vector.shape_cast %swap3A_718 : vector<1x16xf32> to vector<16xf32>
        %swap3A_720 = vector.shape_cast %add3A_715 : vector<16xf32> to vector<1x16xf32>
        tpu.vector_store %arg46[%swap3A_716, %swap3A_717], %swap3A_720 {strides = array<i32>} : memref<40x128xf32, #tpu.memory_space<vmem>>, vector<1x16xf32>,
        %get3A_721 = arith.index_cast %scan3A_624 : i32 to index
        %get3A_722 = arith.constant 112 : index
        %get3A_723 = tpu.vector_load %arg46[%get3A_721, %get3A_722] {strides = array<i32>} : memref<40x128xf32, #tpu.memory_space<vmem>>, vector<1x16xf32>,
        %get3A_724 = vector.shape_cast %get3A_723 : vector<1x16xf32> to vector<16xf32>
        %get3A_725 = arith.index_cast %scan3A_624 : i32 to index
        %get3A_726 = arith.constant 112 : index
        %get3A_727 = tpu.vector_load %arg50[%get3A_725, %get3A_726] {strides = array<i32>} : memref<40x128xf32, #tpu.memory_space<vmem>>, vector<1x16xf32>,
        %get3A_728 = vector.shape_cast %get3A_727 : vector<1x16xf32> to vector<16xf32>
        %add3A_729 = arith.addf %get3A_724, %get3A_728 : vector<16xf32>
        %swap3A_730 = arith.index_cast %scan3A_624 : i32 to index
        %swap3A_731 = arith.constant 112 : index
        %swap3A_732 = tpu.vector_load %arg46[%swap3A_730, %swap3A_731] {strides = array<i32>} : memref<40x128xf32, #tpu.memory_space<vmem>>, vector<1x16xf32>,
        %swap3A_733 = vector.shape_cast %swap3A_732 : vector<1x16xf32> to vector<16xf32>
        %swap3A_734 = vector.shape_cast %add3A_729 : vector<16xf32> to vector<1x16xf32>
        tpu.vector_store %arg46[%swap3A_730, %swap3A_731], %swap3A_734 {strides = array<i32>} : memref<40x128xf32, #tpu.memory_space<vmem>>, vector<1x16xf32>,
      }
      %scan3A_562 = arith.constant 40 : i32
      %dma_start3A_563 = arith.constant 0 : i32
      %dma_start3A_564 = arith.constant 0 : i32
      %dma_start3A_565 = tpu.memref_slice %arg10[%dma_start3A_563, %dma_start3A_564] : memref<10240x128xf32, #tpu.memory_space<vmem_shared>> -> memref<10240x128xf32, #tpu.memory_space<vmem_shared>>
      tpu.enqueue_indirect_dma source(%arg46 : memref<40x128xf32, #tpu.memory_space<vmem>>) target(%dma_start3A_565 : memref<10240x128xf32, #tpu.memory_space<vmem_shared>>) offsets(%arg42 : memref<40xi32, #tpu.memory_space<vmem>>) semaphore(%arg66 : memref<!tpu.dma_semaphore, #tpu.memory_space<semaphore_mem>>) {add = true}
      %ge3A_566 = arith.constant 2 : i32
      %ge3A_567 = arith.cmpi sge, %add3A_541, %ge3A_566 : i32
      %convert_element_type3A_568 = arith.extui %ge3A_567 : i1 to i32
      %cond3A_569 = arith.constant 0 : i32
      %cond3A_570 = arith.cmpi ne, %convert_element_type3A_568, %cond3A_569 : i32
      scf.if %cond3A_570 {
        %dma_wait3A_624 = arith.constant 0 : i32
        %dma_wait3A_625 = arith.constant 0 : i32
        %dma_wait3A_626 = tpu.memref_slice %arg10[%dma_wait3A_624, %dma_wait3A_625] : memref<10240x128xf32, #tpu.memory_space<vmem_shared>> -> memref<10240x128xf32, #tpu.memory_space<vmem_shared>>
        tpu.wait_indirect_dma semaphore(%arg64 : memref<!tpu.dma_semaphore, #tpu.memory_space<semaphore_mem>>) src(%arg44 : memref<40x128xf32, #tpu.memory_space<vmem>>) dst(%dma_wait3A_626 : memref<10240x128xf32, #tpu.memory_space<vmem_shared>>)
      } else {
      }
      %le3A_571 = arith.constant 253 : i32
      %le3A_572 = arith.cmpi sle, %add3A_541, %le3A_571 : i32
      %convert_element_type3A_573 = arith.extui %le3A_572 : i1 to i32
      %cond3A_574 = arith.constant 0 : i32
      %cond3A_575 = arith.cmpi ne, %convert_element_type3A_573, %cond3A_574 : i32
      scf.if %cond3A_575 {
        %dma_wait3A_624 = arith.constant 0 : i32
        %dma_wait3A_625 = arith.constant 0 : i32
        %dma_wait3A_626 = arith.constant 0 : i32
        %dma_wait3A_627 = tpu.memref_slice %arg4[%dma_wait3A_624, %dma_wait3A_625, %dma_wait3A_626] : memref<32x256x20xi32, #tpu.memory_space<hbm>> -> memref<1x1x20xi32, #tpu.memory_space<hbm>>
        %dma_wait3A_628 = tpu.memref_squeeze %dma_wait3A_627 : memref<1x1x20xi32, #tpu.memory_space<hbm>> -> memref<20xi32, #tpu.memory_space<hbm>>
        %dma_wait3A_629 = arith.constant 0 : i32
        %dma_wait3A_630 = tpu.memref_slice %arg4[%dma_wait3A_624, %dma_wait3A_625, %dma_wait3A_629] : memref<32x256x20xi32, #tpu.memory_space<hbm>> -> memref<1x1x20xi32, #tpu.memory_space<hbm>>
        %dma_wait3A_631 = tpu.memref_squeeze %dma_wait3A_630 : memref<1x1x20xi32, #tpu.memory_space<hbm>> -> memref<20xi32, #tpu.memory_space<hbm>>
        tpu.wait_dma2 semaphore(%arg52 : memref<!tpu.dma_semaphore, #tpu.memory_space<semaphore_mem>>) src(%dma_wait3A_631 : memref<20xi32, #tpu.memory_space<hbm>>) dst(%arg12 : memref<20xi32, #tpu.memory_space<vmem>>)
        %dma_wait3A_632 = arith.constant 0 : i32
        %dma_wait3A_633 = arith.constant 0 : i32
        %dma_wait3A_634 = arith.constant 0 : i32
        %dma_wait3A_635 = tpu.memref_slice %arg5[%dma_wait3A_632, %dma_wait3A_633, %dma_wait3A_634] : memref<32x256x20xi32, #tpu.memory_space<hbm>> -> memref<1x1x20xi32, #tpu.memory_space<hbm>>
        %dma_wait3A_636 = tpu.memref_squeeze %dma_wait3A_635 : memref<1x1x20xi32, #tpu.memory_space<hbm>> -> memref<20xi32, #tpu.memory_space<hbm>>
        %dma_wait3A_637 = arith.constant 0 : i32
        %dma_wait3A_638 = tpu.memref_slice %arg5[%dma_wait3A_632, %dma_wait3A_633, %dma_wait3A_637] : memref<32x256x20xi32, #tpu.memory_space<hbm>> -> memref<1x1x20xi32, #tpu.memory_space<hbm>>
        %dma_wait3A_639 = tpu.memref_squeeze %dma_wait3A_638 : memref<1x1x20xi32, #tpu.memory_space<hbm>> -> memref<20xi32, #tpu.memory_space<hbm>>
        tpu.wait_dma2 semaphore(%arg52 : memref<!tpu.dma_semaphore, #tpu.memory_space<semaphore_mem>>) src(%dma_wait3A_639 : memref<20xi32, #tpu.memory_space<hbm>>) dst(%arg20 : memref<20xi32, #tpu.memory_space<vmem>>)
        %dma_wait3A_640 = arith.constant 0 : i32
        %dma_wait3A_641 = arith.constant 0 : i32
        %dma_wait3A_642 = arith.constant 0 : i32
        %dma_wait3A_643 = tpu.memref_slice %arg6[%dma_wait3A_640, %dma_wait3A_641, %dma_wait3A_642] : memref<32x256x40xi32, #tpu.memory_space<hbm>> -> memref<1x1x40xi32, #tpu.memory_space<hbm>>
        %dma_wait3A_644 = tpu.memref_squeeze %dma_wait3A_643 : memref<1x1x40xi32, #tpu.memory_space<hbm>> -> memref<40xi32, #tpu.memory_space<hbm>>
        %dma_wait3A_645 = arith.constant 0 : i32
        %dma_wait3A_646 = tpu.memref_slice %arg6[%dma_wait3A_640, %dma_wait3A_641, %dma_wait3A_645] : memref<32x256x40xi32, #tpu.memory_space<hbm>> -> memref<1x1x40xi32, #tpu.memory_space<hbm>>
        %dma_wait3A_647 = tpu.memref_squeeze %dma_wait3A_646 : memref<1x1x40xi32, #tpu.memory_space<hbm>> -> memref<40xi32, #tpu.memory_space<hbm>>
        tpu.wait_dma2 semaphore(%arg52 : memref<!tpu.dma_semaphore, #tpu.memory_space<semaphore_mem>>) src(%dma_wait3A_647 : memref<40xi32, #tpu.memory_space<hbm>>) dst(%arg28 : memref<40xi32, #tpu.memory_space<vmem>>)
        %dma_wait3A_648 = arith.constant 0 : i32
        %dma_wait3A_649 = arith.constant 0 : i32
        %dma_wait3A_650 = arith.constant 0 : i32
        %dma_wait3A_651 = tpu.memref_slice %arg7[%dma_wait3A_648, %dma_wait3A_649, %dma_wait3A_650] : memref<32x256x40xi32, #tpu.memory_space<hbm>> -> memref<1x1x40xi32, #tpu.memory_space<hbm>>
        %dma_wait3A_652 = tpu.memref_squeeze %dma_wait3A_651 : memref<1x1x40xi32, #tpu.memory_space<hbm>> -> memref<40xi32, #tpu.memory_space<hbm>>
        %dma_wait3A_653 = arith.constant 0 : i32
        %dma_wait3A_654 = tpu.memref_slice %arg7[%dma_wait3A_648, %dma_wait3A_649, %dma_wait3A_653] : memref<32x256x40xi32, #tpu.memory_space<hbm>> -> memref<1x1x40xi32, #tpu.memory_space<hbm>>
        %dma_wait3A_655 = tpu.memref_squeeze %dma_wait3A_654 : memref<1x1x40xi32, #tpu.memory_space<hbm>> -> memref<40xi32, #tpu.memory_space<hbm>>
        tpu.wait_dma2 semaphore(%arg52 : memref<!tpu.dma_semaphore, #tpu.memory_space<semaphore_mem>>) src(%dma_wait3A_655 : memref<40xi32, #tpu.memory_space<hbm>>) dst(%arg36 : memref<40xi32, #tpu.memory_space<vmem>>)
        %dma_start3A_656 = arith.constant 0 : i32
        %dma_start3A_657 = arith.constant 0 : i32
        %dma_start3A_658 = tpu.memref_slice %arg44[%dma_start3A_656, %dma_start3A_657] : memref<40x128xf32, #tpu.memory_space<vmem>> -> memref<20x128xf32, #tpu.memory_space<vmem>>
        %dma_start3A_659 = arith.constant 0 : i32
        %dma_start3A_660 = arith.constant 0 : i32
        %dma_start3A_661 = tpu.memref_slice %arg2[%dma_start3A_659, %dma_start3A_660] : memref<10000x128xf32, #tpu.memory_space<hbm>> -> memref<10000x128xf32, #tpu.memory_space<hbm>>
        tpu.enqueue_indirect_dma source(%dma_start3A_661 : memref<10000x128xf32, #tpu.memory_space<hbm>>) target(%dma_start3A_658 : memref<20x128xf32, #tpu.memory_space<vmem>>) offsets(%arg12 : memref<20xi32, #tpu.memory_space<vmem>>) semaphore(%arg60 : memref<!tpu.dma_semaphore, #tpu.memory_space<semaphore_mem>>)
        %dma_start3A_662 = arith.constant 20 : i32
        %dma_start3A_663 = arith.constant 0 : i32
        %dma_start3A_664 = tpu.memref_slice %arg44[%dma_start3A_662, %dma_start3A_663] : memref<40x128xf32, #tpu.memory_space<vmem>> -> memref<20x128xf32, #tpu.memory_space<vmem>>
        %dma_start3A_665 = arith.constant 0 : i32
        %dma_start3A_666 = arith.constant 0 : i32
        %dma_start3A_667 = tpu.memref_slice %arg2[%dma_start3A_665, %dma_start3A_666] : memref<10000x128xf32, #tpu.memory_space<hbm>> -> memref<10000x128xf32, #tpu.memory_space<hbm>>
        tpu.enqueue_indirect_dma source(%dma_start3A_667 : memref<10000x128xf32, #tpu.memory_space<hbm>>) target(%dma_start3A_664 : memref<20x128xf32, #tpu.memory_space<vmem>>) offsets(%arg20 : memref<20xi32, #tpu.memory_space<vmem>>) semaphore(%arg60 : memref<!tpu.dma_semaphore, #tpu.memory_space<semaphore_mem>>)
        %dma_start3A_668 = arith.constant 0 : i32
        %dma_start3A_669 = arith.constant 0 : i32
        %dma_start3A_670 = tpu.memref_slice %arg11[%dma_start3A_668, %dma_start3A_669] : memref<200x128xf32, #tpu.memory_space<vmem_shared>> -> memref<200x128xf32, #tpu.memory_space<vmem_shared>>
        tpu.enqueue_indirect_dma source(%dma_start3A_670 : memref<200x128xf32, #tpu.memory_space<vmem_shared>>) target(%arg48 : memref<40x128xf32, #tpu.memory_space<vmem>>) offsets(%arg28 : memref<40xi32, #tpu.memory_space<vmem>>) semaphore(%arg68 : memref<!tpu.dma_semaphore, #tpu.memory_space<semaphore_mem>>)
      } else {
      }
      %le3A_576 = arith.constant 249 : i32
      %le3A_577 = arith.cmpi sle, %add3A_541, %le3A_576 : i32
      %convert_element_type3A_578 = arith.extui %le3A_577 : i1 to i32
      %cond3A_579 = arith.constant 0 : i32
      %cond3A_580 = arith.cmpi ne, %convert_element_type3A_578, %cond3A_579 : i32
      scf.if %cond3A_580 {
        %add3A_624 = arith.constant 6 : i32
        %add3A_625 = arith.addi %add3A_541, %add3A_624 : i32
        %dma_start3A_626 = arith.constant 0 : i32
        %dma_start3A_627 = tpu.memref_slice %arg4[%add3A, %add3A_625, %dma_start3A_626] : memref<32x256x20xi32, #tpu.memory_space<hbm>> -> memref<1x1x20xi32, #tpu.memory_space<hbm>>
        %dma_start3A_628 = tpu.memref_squeeze %dma_start3A_627 : memref<1x1x20xi32, #tpu.memory_space<hbm>> -> memref<20xi32, #tpu.memory_space<hbm>>
        %dma_start3A_629 = arith.constant 0 : i32
        %dma_start3A_630 = tpu.memref_slice %arg4[%add3A, %add3A_625, %dma_start3A_629] : memref<32x256x20xi32, #tpu.memory_space<hbm>> -> memref<1x1x20xi32, #tpu.memory_space<hbm>>
        %dma_start3A_631 = tpu.memref_squeeze %dma_start3A_630 : memref<1x1x20xi32, #tpu.memory_space<hbm>> -> memref<20xi32, #tpu.memory_space<hbm>>
        tpu.enqueue_dma source(%dma_start3A_631 : memref<20xi32, #tpu.memory_space<hbm>>) target(%arg16 : memref<20xi32, #tpu.memory_space<vmem>>) target_semaphore(%arg56 : memref<!tpu.dma_semaphore, #tpu.memory_space<semaphore_mem>>)
        %dma_start3A_632 = arith.constant 0 : i32
        %dma_start3A_633 = tpu.memref_slice %arg5[%add3A, %add3A_625, %dma_start3A_632] : memref<32x256x20xi32, #tpu.memory_space<hbm>> -> memref<1x1x20xi32, #tpu.memory_space<hbm>>
        %dma_start3A_634 = tpu.memref_squeeze %dma_start3A_633 : memref<1x1x20xi32, #tpu.memory_space<hbm>> -> memref<20xi32, #tpu.memory_space<hbm>>
        %dma_start3A_635 = arith.constant 0 : i32
        %dma_start3A_636 = tpu.memref_slice %arg5[%add3A, %add3A_625, %dma_start3A_635] : memref<32x256x20xi32, #tpu.memory_space<hbm>> -> memref<1x1x20xi32, #tpu.memory_space<hbm>>
        %dma_start3A_637 = tpu.memref_squeeze %dma_start3A_636 : memref<1x1x20xi32, #tpu.memory_space<hbm>> -> memref<20xi32, #tpu.memory_space<hbm>>
        tpu.enqueue_dma source(%dma_start3A_637 : memref<20xi32, #tpu.memory_space<hbm>>) target(%arg24 : memref<20xi32, #tpu.memory_space<vmem>>) target_semaphore(%arg56 : memref<!tpu.dma_semaphore, #tpu.memory_space<semaphore_mem>>)
        %dma_start3A_638 = arith.constant 0 : i32
        %dma_start3A_639 = tpu.memref_slice %arg6[%add3A, %add3A_625, %dma_start3A_638] : memref<32x256x40xi32, #tpu.memory_space<hbm>> -> memref<1x1x40xi32, #tpu.memory_space<hbm>>
        %dma_start3A_640 = tpu.memref_squeeze %dma_start3A_639 : memref<1x1x40xi32, #tpu.memory_space<hbm>> -> memref<40xi32, #tpu.memory_space<hbm>>
        %dma_start3A_641 = arith.constant 0 : i32
        %dma_start3A_642 = tpu.memref_slice %arg6[%add3A, %add3A_625, %dma_start3A_641] : memref<32x256x40xi32, #tpu.memory_space<hbm>> -> memref<1x1x40xi32, #tpu.memory_space<hbm>>
        %dma_start3A_643 = tpu.memref_squeeze %dma_start3A_642 : memref<1x1x40xi32, #tpu.memory_space<hbm>> -> memref<40xi32, #tpu.memory_space<hbm>>
        tpu.enqueue_dma source(%dma_start3A_643 : memref<40xi32, #tpu.memory_space<hbm>>) target(%arg32 : memref<40xi32, #tpu.memory_space<vmem>>) target_semaphore(%arg56 : memref<!tpu.dma_semaphore, #tpu.memory_space<semaphore_mem>>)
        %dma_start3A_644 = arith.constant 0 : i32
        %dma_start3A_645 = tpu.memref_slice %arg7[%add3A, %add3A_625, %dma_start3A_644] : memref<32x256x40xi32, #tpu.memory_space<hbm>> -> memref<1x1x40xi32, #tpu.memory_space<hbm>>
        %dma_start3A_646 = tpu.memref_squeeze %dma_start3A_645 : memref<1x1x40xi32, #tpu.memory_space<hbm>> -> memref<40xi32, #tpu.memory_space<hbm>>
        %dma_start3A_647 = arith.constant 0 : i32
        %dma_start3A_648 = tpu.memref_slice %arg7[%add3A, %add3A_625, %dma_start3A_647] : memref<32x256x40xi32, #tpu.memory_space<hbm>> -> memref<1x1x40xi32, #tpu.memory_space<hbm>>
        %dma_start3A_649 = tpu.memref_squeeze %dma_start3A_648 : memref<1x1x40xi32, #tpu.memory_space<hbm>> -> memref<40xi32, #tpu.memory_space<hbm>>
        tpu.enqueue_dma source(%dma_start3A_649 : memref<40xi32, #tpu.memory_space<hbm>>) target(%arg40 : memref<40xi32, #tpu.memory_space<vmem>>) target_semaphore(%arg56 : memref<!tpu.dma_semaphore, #tpu.memory_space<semaphore_mem>>)
      } else {
      }
      %mul3A_581 = arith.constant 8 : i32
      %mul3A_582 = arith.muli %mul3A_581, %scan3A_281 : i32
      %add3A_583 = arith.constant 7 : i32
      %add3A_584 = arith.addi %mul3A_582, %add3A_583 : i32
      %dma_wait3A_585 = arith.constant 0 : i32
      %dma_wait3A_586 = arith.constant 0 : i32
      %dma_wait3A_587 = tpu.memref_slice %arg47[%dma_wait3A_585, %dma_wait3A_586] : memref<40x128xf32, #tpu.memory_space<vmem>> -> memref<20x128xf32, #tpu.memory_space<vmem>>
      %dma_wait3A_588 = arith.constant 0 : i32
      %dma_wait3A_589 = arith.constant 0 : i32
      %dma_wait3A_590 = tpu.memref_slice %arg2[%dma_wait3A_588, %dma_wait3A_589] : memref<10000x128xf32, #tpu.memory_space<hbm>> -> memref<10000x128xf32, #tpu.memory_space<hbm>>
      tpu.wait_indirect_dma semaphore(%arg63 : memref<!tpu.dma_semaphore, #tpu.memory_space<semaphore_mem>>) src(%dma_wait3A_590 : memref<10000x128xf32, #tpu.memory_space<hbm>>) dst(%dma_wait3A_587 : memref<20x128xf32, #tpu.memory_space<vmem>>)
      %dma_wait3A_591 = arith.constant 20 : i32
      %dma_wait3A_592 = arith.constant 0 : i32
      %dma_wait3A_593 = tpu.memref_slice %arg47[%dma_wait3A_591, %dma_wait3A_592] : memref<40x128xf32, #tpu.memory_space<vmem>> -> memref<20x128xf32, #tpu.memory_space<vmem>>
      %dma_wait3A_594 = arith.constant 0 : i32
      %dma_wait3A_595 = arith.constant 0 : i32
      %dma_wait3A_596 = tpu.memref_slice %arg2[%dma_wait3A_594, %dma_wait3A_595] : memref<10000x128xf32, #tpu.memory_space<hbm>> -> memref<10000x128xf32, #tpu.memory_space<hbm>>
      tpu.wait_indirect_dma semaphore(%arg63 : memref<!tpu.dma_semaphore, #tpu.memory_space<semaphore_mem>>) src(%dma_wait3A_596 : memref<10000x128xf32, #tpu.memory_space<hbm>>) dst(%dma_wait3A_593 : memref<20x128xf32, #tpu.memory_space<vmem>>)
      %dma_wait3A_597 = arith.constant 0 : i32
      %dma_wait3A_598 = arith.constant 0 : i32
      %dma_wait3A_599 = tpu.memref_slice %arg11[%dma_wait3A_597, %dma_wait3A_598] : memref<200x128xf32, #tpu.memory_space<vmem_shared>> -> memref<200x128xf32, #tpu.memory_space<vmem_shared>>
      tpu.wait_indirect_dma semaphore(%arg71 : memref<!tpu.dma_semaphore, #tpu.memory_space<semaphore_mem>>) src(%dma_wait3A_599 : memref<200x128xf32, #tpu.memory_space<vmem_shared>>) dst(%arg51 : memref<40x128xf32, #tpu.memory_space<vmem>>)
      %scan3A_600 = arith.constant 0 : i32
      %scan3A_601 = arith.constant 0 : i32
      %scan3A_602 = arith.constant 40 : i32
      %scan3A_603 = arith.addi %scan3A_601, %scan3A_602 : i32
      %scan3A_604 = arith.constant 1 : i32
      scf.for %scan3A_624 = %scan3A_601 to %scan3A_603 step %scan3A_604  : i32 {
        %get3A = arith.index_cast %scan3A_624 : i32 to index
        %get3A_625 = arith.constant 0 : index
        %get3A_626 = tpu.vector_load %arg47[%get3A, %get3A_625] {strides = array<i32>} : memref<40x128xf32, #tpu.memory_space<vmem>>, vector<1x16xf32>,
        %get3A_627 = vector.shape_cast %get3A_626 : vector<1x16xf32> to vector<16xf32>
        %get3A_628 = arith.index_cast %scan3A_624 : i32 to index
        %get3A_629 = arith.constant 0 : index
        %get3A_630 = tpu.vector_load %arg51[%get3A_628, %get3A_629] {strides = array<i32>} : memref<40x128xf32, #tpu.memory_space<vmem>>, vector<1x16xf32>,
        %get3A_631 = vector.shape_cast %get3A_630 : vector<1x16xf32> to vector<16xf32>
        %add3A_632 = arith.addf %get3A_627, %get3A_631 : vector<16xf32>
        %swap3A = arith.index_cast %scan3A_624 : i32 to index
        %swap3A_633 = arith.constant 0 : index
        %swap3A_634 = tpu.vector_load %arg47[%swap3A, %swap3A_633] {strides = array<i32>} : memref<40x128xf32, #tpu.memory_space<vmem>>, vector<1x16xf32>,
        %swap3A_635 = vector.shape_cast %swap3A_634 : vector<1x16xf32> to vector<16xf32>
        %swap3A_636 = vector.shape_cast %add3A_632 : vector<16xf32> to vector<1x16xf32>
        tpu.vector_store %arg47[%swap3A, %swap3A_633], %swap3A_636 {strides = array<i32>} : memref<40x128xf32, #tpu.memory_space<vmem>>, vector<1x16xf32>,
        %get3A_637 = arith.index_cast %scan3A_624 : i32 to index
        %get3A_638 = arith.constant 16 : index
        %get3A_639 = tpu.vector_load %arg47[%get3A_637, %get3A_638] {strides = array<i32>} : memref<40x128xf32, #tpu.memory_space<vmem>>, vector<1x16xf32>,
        %get3A_640 = vector.shape_cast %get3A_639 : vector<1x16xf32> to vector<16xf32>
        %get3A_641 = arith.index_cast %scan3A_624 : i32 to index
        %get3A_642 = arith.constant 16 : index
        %get3A_643 = tpu.vector_load %arg51[%get3A_641, %get3A_642] {strides = array<i32>} : memref<40x128xf32, #tpu.memory_space<vmem>>, vector<1x16xf32>,
        %get3A_644 = vector.shape_cast %get3A_643 : vector<1x16xf32> to vector<16xf32>
        %add3A_645 = arith.addf %get3A_640, %get3A_644 : vector<16xf32>
        %swap3A_646 = arith.index_cast %scan3A_624 : i32 to index
        %swap3A_647 = arith.constant 16 : index
        %swap3A_648 = tpu.vector_load %arg47[%swap3A_646, %swap3A_647] {strides = array<i32>} : memref<40x128xf32, #tpu.memory_space<vmem>>, vector<1x16xf32>,
        %swap3A_649 = vector.shape_cast %swap3A_648 : vector<1x16xf32> to vector<16xf32>
        %swap3A_650 = vector.shape_cast %add3A_645 : vector<16xf32> to vector<1x16xf32>
        tpu.vector_store %arg47[%swap3A_646, %swap3A_647], %swap3A_650 {strides = array<i32>} : memref<40x128xf32, #tpu.memory_space<vmem>>, vector<1x16xf32>,
        %get3A_651 = arith.index_cast %scan3A_624 : i32 to index
        %get3A_652 = arith.constant 32 : index
        %get3A_653 = tpu.vector_load %arg47[%get3A_651, %get3A_652] {strides = array<i32>} : memref<40x128xf32, #tpu.memory_space<vmem>>, vector<1x16xf32>,
        %get3A_654 = vector.shape_cast %get3A_653 : vector<1x16xf32> to vector<16xf32>
        %get3A_655 = arith.index_cast %scan3A_624 : i32 to index
        %get3A_656 = arith.constant 32 : index
        %get3A_657 = tpu.vector_load %arg51[%get3A_655, %get3A_656] {strides = array<i32>} : memref<40x128xf32, #tpu.memory_space<vmem>>, vector<1x16xf32>,
        %get3A_658 = vector.shape_cast %get3A_657 : vector<1x16xf32> to vector<16xf32>
        %add3A_659 = arith.addf %get3A_654, %get3A_658 : vector<16xf32>
        %swap3A_660 = arith.index_cast %scan3A_624 : i32 to index
        %swap3A_661 = arith.constant 32 : index
        %swap3A_662 = tpu.vector_load %arg47[%swap3A_660, %swap3A_661] {strides = array<i32>} : memref<40x128xf32, #tpu.memory_space<vmem>>, vector<1x16xf32>,
        %swap3A_663 = vector.shape_cast %swap3A_662 : vector<1x16xf32> to vector<16xf32>
        %swap3A_664 = vector.shape_cast %add3A_659 : vector<16xf32> to vector<1x16xf32>
        tpu.vector_store %arg47[%swap3A_660, %swap3A_661], %swap3A_664 {strides = array<i32>} : memref<40x128xf32, #tpu.memory_space<vmem>>, vector<1x16xf32>,
        %get3A_665 = arith.index_cast %scan3A_624 : i32 to index
        %get3A_666 = arith.constant 48 : index
        %get3A_667 = tpu.vector_load %arg47[%get3A_665, %get3A_666] {strides = array<i32>} : memref<40x128xf32, #tpu.memory_space<vmem>>, vector<1x16xf32>,
        %get3A_668 = vector.shape_cast %get3A_667 : vector<1x16xf32> to vector<16xf32>
        %get3A_669 = arith.index_cast %scan3A_624 : i32 to index
        %get3A_670 = arith.constant 48 : index
        %get3A_671 = tpu.vector_load %arg51[%get3A_669, %get3A_670] {strides = array<i32>} : memref<40x128xf32, #tpu.memory_space<vmem>>, vector<1x16xf32>,
        %get3A_672 = vector.shape_cast %get3A_671 : vector<1x16xf32> to vector<16xf32>
        %add3A_673 = arith.addf %get3A_668, %get3A_672 : vector<16xf32>
        %swap3A_674 = arith.index_cast %scan3A_624 : i32 to index
        %swap3A_675 = arith.constant 48 : index
        %swap3A_676 = tpu.vector_load %arg47[%swap3A_674, %swap3A_675] {strides = array<i32>} : memref<40x128xf32, #tpu.memory_space<vmem>>, vector<1x16xf32>,
        %swap3A_677 = vector.shape_cast %swap3A_676 : vector<1x16xf32> to vector<16xf32>
        %swap3A_678 = vector.shape_cast %add3A_673 : vector<16xf32> to vector<1x16xf32>
        tpu.vector_store %arg47[%swap3A_674, %swap3A_675], %swap3A_678 {strides = array<i32>} : memref<40x128xf32, #tpu.memory_space<vmem>>, vector<1x16xf32>,
        %get3A_679 = arith.index_cast %scan3A_624 : i32 to index
        %get3A_680 = arith.constant 64 : index
        %get3A_681 = tpu.vector_load %arg47[%get3A_679, %get3A_680] {strides = array<i32>} : memref<40x128xf32, #tpu.memory_space<vmem>>, vector<1x16xf32>,
        %get3A_682 = vector.shape_cast %get3A_681 : vector<1x16xf32> to vector<16xf32>
        %get3A_683 = arith.index_cast %scan3A_624 : i32 to index
        %get3A_684 = arith.constant 64 : index
        %get3A_685 = tpu.vector_load %arg51[%get3A_683, %get3A_684] {strides = array<i32>} : memref<40x128xf32, #tpu.memory_space<vmem>>, vector<1x16xf32>,
        %get3A_686 = vector.shape_cast %get3A_685 : vector<1x16xf32> to vector<16xf32>
        %add3A_687 = arith.addf %get3A_682, %get3A_686 : vector<16xf32>
        %swap3A_688 = arith.index_cast %scan3A_624 : i32 to index
        %swap3A_689 = arith.constant 64 : index
        %swap3A_690 = tpu.vector_load %arg47[%swap3A_688, %swap3A_689] {strides = array<i32>} : memref<40x128xf32, #tpu.memory_space<vmem>>, vector<1x16xf32>,
        %swap3A_691 = vector.shape_cast %swap3A_690 : vector<1x16xf32> to vector<16xf32>
        %swap3A_692 = vector.shape_cast %add3A_687 : vector<16xf32> to vector<1x16xf32>
        tpu.vector_store %arg47[%swap3A_688, %swap3A_689], %swap3A_692 {strides = array<i32>} : memref<40x128xf32, #tpu.memory_space<vmem>>, vector<1x16xf32>,
        %get3A_693 = arith.index_cast %scan3A_624 : i32 to index
        %get3A_694 = arith.constant 80 : index
        %get3A_695 = tpu.vector_load %arg47[%get3A_693, %get3A_694] {strides = array<i32>} : memref<40x128xf32, #tpu.memory_space<vmem>>, vector<1x16xf32>,
        %get3A_696 = vector.shape_cast %get3A_695 : vector<1x16xf32> to vector<16xf32>
        %get3A_697 = arith.index_cast %scan3A_624 : i32 to index
        %get3A_698 = arith.constant 80 : index
        %get3A_699 = tpu.vector_load %arg51[%get3A_697, %get3A_698] {strides = array<i32>} : memref<40x128xf32, #tpu.memory_space<vmem>>, vector<1x16xf32>,
        %get3A_700 = vector.shape_cast %get3A_699 : vector<1x16xf32> to vector<16xf32>
        %add3A_701 = arith.addf %get3A_696, %get3A_700 : vector<16xf32>
        %swap3A_702 = arith.index_cast %scan3A_624 : i32 to index
        %swap3A_703 = arith.constant 80 : index
        %swap3A_704 = tpu.vector_load %arg47[%swap3A_702, %swap3A_703] {strides = array<i32>} : memref<40x128xf32, #tpu.memory_space<vmem>>, vector<1x16xf32>,
        %swap3A_705 = vector.shape_cast %swap3A_704 : vector<1x16xf32> to vector<16xf32>
        %swap3A_706 = vector.shape_cast %add3A_701 : vector<16xf32> to vector<1x16xf32>
        tpu.vector_store %arg47[%swap3A_702, %swap3A_703], %swap3A_706 {strides = array<i32>} : memref<40x128xf32, #tpu.memory_space<vmem>>, vector<1x16xf32>,
        %get3A_707 = arith.index_cast %scan3A_624 : i32 to index
        %get3A_708 = arith.constant 96 : index
        %get3A_709 = tpu.vector_load %arg47[%get3A_707, %get3A_708] {strides = array<i32>} : memref<40x128xf32, #tpu.memory_space<vmem>>, vector<1x16xf32>,
        %get3A_710 = vector.shape_cast %get3A_709 : vector<1x16xf32> to vector<16xf32>
        %get3A_711 = arith.index_cast %scan3A_624 : i32 to index
        %get3A_712 = arith.constant 96 : index
        %get3A_713 = tpu.vector_load %arg51[%get3A_711, %get3A_712] {strides = array<i32>} : memref<40x128xf32, #tpu.memory_space<vmem>>, vector<1x16xf32>,
        %get3A_714 = vector.shape_cast %get3A_713 : vector<1x16xf32> to vector<16xf32>
        %add3A_715 = arith.addf %get3A_710, %get3A_714 : vector<16xf32>
        %swap3A_716 = arith.index_cast %scan3A_624 : i32 to index
        %swap3A_717 = arith.constant 96 : index
        %swap3A_718 = tpu.vector_load %arg47[%swap3A_716, %swap3A_717] {strides = array<i32>} : memref<40x128xf32, #tpu.memory_space<vmem>>, vector<1x16xf32>,
        %swap3A_719 = vector.shape_cast %swap3A_718 : vector<1x16xf32> to vector<16xf32>
        %swap3A_720 = vector.shape_cast %add3A_715 : vector<16xf32> to vector<1x16xf32>
        tpu.vector_store %arg47[%swap3A_716, %swap3A_717], %swap3A_720 {strides = array<i32>} : memref<40x128xf32, #tpu.memory_space<vmem>>, vector<1x16xf32>,
        %get3A_721 = arith.index_cast %scan3A_624 : i32 to index
        %get3A_722 = arith.constant 112 : index
        %get3A_723 = tpu.vector_load %arg47[%get3A_721, %get3A_722] {strides = array<i32>} : memref<40x128xf32, #tpu.memory_space<vmem>>, vector<1x16xf32>,
        %get3A_724 = vector.shape_cast %get3A_723 : vector<1x16xf32> to vector<16xf32>
        %get3A_725 = arith.index_cast %scan3A_624 : i32 to index
        %get3A_726 = arith.constant 112 : index
        %get3A_727 = tpu.vector_load %arg51[%get3A_725, %get3A_726] {strides = array<i32>} : memref<40x128xf32, #tpu.memory_space<vmem>>, vector<1x16xf32>,
        %get3A_728 = vector.shape_cast %get3A_727 : vector<1x16xf32> to vector<16xf32>
        %add3A_729 = arith.addf %get3A_724, %get3A_728 : vector<16xf32>
        %swap3A_730 = arith.index_cast %scan3A_624 : i32 to index
        %swap3A_731 = arith.constant 112 : index
        %swap3A_732 = tpu.vector_load %arg47[%swap3A_730, %swap3A_731] {strides = array<i32>} : memref<40x128xf32, #tpu.memory_space<vmem>>, vector<1x16xf32>,
        %swap3A_733 = vector.shape_cast %swap3A_732 : vector<1x16xf32> to vector<16xf32>
        %swap3A_734 = vector.shape_cast %add3A_729 : vector<16xf32> to vector<1x16xf32>
        tpu.vector_store %arg47[%swap3A_730, %swap3A_731], %swap3A_734 {strides = array<i32>} : memref<40x128xf32, #tpu.memory_space<vmem>>, vector<1x16xf32>,
      }
      %scan3A_605 = arith.constant 40 : i32
      %dma_start3A_606 = arith.constant 0 : i32
      %dma_start3A_607 = arith.constant 0 : i32
      %dma_start3A_608 = tpu.memref_slice %arg10[%dma_start3A_606, %dma_start3A_607] : memref<10240x128xf32, #tpu.memory_space<vmem_shared>> -> memref<10240x128xf32, #tpu.memory_space<vmem_shared>>
      tpu.enqueue_indirect_dma source(%arg47 : memref<40x128xf32, #tpu.memory_space<vmem>>) target(%dma_start3A_608 : memref<10240x128xf32, #tpu.memory_space<vmem_shared>>) offsets(%arg43 : memref<40xi32, #tpu.memory_space<vmem>>) semaphore(%arg67 : memref<!tpu.dma_semaphore, #tpu.memory_space<semaphore_mem>>) {add = true}
      %ge3A_609 = arith.constant 2 : i32
      %ge3A_610 = arith.cmpi sge, %add3A_584, %ge3A_609 : i32
      %convert_element_type3A_611 = arith.extui %ge3A_610 : i1 to i32
      %cond3A_612 = arith.constant 0 : i32
      %cond3A_613 = arith.cmpi ne, %convert_element_type3A_611, %cond3A_612 : i32
      scf.if %cond3A_613 {
        %dma_wait3A_624 = arith.constant 0 : i32
        %dma_wait3A_625 = arith.constant 0 : i32
        %dma_wait3A_626 = tpu.memref_slice %arg10[%dma_wait3A_624, %dma_wait3A_625] : memref<10240x128xf32, #tpu.memory_space<vmem_shared>> -> memref<10240x128xf32, #tpu.memory_space<vmem_shared>>
        tpu.wait_indirect_dma semaphore(%arg65 : memref<!tpu.dma_semaphore, #tpu.memory_space<semaphore_mem>>) src(%arg45 : memref<40x128xf32, #tpu.memory_space<vmem>>) dst(%dma_wait3A_626 : memref<10240x128xf32, #tpu.memory_space<vmem_shared>>)
      } else {
      }
      %le3A_614 = arith.constant 253 : i32
      %le3A_615 = arith.cmpi sle, %add3A_584, %le3A_614 : i32
      %convert_element_type3A_616 = arith.extui %le3A_615 : i1 to i32
      %cond3A_617 = arith.constant 0 : i32
      %cond3A_618 = arith.cmpi ne, %convert_element_type3A_616, %cond3A_617 : i32
      scf.if %cond3A_618 {
        %dma_wait3A_624 = arith.constant 0 : i32
        %dma_wait3A_625 = arith.constant 0 : i32
        %dma_wait3A_626 = arith.constant 0 : i32
        %dma_wait3A_627 = tpu.memref_slice %arg4[%dma_wait3A_624, %dma_wait3A_625, %dma_wait3A_626] : memref<32x256x20xi32, #tpu.memory_space<hbm>> -> memref<1x1x20xi32, #tpu.memory_space<hbm>>
        %dma_wait3A_628 = tpu.memref_squeeze %dma_wait3A_627 : memref<1x1x20xi32, #tpu.memory_space<hbm>> -> memref<20xi32, #tpu.memory_space<hbm>>
        %dma_wait3A_629 = arith.constant 0 : i32
        %dma_wait3A_630 = tpu.memref_slice %arg4[%dma_wait3A_624, %dma_wait3A_625, %dma_wait3A_629] : memref<32x256x20xi32, #tpu.memory_space<hbm>> -> memref<1x1x20xi32, #tpu.memory_space<hbm>>
        %dma_wait3A_631 = tpu.memref_squeeze %dma_wait3A_630 : memref<1x1x20xi32, #tpu.memory_space<hbm>> -> memref<20xi32, #tpu.memory_space<hbm>>
        tpu.wait_dma2 semaphore(%arg53 : memref<!tpu.dma_semaphore, #tpu.memory_space<semaphore_mem>>) src(%dma_wait3A_631 : memref<20xi32, #tpu.memory_space<hbm>>) dst(%arg13 : memref<20xi32, #tpu.memory_space<vmem>>)
        %dma_wait3A_632 = arith.constant 0 : i32
        %dma_wait3A_633 = arith.constant 0 : i32
        %dma_wait3A_634 = arith.constant 0 : i32
        %dma_wait3A_635 = tpu.memref_slice %arg5[%dma_wait3A_632, %dma_wait3A_633, %dma_wait3A_634] : memref<32x256x20xi32, #tpu.memory_space<hbm>> -> memref<1x1x20xi32, #tpu.memory_space<hbm>>
        %dma_wait3A_636 = tpu.memref_squeeze %dma_wait3A_635 : memref<1x1x20xi32, #tpu.memory_space<hbm>> -> memref<20xi32, #tpu.memory_space<hbm>>
        %dma_wait3A_637 = arith.constant 0 : i32
        %dma_wait3A_638 = tpu.memref_slice %arg5[%dma_wait3A_632, %dma_wait3A_633, %dma_wait3A_637] : memref<32x256x20xi32, #tpu.memory_space<hbm>> -> memref<1x1x20xi32, #tpu.memory_space<hbm>>
        %dma_wait3A_639 = tpu.memref_squeeze %dma_wait3A_638 : memref<1x1x20xi32, #tpu.memory_space<hbm>> -> memref<20xi32, #tpu.memory_space<hbm>>
        tpu.wait_dma2 semaphore(%arg53 : memref<!tpu.dma_semaphore, #tpu.memory_space<semaphore_mem>>) src(%dma_wait3A_639 : memref<20xi32, #tpu.memory_space<hbm>>) dst(%arg21 : memref<20xi32, #tpu.memory_space<vmem>>)
        %dma_wait3A_640 = arith.constant 0 : i32
        %dma_wait3A_641 = arith.constant 0 : i32
        %dma_wait3A_642 = arith.constant 0 : i32
        %dma_wait3A_643 = tpu.memref_slice %arg6[%dma_wait3A_640, %dma_wait3A_641, %dma_wait3A_642] : memref<32x256x40xi32, #tpu.memory_space<hbm>> -> memref<1x1x40xi32, #tpu.memory_space<hbm>>
        %dma_wait3A_644 = tpu.memref_squeeze %dma_wait3A_643 : memref<1x1x40xi32, #tpu.memory_space<hbm>> -> memref<40xi32, #tpu.memory_space<hbm>>
        %dma_wait3A_645 = arith.constant 0 : i32
        %dma_wait3A_646 = tpu.memref_slice %arg6[%dma_wait3A_640, %dma_wait3A_641, %dma_wait3A_645] : memref<32x256x40xi32, #tpu.memory_space<hbm>> -> memref<1x1x40xi32, #tpu.memory_space<hbm>>
        %dma_wait3A_647 = tpu.memref_squeeze %dma_wait3A_646 : memref<1x1x40xi32, #tpu.memory_space<hbm>> -> memref<40xi32, #tpu.memory_space<hbm>>
        tpu.wait_dma2 semaphore(%arg53 : memref<!tpu.dma_semaphore, #tpu.memory_space<semaphore_mem>>) src(%dma_wait3A_647 : memref<40xi32, #tpu.memory_space<hbm>>) dst(%arg29 : memref<40xi32, #tpu.memory_space<vmem>>)
        %dma_wait3A_648 = arith.constant 0 : i32
        %dma_wait3A_649 = arith.constant 0 : i32
        %dma_wait3A_650 = arith.constant 0 : i32
        %dma_wait3A_651 = tpu.memref_slice %arg7[%dma_wait3A_648, %dma_wait3A_649, %dma_wait3A_650] : memref<32x256x40xi32, #tpu.memory_space<hbm>> -> memref<1x1x40xi32, #tpu.memory_space<hbm>>
        %dma_wait3A_652 = tpu.memref_squeeze %dma_wait3A_651 : memref<1x1x40xi32, #tpu.memory_space<hbm>> -> memref<40xi32, #tpu.memory_space<hbm>>
        %dma_wait3A_653 = arith.constant 0 : i32
        %dma_wait3A_654 = tpu.memref_slice %arg7[%dma_wait3A_648, %dma_wait3A_649, %dma_wait3A_653] : memref<32x256x40xi32, #tpu.memory_space<hbm>> -> memref<1x1x40xi32, #tpu.memory_space<hbm>>
        %dma_wait3A_655 = tpu.memref_squeeze %dma_wait3A_654 : memref<1x1x40xi32, #tpu.memory_space<hbm>> -> memref<40xi32, #tpu.memory_space<hbm>>
        tpu.wait_dma2 semaphore(%arg53 : memref<!tpu.dma_semaphore, #tpu.memory_space<semaphore_mem>>) src(%dma_wait3A_655 : memref<40xi32, #tpu.memory_space<hbm>>) dst(%arg37 : memref<40xi32, #tpu.memory_space<vmem>>)
        %dma_start3A_656 = arith.constant 0 : i32
        %dma_start3A_657 = arith.constant 0 : i32
        %dma_start3A_658 = tpu.memref_slice %arg45[%dma_start3A_656, %dma_start3A_657] : memref<40x128xf32, #tpu.memory_space<vmem>> -> memref<20x128xf32, #tpu.memory_space<vmem>>
        %dma_start3A_659 = arith.constant 0 : i32
        %dma_start3A_660 = arith.constant 0 : i32
        %dma_start3A_661 = tpu.memref_slice %arg2[%dma_start3A_659, %dma_start3A_660] : memref<10000x128xf32, #tpu.memory_space<hbm>> -> memref<10000x128xf32, #tpu.memory_space<hbm>>
        tpu.enqueue_indirect_dma source(%dma_start3A_661 : memref<10000x128xf32, #tpu.memory_space<hbm>>) target(%dma_start3A_658 : memref<20x128xf32, #tpu.memory_space<vmem>>) offsets(%arg13 : memref<20xi32, #tpu.memory_space<vmem>>) semaphore(%arg61 : memref<!tpu.dma_semaphore, #tpu.memory_space<semaphore_mem>>)
        %dma_start3A_662 = arith.constant 20 : i32
        %dma_start3A_663 = arith.constant 0 : i32
        %dma_start3A_664 = tpu.memref_slice %arg45[%dma_start3A_662, %dma_start3A_663] : memref<40x128xf32, #tpu.memory_space<vmem>> -> memref<20x128xf32, #tpu.memory_space<vmem>>
        %dma_start3A_665 = arith.constant 0 : i32
        %dma_start3A_666 = arith.constant 0 : i32
        %dma_start3A_667 = tpu.memref_slice %arg2[%dma_start3A_665, %dma_start3A_666] : memref<10000x128xf32, #tpu.memory_space<hbm>> -> memref<10000x128xf32, #tpu.memory_space<hbm>>
        tpu.enqueue_indirect_dma source(%dma_start3A_667 : memref<10000x128xf32, #tpu.memory_space<hbm>>) target(%dma_start3A_664 : memref<20x128xf32, #tpu.memory_space<vmem>>) offsets(%arg21 : memref<20xi32, #tpu.memory_space<vmem>>) semaphore(%arg61 : memref<!tpu.dma_semaphore, #tpu.memory_space<semaphore_mem>>)
        %dma_start3A_668 = arith.constant 0 : i32
        %dma_start3A_669 = arith.constant 0 : i32
        %dma_start3A_670 = tpu.memref_slice %arg11[%dma_start3A_668, %dma_start3A_669] : memref<200x128xf32, #tpu.memory_space<vmem_shared>> -> memref<200x128xf32, #tpu.memory_space<vmem_shared>>
        tpu.enqueue_indirect_dma source(%dma_start3A_670 : memref<200x128xf32, #tpu.memory_space<vmem_shared>>) target(%arg49 : memref<40x128xf32, #tpu.memory_space<vmem>>) offsets(%arg29 : memref<40xi32, #tpu.memory_space<vmem>>) semaphore(%arg69 : memref<!tpu.dma_semaphore, #tpu.memory_space<semaphore_mem>>)
      } else {
      }
      %le3A_619 = arith.constant 249 : i32
      %le3A_620 = arith.cmpi sle, %add3A_584, %le3A_619 : i32
      %convert_element_type3A_621 = arith.extui %le3A_620 : i1 to i32
      %cond3A_622 = arith.constant 0 : i32
      %cond3A_623 = arith.cmpi ne, %convert_element_type3A_621, %cond3A_622 : i32
      scf.if %cond3A_623 {
        %add3A_624 = arith.constant 6 : i32
        %add3A_625 = arith.addi %add3A_584, %add3A_624 : i32
        %dma_start3A_626 = arith.constant 0 : i32
        %dma_start3A_627 = tpu.memref_slice %arg4[%add3A, %add3A_625, %dma_start3A_626] : memref<32x256x20xi32, #tpu.memory_space<hbm>> -> memref<1x1x20xi32, #tpu.memory_space<hbm>>
        %dma_start3A_628 = tpu.memref_squeeze %dma_start3A_627 : memref<1x1x20xi32, #tpu.memory_space<hbm>> -> memref<20xi32, #tpu.memory_space<hbm>>
        %dma_start3A_629 = arith.constant 0 : i32
        %dma_start3A_630 = tpu.memref_slice %arg4[%add3A, %add3A_625, %dma_start3A_629] : memref<32x256x20xi32, #tpu.memory_space<hbm>> -> memref<1x1x20xi32, #tpu.memory_space<hbm>>
        %dma_start3A_631 = tpu.memref_squeeze %dma_start3A_630 : memref<1x1x20xi32, #tpu.memory_space<hbm>> -> memref<20xi32, #tpu.memory_space<hbm>>
        tpu.enqueue_dma source(%dma_start3A_631 : memref<20xi32, #tpu.memory_space<hbm>>) target(%arg17 : memref<20xi32, #tpu.memory_space<vmem>>) target_semaphore(%arg57 : memref<!tpu.dma_semaphore, #tpu.memory_space<semaphore_mem>>)
        %dma_start3A_632 = arith.constant 0 : i32
        %dma_start3A_633 = tpu.memref_slice %arg5[%add3A, %add3A_625, %dma_start3A_632] : memref<32x256x20xi32, #tpu.memory_space<hbm>> -> memref<1x1x20xi32, #tpu.memory_space<hbm>>
        %dma_start3A_634 = tpu.memref_squeeze %dma_start3A_633 : memref<1x1x20xi32, #tpu.memory_space<hbm>> -> memref<20xi32, #tpu.memory_space<hbm>>
        %dma_start3A_635 = arith.constant 0 : i32
        %dma_start3A_636 = tpu.memref_slice %arg5[%add3A, %add3A_625, %dma_start3A_635] : memref<32x256x20xi32, #tpu.memory_space<hbm>> -> memref<1x1x20xi32, #tpu.memory_space<hbm>>
        %dma_start3A_637 = tpu.memref_squeeze %dma_start3A_636 : memref<1x1x20xi32, #tpu.memory_space<hbm>> -> memref<20xi32, #tpu.memory_space<hbm>>
        tpu.enqueue_dma source(%dma_start3A_637 : memref<20xi32, #tpu.memory_space<hbm>>) target(%arg25 : memref<20xi32, #tpu.memory_space<vmem>>) target_semaphore(%arg57 : memref<!tpu.dma_semaphore, #tpu.memory_space<semaphore_mem>>)
        %dma_start3A_638 = arith.constant 0 : i32
        %dma_start3A_639 = tpu.memref_slice %arg6[%add3A, %add3A_625, %dma_start3A_638] : memref<32x256x40xi32, #tpu.memory_space<hbm>> -> memref<1x1x40xi32, #tpu.memory_space<hbm>>
        %dma_start3A_640 = tpu.memref_squeeze %dma_start3A_639 : memref<1x1x40xi32, #tpu.memory_space<hbm>> -> memref<40xi32, #tpu.memory_space<hbm>>
        %dma_start3A_641 = arith.constant 0 : i32
        %dma_start3A_642 = tpu.memref_slice %arg6[%add3A, %add3A_625, %dma_start3A_641] : memref<32x256x40xi32, #tpu.memory_space<hbm>> -> memref<1x1x40xi32, #tpu.memory_space<hbm>>
        %dma_start3A_643 = tpu.memref_squeeze %dma_start3A_642 : memref<1x1x40xi32, #tpu.memory_space<hbm>> -> memref<40xi32, #tpu.memory_space<hbm>>
        tpu.enqueue_dma source(%dma_start3A_643 : memref<40xi32, #tpu.memory_space<hbm>>) target(%arg33 : memref<40xi32, #tpu.memory_space<vmem>>) target_semaphore(%arg57 : memref<!tpu.dma_semaphore, #tpu.memory_space<semaphore_mem>>)
        %dma_start3A_644 = arith.constant 0 : i32
        %dma_start3A_645 = tpu.memref_slice %arg7[%add3A, %add3A_625, %dma_start3A_644] : memref<32x256x40xi32, #tpu.memory_space<hbm>> -> memref<1x1x40xi32, #tpu.memory_space<hbm>>
        %dma_start3A_646 = tpu.memref_squeeze %dma_start3A_645 : memref<1x1x40xi32, #tpu.memory_space<hbm>> -> memref<40xi32, #tpu.memory_space<hbm>>
        %dma_start3A_647 = arith.constant 0 : i32
        %dma_start3A_648 = tpu.memref_slice %arg7[%add3A, %add3A_625, %dma_start3A_647] : memref<32x256x40xi32, #tpu.memory_space<hbm>> -> memref<1x1x40xi32, #tpu.memory_space<hbm>>
        %dma_start3A_649 = tpu.memref_squeeze %dma_start3A_648 : memref<1x1x40xi32, #tpu.memory_space<hbm>> -> memref<40xi32, #tpu.memory_space<hbm>>
        tpu.enqueue_dma source(%dma_start3A_649 : memref<40xi32, #tpu.memory_space<hbm>>) target(%arg41 : memref<40xi32, #tpu.memory_space<vmem>>) target_semaphore(%arg57 : memref<!tpu.dma_semaphore, #tpu.memory_space<semaphore_mem>>)
      } else {
      }
    }
    %scan3A_269 = arith.constant 32 : i32
    %dma_wait3A_270 = arith.constant 0 : i32
    %dma_wait3A_271 = arith.constant 0 : i32
    %dma_wait3A_272 = tpu.memref_slice %arg10[%dma_wait3A_270, %dma_wait3A_271] : memref<10240x128xf32, #tpu.memory_space<vmem_shared>> -> memref<10240x128xf32, #tpu.memory_space<vmem_shared>>
    tpu.wait_indirect_dma semaphore(%arg66 : memref<!tpu.dma_semaphore, #tpu.memory_space<semaphore_mem>>) src(%arg46 : memref<40x128xf32, #tpu.memory_space<vmem>>) dst(%dma_wait3A_272 : memref<10240x128xf32, #tpu.memory_space<vmem_shared>>)
    %dma_wait3A_273 = arith.constant 0 : i32
    %dma_wait3A_274 = arith.constant 0 : i32
    %dma_wait3A_275 = tpu.memref_slice %arg10[%dma_wait3A_273, %dma_wait3A_274] : memref<10240x128xf32, #tpu.memory_space<vmem_shared>> -> memref<10240x128xf32, #tpu.memory_space<vmem_shared>>
    tpu.wait_indirect_dma semaphore(%arg67 : memref<!tpu.dma_semaphore, #tpu.memory_space<semaphore_mem>>) src(%arg47 : memref<40x128xf32, #tpu.memory_space<vmem>>) dst(%dma_wait3A_275 : memref<10240x128xf32, #tpu.memory_space<vmem_shared>>)
    %barrier3A_276 = arith.constant 0 : index
    tpu.barrier barrier_id(%barrier3A_276)
    %mul3A_277 = arith.constant 640 : i32
    %mul3A_278 = arith.muli %arg1, %mul3A_277 : i32
    %mul3A_279 = arith.constant 640 : i32
    %mul3A_280 = arith.muli %arg1, %mul3A_279 : i32
    "tpu.region"() ({
      %run_scoped3A = tpu.sem_alloc : memref<!tpu.dma_semaphore, #tpu.memory_space<semaphore_mem>>
      %dma_start3A_281 = arith.constant 0 : i32
      %dma_start3A_282 = tpu.memref_slice %arg9[%arg0, %mul3A_280, %dma_start3A_281] : memref<2x10240x128xf32, #tpu.memory_space<hbm>> -> memref<1x640x128xf32, #tpu.memory_space<hbm>>
      %dma_start3A_283 = tpu.memref_squeeze %dma_start3A_282 : memref<1x640x128xf32, #tpu.memory_space<hbm>> -> memref<640x128xf32, #tpu.memory_space<hbm>>
      %dma_start3A_284 = arith.constant 0 : i32
      %dma_start3A_285 = tpu.memref_slice %arg10[%mul3A_278, %dma_start3A_284] : memref<10240x128xf32, #tpu.memory_space<vmem_shared>> -> memref<640x128xf32, #tpu.memory_space<vmem_shared>>
      tpu.enqueue_dma source(%dma_start3A_285 : memref<640x128xf32, #tpu.memory_space<vmem_shared>>) target(%dma_start3A_283 : memref<640x128xf32, #tpu.memory_space<hbm>>) target_semaphore(%run_scoped3A : memref<!tpu.dma_semaphore, #tpu.memory_space<semaphore_mem>>)
      %dma_wait3A_286 = arith.constant 0 : i32
      %dma_wait3A_287 = tpu.memref_slice %arg9[%arg0, %mul3A_280, %dma_wait3A_286] : memref<2x10240x128xf32, #tpu.memory_space<hbm>> -> memref<1x640x128xf32, #tpu.memory_space<hbm>>
      %dma_wait3A_288 = tpu.memref_squeeze %dma_wait3A_287 : memref<1x640x128xf32, #tpu.memory_space<hbm>> -> memref<640x128xf32, #tpu.memory_space<hbm>>
      %dma_wait3A_289 = arith.constant 0 : i32
      %dma_wait3A_290 = tpu.memref_slice %arg10[%mul3A_278, %dma_wait3A_289] : memref<10240x128xf32, #tpu.memory_space<vmem_shared>> -> memref<640x128xf32, #tpu.memory_space<vmem_shared>>
      tpu.wait_dma2 semaphore(%run_scoped3A : memref<!tpu.dma_semaphore, #tpu.memory_space<semaphore_mem>>) src(%dma_wait3A_290 : memref<640x128xf32, #tpu.memory_space<vmem_shared>>) dst(%dma_wait3A_288 : memref<640x128xf32, #tpu.memory_space<hbm>>)
      tpu.yield
    }) : () -> ()
    return
  }
}

module attributes {stable_mosaic.version = 14 : i64} {
  func.func @_embw_body(%arg0: memref<200x128xf32, #tpu.memory_space<vmem>>, %arg1: memref<128x128xf32, #tpu.memory_space<vmem>>, %arg2: memref<200x128xf32, #tpu.memory_space<vmem>>) attributes {dimension_semantics = [], scalar_prefetch = 0 : i64, scratch_operands = 0 : i64, tpu.core_type = #tpu.core_type<tc>} {
    %get3A = arith.constant 0 : index
    %get3A_0 = arith.constant 0 : index
    %get3A_1 = vector.load %arg0[%get3A, %get3A_0] : memref<200x128xf32, #tpu.memory_space<vmem>>, vector<200x128xf32>
    %get3A_2 = arith.constant 0 : index
    %get3A_3 = arith.constant 0 : index
    %get3A_4 = vector.load %arg1[%get3A_2, %get3A_3] : memref<128x128xf32, #tpu.memory_space<vmem>>, vector<128x128xf32>
    %dot_general3A = arith.constant dense<0.000000e+00> : vector<200x128xf32>
    %dot_general3A_5 = tpu.matmul %get3A_1, %get3A_4, %dot_general3A {dimension_numbers = #tpu.dot_dimension_numbers<[1], [0], [0], [1], [0, 0, 1, 1], [], []>, transpose_lhs_hint = false} : vector<200x128xf32>, vector<128x128xf32>, vector<200x128xf32> -> vector<200x128xf32>
    %swap3A = arith.constant 0 : index
    %swap3A_6 = arith.constant 0 : index
    %swap3A_7 = vector.load %arg2[%swap3A, %swap3A_6] : memref<200x128xf32, #tpu.memory_space<vmem>>, vector<200x128xf32>
    tpu.vector_store %arg2[%swap3A, %swap3A_6], %dot_general3A_5 {strides = array<i32>} : memref<200x128xf32, #tpu.memory_space<vmem>>, vector<200x128xf32>,
    return
  }
}

module attributes {stable_mosaic.version = 14 : i64} {
  func.func @_dense_body(%arg0: i32, %arg1: memref<2000x128xf32, #tpu.memory_space<vmem>>, %arg2: memref<2000x128xf32, #tpu.memory_space<vmem>>, %arg3: memref<128x128xf32, #tpu.memory_space<vmem>>, %arg4: memref<128x128xf32, #tpu.memory_space<vmem>>, %arg5: memref<128x128xf32, #tpu.memory_space<vmem>>, %arg6: memref<1x128xf32, #tpu.memory_space<vmem>>, %arg7: memref<2000x128xf32, #tpu.memory_space<vmem>>, %arg8: memref<2000x128xf32, #tpu.memory_space<vmem>>, %arg9: memref<2000x128xf32, #tpu.memory_space<vmem>>) attributes {dimension_semantics = [#tpu.dimension_semantics<arbitrary>], iteration_bounds = array<i64: 5>, scalar_prefetch = 0 : i64, scratch_operands = 0 : i64, tpu.core_type = #tpu.core_type<tc>, window_params = [{transform_indices = @transform_0, window_bounds = array<i64: 2000, 128>}, {transform_indices = @transform_1, window_bounds = array<i64: 2000, 128>}, {pipeline_mode = #tpu.pipeline_mode<synchronous>, transform_indices = @transform_2, window_bounds = array<i64: 128, 128>}, {pipeline_mode = #tpu.pipeline_mode<synchronous>, transform_indices = @transform_3, window_bounds = array<i64: 128, 128>}, {pipeline_mode = #tpu.pipeline_mode<synchronous>, transform_indices = @transform_4, window_bounds = array<i64: 128, 128>}, {pipeline_mode = #tpu.pipeline_mode<synchronous>, transform_indices = @transform_5, window_bounds = array<i64: 1, 128>}, {transform_indices = @transform_6, window_bounds = array<i64: 2000, 128>}, {transform_indices = @transform_7, window_bounds = array<i64: 2000, 128>}, {transform_indices = @transform_8, window_bounds = array<i64: 2000, 128>}]} {
    %get3A = arith.constant 0 : index
    %get3A_0 = arith.constant 0 : index
    %get3A_1 = vector.load %arg1[%get3A, %get3A_0] : memref<2000x128xf32, #tpu.memory_space<vmem>>, vector<2000x128xf32>
    %get3A_2 = arith.constant 0 : index
    %get3A_3 = arith.constant 0 : index
    %get3A_4 = vector.load %arg3[%get3A_2, %get3A_3] : memref<128x128xf32, #tpu.memory_space<vmem>>, vector<128x128xf32>
    %dot_general3A = arith.constant dense<0.000000e+00> : vector<2000x128xf32>
    %dot_general3A_5 = tpu.matmul %get3A_1, %get3A_4, %dot_general3A {dimension_numbers = #tpu.dot_dimension_numbers<[1], [0], [0], [1], [0, 0, 1, 1], [], []>, transpose_lhs_hint = false} : vector<2000x128xf32>, vector<128x128xf32>, vector<2000x128xf32> -> vector<2000x128xf32>
    %swap3A = arith.constant 0 : index
    %swap3A_6 = arith.constant 0 : index
    %swap3A_7 = vector.load %arg7[%swap3A, %swap3A_6] : memref<2000x128xf32, #tpu.memory_space<vmem>>, vector<2000x128xf32>
    tpu.vector_store %arg7[%swap3A, %swap3A_6], %dot_general3A_5 {strides = array<i32>} : memref<2000x128xf32, #tpu.memory_space<vmem>>, vector<2000x128xf32>,
    %get3A_8 = arith.constant 0 : index
    %get3A_9 = arith.constant 0 : index
    %get3A_10 = vector.load %arg4[%get3A_8, %get3A_9] : memref<128x128xf32, #tpu.memory_space<vmem>>, vector<128x128xf32>
    %dot_general3A_11 = arith.constant dense<0.000000e+00> : vector<2000x128xf32>
    %dot_general3A_12 = tpu.matmul %get3A_1, %get3A_10, %dot_general3A_11 {dimension_numbers = #tpu.dot_dimension_numbers<[1], [0], [0], [1], [0, 0, 1, 1], [], []>, transpose_lhs_hint = false} : vector<2000x128xf32>, vector<128x128xf32>, vector<2000x128xf32> -> vector<2000x128xf32>
    %swap3A_13 = arith.constant 0 : index
    %swap3A_14 = arith.constant 0 : index
    %swap3A_15 = vector.load %arg8[%swap3A_13, %swap3A_14] : memref<2000x128xf32, #tpu.memory_space<vmem>>, vector<2000x128xf32>
    tpu.vector_store %arg8[%swap3A_13, %swap3A_14], %dot_general3A_12 {strides = array<i32>} : memref<2000x128xf32, #tpu.memory_space<vmem>>, vector<2000x128xf32>,
    %get3A_16 = arith.constant 0 : index
    %get3A_17 = arith.constant 0 : index
    %get3A_18 = vector.load %arg2[%get3A_16, %get3A_17] : memref<2000x128xf32, #tpu.memory_space<vmem>>, vector<2000x128xf32>
    %get3A_19 = arith.constant 0 : index
    %get3A_20 = arith.constant 0 : index
    %get3A_21 = vector.load %arg5[%get3A_19, %get3A_20] : memref<128x128xf32, #tpu.memory_space<vmem>>, vector<128x128xf32>
    %dot_general3A_22 = arith.constant dense<0.000000e+00> : vector<2000x128xf32>
    %dot_general3A_23 = tpu.matmul %get3A_18, %get3A_21, %dot_general3A_22 {dimension_numbers = #tpu.dot_dimension_numbers<[1], [0], [0], [1], [0, 0, 1, 1], [], []>, transpose_lhs_hint = false} : vector<2000x128xf32>, vector<128x128xf32>, vector<2000x128xf32> -> vector<2000x128xf32>
    %get3A_24 = arith.constant 0 : index
    %get3A_25 = arith.constant 0 : index
    %get3A_26 = vector.load %arg6[%get3A_24, %get3A_25] : memref<1x128xf32, #tpu.memory_space<vmem>>, vector<1x128xf32>
    %add3A = vector.broadcast %get3A_26 : vector<1x128xf32> to vector<2000x128xf32>
    %add3A_27 = arith.addf %dot_general3A_23, %add3A : vector<2000x128xf32>
    %logistic3A = arith.negf %add3A_27 : vector<2000x128xf32>
    %logistic3A_28 = math.exp %logistic3A : vector<2000x128xf32>
    %logistic3A_29 = arith.constant 1.000000e+00 : f32
    %logistic3A_30 = vector.broadcast %logistic3A_29 : f32 to vector<2000x128xf32>
    %logistic3A_31 = arith.addf %logistic3A_30, %logistic3A_28 : vector<2000x128xf32>
    %logistic3A_32 = arith.divf %logistic3A_30, %logistic3A_31 : vector<2000x128xf32>
    %swap3A_33 = arith.constant 0 : index
    %swap3A_34 = arith.constant 0 : index
    %swap3A_35 = vector.load %arg9[%swap3A_33, %swap3A_34] : memref<2000x128xf32, #tpu.memory_space<vmem>>, vector<2000x128xf32>
    tpu.vector_store %arg9[%swap3A_33, %swap3A_34], %logistic3A_32 {strides = array<i32>} : memref<2000x128xf32, #tpu.memory_space<vmem>>, vector<2000x128xf32>,
    return
  }
  func.func @transform_0(%arg0: i32) -> (i32, i32) {
    %c0_i32 = arith.constant 0 : i32
    %c0_i32_0 = arith.constant 0 : i32
    return %arg0, %c0_i32 : i32, i32
  }
  func.func @transform_1(%arg0: i32) -> (i32, i32) {
    %c0_i32 = arith.constant 0 : i32
    %c0_i32_0 = arith.constant 0 : i32
    return %arg0, %c0_i32 : i32, i32
  }
  func.func @transform_2(%arg0: i32) -> (i32, i32) {
    %c0_i32 = arith.constant 0 : i32
    %c0_i32_0 = arith.constant 0 : i32
    %c0_i32_1 = arith.constant 0 : i32
    return %c0_i32, %c0_i32_0 : i32, i32
  }
  func.func @transform_3(%arg0: i32) -> (i32, i32) {
    %c0_i32 = arith.constant 0 : i32
    %c0_i32_0 = arith.constant 0 : i32
    %c0_i32_1 = arith.constant 0 : i32
    return %c0_i32, %c0_i32_0 : i32, i32
  }
  func.func @transform_4(%arg0: i32) -> (i32, i32) {
    %c0_i32 = arith.constant 0 : i32
    %c0_i32_0 = arith.constant 0 : i32
    %c0_i32_1 = arith.constant 0 : i32
    return %c0_i32, %c0_i32_0 : i32, i32
  }
  func.func @transform_5(%arg0: i32) -> (i32, i32) {
    %c0_i32 = arith.constant 0 : i32
    %c0_i32_0 = arith.constant 0 : i32
    %c0_i32_1 = arith.constant 0 : i32
    return %c0_i32, %c0_i32_0 : i32, i32
  }
  func.func @transform_6(%arg0: i32) -> (i32, i32) {
    %c0_i32 = arith.constant 0 : i32
    %c0_i32_0 = arith.constant 0 : i32
    return %arg0, %c0_i32 : i32, i32
  }
  func.func @transform_7(%arg0: i32) -> (i32, i32) {
    %c0_i32 = arith.constant 0 : i32
    %c0_i32_0 = arith.constant 0 : i32
    return %arg0, %c0_i32 : i32, i32
  }
  func.func @transform_8(%arg0: i32) -> (i32, i32) {
    %c0_i32 = arith.constant 0 : i32
    %c0_i32_0 = arith.constant 0 : i32
    return %arg0, %c0_i32 : i32, i32
  }
}

module attributes {stable_mosaic.version = 14 : i64} {
  func.func @_final_body(%arg0: i32, %arg1: memref<2x2000x128xf32, #tpu.memory_space<vmem>>, %arg2: memref<2000x1xf32, #tpu.memory_space<vmem>>, %arg3: memref<2000x128xf32, #tpu.memory_space<vmem>>, %arg4: memref<2000x128xf32, #tpu.memory_space<vmem>>, %arg5: memref<2000x128xf32, #tpu.memory_space<vmem>>, %arg6: memref<2000x128xf32, #tpu.memory_space<vmem>>) attributes {dimension_semantics = [#tpu.dimension_semantics<arbitrary>], iteration_bounds = array<i64: 5>, scalar_prefetch = 0 : i64, scratch_operands = 0 : i64, tpu.core_type = #tpu.core_type<tc>, window_params = [{transform_indices = @transform_0, window_bounds = array<i64: 2, 2000, 128>}, {transform_indices = @transform_1, window_bounds = array<i64: 2000, 1>}, {transform_indices = @transform_2, window_bounds = array<i64: 2000, 128>}, {transform_indices = @transform_3, window_bounds = array<i64: 2000, 128>}, {transform_indices = @transform_4, window_bounds = array<i64: 2000, 128>}, {transform_indices = @transform_5, window_bounds = array<i64: 2000, 128>}]} {
    %get3A = arith.constant 0 : index
    %get3A_0 = arith.constant 0 : index
    %get3A_1 = arith.constant 0 : index
    %get3A_2 = vector.load %arg1[%get3A, %get3A_0, %get3A_1] : memref<2x2000x128xf32, #tpu.memory_space<vmem>>, vector<1x2000x128xf32>
    %get3A_3 = vector.shape_cast %get3A_2 : vector<1x2000x128xf32> to vector<2000x128xf32>
    %get3A_4 = arith.constant 1 : index
    %get3A_5 = arith.constant 0 : index
    %get3A_6 = arith.constant 0 : index
    %get3A_7 = vector.load %arg1[%get3A_4, %get3A_5, %get3A_6] : memref<2x2000x128xf32, #tpu.memory_space<vmem>>, vector<1x2000x128xf32>
    %get3A_8 = vector.shape_cast %get3A_7 : vector<1x2000x128xf32> to vector<2000x128xf32>
    %add3A = arith.addf %get3A_3, %get3A_8 : vector<2000x128xf32>
    %get3A_9 = arith.constant 0 : index
    %get3A_10 = arith.constant 0 : index
    %get3A_11 = vector.load %arg2[%get3A_9, %get3A_10] : memref<2000x1xf32, #tpu.memory_space<vmem>>, vector<2000x1xf32>
    %mul3A = vector.broadcast %get3A_11 : vector<2000x1xf32> to vector<2000x128xf32>
    %mul3A_12 = arith.mulf %add3A, %mul3A : vector<2000x128xf32>
    %get3A_13 = arith.constant 0 : index
    %get3A_14 = arith.constant 0 : index
    %get3A_15 = vector.load %arg3[%get3A_13, %get3A_14] : memref<2000x128xf32, #tpu.memory_space<vmem>>, vector<2000x128xf32>
    %add3A_16 = arith.addf %mul3A_12, %get3A_15 : vector<2000x128xf32>
    %get3A_17 = arith.constant 0 : index
    %get3A_18 = arith.constant 0 : index
    %get3A_19 = vector.load %arg4[%get3A_17, %get3A_18] : memref<2000x128xf32, #tpu.memory_space<vmem>>, vector<2000x128xf32>
    %mul3A_20 = arith.mulf %get3A_19, %add3A_16 : vector<2000x128xf32>
    %sub3A = arith.constant 1.000000e+00 : f32
    %sub3A_21 = vector.broadcast %sub3A : f32 to vector<2000x128xf32>
    %sub3A_22 = arith.subf %sub3A_21, %get3A_19 : vector<2000x128xf32>
    %get3A_23 = arith.constant 0 : index
    %get3A_24 = arith.constant 0 : index
    %get3A_25 = vector.load %arg5[%get3A_23, %get3A_24] : memref<2000x128xf32, #tpu.memory_space<vmem>>, vector<2000x128xf32>
    %mul3A_26 = arith.mulf %sub3A_22, %get3A_25 : vector<2000x128xf32>
    %add3A_27 = arith.addf %mul3A_20, %mul3A_26 : vector<2000x128xf32>
    %swap3A = arith.constant 0 : index
    %swap3A_28 = arith.constant 0 : index
    %swap3A_29 = vector.load %arg6[%swap3A, %swap3A_28] : memref<2000x128xf32, #tpu.memory_space<vmem>>, vector<2000x128xf32>
    tpu.vector_store %arg6[%swap3A, %swap3A_28], %add3A_27 {strides = array<i32>} : memref<2000x128xf32, #tpu.memory_space<vmem>>, vector<2000x128xf32>,
    return
  }
  func.func @transform_0(%arg0: i32) -> (i32, i32, i32) {
    %c0_i32 = arith.constant 0 : i32
    %c0_i32_0 = arith.constant 0 : i32
    %c0_i32_1 = arith.constant 0 : i32
    return %c0_i32, %arg0, %c0_i32_0 : i32, i32, i32
  }
  func.func @transform_1(%arg0: i32) -> (i32, i32) {
    %c0_i32 = arith.constant 0 : i32
    %c0_i32_0 = arith.constant 0 : i32
    return %arg0, %c0_i32 : i32, i32
  }
  func.func @transform_2(%arg0: i32) -> (i32, i32) {
    %c0_i32 = arith.constant 0 : i32
    %c0_i32_0 = arith.constant 0 : i32
    return %arg0, %c0_i32 : i32, i32
  }
  func.func @transform_3(%arg0: i32) -> (i32, i32) {
    %c0_i32 = arith.constant 0 : i32
    %c0_i32_0 = arith.constant 0 : i32
    return %arg0, %c0_i32 : i32, i32
  }
  func.func @transform_4(%arg0: i32) -> (i32, i32) {
    %c0_i32 = arith.constant 0 : i32
    %c0_i32_0 = arith.constant 0 : i32
    return %arg0, %c0_i32 : i32, i32
  }
  func.func @transform_5(%arg0: i32) -> (i32, i32) {
    %c0_i32 = arith.constant 0 : i32
    %c0_i32_0 = arith.constant 0 : i32
    return %arg0, %c0_i32 : i32, i32
  }
}

</mosaic_0001>

<sc_bundles>
// kernel: kernel.6.cloned.1.call-start
scs
__scs_entry_jumppad:
0x0: {  	(pc) =	sbr.rel $0x88, $3  }
0x1: {  	(tag) =	ssettag $0x0;
	lr =	simm.s32 $0x1  }
0x2: {  	[smem:$0x3F97] =	sst lr;
	_ =	strace $0xD0000000  }
0x3: {  	_ = 	snop  }
0x4: {  	_ = 	snop  }
0x5: {  	_ = 	snop  }
0x6: {  	_ = 	snop  }
0x7: {  	_ = 	snop  }
__scs_overlays_trampoline_lowered:
0x8: {  	[smem:$0x3FA6] =	sst s0  }
0x9: {  	[smem:$0x3FA7] =	sst s1  }
0xa: {  	[smem:$0x3FA8] =	sst s2  }
0xb: {  	[smem:$0x3FA9] =	sst s3  }
0xc: {  	[smem:$0x3FAA] =	sst s4  }
0xd: {  	[smem:$0x3FAB] =	sst s5  }
0xe: {  	[smem:$0x3FAC] =	sst s6  }
0xf: {  	[smem:$0x3FAD] =	sst s7  }
0x10: {  	[smem:$0x3FAE] =	sst s8  }
0x11: {  	[smem:$0x3FAF] =	sst s9;
	s0 =	simm.s32 @!p0 $0x0  }
0x12: {  	s1 =	sld [smem:$0x3F95];
	s0 =	simm.s32 @p0 $0x1  }
0x13: {  	[smem:$0x3FB0] =	sst s0;
	s0 =	simm.s32 @!p1 $0x0  }
0x14: {  	s2 =	sld [smem:$0x3F94];
	s0 =	simm.s32 @p1 $0x1  }
0x15: {  	[smem:$0x3FB1] =	sst s0;
	s0 =	simm.s32 @!p2 $0x0  }
0x16: {  	s3 =	sld [smem:$0x3FDB];
	s0 =	simm.s32 @p2 $0x1  }
0x17: {  	s4 =	simm.s32 $0x1BF5;
	[smem:$0x3FB3] =	sst s0  }
0x18: {  	s0 =	sld [smem:$0x3F96];
	_ =	swait.ge [sflag:s4], $0x0  }
0x19: {  	s7 =	sld [smem:$0x3F97]  }
0x1a: {  	s8 =	sadd.s32 $0xFFFFE003, lr  }
0x1b: {  	s9 =	sadd.s32 $0xFFFFFEF7, lr;
	s5 =	simm.s32 $0xFFFFFFFF;
	p2 =	slt.u32 s8, $0xFFFFF086  }
0x1c: {  	p1 =	slt.u32 s9, $0xF7A;
	s5 =	simm.s32 @!p2 $0x0  }
0x1d: {  	s5 =	simm.s32 @p1 $0x1;
	p0 =	seq.s32 s7, s2  }
0x1e: {  	s7 =	smul.u32 @!p0 $0xF7A, s2;
	p2 =	seq.s32 @!p0 s5, $0x0  }
0x1f: {  	s9 =	smul.u32 $0xF7A, s1;
	s8 =	simm.s32 @!p0 $0x1BF5;
	p2 =	por !p2, p0  }
0x20: {  	[sflag:s8] =	ssyncset.s32 @!p0 $0xFFFFF086;
	s6 =	sadd.s32 @!p0 s3, s7;
	s7 =	simm.s32 @!p0 $0x108  }
0x21: {  	s3 =	sadd.s32 s3, s9;
	s6 =	sadd.s32 @!p0 $0x88, s6;
	s7 =	simm.s32 @p2 $0x1082  }
0x22: {  	[simem:s7], [sflag:s8] =	dma.local @!p0 [hbm:s6], $0xF7A  }
0x23: {  	s9 =	sor.u32 $0xD0000000, s2;
	s6 =	simm.s32 $0x108;
	_ =	swait.ge @!p0 [sflag:s8], $0x0  }
0x24: {  	s3 =	sadd.s32 $0x88, s3;
	s6 =	simm.s32 @!p1 $0x1082;
	[sflag:s4] =	ssyncset.s32 $0xFFFFF086  }
0x25: {  	[simem:s6], [sflag:s4] =	dma.local [hbm:s3], $0xF7A  }
0x26: {  	[smem:$0x3F97] =	sst s1;
	(tag) =	ssettag s2;
	_ =	strace s9  }
0x27: {  	s1 =	sld [smem:$0x3FA7]  }
0x28: {  	s2 =	sld [smem:$0x3FA8]  }
0x29: {  	s4 =	sld [smem:$0x3FAA]  }
0x2a: {  	p0 =	seq.s32 s5, $0x0;
	s5 =	sld [smem:$0x3FAB]  }
0x2b: {  	s6 =	sld [smem:$0x3FAC]  }
0x2c: {  	s7 =	sld [smem:$0x3FAD]  }
0x2d: {  	s3 =	simm.s32 $0x108;
	s8 =	sld [smem:$0x3FAE]  }
0x2e: {  	s3 =	simm.s32 @!p0 $0x1082;
	s9 =	sld [smem:$0x3FAF]  }
0x2f: {  	lr =	sadd.s32 s0, s3;
	s0 =	sld [smem:$0x3FA6]  }
0x30: {  	s3 =	sld [smem:$0x3FA9]  }
0x31: {  	[smem:$0x3FB2] =	sst s10  }
0x32: {  	s10 =	sld [smem:$0x3FB0];
	_ =	sdelay $0x3  }
0x33: {  	p0 =	seq.s32 s10, $0x1;
	s10 =	sld [smem:$0x3FB2];
	_ =	sdelay $0x3  }
0x34: {  	[smem:$0x3FB2] =	sst s10  }
0x35: {  	s10 =	sld [smem:$0x3FB1];
	_ =	sdelay $0x3  }
0x36: {  	p1 =	seq.s32 s10, $0x1;
	s10 =	sld [smem:$0x3FB2];
	_ =	sdelay $0x3  }
0x37: {  	[smem:$0x3FB2] =	sst s10  }
0x38: {  	s10 =	sld [smem:$0x3FB3]  }
0x39: {  	_ = 	snop;
	(pc) =	sbr.ind lr, $3  }
0x3a: {  	_ = 	snop  }
0x3b: {  	_ = 	snop  }
0x3c: {  	p2 =	seq.s32 s10, $0x1;
	s10 =	sld [smem:$0x3FB2]  }
0x3d: {  	_ =	shalt  }
0x3e: {  	_ =	shalt  }
0x3f: {  	_ =	shalt  }
0x40: {  	_ =	shalt  }
0x41: {  	_ =	shalt  }
0x42: {  	_ =	shalt  }
0x43: {  	_ =	shalt  }
0x44: {  	_ =	shalt  }
0x45: {  	_ =	shalt  }
0x46: {  	_ =	shalt  }
0x47: {  	_ =	shalt  }
0x48: {  	_ =	shalt  }
0x49: {  	_ =	shalt  }
0x4a: {  	_ =	shalt  }
0x4b: {  	_ =	shalt  }
0x4c: {  	_ =	shalt  }
0x4d: {  	_ =	shalt  }
0x4e: {  	_ =	shalt  }
0x4f: {  	_ =	shalt  }
0x50: {  	_ =	shalt  }
0x51: {  	_ =	shalt  }
0x52: {  	_ =	shalt  }
0x53: {  	_ =	shalt  }
0x54: {  	_ =	shalt  }
0x55: {  	_ =	shalt  }
0x56: {  	_ =	shalt  }
0x57: {  	_ =	shalt  }
0x58: {  	_ =	shalt  }
0x59: {  	_ =	shalt  }
0x5a: {  	_ =	shalt  }
0x5b: {  	_ =	shalt  }
0x5c: {  	_ =	shalt  }
0x5d: {  	_ =	shalt  }
0x5e: {  	_ =	shalt  }
0x5f: {  	_ =	shalt  }
0x60: {  	_ =	shalt  }
0x61: {  	_ =	shalt  }
0x62: {  	_ =	shalt  }
0x63: {  	_ =	shalt  }
0x64: {  	_ =	shalt  }
0x65: {  	_ =	shalt  }
0x66: {  	_ =	shalt  }
0x67: {  	_ =	shalt  }
0x68: {  	_ =	shalt  }
0x69: {  	_ =	shalt  }
0x6a: {  	_ =	shalt  }
0x6b: {  	_ =	shalt  }
0x6c: {  	_ =	shalt  }
0x6d: {  	_ =	shalt  }
0x6e: {  	_ =	shalt  }
0x6f: {  	_ =	shalt  }
0x70: {  	_ =	shalt  }
0x71: {  	_ =	shalt  }
0x72: {  	_ =	shalt  }
0x73: {  	_ =	shalt  }
0x74: {  	_ =	shalt  }
0x75: {  	_ =	shalt  }
0x76: {  	_ =	shalt  }
0x77: {  	_ =	shalt  }
0x78: {  	_ =	shalt  }
0x79: {  	_ =	shalt  }
0x7a: {  	_ =	shalt  }
0x7b: {  	_ =	shalt  }
0x7c: {  	_ =	shalt  }
0x7d: {  	_ =	shalt  }
0x7e: {  	_ =	shalt  }
0x7f: {  	_ =	shalt  }
0x80: {  	_ =	shalt  }
0x81: {  	_ =	shalt  }
0x82: {  	_ =	shalt  }
0x83: {  	_ =	shalt  }
0x84: {  	_ =	shalt  }
0x85: {  	_ =	shalt  }
0x86: {  	_ =	shalt  }
0x87: {  	_ =	shalt  }
.Lfunc_end0:
.L_simem_size_0:
called_computation_lowered:
.L_overlay_start_0:
0x88: {  	s2 =	sld [smem:$0x3FD9]  }
0x89: {  	s3 =	sld [smem:$0x3FFE];
	_ =	sdelay $0x1  }
0x8a: {  	s1 =	srdreg.scid  }
0x8b: {  	s0 =	sand.u32 $0x1, s1  }
0x8c: {  	s17 =	sshll.u32 s0, $0xA;
	s2 =	sadd.s32 s3, s2  }
0x8d: {  	s2 =	sadd.s32 s2, s17  }
0x8e: {  	[smem:$0x3FBE] =	sst s2  }
0x8f: {  	_ = 	snop  }
0x90: {  	s2 =	sld [smem:$0x3FD0];
	(tm) =	ssettm $0x1  }
0x91: {  	s18 =	sld [smem:$0x3FFB];
	_ =	sdelay $0x3  }
0x92: {  	_ =	strace s18  }
0x93: {  	s3 =	sld [smem:$0x3FFC];
	_ =	sdelay $0x3  }
0x94: {  	_ =	strace s3  }
0x95: {  	s3 =	sld [smem:$0x3FFD];
	_ =	sdelay $0x3  }
0x96: {  	_ =	strace s3  }
0x97: {  	_ =	strace $0x8FFFFFFF  }
0x98: {  	s19 =	sld [smem:$0x3FDB];
	_ =	sdelay $0x1  }
0x99: {  	s4 =	simm.s32 $_scs_section_size  }
0x9a: {  	s5 =	simm.s32 $_size__tile_overlayer_lowered;
	s6 =	simm.s32 $_tile_overlayer_lowered  }
0x9b: {  	s22 =	simm.s32 $0x1BFF;
	s21 =	sshll.u32 s6, $0x1;
	s3 =	sadd.s32 s4, s19  }
0x9c: {  	s7 =	simm.s32 $0x0;
	s20 =	sshll.u32 s5, $0x1;
	s5 =	sadd.s32 s21, s3  }
0x9d: {  	[timem:s7], [sflag:s22] =	dma.local [hbm:s5], s20  }
0x9e: {  	_ =	swait.ge [sflag:s22], s20  }
0x9f: {  	s4 =	ssub.s32 $0x0, s20;
	[sflag:s22] =	ssyncset.done $0x0  }
0xa0: {  	[sflag:s22] =	ssyncadd.s32 s4;
	_ =	sdelay $0x1  }
0xa1: {  	s23 =	simm.s32 $0x1B8B  }
0xa2: {  	_ =	swait.ge [sflag:s23], $0x1  }
0xa3: {  	[sflag:s23] =	ssyncset.done $0x0  }
0xa4: {  	s25 =	simm.s32 $0x1B8E;
	s24 =	sld [smem:$0x3FFE];
	[sflag:s23] =	ssyncadd.s32 $0xFFFFFFFF  }
0xa5: {  	s26 =	simm.s32 $execute0_lowered;
	[smem:$0x3FD2] =	sst s25  }
0xa6: {  	s5 =	sshll.u32 s26, $0x1;
	_ =	strace $0x80000046;
	[dreg:$0x1] =	wrdreg $0xFFFFFFFF  }
0xa7: {  	s28 =	simm.s32 $_size_execute0_lowered;
	s3 =	sadd.s32 s3, s5;
	[dreg:$0x0] =	wrdreg $0x0  }
0xa8: {  	s5 =	sshll.u32 s28, $0x1;
	[dreg:$0x2] =	wrdreg s3  }
0xa9: {  	[dreg:$0x3] =	wrdreg s5  }
0xaa: {  	[dreg:$0x4] =	wrdreg $0xC0  }
0xab: {  	_ =	task [dreg:s7], $0x5FFFF  }
0xac: {  	[dreg:$0x1] =	wrdreg $0xFFFFFFFF  }
0xad: {  	[dreg:$0x0] =	wrdreg $0x60  }
0xae: {  	[dreg:$0x2] =	wrdreg s2  }
0xaf: {  	[dreg:$0x3] =	wrdreg s24  }
0xb0: {  	[dreg:$0x4] =	wrdreg $0x0  }
0xb1: {  	[dreg:$0x5] =	wrdreg $0x140000  }
0xb2: {  	[dreg:$0x6] =	wrdreg $0x9  }
0xb3: {  	_ =	task.clear_ibuf [dreg:s7], $0x7FFFF;
	_ =	strace $0x90000046  }
0xb4: {  	s29 =	simm.s32 $0x9;
	_ =	strace $0x80000048  }
0xb5: {  	_ =	swait.ge [sflag:s29], $0x1  }
0xb6: {  	[sflag:s29] =	ssyncadd.s32 $0xFFFFFFFF  }
0xb7: {  	_ =	strace $0x90000048  }
0xb8: {  	_ =	sfence  }
0xb9: {  	s30 =	sld [smem:$0x0];
	_ =	sdelay $0x2  }
0xba: {  	s31 =	sshll.u32 s1, $0xD;
	s1 =	sshrl.u32 s1, $0x2  }
0xbb: {  	s3 =	sand.u32 $0x4000, s31;
	s1 =	sadd.s32 s1, s30  }
0xbc: {  	s0 =	sor.u32 s3, s0;
	s1 =	sshll.u32 s1, $0x11  }
0xbd: {  	s0 =	sor.u32 s1, s0  }
0xbe: {  	s0 =	sadd.s32 $0x8F2B, s0  }
0xbf: {  	[sflag:s0] =	ssyncadd.remote.s32 $0x1  }
0xc0: {  	_ =	sfence.sel $0xFFFF  }
0xc1: {  	[dreg:$0x0] =	wrdreg $0xFFFFFFFF;
	(pc) =	sbr.abs _section_cstart, $3  }
0xc2: {  	[dreg:$0x1] =	wrdreg $0xFFFFFFFF  }
0xc3: {  	_ =	task.clear_ibuf [dreg:s7], $0x2FFFF;
	_ =	strace $0x9FFFFFFF  }
0xc4: {  	(tm) =	ssettm $0x7FFFFFFF  }
0xc5: {  	_ =	shalt  }
tec
execute0_lowered:
.L_overlay_start_1:
0x0: {  	(tag) =	ssettag $0x1  }
0x1: {  	s1 =	rddreg [dreg:$0x0]  }
0x2: {  	s0 =	rddreg [dreg:$0x1]  }
0x3: {  	s2 =	rddreg [dreg:$0x2]  }
0x4: {  	s3 =	rddreg [dreg:$0x3];
	s5 =	simm.s32 $0x0;
	s4 =	srdreg.scid  }
0x5: {  	[smem:$0x7FF] =	sst s5;
	s4 =	sand.u32 $0x1, s4  }
0x6: {  	s5 =	stileid.u32;
	s6 =	sadd.s32 $0x82200, s0;
	s7 =	sadd.s32 $0x2200, s0  }
0x7: {  	s8 =	sadd.s32 $0x62200, s0;
	s12 =	sadd.s32 $0x83000, s0;
	s10 =	smul.u32 $0x140000, s4  }
0x8: {  	_ =	strace $0x80000047;
	[dreg:$0x5] =	wrdreg s6;
	s11 =	smul.u32 $0x14000, s5  }
0x9: {  	s6 =	sadd.s32 $0x22200, s0;
	s21 =	ssub.s32 $0x2, s4;
	[dreg:$0x6] =	wrdreg s12  }
0xa: {  	s13 =	smul.u32 $0x50000, s5;
	s4 =	sshll.u32 s4, $0x13;
	s14 =	sshll.u32 s5, $0xF  }
0xb: {  	s24 =	sshll.u32 s5, $0x6;
	p0 =	sne.s32 s5, $0x0;
	s14 =	sor.u32 s14, s4  }
0xc: {  	s19 =	sor.u32 $0x1C15, s24;
	s23 =	sshrl.u32 s13, $0x2;
	[dreg:$0x7] =	wrdreg s14  }
0xd: {  	s12 =	sshrl.u32 s14, $0x3;
	[dreg:$0x9] =	wrdreg s19;
	s4 =	sadd.s32 s23, s2  }
0xe: {  	s10 =	sadd.s32 s11, s10;
	s5 =	sadd.s32 s7, s12;
	[dreg:$0x8] =	wrdreg s4  }
0xf: {  	s25 =	sor.u32 $0x10, s12;
	s11 =	sadd.s32 s8, s12;
	[dreg:$0x17] =	wrdreg s5  }
0x10: {  	s26 =	sadd.s32 s6, s25;
	[dreg:$0x18] =	wrdreg s11  }
0x11: {  	s9 =	sadd.s32 $0x42200, s0;
	s13 =	sadd.s32 s7, s25;
	[dreg:$0xa] =	wrdreg s26  }
0x12: {  	s22 =	sshrl.u32 s21, $0x1;
	s16 =	sadd.s32 s8, s25;
	[dreg:$0xb] =	wrdreg s13  }
0x13: {  	s15 =	sor.u32 $0x20, s12;
	s4 =	sadd.s32 s9, s25;
	[dreg:$0xc] =	wrdreg s16  }
0x14: {  	s10 =	sshrl.u32 s10, $0x3;
	s17 =	sadd.s32 s6, s15;
	[dreg:$0xd] =	wrdreg s4  }
0x15: {  	s0 =	sadd.s32 s10, s0;
	s18 =	sadd.s32 s7, s15;
	[dreg:$0xe] =	wrdreg s17  }
0x16: {  	s10 =	ssub.s32 s21, s22;
	s21 =	sadd.s32 s8, s15;
	[dreg:$0xf] =	wrdreg s18  }
0x17: {  	s20 =	sor.u32 $0x30, s12;
	s22 =	sadd.s32 s9, s15;
	[dreg:$0x10] =	wrdreg s21  }
0x18: {  	s23 =	sadd.s32 s6, s20;
	[dreg:$0x11] =	wrdreg s22  }
0x19: {  	s24 =	sadd.s32 s7, s20;
	[dreg:$0x12] =	wrdreg s23  }
0x1a: {  	s29 =	simm.s32 $0x9;
	s25 =	sadd.s32 s8, s20;
	[dreg:$0x13] =	wrdreg s24  }
0x1b: {  	s30 =	simm.s32 $0x3;
	[dreg:$0x14] =	wrdreg s25;
	s4 =	sadd.s32 s9, s20  }
0x1c: {  	s31 =	simm.s32 $0xB;
	s26 =	sadd.s32 s6, s12;
	[dreg:$0x15] =	wrdreg s4  }
0x1d: {  	s15 =	sor.u32 $0x40, s12;
	s13 =	sadd.s32 s9, s12;
	[dreg:$0x16] =	wrdreg s26  }
0x1e: {  	s28 =	simm.s32 $0x7;
	s17 =	sadd.s32 s6, s15;
	[dreg:$0x19] =	wrdreg s13  }
0x1f: {  	s5 =	simm.s32 $0xD;
	s18 =	sadd.s32 s7, s15;
	[dreg:$0x1a] =	wrdreg s17  }
0x20: {  	s16 =	sor.u32 $0x50, s12;
	s20 =	sadd.s32 s8, s15;
	[dreg:$0x1b] =	wrdreg s18  }
0x21: {  	s0 =	sadd.s32 $0x85800, s0;
	s25 =	smax.u32 s10, $0x1;
	[dreg:$0x1c] =	wrdreg s20  }
0x22: {  	s10 =	simm.s32 $0x5;
	s12 =	simm.s32 $0xC;
	[smem:$0x7FB] =	sst s0  }
0x23: {  	s4 =	sadd.s32 s9, s15;
	s21 =	sadd.s32 s6, s16;
	[smem:$0x7FC] =	sst s25  }
0x24: {  	s22 =	sadd.s32 s7, s16;
	s23 =	sadd.s32 s8, s16;
	[dreg:$0x1d] =	wrdreg s4  }
0x25: {  	s24 =	sadd.s32 s9, s16;
	s26 =	sor.u32 $0x400, s14;
	[dreg:$0x1e] =	wrdreg s21  }
0x26: {  	s17 =	simm.s32 $0x15;
	s13 =	simm.s32 $0x14;
	[dreg:$0x1f] =	wrdreg s22  }
0x27: {  	s14 =	simm.s32 $0xA;
	s15 =	simm.s32 $0x12;
	[smem:$0x7F9] =	sst s23  }
0x28: {  	s16 =	simm.s32 $0x4;
	s0 =	simm.s32 $0x13;
	[smem:$0x7FA] =	sst s24  }
0x29: {  	s18 =	simm.s32 $0xE;
	s20 =	simm.s32 $0x0;
	[smem:$0x7FD] =	sst s26  }
0x2a: {  	s4 =	simm.s32 $0x28;
	s24 =	simm.s32 $0x6;
	s22 =	simm.s32 $0x8  }
.LBB2_1:
0x2b: {  	[smem:$0x7F7] =	sst s20  }
0x2c: {  	s11 =	rddreg [dreg:$0x8]  }
0x2d: {  	s26 =	rddreg [dreg:$0x6];
	s25 =	sshrl.u32 s11, $0x3  }
0x2e: {  	[smem:$0x7F8] =	sst s25  }
0x2f: {  	[spmem:s25], [sflag:s19] =	dma.local [hbm:s26], $0x2800  }
0x30: {  	_ =	swait.ge [sflag:s17], $0x2800  }
0x31: {  	[sflag:s17] =	ssyncset.done $0x0  }
0x32: {  	s11 =	sshrl.u32 @!p0 s3, $0x3;
	[sflag:s17] =	ssyncadd.s32 $0xFFFFD800;
	s17 =	rddreg [dreg:$0x5]  }
0x33: {  	[spmem:s11], [sflag:s19] =	dma.local @!p0 [hbm:s17], $0xC80  }
0x34: {  	s11 =	simm.s32 @!p0 $0x15  }
0x35: {  	_ =	swait.ge @!p0 [sflag:s11], $0xC80  }
0x36: {  	s19 =	simm.s32 $0x14640;
	[sflag:s11] =	ssyncset.done @!p0 $0x0  }
0x37: {  	s21 =	rddreg [dreg:$0x16];
	[sflag:s11] =	ssyncadd.s32 @!p0 $0xFFFFF380;
	s11 =	simm.s32 $0x0  }
0x38: {  	[tilespmem:s19], [sflag:$0x1] =	stream.linear.gather [hbm4b:s21+s11], $0x80, $0x38;
	[tilespmem:$0x1F640] =	vst v63  }
0x39: {  	s20 =	simm.s32 $0x14A40;
	s23 =	rddreg [dreg:$0x17]  }
0x3a: {  	[tilespmem:s20], [sflag:$0x1] =	stream.linear.gather [hbm4b:s23+s11], $0x80, $0x38;
	[tilespmem:$0x1F640] =	vst v63  }
0x3b: {  	s25 =	rddreg [dreg:$0x18];
	s21 =	simm.s32 $0x14E40  }
0x3c: {  	[tilespmem:s21], [sflag:$0x1] =	stream.linear.gather [hbm4b:s25+s11], $0x80, $0x38;
	[tilespmem:$0x1F640] =	vst v63  }
0x3d: {  	s26 =	rddreg [dreg:$0x19];
	s23 =	simm.s32 $0x15240  }
0x3e: {  	[tilespmem:s23], [sflag:$0x1] =	stream.linear.gather [hbm4b:s26+s11], $0x80, $0x38;
	[tilespmem:$0x1F640] =	vst v63  }
0x3f: {  	s25 =	simm.s32 $0x146C0;
	s23 =	rddreg [dreg:$0xa]  }
0x40: {  	[tilespmem:s25], [sflag:$0x2] =	stream.linear.gather [hbm4b:s23+s11], $0x80, $0x38;
	[tilespmem:$0x1F640] =	vst v63  }
0x41: {  	s26 =	rddreg [dreg:$0xb];
	s25 =	simm.s32 $0x14AC0  }
0x42: {  	[tilespmem:s25], [sflag:$0x2] =	stream.linear.gather [hbm4b:s26+s11], $0x80, $0x38;
	[tilespmem:$0x1F640] =	vst v63  }
0x43: {  	s23 =	rddreg [dreg:$0xc];
	s26 =	simm.s32 $0x14EC0  }
0x44: {  	[tilespmem:s26], [sflag:$0x2] =	stream.linear.gather [hbm4b:s23+s11], $0x80, $0x38;
	[tilespmem:$0x1F640] =	vst v63  }
0x45: {  	s17 =	rddreg [dreg:$0xd];
	s23 =	simm.s32 $0x152C0  }
0x46: {  	[tilespmem:s23], [sflag:$0x2] =	stream.linear.gather [hbm4b:s17+s11], $0x80, $0x38;
	[tilespmem:$0x1F640] =	vst v63  }
0x47: {  	s17 =	rddreg [dreg:$0xe];
	s23 =	simm.s32 $0x14740  }
0x48: {  	[tilespmem:s23], [sflag:$0x3] =	stream.linear.gather [hbm4b:s17+s11], $0x80, $0x38;
	[tilespmem:$0x1F640] =	vst v63  }
0x49: {  	s17 =	rddreg [dreg:$0xf];
	s23 =	simm.s32 $0x14B40  }
0x4a: {  	[tilespmem:s23], [sflag:$0x3] =	stream.linear.gather [hbm4b:s17+s11], $0x80, $0x38;
	[tilespmem:$0x1F640] =	vst v63  }
0x4b: {  	s17 =	rddreg [dreg:$0x10];
	s23 =	simm.s32 $0x14F40  }
0x4c: {  	[tilespmem:s23], [sflag:$0x3] =	stream.linear.gather [hbm4b:s17+s11], $0x80, $0x38;
	[tilespmem:$0x1F640] =	vst v63  }
0x4d: {  	s17 =	rddreg [dreg:$0x11];
	s23 =	simm.s32 $0x15340  }
0x4e: {  	[tilespmem:s23], [sflag:$0x3] =	stream.linear.gather [hbm4b:s17+s11], $0x80, $0x38;
	[tilespmem:$0x1F640] =	vst v63  }
0x4f: {  	s17 =	rddreg [dreg:$0x12];
	s23 =	simm.s32 $0x147C0  }
0x50: {  	[tilespmem:s23], [sflag:$0x4] =	stream.linear.gather [hbm4b:s17+s11], $0x80, $0x38;
	[tilespmem:$0x1F640] =	vst v63  }
0x51: {  	s17 =	rddreg [dreg:$0x13];
	s23 =	simm.s32 $0x14BC0  }
0x52: {  	[tilespmem:s23], [sflag:$0x4] =	stream.linear.gather [hbm4b:s17+s11], $0x80, $0x38;
	[tilespmem:$0x1F640] =	vst v63  }
0x53: {  	s17 =	rddreg [dreg:$0x14];
	s23 =	simm.s32 $0x14FC0  }
0x54: {  	[tilespmem:s23], [sflag:$0x4] =	stream.linear.gather [hbm4b:s17+s11], $0x80, $0x38;
	[tilespmem:$0x1F640] =	vst v63  }
0x55: {  	s17 =	rddreg [dreg:$0x15];
	s23 =	simm.s32 $0x153C0  }
0x56: {  	[tilespmem:s23], [sflag:$0x4] =	stream.linear.gather [hbm4b:s17+s11], $0x80, $0x38;
	[tilespmem:$0x1F640] =	vst v63  }
0x57: {  	s17 =	rddreg [dreg:$0x1a];
	s23 =	simm.s32 $0x14840  }
0x58: {  	[tilespmem:s23], [sflag:$0x5] =	stream.linear.gather [hbm4b:s17+s11], $0x80, $0x38;
	[tilespmem:$0x1F640] =	vst v63  }
0x59: {  	s17 =	rddreg [dreg:$0x1b];
	s23 =	simm.s32 $0x14C40  }
0x5a: {  	[tilespmem:s23], [sflag:$0x5] =	stream.linear.gather [hbm4b:s17+s11], $0x80, $0x38;
	[tilespmem:$0x1F640] =	vst v63  }
0x5b: {  	s17 =	rddreg [dreg:$0x1c];
	s23 =	simm.s32 $0x15040  }
0x5c: {  	[tilespmem:s23], [sflag:$0x5] =	stream.linear.gather [hbm4b:s17+s11], $0x80, $0x38;
	[tilespmem:$0x1F640] =	vst v63  }
0x5d: {  	s17 =	rddreg [dreg:$0x1d];
	s23 =	simm.s32 $0x15440  }
0x5e: {  	[tilespmem:s23], [sflag:$0x5] =	stream.linear.gather [hbm4b:s17+s11], $0x80, $0x38;
	[tilespmem:$0x1F640] =	vst v63  }
0x5f: {  	s17 =	rddreg [dreg:$0x1e];
	s23 =	simm.s32 $0x148C0  }
0x60: {  	[tilespmem:s23], [sflag:$0x6] =	stream.linear.gather [hbm4b:s17+s11], $0x80, $0x38;
	[tilespmem:$0x1F640] =	vst v63  }
0x61: {  	s17 =	rddreg [dreg:$0x1f];
	s23 =	simm.s32 $0x14CC0  }
0x62: {  	[tilespmem:s23], [sflag:$0x6] =	stream.linear.gather [hbm4b:s17+s11], $0x80, $0x38;
	[tilespmem:$0x1F640] =	vst v63  }
0x63: {  	s17 =	sld [smem:$0x7F9];
	_ =	sdelay $0x1  }
0x64: {  	s23 =	simm.s32 $0x150C0  }
0x65: {  	[tilespmem:s23], [sflag:$0x6] =	stream.linear.gather [hbm4b:s17+s11], $0x80, $0x38;
	[tilespmem:$0x1F640] =	vst v63  }
0x66: {  	s17 =	sld [smem:$0x7FA];
	_ =	sdelay $0x1  }
0x67: {  	s23 =	simm.s32 $0x154C0  }
0x68: {  	[tilespmem:s23], [sflag:$0x6] =	stream.linear.gather [hbm4b:s17+s11], $0x80, $0x38;
	[tilespmem:$0x1F640] =	vst v63  }
0x69: {  	s23 =	simm.s32 $0x1;
	[bflag:$0x0] =	sbarrier.arrive $0xFFFF  }
0x6a: {  	_ =	swait.ge [sflag:s23], $0x80  }
0x6b: {  	[sflag:s23] =	ssyncset.done $0x0  }
0x6c: {  	[sflag:s23] =	ssyncadd.s32 $0xFFFFFF80  }
0x6d: {  	_ =	swait.ge [sflag:s23], $0x80  }
0x6e: {  	[sflag:s23] =	ssyncset.done $0x0  }
0x6f: {  	[sflag:s23] =	ssyncadd.s32 $0xFFFFFF80  }
0x70: {  	_ =	swait.ge [sflag:s23], $0x80  }
0x71: {  	[sflag:s23] =	ssyncset.done $0x0  }
0x72: {  	[sflag:s23] =	ssyncadd.s32 $0xFFFFFF80  }
0x73: {  	_ =	swait.ge [sflag:s23], $0x80  }
0x74: {  	[sflag:s23] =	ssyncset.done $0x0  }
0x75: {  	s17 =	simm.s32 $0x15640;
	[sflag:s23] =	ssyncadd.s32 $0xFFFFFF80  }
0x76: {  	[tilespmem:s17], [sflag:$0x9] =	stream.indirect.gather [hbm4b:s1+s13], $0x80, s19, s13, $0xb8;
	[tilespmem:$0x1F640] =	vst v63  }
0x77: {  	s23 =	simm.s32 $0x16040  }
0x78: {  	[tilespmem:s23], [sflag:$0x9] =	stream.indirect.gather [hbm4b:s1+s13], $0x80, s20, s13, $0xb8;
	[tilespmem:$0x1F640] =	vst v63  }
0x79: {  	s17 =	simm.s32 $0x1A640;
	s19 =	simm.s32 $0x2  }
0x7a: {  	[tilespmem:s17], [sflag:$0x11] =	stream.indirect.gather [spmem:s3], $0x80, s21, s4, $0xb8;
	[tilespmem:$0x1F640] =	vst v63  }
0x7b: {  	_ =	swait.ge [sflag:s19], $0x80  }
0x7c: {  	[sflag:s19] =	ssyncset.done $0x0  }
0x7d: {  	[sflag:s19] =	ssyncadd.s32 $0xFFFFFF80  }
0x7e: {  	_ =	swait.ge [sflag:s19], $0x80  }
0x7f: {  	[sflag:s19] =	ssyncset.done $0x0  }
0x80: {  	[sflag:s19] =	ssyncadd.s32 $0xFFFFFF80  }
0x81: {  	_ =	swait.ge [sflag:s19], $0x80  }
0x82: {  	[sflag:s19] =	ssyncset.done $0x0  }
0x83: {  	[sflag:s19] =	ssyncadd.s32 $0xFFFFFF80  }
0x84: {  	_ =	swait.ge [sflag:s19], $0x80  }
0x85: {  	[sflag:s19] =	ssyncset.done $0x0  }
0x86: {  	s20 =	simm.s32 $0x16A40;
	s21 =	simm.s32 $0x146C0;
	[sflag:s19] =	ssyncadd.s32 $0xFFFFFF80  }
0x87: {  	[tilespmem:s20], [sflag:$0xA] =	stream.indirect.gather [hbm4b:s1+s13], $0x80, s21, s13, $0xb8;
	[tilespmem:$0x1F640] =	vst v63  }
0x88: {  	s23 =	simm.s32 $0x17440  }
0x89: {  	[tilespmem:s23], [sflag:$0xA] =	stream.indirect.gather [hbm4b:s1+s13], $0x80, s25, s13, $0xb8;
	[tilespmem:$0x1F640] =	vst v63  }
0x8a: {  	s20 =	simm.s32 $0x0;
	s25 =	simm.s32 $0x1BA40  }
0x8b: {  	[tilespmem:s25], [sflag:$0x12] =	stream.indirect.gather [spmem:s3], $0x80, s26, s4, $0xb8;
	[tilespmem:$0x1F640] =	vst v63  }
.LBB2_2:
0x8c: {  	_ =	swait.ge [sflag:s29], $0xA00  }
0x8d: {  	[sflag:s29] =	ssyncset.done $0x0  }
0x8e: {  	[sflag:s29] =	ssyncadd.s32 $0xFFFFF600  }
0x8f: {  	_ =	swait.ge [sflag:s29], $0xA00  }
0x90: {  	[sflag:s29] =	ssyncset.done $0x0  }
0x91: {  	s11 =	simm.s32 $0x11;
	[sflag:s29] =	ssyncadd.s32 $0xFFFFF600  }
0x92: {  	_ =	swait.ge [sflag:s11], $0x1400  }
0x93: {  	[sflag:s11] =	ssyncset.done $0x0  }
0x94: {  	[sflag:s11] =	ssyncadd.s32 $0xFFFFEC00;
	s11 =	simm.s32 $0x0  }
0x95: {  	v7 =	vld [tilespmem:s11+$0x1A640]  }
0x96: {  	v11 =	vld [tilespmem:s11+$0x1A650]  }
0x97: {  	v5 =	vld [tilespmem:s11+$0x1A660]  }
0x98: {  	v4 =	vld [tilespmem:s11+$0x1A670]  }
0x99: {  	v3 =	vld [tilespmem:s11+$0x1A680]  }
0x9a: {  	v2 =	vld [tilespmem:s11+$0x1A690]  }
0x9b: {  	v1 =	vld [tilespmem:s11+$0x1A6A0]  }
0x9c: {  	v0 =	vld [tilespmem:s11+$0x1A6B0]  }
0x9d: {  	v12 =	vld [tilespmem:s11+$0x15640]  }
0x9e: {  	v13 =	vld [tilespmem:s11+$0x15650]  }
0x9f: {  	v10 =	vld [tilespmem:s11+$0x15660]  }
0xa0: {  	v9 =	vld [tilespmem:s11+$0x15670]  }
0xa1: {  	v8 =	vld [tilespmem:s11+$0x15680]  }
0xa2: {  	v6 =	vld [tilespmem:s11+$0x15690];
	v12 =	vadd.f32 v7, v12  }
0xa3: {  	s23 =	simm.s32 $0x200;
	v11 =	vadd.f32 v11, v13;
	v7 =	vld [tilespmem:s11+$0x156A0]  }
.LBB2_3:
0xa4: {  	s17 =	sshra.s32 s23, $0x2;
	p1 =	sne.s32 s23, $0x4E00;
	[tilespmem:s11+$0x15640] =	vst v12;
	v5 =	vadd.f32 v5, v10;
	v10 =	vld [tilespmem:s11+$0x156B0]  }
0xa5: {  	v12 =	vld [tilespmem:s17+$0x1A640];
	[tilespmem:s11+$0x15650] =	vst v11;
	v4 =	vadd.f32 v4, v9  }
0xa6: {  	v11 =	vld [tilespmem:s17+$0x1A650];
	[tilespmem:s11+$0x15660] =	vst v5;
	v3 =	vadd.f32 v3, v8  }
0xa7: {  	v5 =	vld [tilespmem:s17+$0x1A660];
	[tilespmem:s11+$0x15670] =	vst v4;
	v2 =	vadd.f32 v2, v6  }
0xa8: {  	v4 =	vld [tilespmem:s17+$0x1A670];
	[tilespmem:s11+$0x15680] =	vst v3;
	v1 =	vadd.f32 v1, v7  }
0xa9: {  	v3 =	vld [tilespmem:s17+$0x1A680];
	[tilespmem:s11+$0x15690] =	vst v2;
	v0 =	vadd.f32 v0, v10  }
0xaa: {  	v2 =	vld [tilespmem:s17+$0x1A690];
	[tilespmem:s11+$0x156A0] =	vst v1  }
0xab: {  	v1 =	vld [tilespmem:s17+$0x1A6A0];
	[tilespmem:s11+$0x156B0] =	vst v0;
	s11 =	smov.u32 s17  }
0xac: {  	v0 =	vld [tilespmem:s11+$0x1A6B0]  }
0xad: {  	v6 =	vld [tilespmem:s11+$0x15640]  }
0xae: {  	v7 =	vld [tilespmem:s11+$0x15650]  }
.Ltmp0:
0xaf: {  	v10 =	vld [tilespmem:s11+$0x15660];
	(pc) =	sbr.rel @p1 .LBB2_3-.Ltmp0, $4  }
0xb0: {  	v9 =	vld [tilespmem:s11+$0x15670]  }
0xb1: {  	v8 =	vld [tilespmem:s11+$0x15680]  }
0xb2: {  	v12 =	vadd.f32 v12, v6;
	v6 =	vld [tilespmem:s11+$0x15690]  }
0xb3: {  	s23 =	sadd.s32 $0x200, s23;
	v11 =	vadd.f32 v11, v7;
	v7 =	vld [tilespmem:s11+$0x156A0]  }
0xb4: {  	[tilespmem:s11+$0x15640] =	vst v12;
	v5 =	vadd.f32 v5, v10;
	v10 =	vld [tilespmem:s11+$0x156B0]  }
0xb5: {  	[tilespmem:s11+$0x15650] =	vst v11;
	v4 =	vadd.f32 v4, v9  }
0xb6: {  	[tilespmem:s11+$0x15660] =	vst v5;
	v3 =	vadd.f32 v3, v8  }
0xb7: {  	[tilespmem:s11+$0x15670] =	vst v4;
	v2 =	vadd.f32 v2, v6  }
0xb8: {  	[tilespmem:s11+$0x15680] =	vst v3;
	v1 =	vadd.f32 v1, v7  }
0xb9: {  	[tilespmem:s11+$0x15690] =	vst v2;
	v0 =	vadd.f32 v0, v10  }
0xba: {  	p1 =	seq.s32 s20, $0x0;
	[tilespmem:s11+$0x156A0] =	vst v1  }
0xbb: {  	s26 =	simm.s32 $0x15240;
	s17 =	simm.s32 $0x15640;
	[tilespmem:s11+$0x156B0] =	vst v0;
	s11 =	simm.s32 @!p1 $0xF  }
0xbc: {  	[spmem:s2] =	stream.indirect.scatter.add.f32 [tilespmem:s17], [sflag:$0xD], $0x80, s26, s4, $0xb8;
	[tilespmem:$0x1F640] =	vst v63  }
0xbd: {  	_ =	swait.ge @!p1 [sflag:s11], $0x1400  }
0xbe: {  	[sflag:s11] =	ssyncset.done @!p1 $0x0  }
0xbf: {  	[sflag:s11] =	ssyncadd.s32 @!p1 $0xFFFFEC00  }
0xc0: {  	_ =	swait.ge [sflag:s30], $0x80  }
0xc1: {  	[sflag:s30] =	ssyncset.done $0x0  }
0xc2: {  	[sflag:s30] =	ssyncadd.s32 $0xFFFFFF80  }
0xc3: {  	_ =	swait.ge [sflag:s30], $0x80  }
0xc4: {  	[sflag:s30] =	ssyncset.done $0x0  }
0xc5: {  	[sflag:s30] =	ssyncadd.s32 $0xFFFFFF80  }
0xc6: {  	_ =	swait.ge [sflag:s30], $0x80  }
0xc7: {  	[sflag:s30] =	ssyncset.done $0x0  }
0xc8: {  	[sflag:s30] =	ssyncadd.s32 $0xFFFFFF80  }
0xc9: {  	_ =	swait.ge [sflag:s30], $0x80  }
0xca: {  	[sflag:s30] =	ssyncset.done $0x0  }
0xcb: {  	s19 =	simm.s32 $0x17E40;
	s17 =	simm.s32 $0x14740;
	[sflag:s30] =	ssyncadd.s32 $0xFFFFFF80  }
0xcc: {  	[tilespmem:s19], [sflag:$0xB] =	stream.indirect.gather [hbm4b:s1+s13], $0x80, s17, s13, $0xb8;
	[tilespmem:$0x1F640] =	vst v63  }
0xcd: {  	s21 =	simm.s32 $0x14B40;
	s23 =	simm.s32 $0x18840  }
0xce: {  	[tilespmem:s23], [sflag:$0xB] =	stream.indirect.gather [hbm4b:s1+s13], $0x80, s21, s13, $0xb8;
	[tilespmem:$0x1F640] =	vst v63  }
0xcf: {  	s25 =	simm.s32 $0x14F40;
	s26 =	simm.s32 $0x1CE40  }
0xd0: {  	[tilespmem:s26], [sflag:$0x13] =	stream.indirect.gather [spmem:s3], $0x80, s25, s4, $0xb8;
	[tilespmem:$0x1F640] =	vst v63  }
0xd1: {  	s17 =	rddreg [dreg:$0x7];
	s26 =	sshll.u32 s20, $0xA  }
0xd2: {  	s11 =	sor.u32 s17, s26  }
0xd3: {  	s11 =	sshrl.u32 s11, $0x3  }
0xd4: {  	s17 =	sor.u32 $0x60, s11  }
0xd5: {  	s19 =	simm.s32 $0x14940;
	s25 =	simm.s32 $0x0;
	s23 =	sadd.s32 s6, s17  }
0xd6: {  	[tilespmem:s19], [sflag:$0x7] =	stream.linear.gather [hbm4b:s23+s25], $0x80, $0x38;
	[tilespmem:$0x1F640] =	vst v63  }
0xd7: {  	s21 =	simm.s32 $0x14D40;
	s19 =	sadd.s32 s7, s17  }
0xd8: {  	[tilespmem:s21], [sflag:$0x7] =	stream.linear.gather [hbm4b:s19+s25], $0x80, $0x38;
	[tilespmem:$0x1F640] =	vst v63  }
0xd9: {  	s19 =	sadd.s32 s8, s17;
	s21 =	simm.s32 $0x15140  }
0xda: {  	[tilespmem:s21], [sflag:$0x7] =	stream.linear.gather [hbm4b:s19+s25], $0x80, $0x38;
	[tilespmem:$0x1F640] =	vst v63  }
0xdb: {  	s23 =	simm.s32 $0x15540;
	s17 =	sadd.s32 s9, s17  }
0xdc: {  	[tilespmem:s23], [sflag:$0x7] =	stream.linear.gather [hbm4b:s17+s25], $0x80, $0x38;
	[tilespmem:$0x1F640] =	vst v63  }
0xdd: {  	_ =	swait.ge [sflag:s14], $0xA00  }
0xde: {  	[sflag:s14] =	ssyncset.done $0x0  }
0xdf: {  	[sflag:s14] =	ssyncadd.s32 $0xFFFFF600  }
0xe0: {  	_ =	swait.ge [sflag:s14], $0xA00  }
0xe1: {  	[sflag:s14] =	ssyncset.done $0x0  }
0xe2: {  	[sflag:s14] =	ssyncadd.s32 $0xFFFFF600  }
0xe3: {  	_ =	swait.ge [sflag:s15], $0x1400  }
0xe4: {  	[sflag:s15] =	ssyncset.done $0x0  }
0xe5: {  	s25 =	simm.s32 $0x0;
	[sflag:s15] =	ssyncadd.s32 $0xFFFFEC00  }
0xe6: {  	v7 =	vld [tilespmem:s25+$0x1BA40]  }
0xe7: {  	v11 =	vld [tilespmem:s25+$0x1BA50]  }
0xe8: {  	v5 =	vld [tilespmem:s25+$0x1BA60]  }
0xe9: {  	v4 =	vld [tilespmem:s25+$0x1BA70]  }
0xea: {  	v3 =	vld [tilespmem:s25+$0x1BA80]  }
0xeb: {  	v2 =	vld [tilespmem:s25+$0x1BA90]  }
0xec: {  	v1 =	vld [tilespmem:s25+$0x1BAA0]  }
0xed: {  	v0 =	vld [tilespmem:s25+$0x1BAB0]  }
0xee: {  	v12 =	vld [tilespmem:s25+$0x16A40]  }
0xef: {  	v13 =	vld [tilespmem:s25+$0x16A50]  }
0xf0: {  	v10 =	vld [tilespmem:s25+$0x16A60]  }
0xf1: {  	v9 =	vld [tilespmem:s25+$0x16A70]  }
0xf2: {  	v8 =	vld [tilespmem:s25+$0x16A80]  }
0xf3: {  	v6 =	vld [tilespmem:s25+$0x16A90];
	v12 =	vadd.f32 v7, v12  }
0xf4: {  	s23 =	sshll.u32 s20, $0x3;
	s17 =	simm.s32 $0x200;
	v11 =	vadd.f32 v11, v13;
	v7 =	vld [tilespmem:s25+$0x16AA0]  }
.LBB2_5:
0xf5: {  	s19 =	sshra.s32 s17, $0x2;
	p2 =	sne.s32 s17, $0x4E00;
	[tilespmem:s25+$0x16A40] =	vst v12;
	v5 =	vadd.f32 v5, v10;
	v10 =	vld [tilespmem:s25+$0x16AB0]  }
0xf6: {  	v12 =	vld [tilespmem:s19+$0x1BA40];
	[tilespmem:s25+$0x16A50] =	vst v11;
	v4 =	vadd.f32 v4, v9  }
0xf7: {  	v11 =	vld [tilespmem:s19+$0x1BA50];
	[tilespmem:s25+$0x16A60] =	vst v5;
	v3 =	vadd.f32 v3, v8  }
0xf8: {  	v5 =	vld [tilespmem:s19+$0x1BA60];
	[tilespmem:s25+$0x16A70] =	vst v4;
	v2 =	vadd.f32 v2, v6  }
0xf9: {  	v4 =	vld [tilespmem:s19+$0x1BA70];
	[tilespmem:s25+$0x16A80] =	vst v3;
	v1 =	vadd.f32 v1, v7  }
0xfa: {  	v3 =	vld [tilespmem:s19+$0x1BA80];
	[tilespmem:s25+$0x16A90] =	vst v2;
	v0 =	vadd.f32 v0, v10  }
0xfb: {  	v2 =	vld [tilespmem:s19+$0x1BA90];
	[tilespmem:s25+$0x16AA0] =	vst v1  }
0xfc: {  	v1 =	vld [tilespmem:s19+$0x1BAA0];
	[tilespmem:s25+$0x16AB0] =	vst v0;
	s25 =	smov.u32 s19  }
0xfd: {  	v0 =	vld [tilespmem:s25+$0x1BAB0]  }
0xfe: {  	v6 =	vld [tilespmem:s25+$0x16A40]  }
0xff: {  	v7 =	vld [tilespmem:s25+$0x16A50]  }
.Ltmp1:
0x100: {  	v10 =	vld [tilespmem:s25+$0x16A60];
	(pc) =	sbr.rel @p2 .LBB2_5-.Ltmp1, $4  }
0x101: {  	v9 =	vld [tilespmem:s25+$0x16A70]  }
0x102: {  	v8 =	vld [tilespmem:s25+$0x16A80]  }
0x103: {  	v12 =	vadd.f32 v12, v6;
	v6 =	vld [tilespmem:s25+$0x16A90]  }
0x104: {  	s17 =	sadd.s32 $0x200, s17;
	v11 =	vadd.f32 v11, v7;
	v7 =	vld [tilespmem:s25+$0x16AA0]  }
0x105: {  	[tilespmem:s25+$0x16A40] =	vst v12;
	v5 =	vadd.f32 v5, v10;
	v10 =	vld [tilespmem:s25+$0x16AB0]  }
0x106: {  	[tilespmem:s25+$0x16A50] =	vst v11;
	v4 =	vadd.f32 v4, v9  }
0x107: {  	[tilespmem:s25+$0x16A60] =	vst v5;
	v3 =	vadd.f32 v3, v8  }
0x108: {  	[tilespmem:s25+$0x16A70] =	vst v4;
	v2 =	vadd.f32 v2, v6  }
0x109: {  	[tilespmem:s25+$0x16A80] =	vst v3;
	v1 =	vadd.f32 v1, v7  }
0x10a: {  	[tilespmem:s25+$0x16A90] =	vst v2;
	v0 =	vadd.f32 v0, v10  }
0x10b: {  	[tilespmem:s25+$0x16AA0] =	vst v1  }
0x10c: {  	s17 =	simm.s32 $0x152C0;
	s19 =	simm.s32 $0x16A40;
	[tilespmem:s25+$0x16AB0] =	vst v0  }
0x10d: {  	[spmem:s2] =	stream.indirect.scatter.add.f32 [tilespmem:s19], [sflag:$0xE], $0x80, s17, s4, $0xb8;
	[tilespmem:$0x1F640] =	vst v63  }
0x10e: {  	s17 =	simm.s32 @!p1 $0x10  }
0x10f: {  	_ =	swait.ge @!p1 [sflag:s17], $0x1400  }
0x110: {  	[sflag:s17] =	ssyncset.done @!p1 $0x0  }
0x111: {  	[sflag:s17] =	ssyncadd.s32 @!p1 $0xFFFFEC00  }
0x112: {  	_ =	swait.ge [sflag:s16], $0x80  }
0x113: {  	[sflag:s16] =	ssyncset.done $0x0  }
0x114: {  	[sflag:s16] =	ssyncadd.s32 $0xFFFFFF80  }
0x115: {  	_ =	swait.ge [sflag:s16], $0x80  }
0x116: {  	[sflag:s16] =	ssyncset.done $0x0  }
0x117: {  	[sflag:s16] =	ssyncadd.s32 $0xFFFFFF80  }
0x118: {  	_ =	swait.ge [sflag:s16], $0x80  }
0x119: {  	[sflag:s16] =	ssyncset.done $0x0  }
0x11a: {  	[sflag:s16] =	ssyncadd.s32 $0xFFFFFF80  }
0x11b: {  	_ =	swait.ge [sflag:s16], $0x80  }
0x11c: {  	[sflag:s16] =	ssyncset.done $0x0  }
0x11d: {  	s21 =	simm.s32 $0x147C0;
	s25 =	simm.s32 $0x19240;
	[sflag:s16] =	ssyncadd.s32 $0xFFFFFF80  }
0x11e: {  	[tilespmem:s25], [sflag:$0xC] =	stream.indirect.gather [hbm4b:s1+s13], $0x80, s21, s13, $0xb8;
	[tilespmem:$0x1F640] =	vst v63  }
0x11f: {  	s21 =	simm.s32 $0x14BC0;
	s25 =	simm.s32 $0x19C40  }
0x120: {  	[tilespmem:s25], [sflag:$0xC] =	stream.indirect.gather [hbm4b:s1+s13], $0x80, s21, s13, $0xb8;
	[tilespmem:$0x1F640] =	vst v63  }
0x121: {  	s11 =	sor.u32 $0x70, s11;
	s19 =	simm.s32 $0x14FC0;
	s21 =	simm.s32 $0x1E240  }
0x122: {  	[tilespmem:s21], [sflag:$0x14] =	stream.indirect.gather [spmem:s3], $0x80, s19, s4, $0xb8;
	[tilespmem:$0x1F640] =	vst v63  }
0x123: {  	s25 =	sadd.s32 s6, s11;
	s19 =	simm.s32 $0x0;
	s21 =	simm.s32 $0x149C0  }
0x124: {  	[tilespmem:s21], [sflag:$0x8] =	stream.linear.gather [hbm4b:s25+s19], $0x80, $0x38;
	[tilespmem:$0x1F640] =	vst v63  }
0x125: {  	s21 =	sadd.s32 s7, s11;
	s25 =	simm.s32 $0x14DC0  }
0x126: {  	[tilespmem:s25], [sflag:$0x8] =	stream.linear.gather [hbm4b:s21+s19], $0x80, $0x38;
	[tilespmem:$0x1F640] =	vst v63  }
0x127: {  	s21 =	sadd.s32 s8, s11;
	s25 =	simm.s32 $0x151C0  }
0x128: {  	[tilespmem:s25], [sflag:$0x8] =	stream.linear.gather [hbm4b:s21+s19], $0x80, $0x38;
	[tilespmem:$0x1F640] =	vst v63  }
0x129: {  	s11 =	sadd.s32 s9, s11;
	s25 =	simm.s32 $0x155C0  }
0x12a: {  	[tilespmem:s25], [sflag:$0x8] =	stream.linear.gather [hbm4b:s11+s19], $0x80, $0x38;
	[tilespmem:$0x1F640] =	vst v63  }
0x12b: {  	_ =	swait.ge [sflag:s31], $0xA00  }
0x12c: {  	[sflag:s31] =	ssyncset.done $0x0  }
0x12d: {  	[sflag:s31] =	ssyncadd.s32 $0xFFFFF600  }
0x12e: {  	_ =	swait.ge [sflag:s31], $0xA00  }
0x12f: {  	[sflag:s31] =	ssyncset.done $0x0  }
0x130: {  	[sflag:s31] =	ssyncadd.s32 $0xFFFFF600  }
0x131: {  	_ =	swait.ge [sflag:s0], $0x1400  }
0x132: {  	[sflag:s0] =	ssyncset.done $0x0  }
0x133: {  	s11 =	simm.s32 $0x0;
	[sflag:s0] =	ssyncadd.s32 $0xFFFFEC00  }
0x134: {  	v7 =	vld [tilespmem:s11+$0x1CE40]  }
0x135: {  	v11 =	vld [tilespmem:s11+$0x1CE50]  }
0x136: {  	v5 =	vld [tilespmem:s11+$0x1CE60]  }
0x137: {  	v4 =	vld [tilespmem:s11+$0x1CE70]  }
0x138: {  	v3 =	vld [tilespmem:s11+$0x1CE80]  }
0x139: {  	v2 =	vld [tilespmem:s11+$0x1CE90]  }
0x13a: {  	v1 =	vld [tilespmem:s11+$0x1CEA0]  }
0x13b: {  	v0 =	vld [tilespmem:s11+$0x1CEB0]  }
0x13c: {  	v12 =	vld [tilespmem:s11+$0x17E40]  }
0x13d: {  	v13 =	vld [tilespmem:s11+$0x17E50]  }
0x13e: {  	v10 =	vld [tilespmem:s11+$0x17E60]  }
0x13f: {  	v9 =	vld [tilespmem:s11+$0x17E70]  }
0x140: {  	v8 =	vld [tilespmem:s11+$0x17E80]  }
0x141: {  	v6 =	vld [tilespmem:s11+$0x17E90];
	v12 =	vadd.f32 v7, v12  }
0x142: {  	s17 =	simm.s32 $0x200;
	v11 =	vadd.f32 v11, v13;
	v7 =	vld [tilespmem:s11+$0x17EA0]  }
.LBB2_7:
0x143: {  	s19 =	sshra.s32 s17, $0x2;
	p1 =	sne.s32 s17, $0x4E00;
	[tilespmem:s11+$0x17E40] =	vst v12;
	v5 =	vadd.f32 v5, v10;
	v10 =	vld [tilespmem:s11+$0x17EB0]  }
0x144: {  	v12 =	vld [tilespmem:s19+$0x1CE40];
	[tilespmem:s11+$0x17E50] =	vst v11;
	v4 =	vadd.f32 v4, v9  }
0x145: {  	v11 =	vld [tilespmem:s19+$0x1CE50];
	[tilespmem:s11+$0x17E60] =	vst v5;
	v3 =	vadd.f32 v3, v8  }
0x146: {  	v5 =	vld [tilespmem:s19+$0x1CE60];
	[tilespmem:s11+$0x17E70] =	vst v4;
	v2 =	vadd.f32 v2, v6  }
0x147: {  	v4 =	vld [tilespmem:s19+$0x1CE70];
	[tilespmem:s11+$0x17E80] =	vst v3;
	v1 =	vadd.f32 v1, v7  }
0x148: {  	v3 =	vld [tilespmem:s19+$0x1CE80];
	[tilespmem:s11+$0x17E90] =	vst v2;
	v0 =	vadd.f32 v0, v10  }
0x149: {  	v2 =	vld [tilespmem:s19+$0x1CE90];
	[tilespmem:s11+$0x17EA0] =	vst v1  }
0x14a: {  	v1 =	vld [tilespmem:s19+$0x1CEA0];
	[tilespmem:s11+$0x17EB0] =	vst v0;
	s11 =	smov.u32 s19  }
0x14b: {  	v0 =	vld [tilespmem:s11+$0x1CEB0]  }
0x14c: {  	v6 =	vld [tilespmem:s11+$0x17E40]  }
0x14d: {  	v7 =	vld [tilespmem:s11+$0x17E50]  }
.Ltmp2:
0x14e: {  	v10 =	vld [tilespmem:s11+$0x17E60];
	(pc) =	sbr.rel @p1 .LBB2_7-.Ltmp2, $4  }
0x14f: {  	v9 =	vld [tilespmem:s11+$0x17E70]  }
0x150: {  	v8 =	vld [tilespmem:s11+$0x17E80]  }
0x151: {  	v12 =	vadd.f32 v12, v6;
	v6 =	vld [tilespmem:s11+$0x17E90]  }
0x152: {  	s17 =	sadd.s32 $0x200, s17;
	v11 =	vadd.f32 v11, v7;
	v7 =	vld [tilespmem:s11+$0x17EA0]  }
0x153: {  	[tilespmem:s11+$0x17E40] =	vst v12;
	v5 =	vadd.f32 v5, v10;
	v10 =	vld [tilespmem:s11+$0x17EB0]  }
0x154: {  	[tilespmem:s11+$0x17E50] =	vst v11;
	v4 =	vadd.f32 v4, v9  }
0x155: {  	[tilespmem:s11+$0x17E60] =	vst v5;
	v3 =	vadd.f32 v3, v8  }
0x156: {  	[tilespmem:s11+$0x17E70] =	vst v4;
	v2 =	vadd.f32 v2, v6  }
0x157: {  	[tilespmem:s11+$0x17E80] =	vst v3;
	v1 =	vadd.f32 v1, v7  }
0x158: {  	[tilespmem:s11+$0x17E90] =	vst v2;
	v0 =	vadd.f32 v0, v10  }
0x159: {  	[tilespmem:s11+$0x17EA0] =	vst v1  }
0x15a: {  	s19 =	simm.s32 $0x15340;
	s17 =	simm.s32 $0x17E40;
	[tilespmem:s11+$0x17EB0] =	vst v0  }
0x15b: {  	[spmem:s2] =	stream.indirect.scatter.add.f32 [tilespmem:s17], [sflag:$0xF], $0x80, s19, s4, $0xb8;
	[tilespmem:$0x1F640] =	vst v63  }
0x15c: {  	_ =	swait.ge [sflag:s5], $0x1400  }
0x15d: {  	[sflag:s5] =	ssyncset.done $0x0  }
0x15e: {  	[sflag:s5] =	ssyncadd.s32 $0xFFFFEC00  }
0x15f: {  	_ =	swait.ge [sflag:s10], $0x80  }
0x160: {  	[sflag:s10] =	ssyncset.done $0x0  }
0x161: {  	[sflag:s10] =	ssyncadd.s32 $0xFFFFFF80  }
0x162: {  	_ =	swait.ge [sflag:s10], $0x80  }
0x163: {  	[sflag:s10] =	ssyncset.done $0x0  }
0x164: {  	[sflag:s10] =	ssyncadd.s32 $0xFFFFFF80  }
0x165: {  	_ =	swait.ge [sflag:s10], $0x80  }
0x166: {  	[sflag:s10] =	ssyncset.done $0x0  }
0x167: {  	[sflag:s10] =	ssyncadd.s32 $0xFFFFFF80  }
0x168: {  	_ =	swait.ge [sflag:s10], $0x80  }
0x169: {  	s21 =	simm.s32 $0x14840;
	[sflag:s10] =	ssyncset.done $0x0;
	s11 =	sld [smem:$0x7FD]  }
0x16a: {  	s25 =	simm.s32 $0x15640;
	p1 =	sgt.u32 s20, $0x1E;
	[sflag:s10] =	ssyncadd.s32 $0xFFFFFF80  }
0x16b: {  	[tilespmem:s25], [sflag:$0x9] =	stream.indirect.gather [hbm4b:s1+s13], $0x80, s21, s13, $0xb8;
	[tilespmem:$0x1F640] =	vst v63  }
0x16c: {  	s17 =	simm.s32 $0x14C40;
	s19 =	simm.s32 $0x16040;
	s11 =	sadd.s32 @!p1 s26, s11  }
0x16d: {  	[tilespmem:s19], [sflag:$0x9] =	stream.indirect.gather [hbm4b:s1+s13], $0x80, s17, s13, $0xb8;
	[tilespmem:$0x1F640] =	vst v63  }
0x16e: {  	s21 =	simm.s32 $0x15040;
	s25 =	simm.s32 $0x1A640;
	s11 =	sshrl.u32 @!p1 s11, $0x3  }
0x16f: {  	[tilespmem:s25], [sflag:$0x11] =	stream.indirect.gather [spmem:s3], $0x80, s21, s4, $0xb8;
	[tilespmem:$0x1F640] =	vst v63  }
0x170: {  	s19 =	simm.s32 @!p1 $0x0;
	s17 =	sadd.s32 @!p1 s6, s11;
	s25 =	simm.s32 @!p1 $0x14640  }
0x171: {  	[tilespmem:s25], [sflag:$0x1] =	stream.linear.gather @!p1 [hbm4b:s17+s19], $0x80, $0x38;
	[tilespmem:$0x1F640] =	vst v63  }
0x172: {  	s17 =	sadd.s32 @!p1 s7, s11;
	s25 =	simm.s32 @!p1 $0x14A40  }
0x173: {  	[tilespmem:s25], [sflag:$0x1] =	stream.linear.gather @!p1 [hbm4b:s17+s19], $0x80, $0x38;
	[tilespmem:$0x1F640] =	vst v63  }
0x174: {  	s17 =	sadd.s32 @!p1 s8, s11;
	s25 =	simm.s32 @!p1 $0x14E40  }
0x175: {  	[tilespmem:s25], [sflag:$0x1] =	stream.linear.gather @!p1 [hbm4b:s17+s19], $0x80, $0x38;
	[tilespmem:$0x1F640] =	vst v63  }
0x176: {  	s17 =	sadd.s32 @!p1 s9, s11;
	s25 =	simm.s32 @!p1 $0x15240  }
0x177: {  	[tilespmem:s25], [sflag:$0x1] =	stream.linear.gather @!p1 [hbm4b:s17+s19], $0x80, $0x38;
	[tilespmem:$0x1F640] =	vst v63  }
0x178: {  	_ =	swait.ge [sflag:s12], $0xA00  }
0x179: {  	[sflag:s12] =	ssyncset.done $0x0  }
0x17a: {  	[sflag:s12] =	ssyncadd.s32 $0xFFFFF600  }
0x17b: {  	_ =	swait.ge [sflag:s12], $0xA00  }
0x17c: {  	[sflag:s12] =	ssyncset.done $0x0  }
0x17d: {  	[sflag:s12] =	ssyncadd.s32 $0xFFFFF600  }
0x17e: {  	_ =	swait.ge [sflag:s13], $0x1400  }
0x17f: {  	[sflag:s13] =	ssyncset.done $0x0  }
0x180: {  	s25 =	simm.s32 $0x0;
	[sflag:s13] =	ssyncadd.s32 $0xFFFFEC00  }
0x181: {  	v7 =	vld [tilespmem:s25+$0x1E240]  }
0x182: {  	v11 =	vld [tilespmem:s25+$0x1E250]  }
0x183: {  	v5 =	vld [tilespmem:s25+$0x1E260]  }
0x184: {  	v4 =	vld [tilespmem:s25+$0x1E270]  }
0x185: {  	v3 =	vld [tilespmem:s25+$0x1E280]  }
0x186: {  	v2 =	vld [tilespmem:s25+$0x1E290]  }
0x187: {  	v1 =	vld [tilespmem:s25+$0x1E2A0]  }
0x188: {  	v0 =	vld [tilespmem:s25+$0x1E2B0]  }
0x189: {  	v12 =	vld [tilespmem:s25+$0x19240]  }
0x18a: {  	v13 =	vld [tilespmem:s25+$0x19250]  }
0x18b: {  	v10 =	vld [tilespmem:s25+$0x19260]  }
0x18c: {  	v9 =	vld [tilespmem:s25+$0x19270]  }
0x18d: {  	v8 =	vld [tilespmem:s25+$0x19280]  }
0x18e: {  	v6 =	vld [tilespmem:s25+$0x19290];
	v12 =	vadd.f32 v7, v12  }
0x18f: {  	s17 =	simm.s32 $0x200;
	v11 =	vadd.f32 v11, v13;
	v7 =	vld [tilespmem:s25+$0x192A0]  }
.LBB2_9:
0x190: {  	s19 =	sshra.s32 s17, $0x2;
	p2 =	sne.s32 s17, $0x4E00;
	[tilespmem:s25+$0x19240] =	vst v12;
	v5 =	vadd.f32 v5, v10;
	v10 =	vld [tilespmem:s25+$0x192B0]  }
0x191: {  	v12 =	vld [tilespmem:s19+$0x1E240];
	[tilespmem:s25+$0x19250] =	vst v11;
	v4 =	vadd.f32 v4, v9  }
0x192: {  	v11 =	vld [tilespmem:s19+$0x1E250];
	[tilespmem:s25+$0x19260] =	vst v5;
	v3 =	vadd.f32 v3, v8  }
0x193: {  	v5 =	vld [tilespmem:s19+$0x1E260];
	[tilespmem:s25+$0x19270] =	vst v4;
	v2 =	vadd.f32 v2, v6  }
0x194: {  	v4 =	vld [tilespmem:s19+$0x1E270];
	[tilespmem:s25+$0x19280] =	vst v3;
	v1 =	vadd.f32 v1, v7  }
0x195: {  	v3 =	vld [tilespmem:s19+$0x1E280];
	[tilespmem:s25+$0x19290] =	vst v2;
	v0 =	vadd.f32 v0, v10  }
0x196: {  	v2 =	vld [tilespmem:s19+$0x1E290];
	[tilespmem:s25+$0x192A0] =	vst v1  }
0x197: {  	v1 =	vld [tilespmem:s19+$0x1E2A0];
	[tilespmem:s25+$0x192B0] =	vst v0;
	s25 =	smov.u32 s19  }
0x198: {  	v0 =	vld [tilespmem:s25+$0x1E2B0]  }
0x199: {  	v6 =	vld [tilespmem:s25+$0x19240]  }
0x19a: {  	v7 =	vld [tilespmem:s25+$0x19250]  }
.Ltmp3:
0x19b: {  	v10 =	vld [tilespmem:s25+$0x19260];
	(pc) =	sbr.rel @p2 .LBB2_9-.Ltmp3, $4  }
0x19c: {  	v9 =	vld [tilespmem:s25+$0x19270]  }
0x19d: {  	v8 =	vld [tilespmem:s25+$0x19280]  }
0x19e: {  	v12 =	vadd.f32 v12, v6;
	v6 =	vld [tilespmem:s25+$0x19290]  }
0x19f: {  	s17 =	sadd.s32 $0x200, s17;
	v11 =	vadd.f32 v11, v7;
	v7 =	vld [tilespmem:s25+$0x192A0]  }
0x1a0: {  	[tilespmem:s25+$0x19240] =	vst v12;
	v5 =	vadd.f32 v5, v10;
	v10 =	vld [tilespmem:s25+$0x192B0]  }
0x1a1: {  	[tilespmem:s25+$0x19250] =	vst v11;
	v4 =	vadd.f32 v4, v9  }
0x1a2: {  	[tilespmem:s25+$0x19260] =	vst v5;
	v3 =	vadd.f32 v3, v8  }
0x1a3: {  	[tilespmem:s25+$0x19270] =	vst v4;
	v2 =	vadd.f32 v2, v6  }
0x1a4: {  	[tilespmem:s25+$0x19280] =	vst v3;
	v1 =	vadd.f32 v1, v7  }
0x1a5: {  	[tilespmem:s25+$0x19290] =	vst v2;
	v0 =	vadd.f32 v0, v10  }
0x1a6: {  	[tilespmem:s25+$0x192A0] =	vst v1  }
0x1a7: {  	s17 =	simm.s32 $0x153C0;
	s19 =	simm.s32 $0x19240;
	[tilespmem:s25+$0x192B0] =	vst v0  }
0x1a8: {  	[spmem:s2] =	stream.indirect.scatter.add.f32 [tilespmem:s19], [sflag:$0x10], $0x80, s17, s4, $0xb8;
	[tilespmem:$0x1F640] =	vst v63  }
0x1a9: {  	_ =	swait.ge [sflag:s18], $0x1400  }
0x1aa: {  	[sflag:s18] =	ssyncset.done $0x0  }
0x1ab: {  	[sflag:s18] =	ssyncadd.s32 $0xFFFFEC00  }
0x1ac: {  	_ =	swait.ge [sflag:s24], $0x80  }
0x1ad: {  	[sflag:s24] =	ssyncset.done $0x0  }
0x1ae: {  	[sflag:s24] =	ssyncadd.s32 $0xFFFFFF80  }
0x1af: {  	_ =	swait.ge [sflag:s24], $0x80  }
0x1b0: {  	[sflag:s24] =	ssyncset.done $0x0  }
0x1b1: {  	[sflag:s24] =	ssyncadd.s32 $0xFFFFFF80  }
0x1b2: {  	_ =	swait.ge [sflag:s24], $0x80  }
0x1b3: {  	[sflag:s24] =	ssyncset.done $0x0  }
0x1b4: {  	[sflag:s24] =	ssyncadd.s32 $0xFFFFFF80  }
0x1b5: {  	_ =	swait.ge [sflag:s24], $0x80  }
0x1b6: {  	[sflag:s24] =	ssyncset.done $0x0  }
0x1b7: {  	s21 =	simm.s32 $0x148C0;
	s25 =	simm.s32 $0x16A40;
	[sflag:s24] =	ssyncadd.s32 $0xFFFFFF80  }
0x1b8: {  	[tilespmem:s25], [sflag:$0xA] =	stream.indirect.gather [hbm4b:s1+s13], $0x80, s21, s13, $0xb8;
	[tilespmem:$0x1F640] =	vst v63  }
0x1b9: {  	s21 =	simm.s32 $0x14CC0;
	s25 =	simm.s32 $0x17440  }
0x1ba: {  	[tilespmem:s25], [sflag:$0xA] =	stream.indirect.gather [hbm4b:s1+s13], $0x80, s21, s13, $0xb8;
	[tilespmem:$0x1F640] =	vst v63  }
0x1bb: {  	s19 =	simm.s32 $0x150C0;
	s17 =	sor.u32 @!p1 $0x10, s11;
	s21 =	simm.s32 $0x1BA40  }
0x1bc: {  	[tilespmem:s21], [sflag:$0x12] =	stream.indirect.gather [spmem:s3], $0x80, s19, s4, $0xb8;
	[tilespmem:$0x1F640] =	vst v63  }
0x1bd: {  	s25 =	simm.s32 @!p1 $0x0;
	s19 =	sadd.s32 @!p1 s6, s17;
	s21 =	simm.s32 @!p1 $0x146C0  }
0x1be: {  	[tilespmem:s21], [sflag:$0x2] =	stream.linear.gather @!p1 [hbm4b:s19+s25], $0x80, $0x38;
	[tilespmem:$0x1F640] =	vst v63  }
0x1bf: {  	s19 =	sadd.s32 @!p1 s7, s17;
	s21 =	simm.s32 @!p1 $0x14AC0  }
0x1c0: {  	[tilespmem:s21], [sflag:$0x2] =	stream.linear.gather @!p1 [hbm4b:s19+s25], $0x80, $0x38;
	[tilespmem:$0x1F640] =	vst v63  }
0x1c1: {  	s19 =	sadd.s32 @!p1 s8, s17;
	s21 =	simm.s32 @!p1 $0x14EC0  }
0x1c2: {  	[tilespmem:s21], [sflag:$0x2] =	stream.linear.gather @!p1 [hbm4b:s19+s25], $0x80, $0x38;
	[tilespmem:$0x1F640] =	vst v63  }
0x1c3: {  	s17 =	sadd.s32 @!p1 s9, s17;
	s19 =	simm.s32 @!p1 $0x152C0  }
0x1c4: {  	[tilespmem:s19], [sflag:$0x2] =	stream.linear.gather @!p1 [hbm4b:s17+s25], $0x80, $0x38;
	[tilespmem:$0x1F640] =	vst v63  }
0x1c5: {  	_ =	swait.ge [sflag:s29], $0xA00  }
0x1c6: {  	[sflag:s29] =	ssyncset.done $0x0  }
0x1c7: {  	[sflag:s29] =	ssyncadd.s32 $0xFFFFF600  }
0x1c8: {  	_ =	swait.ge [sflag:s29], $0xA00  }
0x1c9: {  	[sflag:s29] =	ssyncset.done $0x0  }
0x1ca: {  	s25 =	simm.s32 $0x11;
	[sflag:s29] =	ssyncadd.s32 $0xFFFFF600  }
0x1cb: {  	_ =	swait.ge [sflag:s25], $0x1400  }
0x1cc: {  	[sflag:s25] =	ssyncset.done $0x0  }
0x1cd: {  	[sflag:s25] =	ssyncadd.s32 $0xFFFFEC00;
	s25 =	simm.s32 $0x0  }
0x1ce: {  	v7 =	vld [tilespmem:s25+$0x1A640]  }
0x1cf: {  	v11 =	vld [tilespmem:s25+$0x1A650]  }
0x1d0: {  	v5 =	vld [tilespmem:s25+$0x1A660]  }
0x1d1: {  	v4 =	vld [tilespmem:s25+$0x1A670]  }
0x1d2: {  	v3 =	vld [tilespmem:s25+$0x1A680]  }
0x1d3: {  	v2 =	vld [tilespmem:s25+$0x1A690]  }
0x1d4: {  	v1 =	vld [tilespmem:s25+$0x1A6A0]  }
0x1d5: {  	v0 =	vld [tilespmem:s25+$0x1A6B0]  }
0x1d6: {  	v12 =	vld [tilespmem:s25+$0x15640]  }
0x1d7: {  	v13 =	vld [tilespmem:s25+$0x15650]  }
0x1d8: {  	v10 =	vld [tilespmem:s25+$0x15660]  }
0x1d9: {  	v9 =	vld [tilespmem:s25+$0x15670]  }
0x1da: {  	v8 =	vld [tilespmem:s25+$0x15680]  }
0x1db: {  	v6 =	vld [tilespmem:s25+$0x15690];
	v12 =	vadd.f32 v7, v12  }
0x1dc: {  	s17 =	simm.s32 $0x200;
	v11 =	vadd.f32 v11, v13;
	v7 =	vld [tilespmem:s25+$0x156A0]  }
.LBB2_11:
0x1dd: {  	s19 =	sshra.s32 s17, $0x2;
	p2 =	sne.s32 s17, $0x4E00;
	[tilespmem:s25+$0x15640] =	vst v12;
	v5 =	vadd.f32 v5, v10;
	v10 =	vld [tilespmem:s25+$0x156B0]  }
0x1de: {  	v12 =	vld [tilespmem:s19+$0x1A640];
	[tilespmem:s25+$0x15650] =	vst v11;
	v4 =	vadd.f32 v4, v9  }
0x1df: {  	v11 =	vld [tilespmem:s19+$0x1A650];
	[tilespmem:s25+$0x15660] =	vst v5;
	v3 =	vadd.f32 v3, v8  }
0x1e0: {  	v5 =	vld [tilespmem:s19+$0x1A660];
	[tilespmem:s25+$0x15670] =	vst v4;
	v2 =	vadd.f32 v2, v6  }
0x1e1: {  	v4 =	vld [tilespmem:s19+$0x1A670];
	[tilespmem:s25+$0x15680] =	vst v3;
	v1 =	vadd.f32 v1, v7  }
0x1e2: {  	v3 =	vld [tilespmem:s19+$0x1A680];
	[tilespmem:s25+$0x15690] =	vst v2;
	v0 =	vadd.f32 v0, v10  }
0x1e3: {  	v2 =	vld [tilespmem:s19+$0x1A690];
	[tilespmem:s25+$0x156A0] =	vst v1  }
0x1e4: {  	v1 =	vld [tilespmem:s19+$0x1A6A0];
	[tilespmem:s25+$0x156B0] =	vst v0;
	s25 =	smov.u32 s19  }
0x1e5: {  	v0 =	vld [tilespmem:s25+$0x1A6B0]  }
0x1e6: {  	v6 =	vld [tilespmem:s25+$0x15640]  }
0x1e7: {  	v7 =	vld [tilespmem:s25+$0x15650]  }
.Ltmp4:
0x1e8: {  	v10 =	vld [tilespmem:s25+$0x15660];
	(pc) =	sbr.rel @p2 .LBB2_11-.Ltmp4, $4  }
0x1e9: {  	v9 =	vld [tilespmem:s25+$0x15670]  }
0x1ea: {  	v8 =	vld [tilespmem:s25+$0x15680]  }
0x1eb: {  	v12 =	vadd.f32 v12, v6;
	v6 =	vld [tilespmem:s25+$0x15690]  }
0x1ec: {  	s17 =	sadd.s32 $0x200, s17;
	v11 =	vadd.f32 v11, v7;
	v7 =	vld [tilespmem:s25+$0x156A0]  }
0x1ed: {  	[tilespmem:s25+$0x15640] =	vst v12;
	v5 =	vadd.f32 v5, v10;
	v10 =	vld [tilespmem:s25+$0x156B0]  }
0x1ee: {  	[tilespmem:s25+$0x15650] =	vst v11;
	v4 =	vadd.f32 v4, v9  }
0x1ef: {  	[tilespmem:s25+$0x15660] =	vst v5;
	v3 =	vadd.f32 v3, v8  }
0x1f0: {  	[tilespmem:s25+$0x15670] =	vst v4;
	v2 =	vadd.f32 v2, v6  }
0x1f1: {  	[tilespmem:s25+$0x15680] =	vst v3;
	v1 =	vadd.f32 v1, v7  }
0x1f2: {  	[tilespmem:s25+$0x15690] =	vst v2;
	v0 =	vadd.f32 v0, v10  }
0x1f3: {  	[tilespmem:s25+$0x156A0] =	vst v1  }
0x1f4: {  	s17 =	simm.s32 $0x15440;
	s19 =	simm.s32 $0x15640;
	[tilespmem:s25+$0x156B0] =	vst v0  }
0x1f5: {  	[spmem:s2] =	stream.indirect.scatter.add.f32 [tilespmem:s19], [sflag:$0xD], $0x80, s17, s4, $0xb8;
	[tilespmem:$0x1F640] =	vst v63  }
0x1f6: {  	s19 =	simm.s32 $0xF  }
0x1f7: {  	_ =	swait.ge [sflag:s19], $0x1400  }
0x1f8: {  	[sflag:s19] =	ssyncset.done $0x0  }
0x1f9: {  	[sflag:s19] =	ssyncadd.s32 $0xFFFFEC00  }
0x1fa: {  	_ =	swait.ge [sflag:s28], $0x80  }
0x1fb: {  	[sflag:s28] =	ssyncset.done $0x0  }
0x1fc: {  	[sflag:s28] =	ssyncadd.s32 $0xFFFFFF80  }
0x1fd: {  	_ =	swait.ge [sflag:s28], $0x80  }
0x1fe: {  	[sflag:s28] =	ssyncset.done $0x0  }
0x1ff: {  	[sflag:s28] =	ssyncadd.s32 $0xFFFFFF80  }
0x200: {  	_ =	swait.ge [sflag:s28], $0x80  }
0x201: {  	[sflag:s28] =	ssyncset.done $0x0  }
0x202: {  	[sflag:s28] =	ssyncadd.s32 $0xFFFFFF80  }
0x203: {  	_ =	swait.ge [sflag:s28], $0x80  }
0x204: {  	[sflag:s28] =	ssyncset.done $0x0  }
0x205: {  	s21 =	simm.s32 $0x17E40;
	s25 =	simm.s32 $0x14940;
	[sflag:s28] =	ssyncadd.s32 $0xFFFFFF80  }
0x206: {  	[tilespmem:s21], [sflag:$0xB] =	stream.indirect.gather [hbm4b:s1+s13], $0x80, s25, s13, $0xb8;
	[tilespmem:$0x1F640] =	vst v63  }
0x207: {  	s21 =	simm.s32 $0x18840;
	s25 =	simm.s32 $0x14D40  }
0x208: {  	[tilespmem:s21], [sflag:$0xB] =	stream.indirect.gather [hbm4b:s1+s13], $0x80, s25, s13, $0xb8;
	[tilespmem:$0x1F640] =	vst v63  }
0x209: {  	s17 =	sor.u32 @!p1 $0x20, s11;
	s21 =	simm.s32 $0x1CE40;
	s25 =	simm.s32 $0x15140  }
0x20a: {  	[tilespmem:s21], [sflag:$0x13] =	stream.indirect.gather [spmem:s3], $0x80, s25, s4, $0xb8;
	[tilespmem:$0x1F640] =	vst v63  }
0x20b: {  	s19 =	sadd.s32 @!p1 s6, s17;
	s21 =	simm.s32 @!p1 $0x0;
	s25 =	simm.s32 @!p1 $0x14740  }
0x20c: {  	[tilespmem:s25], [sflag:$0x3] =	stream.linear.gather @!p1 [hbm4b:s19+s21], $0x80, $0x38;
	[tilespmem:$0x1F640] =	vst v63  }
0x20d: {  	s19 =	sadd.s32 @!p1 s7, s17;
	s25 =	simm.s32 @!p1 $0x14B40  }
0x20e: {  	[tilespmem:s25], [sflag:$0x3] =	stream.linear.gather @!p1 [hbm4b:s19+s21], $0x80, $0x38;
	[tilespmem:$0x1F640] =	vst v63  }
0x20f: {  	s19 =	sadd.s32 @!p1 s8, s17;
	s25 =	simm.s32 @!p1 $0x14F40  }
0x210: {  	[tilespmem:s25], [sflag:$0x3] =	stream.linear.gather @!p1 [hbm4b:s19+s21], $0x80, $0x38;
	[tilespmem:$0x1F640] =	vst v63  }
0x211: {  	s17 =	sadd.s32 @!p1 s9, s17;
	s19 =	simm.s32 @!p1 $0x15340  }
0x212: {  	[tilespmem:s19], [sflag:$0x3] =	stream.linear.gather @!p1 [hbm4b:s17+s21], $0x80, $0x38;
	[tilespmem:$0x1F640] =	vst v63  }
0x213: {  	_ =	swait.ge [sflag:s14], $0xA00  }
0x214: {  	[sflag:s14] =	ssyncset.done $0x0  }
0x215: {  	[sflag:s14] =	ssyncadd.s32 $0xFFFFF600  }
0x216: {  	_ =	swait.ge [sflag:s14], $0xA00  }
0x217: {  	[sflag:s14] =	ssyncset.done $0x0  }
0x218: {  	[sflag:s14] =	ssyncadd.s32 $0xFFFFF600  }
0x219: {  	_ =	swait.ge [sflag:s15], $0x1400  }
0x21a: {  	[sflag:s15] =	ssyncset.done $0x0  }
0x21b: {  	s25 =	simm.s32 $0x0;
	[sflag:s15] =	ssyncadd.s32 $0xFFFFEC00  }
0x21c: {  	v7 =	vld [tilespmem:s25+$0x1BA40]  }
0x21d: {  	v11 =	vld [tilespmem:s25+$0x1BA50]  }
0x21e: {  	v5 =	vld [tilespmem:s25+$0x1BA60]  }
0x21f: {  	v4 =	vld [tilespmem:s25+$0x1BA70]  }
0x220: {  	v3 =	vld [tilespmem:s25+$0x1BA80]  }
0x221: {  	v2 =	vld [tilespmem:s25+$0x1BA90]  }
0x222: {  	v1 =	vld [tilespmem:s25+$0x1BAA0]  }
0x223: {  	v0 =	vld [tilespmem:s25+$0x1BAB0]  }
0x224: {  	v12 =	vld [tilespmem:s25+$0x16A40]  }
0x225: {  	v13 =	vld [tilespmem:s25+$0x16A50]  }
0x226: {  	v10 =	vld [tilespmem:s25+$0x16A60]  }
0x227: {  	v9 =	vld [tilespmem:s25+$0x16A70]  }
0x228: {  	v8 =	vld [tilespmem:s25+$0x16A80]  }
0x229: {  	v6 =	vld [tilespmem:s25+$0x16A90];
	v12 =	vadd.f32 v7, v12  }
0x22a: {  	s17 =	simm.s32 $0x200;
	v11 =	vadd.f32 v11, v13;
	v7 =	vld [tilespmem:s25+$0x16AA0]  }
.LBB2_13:
0x22b: {  	s19 =	sshra.s32 s17, $0x2;
	p2 =	sne.s32 s17, $0x4E00;
	[tilespmem:s25+$0x16A40] =	vst v12;
	v5 =	vadd.f32 v5, v10;
	v10 =	vld [tilespmem:s25+$0x16AB0]  }
0x22c: {  	v12 =	vld [tilespmem:s19+$0x1BA40];
	[tilespmem:s25+$0x16A50] =	vst v11;
	v4 =	vadd.f32 v4, v9  }
0x22d: {  	v11 =	vld [tilespmem:s19+$0x1BA50];
	[tilespmem:s25+$0x16A60] =	vst v5;
	v3 =	vadd.f32 v3, v8  }
0x22e: {  	v5 =	vld [tilespmem:s19+$0x1BA60];
	[tilespmem:s25+$0x16A70] =	vst v4;
	v2 =	vadd.f32 v2, v6  }
0x22f: {  	v4 =	vld [tilespmem:s19+$0x1BA70];
	[tilespmem:s25+$0x16A80] =	vst v3;
	v1 =	vadd.f32 v1, v7  }
0x230: {  	v3 =	vld [tilespmem:s19+$0x1BA80];
	[tilespmem:s25+$0x16A90] =	vst v2;
	v0 =	vadd.f32 v0, v10  }
0x231: {  	v2 =	vld [tilespmem:s19+$0x1BA90];
	[tilespmem:s25+$0x16AA0] =	vst v1  }
0x232: {  	v1 =	vld [tilespmem:s19+$0x1BAA0];
	[tilespmem:s25+$0x16AB0] =	vst v0;
	s25 =	smov.u32 s19  }
0x233: {  	v0 =	vld [tilespmem:s25+$0x1BAB0]  }
0x234: {  	v6 =	vld [tilespmem:s25+$0x16A40]  }
0x235: {  	v7 =	vld [tilespmem:s25+$0x16A50]  }
.Ltmp5:
0x236: {  	v10 =	vld [tilespmem:s25+$0x16A60];
	(pc) =	sbr.rel @p2 .LBB2_13-.Ltmp5, $4  }
0x237: {  	v9 =	vld [tilespmem:s25+$0x16A70]  }
0x238: {  	v8 =	vld [tilespmem:s25+$0x16A80]  }
0x239: {  	v12 =	vadd.f32 v12, v6;
	v6 =	vld [tilespmem:s25+$0x16A90]  }
0x23a: {  	s17 =	sadd.s32 $0x200, s17;
	v11 =	vadd.f32 v11, v7;
	v7 =	vld [tilespmem:s25+$0x16AA0]  }
0x23b: {  	[tilespmem:s25+$0x16A40] =	vst v12;
	v5 =	vadd.f32 v5, v10;
	v10 =	vld [tilespmem:s25+$0x16AB0]  }
0x23c: {  	[tilespmem:s25+$0x16A50] =	vst v11;
	v4 =	vadd.f32 v4, v9  }
0x23d: {  	[tilespmem:s25+$0x16A60] =	vst v5;
	v3 =	vadd.f32 v3, v8  }
0x23e: {  	[tilespmem:s25+$0x16A70] =	vst v4;
	v2 =	vadd.f32 v2, v6  }
0x23f: {  	[tilespmem:s25+$0x16A80] =	vst v3;
	v1 =	vadd.f32 v1, v7  }
0x240: {  	[tilespmem:s25+$0x16A90] =	vst v2;
	v0 =	vadd.f32 v0, v10  }
0x241: {  	[tilespmem:s25+$0x16AA0] =	vst v1  }
0x242: {  	s17 =	simm.s32 $0x154C0;
	s19 =	simm.s32 $0x16A40;
	[tilespmem:s25+$0x16AB0] =	vst v0  }
0x243: {  	[spmem:s2] =	stream.indirect.scatter.add.f32 [tilespmem:s19], [sflag:$0xE], $0x80, s17, s4, $0xb8;
	[tilespmem:$0x1F640] =	vst v63  }
0x244: {  	s19 =	simm.s32 $0x10  }
0x245: {  	_ =	swait.ge [sflag:s19], $0x1400  }
0x246: {  	[sflag:s19] =	ssyncset.done $0x0  }
0x247: {  	[sflag:s19] =	ssyncadd.s32 $0xFFFFEC00  }
0x248: {  	_ =	swait.ge [sflag:s22], $0x80  }
0x249: {  	[sflag:s22] =	ssyncset.done $0x0  }
0x24a: {  	[sflag:s22] =	ssyncadd.s32 $0xFFFFFF80  }
0x24b: {  	_ =	swait.ge [sflag:s22], $0x80  }
0x24c: {  	[sflag:s22] =	ssyncset.done $0x0  }
0x24d: {  	[sflag:s22] =	ssyncadd.s32 $0xFFFFFF80  }
0x24e: {  	_ =	swait.ge [sflag:s22], $0x80  }
0x24f: {  	[sflag:s22] =	ssyncset.done $0x0  }
0x250: {  	[sflag:s22] =	ssyncadd.s32 $0xFFFFFF80  }
0x251: {  	_ =	swait.ge [sflag:s22], $0x80  }
0x252: {  	[sflag:s22] =	ssyncset.done $0x0  }
0x253: {  	s21 =	simm.s32 $0x19240;
	s25 =	simm.s32 $0x149C0;
	[sflag:s22] =	ssyncadd.s32 $0xFFFFFF80  }
0x254: {  	[tilespmem:s21], [sflag:$0xC] =	stream.indirect.gather [hbm4b:s1+s13], $0x80, s25, s13, $0xb8;
	[tilespmem:$0x1F640] =	vst v63  }
0x255: {  	s21 =	simm.s32 $0x19C40;
	s25 =	simm.s32 $0x14DC0  }
0x256: {  	[tilespmem:s21], [sflag:$0xC] =	stream.indirect.gather [hbm4b:s1+s13], $0x80, s25, s13, $0xb8;
	[tilespmem:$0x1F640] =	vst v63  }
0x257: {  	s11 =	sor.u32 @!p1 $0x30, s11;
	s21 =	simm.s32 $0x1E240;
	s25 =	simm.s32 $0x151C0  }
0x258: {  	[tilespmem:s21], [sflag:$0x14] =	stream.indirect.gather [spmem:s3], $0x80, s25, s4, $0xb8;
	[tilespmem:$0x1F640] =	vst v63  }
0x259: {  	s17 =	sadd.s32 @!p1 s6, s11;
	s19 =	simm.s32 @!p1 $0x0;
	s21 =	simm.s32 @!p1 $0x147C0  }
0x25a: {  	[tilespmem:s21], [sflag:$0x4] =	stream.linear.gather @!p1 [hbm4b:s17+s19], $0x80, $0x38;
	[tilespmem:$0x1F640] =	vst v63  }
0x25b: {  	s17 =	sadd.s32 @!p1 s7, s11;
	s21 =	simm.s32 @!p1 $0x14BC0  }
0x25c: {  	[tilespmem:s21], [sflag:$0x4] =	stream.linear.gather @!p1 [hbm4b:s17+s19], $0x80, $0x38;
	[tilespmem:$0x1F640] =	vst v63  }
0x25d: {  	s17 =	sadd.s32 @!p1 s8, s11;
	s21 =	simm.s32 @!p1 $0x14FC0  }
0x25e: {  	[tilespmem:s21], [sflag:$0x4] =	stream.linear.gather @!p1 [hbm4b:s17+s19], $0x80, $0x38;
	[tilespmem:$0x1F640] =	vst v63  }
0x25f: {  	s11 =	sadd.s32 @!p1 s9, s11;
	s17 =	simm.s32 @!p1 $0x153C0  }
0x260: {  	[tilespmem:s17], [sflag:$0x4] =	stream.linear.gather @!p1 [hbm4b:s11+s19], $0x80, $0x38;
	[tilespmem:$0x1F640] =	vst v63  }
0x261: {  	_ =	swait.ge [sflag:s31], $0xA00  }
0x262: {  	[sflag:s31] =	ssyncset.done $0x0  }
0x263: {  	[sflag:s31] =	ssyncadd.s32 $0xFFFFF600  }
0x264: {  	_ =	swait.ge [sflag:s31], $0xA00  }
0x265: {  	[sflag:s31] =	ssyncset.done $0x0  }
0x266: {  	[sflag:s31] =	ssyncadd.s32 $0xFFFFF600  }
0x267: {  	_ =	swait.ge [sflag:s0], $0x1400  }
0x268: {  	[sflag:s0] =	ssyncset.done $0x0  }
0x269: {  	s11 =	simm.s32 $0x0;
	[sflag:s0] =	ssyncadd.s32 $0xFFFFEC00  }
0x26a: {  	v7 =	vld [tilespmem:s11+$0x1CE40]  }
0x26b: {  	v11 =	vld [tilespmem:s11+$0x1CE50]  }
0x26c: {  	v5 =	vld [tilespmem:s11+$0x1CE60]  }
0x26d: {  	v4 =	vld [tilespmem:s11+$0x1CE70]  }
0x26e: {  	v3 =	vld [tilespmem:s11+$0x1CE80]  }
0x26f: {  	v2 =	vld [tilespmem:s11+$0x1CE90]  }
0x270: {  	v1 =	vld [tilespmem:s11+$0x1CEA0]  }
0x271: {  	v0 =	vld [tilespmem:s11+$0x1CEB0]  }
0x272: {  	v12 =	vld [tilespmem:s11+$0x17E40]  }
0x273: {  	v13 =	vld [tilespmem:s11+$0x17E50]  }
0x274: {  	v10 =	vld [tilespmem:s11+$0x17E60]  }
0x275: {  	v9 =	vld [tilespmem:s11+$0x17E70]  }
0x276: {  	v8 =	vld [tilespmem:s11+$0x17E80]  }
0x277: {  	v6 =	vld [tilespmem:s11+$0x17E90];
	v12 =	vadd.f32 v7, v12  }
0x278: {  	s17 =	simm.s32 $0x200;
	v11 =	vadd.f32 v11, v13;
	v7 =	vld [tilespmem:s11+$0x17EA0]  }
.LBB2_15:
0x279: {  	s19 =	sshra.s32 s17, $0x2;
	p1 =	sne.s32 s17, $0x4E00;
	[tilespmem:s11+$0x17E40] =	vst v12;
	v5 =	vadd.f32 v5, v10;
	v10 =	vld [tilespmem:s11+$0x17EB0]  }
0x27a: {  	v12 =	vld [tilespmem:s19+$0x1CE40];
	[tilespmem:s11+$0x17E50] =	vst v11;
	v4 =	vadd.f32 v4, v9  }
0x27b: {  	v11 =	vld [tilespmem:s19+$0x1CE50];
	[tilespmem:s11+$0x17E60] =	vst v5;
	v3 =	vadd.f32 v3, v8  }
0x27c: {  	v5 =	vld [tilespmem:s19+$0x1CE60];
	[tilespmem:s11+$0x17E70] =	vst v4;
	v2 =	vadd.f32 v2, v6  }
0x27d: {  	v4 =	vld [tilespmem:s19+$0x1CE70];
	[tilespmem:s11+$0x17E80] =	vst v3;
	v1 =	vadd.f32 v1, v7  }
0x27e: {  	v3 =	vld [tilespmem:s19+$0x1CE80];
	[tilespmem:s11+$0x17E90] =	vst v2;
	v0 =	vadd.f32 v0, v10  }
0x27f: {  	v2 =	vld [tilespmem:s19+$0x1CE90];
	[tilespmem:s11+$0x17EA0] =	vst v1  }
0x280: {  	v1 =	vld [tilespmem:s19+$0x1CEA0];
	[tilespmem:s11+$0x17EB0] =	vst v0;
	s11 =	smov.u32 s19  }
0x281: {  	v0 =	vld [tilespmem:s11+$0x1CEB0]  }
0x282: {  	v6 =	vld [tilespmem:s11+$0x17E40]  }
0x283: {  	v7 =	vld [tilespmem:s11+$0x17E50]  }
.Ltmp6:
0x284: {  	v10 =	vld [tilespmem:s11+$0x17E60];
	(pc) =	sbr.rel @p1 .LBB2_15-.Ltmp6, $4  }
0x285: {  	v9 =	vld [tilespmem:s11+$0x17E70]  }
0x286: {  	v8 =	vld [tilespmem:s11+$0x17E80]  }
0x287: {  	v12 =	vadd.f32 v12, v6;
	v6 =	vld [tilespmem:s11+$0x17E90]  }
0x288: {  	s17 =	sadd.s32 $0x200, s17;
	v11 =	vadd.f32 v11, v7;
	v7 =	vld [tilespmem:s11+$0x17EA0]  }
0x289: {  	[tilespmem:s11+$0x17E40] =	vst v12;
	v5 =	vadd.f32 v5, v10;
	v10 =	vld [tilespmem:s11+$0x17EB0]  }
0x28a: {  	[tilespmem:s11+$0x17E50] =	vst v11;
	v4 =	vadd.f32 v4, v9  }
0x28b: {  	[tilespmem:s11+$0x17E60] =	vst v5;
	v3 =	vadd.f32 v3, v8  }
0x28c: {  	[tilespmem:s11+$0x17E70] =	vst v4;
	v2 =	vadd.f32 v2, v6  }
0x28d: {  	[tilespmem:s11+$0x17E80] =	vst v3;
	v1 =	vadd.f32 v1, v7  }
0x28e: {  	[tilespmem:s11+$0x17E90] =	vst v2;
	v0 =	vadd.f32 v0, v10  }
0x28f: {  	[tilespmem:s11+$0x17EA0] =	vst v1  }
0x290: {  	s25 =	simm.s32 $0x17E40;
	s17 =	simm.s32 $0x15540;
	[tilespmem:s11+$0x17EB0] =	vst v0  }
0x291: {  	[spmem:s2] =	stream.indirect.scatter.add.f32 [tilespmem:s25], [sflag:$0xF], $0x80, s17, s4, $0xb8;
	[tilespmem:$0x1F640] =	vst v63  }
0x292: {  	s11 =	sor.u32 $0x6, s23;
	_ =	swait.ge [sflag:s5], $0x1400  }
0x293: {  	p1 =	sgt.u32 s11, $0xFD;
	[sflag:s5] =	ssyncset.done $0x0  }
0x294: {  	s17 =	simm.s32 @!p1 $0x1;
	[sflag:s5] =	ssyncadd.s32 $0xFFFFEC00  }
0x295: {  	_ =	swait.ge @!p1 [sflag:s17], $0x80  }
0x296: {  	[sflag:s17] =	ssyncset.done @!p1 $0x0  }
0x297: {  	[sflag:s17] =	ssyncadd.s32 @!p1 $0xFFFFFF80  }
0x298: {  	_ =	swait.ge @!p1 [sflag:s17], $0x80  }
0x299: {  	[sflag:s17] =	ssyncset.done @!p1 $0x0  }
0x29a: {  	[sflag:s17] =	ssyncadd.s32 @!p1 $0xFFFFFF80  }
0x29b: {  	_ =	swait.ge @!p1 [sflag:s17], $0x80  }
0x29c: {  	[sflag:s17] =	ssyncset.done @!p1 $0x0  }
0x29d: {  	[sflag:s17] =	ssyncadd.s32 @!p1 $0xFFFFFF80  }
0x29e: {  	_ =	swait.ge @!p1 [sflag:s17], $0x80  }
0x29f: {  	s19 =	simm.s32 @!p1 $0x14640;
	s21 =	simm.s32 @!p1 $0x15640;
	[sflag:s17] =	ssyncset.done @!p1 $0x0  }
0x2a0: {  	p2 =	sgt.u32 @!p1 s11, $0xF9;
	[sflag:s17] =	ssyncadd.s32 @!p1 $0xFFFFFF80;
	s17 =	simm.s32 @!p1 $0x14  }
0x2a1: {  	[tilespmem:s21], [sflag:$0x9] =	stream.indirect.gather @!p1 [hbm4b:s1+s17], $0x80, s19, s17, $0xb8;
	[tilespmem:$0x1F640] =	vst v63  }
0x2a2: {  	s11 =	sld [smem:$0x7FD];
	s19 =	simm.s32 @!p1 $0x14A40;
	s21 =	simm.s32 @!p1 $0x16040  }
0x2a3: {  	[tilespmem:s21], [sflag:$0x9] =	stream.indirect.gather @!p1 [hbm4b:s1+s17], $0x80, s19, s17, $0xb8;
	[tilespmem:$0x1F640] =	vst v63  }
0x2a4: {  	s17 =	simm.s32 @!p1 $0x28;
	s19 =	simm.s32 @!p1 $0x14E40;
	s21 =	simm.s32 @!p1 $0x1A640  }
0x2a5: {  	[tilespmem:s21], [sflag:$0x11] =	stream.indirect.gather @!p1 [spmem:s3], $0x80, s19, s17, $0xb8;
	[tilespmem:$0x1F640] =	vst v63  }
0x2a6: {  	p1 =	por p2, p1  }
0x2a7: {  	s11 =	sadd.s32 @!p1 s26, s11  }
0x2a8: {  	s11 =	sshrl.u32 @!p1 s11, $0x3  }
0x2a9: {  	s11 =	sor.u32 @!p1 $0x40, s11  }
0x2aa: {  	s19 =	simm.s32 @!p1 $0x0;
	s21 =	simm.s32 @!p1 $0x14840;
	s17 =	sadd.s32 @!p1 s6, s11  }
0x2ab: {  	[tilespmem:s21], [sflag:$0x5] =	stream.linear.gather @!p1 [hbm4b:s17+s19], $0x80, $0x38;
	[tilespmem:$0x1F640] =	vst v63  }
0x2ac: {  	s17 =	sadd.s32 @!p1 s7, s11;
	s21 =	simm.s32 @!p1 $0x14C40  }
0x2ad: {  	[tilespmem:s21], [sflag:$0x5] =	stream.linear.gather @!p1 [hbm4b:s17+s19], $0x80, $0x38;
	[tilespmem:$0x1F640] =	vst v63  }
0x2ae: {  	s17 =	sadd.s32 @!p1 s8, s11;
	s21 =	simm.s32 @!p1 $0x15040  }
0x2af: {  	[tilespmem:s21], [sflag:$0x5] =	stream.linear.gather @!p1 [hbm4b:s17+s19], $0x80, $0x38;
	[tilespmem:$0x1F640] =	vst v63  }
0x2b0: {  	s11 =	sadd.s32 @!p1 s9, s11;
	s17 =	simm.s32 @!p1 $0x15440  }
0x2b1: {  	[tilespmem:s17], [sflag:$0x5] =	stream.linear.gather @!p1 [hbm4b:s11+s19], $0x80, $0x38;
	[tilespmem:$0x1F640] =	vst v63  }
0x2b2: {  	_ =	swait.ge [sflag:s12], $0xA00  }
0x2b3: {  	[sflag:s12] =	ssyncset.done $0x0  }
0x2b4: {  	[sflag:s12] =	ssyncadd.s32 $0xFFFFF600  }
0x2b5: {  	_ =	swait.ge [sflag:s12], $0xA00  }
0x2b6: {  	[sflag:s12] =	ssyncset.done $0x0  }
0x2b7: {  	[sflag:s12] =	ssyncadd.s32 $0xFFFFF600  }
0x2b8: {  	_ =	swait.ge [sflag:s13], $0x1400  }
0x2b9: {  	[sflag:s13] =	ssyncset.done $0x0  }
0x2ba: {  	s11 =	simm.s32 $0x0;
	[sflag:s13] =	ssyncadd.s32 $0xFFFFEC00  }
0x2bb: {  	v7 =	vld [tilespmem:s11+$0x1E240]  }
0x2bc: {  	v11 =	vld [tilespmem:s11+$0x1E250]  }
0x2bd: {  	v5 =	vld [tilespmem:s11+$0x1E260]  }
0x2be: {  	v4 =	vld [tilespmem:s11+$0x1E270]  }
0x2bf: {  	v3 =	vld [tilespmem:s11+$0x1E280]  }
0x2c0: {  	v2 =	vld [tilespmem:s11+$0x1E290]  }
0x2c1: {  	v1 =	vld [tilespmem:s11+$0x1E2A0]  }
0x2c2: {  	v0 =	vld [tilespmem:s11+$0x1E2B0]  }
0x2c3: {  	v12 =	vld [tilespmem:s11+$0x19240]  }
0x2c4: {  	v13 =	vld [tilespmem:s11+$0x19250]  }
0x2c5: {  	v10 =	vld [tilespmem:s11+$0x19260]  }
0x2c6: {  	v9 =	vld [tilespmem:s11+$0x19270]  }
0x2c7: {  	v8 =	vld [tilespmem:s11+$0x19280]  }
0x2c8: {  	v6 =	vld [tilespmem:s11+$0x19290];
	v12 =	vadd.f32 v7, v12  }
0x2c9: {  	s17 =	simm.s32 $0x200;
	v11 =	vadd.f32 v11, v13;
	v7 =	vld [tilespmem:s11+$0x192A0]  }
.LBB2_17:
0x2ca: {  	s19 =	sshra.s32 s17, $0x2;
	p1 =	sne.s32 s17, $0x4E00;
	[tilespmem:s11+$0x19240] =	vst v12;
	v5 =	vadd.f32 v5, v10;
	v10 =	vld [tilespmem:s11+$0x192B0]  }
0x2cb: {  	v12 =	vld [tilespmem:s19+$0x1E240];
	[tilespmem:s11+$0x19250] =	vst v11;
	v4 =	vadd.f32 v4, v9  }
0x2cc: {  	v11 =	vld [tilespmem:s19+$0x1E250];
	[tilespmem:s11+$0x19260] =	vst v5;
	v3 =	vadd.f32 v3, v8  }
0x2cd: {  	v5 =	vld [tilespmem:s19+$0x1E260];
	[tilespmem:s11+$0x19270] =	vst v4;
	v2 =	vadd.f32 v2, v6  }
0x2ce: {  	v4 =	vld [tilespmem:s19+$0x1E270];
	[tilespmem:s11+$0x19280] =	vst v3;
	v1 =	vadd.f32 v1, v7  }
0x2cf: {  	v3 =	vld [tilespmem:s19+$0x1E280];
	[tilespmem:s11+$0x19290] =	vst v2;
	v0 =	vadd.f32 v0, v10  }
0x2d0: {  	v2 =	vld [tilespmem:s19+$0x1E290];
	[tilespmem:s11+$0x192A0] =	vst v1  }
0x2d1: {  	v1 =	vld [tilespmem:s19+$0x1E2A0];
	[tilespmem:s11+$0x192B0] =	vst v0;
	s11 =	smov.u32 s19  }
0x2d2: {  	v0 =	vld [tilespmem:s11+$0x1E2B0]  }
0x2d3: {  	v6 =	vld [tilespmem:s11+$0x19240]  }
0x2d4: {  	v7 =	vld [tilespmem:s11+$0x19250]  }
.Ltmp7:
0x2d5: {  	v10 =	vld [tilespmem:s11+$0x19260];
	(pc) =	sbr.rel @p1 .LBB2_17-.Ltmp7, $4  }
0x2d6: {  	v9 =	vld [tilespmem:s11+$0x19270]  }
0x2d7: {  	v8 =	vld [tilespmem:s11+$0x19280]  }
0x2d8: {  	v12 =	vadd.f32 v12, v6;
	v6 =	vld [tilespmem:s11+$0x19290]  }
0x2d9: {  	s17 =	sadd.s32 $0x200, s17;
	v11 =	vadd.f32 v11, v7;
	v7 =	vld [tilespmem:s11+$0x192A0]  }
0x2da: {  	[tilespmem:s11+$0x19240] =	vst v12;
	v5 =	vadd.f32 v5, v10;
	v63 =	vld [tilespmem:s11+$0x192B0]  }
0x2db: {  	[tilespmem:s11+$0x19250] =	vst v11;
	v4 =	vadd.f32 v4, v9  }
0x2dc: {  	[tilespmem:s11+$0x19260] =	vst v5;
	v3 =	vadd.f32 v3, v8  }
0x2dd: {  	[tilespmem:s11+$0x19270] =	vst v4;
	v2 =	vadd.f32 v2, v6  }
0x2de: {  	[tilespmem:s11+$0x19280] =	vst v3;
	v1 =	vadd.f32 v1, v7  }
0x2df: {  	[tilespmem:s11+$0x19290] =	vst v2;
	v0 =	vadd.f32 v0, v63  }
0x2e0: {  	[tilespmem:s11+$0x192A0] =	vst v1  }
0x2e1: {  	s25 =	simm.s32 $0x19240;
	s17 =	simm.s32 $0x155C0;
	[tilespmem:s11+$0x192B0] =	vst v0  }
0x2e2: {  	[spmem:s2] =	stream.indirect.scatter.add.f32 [tilespmem:s25], [sflag:$0x10], $0x80, s17, s4, $0xb8;
	[tilespmem:$0x1F640] =	vst v63  }
0x2e3: {  	s11 =	sor.u32 $0x7, s23;
	_ =	swait.ge [sflag:s18], $0x1400  }
0x2e4: {  	p1 =	sgt.u32 s11, $0xFD;
	[sflag:s18] =	ssyncset.done $0x0  }
0x2e5: {  	s17 =	simm.s32 @!p1 $0x2;
	[sflag:s18] =	ssyncadd.s32 $0xFFFFEC00  }
0x2e6: {  	_ =	swait.ge @!p1 [sflag:s17], $0x80  }
0x2e7: {  	[sflag:s17] =	ssyncset.done @!p1 $0x0  }
0x2e8: {  	[sflag:s17] =	ssyncadd.s32 @!p1 $0xFFFFFF80  }
0x2e9: {  	_ =	swait.ge @!p1 [sflag:s17], $0x80  }
0x2ea: {  	[sflag:s17] =	ssyncset.done @!p1 $0x0  }
0x2eb: {  	[sflag:s17] =	ssyncadd.s32 @!p1 $0xFFFFFF80  }
0x2ec: {  	_ =	swait.ge @!p1 [sflag:s17], $0x80  }
0x2ed: {  	[sflag:s17] =	ssyncset.done @!p1 $0x0  }
0x2ee: {  	[sflag:s17] =	ssyncadd.s32 @!p1 $0xFFFFFF80  }
0x2ef: {  	_ =	swait.ge @!p1 [sflag:s17], $0x80  }
0x2f0: {  	s19 =	simm.s32 @!p1 $0x146C0;
	s21 =	simm.s32 @!p1 $0x16A40;
	[sflag:s17] =	ssyncset.done @!p1 $0x0  }
0x2f1: {  	p2 =	sgt.u32 @!p1 s11, $0xF9;
	[sflag:s17] =	ssyncadd.s32 @!p1 $0xFFFFFF80;
	s17 =	simm.s32 @!p1 $0x14  }
0x2f2: {  	[tilespmem:s21], [sflag:$0xA] =	stream.indirect.gather @!p1 [hbm4b:s1+s17], $0x80, s19, s17, $0xb8;
	[tilespmem:$0x1F640] =	vst v63  }
0x2f3: {  	s11 =	sld [smem:$0x7FD];
	s19 =	simm.s32 @!p1 $0x14AC0;
	s21 =	simm.s32 @!p1 $0x17440  }
0x2f4: {  	[tilespmem:s21], [sflag:$0xA] =	stream.indirect.gather @!p1 [hbm4b:s1+s17], $0x80, s19, s17, $0xb8;
	[tilespmem:$0x1F640] =	vst v63  }
0x2f5: {  	s17 =	simm.s32 @!p1 $0x28;
	s19 =	simm.s32 @!p1 $0x14EC0;
	s21 =	simm.s32 @!p1 $0x1BA40  }
0x2f6: {  	[tilespmem:s21], [sflag:$0x12] =	stream.indirect.gather @!p1 [spmem:s3], $0x80, s19, s17, $0xb8;
	[tilespmem:$0x1F640] =	vst v63  }
0x2f7: {  	p1 =	por p2, p1  }
0x2f8: {  	s11 =	sadd.s32 @!p1 s26, s11  }
0x2f9: {  	s11 =	sshrl.u32 @!p1 s11, $0x3  }
0x2fa: {  	s11 =	sor.u32 @!p1 $0x50, s11  }
0x2fb: {  	s19 =	simm.s32 @!p1 $0x0;
	s21 =	simm.s32 @!p1 $0x148C0;
	s17 =	sadd.s32 @!p1 s6, s11  }
0x2fc: {  	[tilespmem:s21], [sflag:$0x6] =	stream.linear.gather @!p1 [hbm4b:s17+s19], $0x80, $0x38;
	[tilespmem:$0x1F640] =	vst v63  }
0x2fd: {  	s17 =	sadd.s32 @!p1 s7, s11;
	s21 =	simm.s32 @!p1 $0x14CC0  }
0x2fe: {  	[tilespmem:s21], [sflag:$0x6] =	stream.linear.gather @!p1 [hbm4b:s17+s19], $0x80, $0x38;
	[tilespmem:$0x1F640] =	vst v63  }
0x2ff: {  	s17 =	sadd.s32 @!p1 s8, s11;
	s21 =	simm.s32 @!p1 $0x150C0  }
0x300: {  	[tilespmem:s21], [sflag:$0x6] =	stream.linear.gather @!p1 [hbm4b:s17+s19], $0x80, $0x38;
	[tilespmem:$0x1F640] =	vst v63  }
0x301: {  	s20 =	sadd.s32 $0x1, s20;
	s11 =	sadd.s32 @!p1 s9, s11;
	s17 =	simm.s32 @!p1 $0x154C0  }
0x302: {  	[tilespmem:s17], [sflag:$0x6] =	stream.linear.gather @!p1 [hbm4b:s11+s19], $0x80, $0x38;
	[tilespmem:$0x1F640] =	vst v63  }
0x303: {  	p1 =	sne.s32 s20, $0x20  }
.Ltmp8:
0x304: {  	_ = 	snop;
	(pc) =	sbr.rel @p1 .LBB2_2-.Ltmp8, $1  }
0x305: {  	_ =	sdelay $0x3  }
0x306: {  	s11 =	simm.s32 $0xF  }
0x307: {  	_ =	swait.ge [sflag:s11], $0x1400  }
0x308: {  	[sflag:s11] =	ssyncset.done $0x0  }
0x309: {  	s23 =	simm.s32 $0x10;
	[sflag:s11] =	ssyncadd.s32 $0xFFFFEC00  }
0x30a: {  	_ =	swait.ge [sflag:s23], $0x1400  }
0x30b: {  	[sflag:s23] =	ssyncset.done $0x0  }
0x30c: {  	[sflag:s23] =	ssyncadd.s32 $0xFFFFEC00  }
0x30d: {  	[bflag:$0x0] =	sbarrier.arrive $0xFFFF  }
0x30e: {  	s25 =	sld [smem:$0x7FB]  }
0x30f: {  	s17 =	sld [smem:$0x7F8];
	_ =	sdelay $0x1  }
0x310: {  	s19 =	rddreg [dreg:$0x9]  }
0x311: {  	[hbm:s25], [sflag:s19] =	dma.local [spmem:s17], $0x2800  }
0x312: {  	s17 =	simm.s32 $0x15  }
0x313: {  	_ =	swait.ge [sflag:s17], $0x2800  }
0x314: {  	s20 =	sld [smem:$0x7F7]  }
0x315: {  	s26 =	sld [smem:$0x7FC];
	_ =	sdelay $0x1  }
0x316: {  	s20 =	sadd.s32 $0x1, s20  }
0x317: {  	p1 =	sne.s32 s20, s26  }
.Ltmp9:
0x318: {  	_ = 	snop;
	(pc) =	sbr.rel @p1 .LBB2_1-.Ltmp9, $3  }
0x319: {  	_ =	sdelay $0x1  }
0x31a: {  	[sflag:s17] =	ssyncset.done $0x0  }
0x31b: {  	[sflag:s17] =	ssyncadd.s32 $0xFFFFD800  }
0x31c: {  	_ =	sfence.sel $0x180000  }
0x31d: {  	[bflag:$0x0] =	sbarrier.arrive $0xFFFF  }
0x31e: {  	_ =	strace $0x90000047  }
0x31f: {  	[bflag:$0x2] =	sbarrier.arrive $0xFFFF  }
0x320: {  	s0 =	rddreg [dreg:$0x4]  }
0x321: {  	s0 =	sadd.s32 @!p0 $0x100000, s0  }
0x322: {  	[sflag:s0] =	ssyncadd.tile.s32 @!p0 $0x1;
	_ =	shalt  }
.Lfunc_end2:
_tile_overlayer_lowered:
.L_overlay_start_2:
0x323: {  	(tag) =	ssettag $0x2  }
0x324: {  	s0 =	rddreg [dreg:$0x0];
	s2 =	stileid.u32  }
0x325: {  	s1 =	rddreg [dreg:$0x1];
	p0 =	sne.s32 s2, $0x0  }
0x326: {  	s3 =	rddreg [dreg:$0x2];
	[bflag:$0x3] =	sbarrier.arrive $0xFFFF;
	s2 =	simm.s32 @!p0 $0x1C15  }
0x327: {  	[timem:s3], [sflag:s2] =	dma.local @!p0 [hbm:s0], s1  }
0x328: {  	s0 =	simm.s32 @!p0 $0x15  }
0x329: {  	_ =	swait.ge @!p0 [sflag:s0], s1  }
0x32a: {  	s1 =	ssub.s32 @!p0 $0x0, s1;
	[sflag:s0] =	ssyncset.done @!p0 $0x0  }
0x32b: {  	[sflag:s0] =	ssyncadd.s32 @!p0 s1  }
0x32c: {  	[bflag:$0x3] =	sbarrier.arrive $0xFFFF  }
0x32d: {  	_ =	shalt  }

</sc_bundles>
